<compile_context>
chip_gen: v7x
topology: tpu7x:2x2x1
jax: 0.10.2.dev20260603
libtpu: 0.0.44.dev20260713+nightly
codegen_flags: <defaults>
</compile_context>

<pallas_src>
import jax
import jax.numpy as jnp
from jax import lax
from jax.experimental import pallas as pl
from jax.experimental.pallas import tpu as pltpu
from jax.experimental.pallas import tpu_sc as plsc

NC = 2
NS = 16
L = 16
NW = NC * NS
B = 16384
D = 64
BPW = B // NW
NG = BPW // L


def _mf_body(user_hbm, item_hbm, uw_hbm, iw_hbm, out_hbm,
             uidx_v, iidx_v, du_v, di_v, out_v, sem):
    wid = lax.axis_index("s") * NC + lax.axis_index("c")
    base = wid * BPW
    pltpu.sync_copy(user_hbm.at[pl.ds(base, BPW)], uidx_v)
    pltpu.sync_copy(item_hbm.at[pl.ds(base, BPW)], iidx_v)
    lane = lax.iota(jnp.int32, L)

    NGH = NG // 2
    for h in range(2):
        hb = h * NGH * L

        def issue_body(g, carry):
            uvec = uidx_v[pl.ds(hb + g * L, L)]
            ivec = iidx_v[pl.ds(hb + g * L, L)]
            for j in range(L):
                r_u = uvec[j]
                r_i = ivec[j]
                pltpu.async_copy(
                    uw_hbm.at[r_u >> 3, pl.ds(r_u & 7, 1)],
                    du_v.at[g * L + j], sem)
                pltpu.async_copy(
                    iw_hbm.at[r_i >> 3, pl.ds(r_i & 7, 1)],
                    di_v.at[g * L + j], sem)
            return carry

        lax.fori_loop(0, NGH, issue_body, 0)

        def comp_body(g, carry):
            for j in range(2 * L):
                pltpu.make_async_copy(uw_hbm.at[0, pl.ds(0, 1)], du_v.at[0],
                                      sem).wait()
            bvec = g * L + lane
            zero = jnp.zeros((L,), jnp.int32)

            def t_body(t, acc):
                col = lax.bitwise_and(lane + t, D - 1)
                a = plsc.load_gather(du_v, [bvec, zero, col])
                b = plsc.load_gather(di_v, [bvec, zero, col])
                return acc + a * b

            acc = lax.fori_loop(0, D, t_body, jnp.zeros((L,), jnp.float32))
            out_v[pl.ds(hb + g * L, L)] = acc
            return carry

        lax.fori_loop(0, NGH, comp_body, 0)
    pltpu.sync_copy(out_v, out_hbm.at[pl.ds(base, BPW)])


def kernel(user, item, user_emb_w, item_emb_w):
    mesh = plsc.VectorSubcoreMesh(core_axis_name="c", subcore_axis_name="s")
    f = pl.kernel(
        _mf_body,
        out_type=jax.ShapeDtypeStruct((B,), jnp.float32),
        mesh=mesh,
        scratch_types=[
            pltpu.VMEM((BPW,), jnp.int32),
            pltpu.VMEM((BPW,), jnp.int32),
            pltpu.VMEM((BPW // 2, 1, D), jnp.float32),
            pltpu.VMEM((BPW // 2, 1, D), jnp.float32),
            pltpu.VMEM((BPW,), jnp.float32),
            pltpu.SemaphoreType.DMA,
        ],
        compiler_params=pltpu.CompilerParams(needs_layout_passes=False),
    )
    nq = user_emb_w.shape[0] // 8
    return f(user.astype(jnp.int32), item.astype(jnp.int32),
             user_emb_w.reshape(nq, 8, D), item_emb_w.reshape(nq, 8, D))

# --- scband reference (transcript-rebuilt; emitter-appended) ---
"""Pipeline reference for scband-mf-13159779795184 (READ-ONLY COPY).

The authoritative reference and input builder live on the scoring server;
editing this copy changes nothing except your own understanding.
"""

import jax, jax.numpy as jnp
import numpy as np

NUM_USERS = 1000000
NUM_ITEMS = 1000000
EMB_SIZE = 64
BATCH = 16384

def setup_inputs(seed: int = 0) -> dict:
    key = jax.random.key(seed)
    k1, k2, k3, k4 = jax.random.split(key, 4)
    user = jax.random.randint(k1, (BATCH,), 0, NUM_USERS, dtype=jnp.int64 if jax.config.jax_enable_x64 else jnp.int32)
    item = jax.random.randint(k2, (BATCH,), 0, NUM_ITEMS, dtype=jnp.int64 if jax.config.jax_enable_x64 else jnp.int32)
    user_emb_w = jax.random.normal(k3, (NUM_USERS, EMB_SIZE), dtype=jnp.float32) * 0.01
    item_emb_w = jax.random.normal(k4, (NUM_ITEMS, EMB_SIZE), dtype=jnp.float32) * 0.01
    return {"user": user, "item": item, "user_emb_w": user_emb_w, "item_emb_w": item_emb_w}

def reference(user, item, user_emb_w, item_emb_w):
    # user_vec = self.user_emb(user)
    user_vec = jnp.take(user_emb_w, user, axis=0)
    # item_vec = self.item_emb(item)
    item_vec = jnp.take(item_emb_w, item, axis=0)
    # pred = (user_vec * item_vec).sum(dim=1)
    pred = jnp.sum(user_vec * item_vec, axis=1)
    return pred

if __name__ == "__main__":
    import jax
    _d = setup_inputs()
    print(jax.jit(kernel)(*tuple(_d.values())))

</pallas_src>

<mosaic_0001>
#map = affine_map<(d0, d1) -> (0)>
#map1 = affine_map<(d0, d1) -> (0, 0, 0)>
module attributes {stable_mosaic.version = 14 : i64} {
  func.func @_mf_body(%arg0: i32, %arg1: i32, %arg2: memref<16384xi32, #tpu.memory_space<hbm>>, %arg3: memref<16384xi32, #tpu.memory_space<hbm>>, %arg4: memref<125000x8x64xf32, #tpu.memory_space<hbm>>, %arg5: memref<125000x8x64xf32, #tpu.memory_space<hbm>>, %arg6: memref<16384xf32, #tpu.memory_space<hbm>>, %arg7: memref<512xi32, #tpu.memory_space<vmem>>, %arg8: memref<512xi32, #tpu.memory_space<vmem>>, %arg9: memref<256x1x64xf32, #tpu.memory_space<vmem>>, %arg10: memref<256x1x64xf32, #tpu.memory_space<vmem>>, %arg11: memref<512xf32, #tpu.memory_space<vmem>>, %arg12: memref<!tpu.dma_semaphore, #tpu.memory_space<semaphore_mem>>) attributes {dimension_semantics = [#tpu.dimension_semantics<core_parallel>, #tpu.dimension_semantics<subcore_parallel>], iteration_bounds = array<i64: 2, 16>, scalar_prefetch = 0 : i64, scratch_operands = 6 : i64, tpu.core_type = #tpu.core_type<sc_vector_subcore>, window_params = [{transform_indices = #map}, {transform_indices = #map}, {transform_indices = #map1}, {transform_indices = #map1}, {transform_indices = #map}]} {
    %mul3A = arith.constant 2 : i32
    %mul3A_0 = arith.muli %arg1, %mul3A : i32
    %add3A = arith.addi %mul3A_0, %arg0 : i32
    %mul3A_1 = arith.constant 512 : i32
    %mul3A_2 = arith.muli %add3A, %mul3A_1 : i32
    "tpu.region"() ({
      %run_scoped3A = tpu.sem_alloc : memref<!tpu.dma_semaphore, #tpu.memory_space<semaphore_mem>>
      %dma_start3A = tpu.memref_slice %arg2[%mul3A_2] : memref<16384xi32, #tpu.memory_space<hbm>> -> memref<512xi32, #tpu.memory_space<hbm>>
      %dma_start3A_26 = tpu.memref_slice %arg2[%mul3A_2] : memref<16384xi32, #tpu.memory_space<hbm>> -> memref<512xi32, #tpu.memory_space<hbm>>
      tpu.enqueue_dma source(%dma_start3A_26 : memref<512xi32, #tpu.memory_space<hbm>>) target(%arg7 : memref<512xi32, #tpu.memory_space<vmem>>) target_semaphore(%run_scoped3A : memref<!tpu.dma_semaphore, #tpu.memory_space<semaphore_mem>>)
      %dma_wait3A = tpu.memref_slice %arg2[%mul3A_2] : memref<16384xi32, #tpu.memory_space<hbm>> -> memref<512xi32, #tpu.memory_space<hbm>>
      %dma_wait3A_27 = tpu.memref_slice %arg2[%mul3A_2] : memref<16384xi32, #tpu.memory_space<hbm>> -> memref<512xi32, #tpu.memory_space<hbm>>
      tpu.wait_dma2 semaphore(%run_scoped3A : memref<!tpu.dma_semaphore, #tpu.memory_space<semaphore_mem>>) src(%dma_wait3A_27 : memref<512xi32, #tpu.memory_space<hbm>>) dst(%arg7 : memref<512xi32, #tpu.memory_space<vmem>>)
      tpu.yield
    }) : () -> ()
    "tpu.region"() ({
      %run_scoped3A = tpu.sem_alloc : memref<!tpu.dma_semaphore, #tpu.memory_space<semaphore_mem>>
      %dma_start3A = tpu.memref_slice %arg3[%mul3A_2] : memref<16384xi32, #tpu.memory_space<hbm>> -> memref<512xi32, #tpu.memory_space<hbm>>
      %dma_start3A_26 = tpu.memref_slice %arg3[%mul3A_2] : memref<16384xi32, #tpu.memory_space<hbm>> -> memref<512xi32, #tpu.memory_space<hbm>>
      tpu.enqueue_dma source(%dma_start3A_26 : memref<512xi32, #tpu.memory_space<hbm>>) target(%arg8 : memref<512xi32, #tpu.memory_space<vmem>>) target_semaphore(%run_scoped3A : memref<!tpu.dma_semaphore, #tpu.memory_space<semaphore_mem>>)
      %dma_wait3A = tpu.memref_slice %arg3[%mul3A_2] : memref<16384xi32, #tpu.memory_space<hbm>> -> memref<512xi32, #tpu.memory_space<hbm>>
      %dma_wait3A_27 = tpu.memref_slice %arg3[%mul3A_2] : memref<16384xi32, #tpu.memory_space<hbm>> -> memref<512xi32, #tpu.memory_space<hbm>>
      tpu.wait_dma2 semaphore(%run_scoped3A : memref<!tpu.dma_semaphore, #tpu.memory_space<semaphore_mem>>) src(%dma_wait3A_27 : memref<512xi32, #tpu.memory_space<hbm>>) dst(%arg8 : memref<512xi32, #tpu.memory_space<vmem>>)
      tpu.yield
    }) : () -> ()
    %iota3A = tpu.iota {dimensions = array<i32: 0>} : vector<16xi32>
    %scan3A = arith.constant 0 : i32
    %scan3A_3 = arith.constant 0 : i32
    %scan3A_4 = arith.constant 16 : i32
    %scan3A_5 = arith.addi %scan3A_3, %scan3A_4 : i32
    %scan3A_6 = arith.constant 1 : i32
    scf.for %scan3A_26 = %scan3A_3 to %scan3A_5 step %scan3A_6  : i32 {
      %mul3A_27 = arith.constant 16 : i32
      %mul3A_28 = arith.muli %scan3A_26, %mul3A_27 : i32
      %add3A_29 = arith.constant 0 : i32
      %add3A_30 = arith.addi %add3A_29, %mul3A_28 : i32
      %get3A = arith.index_cast %add3A_30 : i32 to index
      %get3A_31 = tpu.vector_load %arg7[%get3A] {strides = array<i32>} : memref<512xi32, #tpu.memory_space<vmem>>, vector<16xi32>,
      %mul3A_32 = arith.constant 16 : i32
      %mul3A_33 = arith.muli %scan3A_26, %mul3A_32 : i32
      %add3A_34 = arith.constant 0 : i32
      %add3A_35 = arith.addi %add3A_34, %mul3A_33 : i32
      %get3A_36 = arith.index_cast %add3A_35 : i32 to index
      %get3A_37 = tpu.vector_load %arg8[%get3A_36] {strides = array<i32>} : memref<512xi32, #tpu.memory_space<vmem>>, vector<16xi32>,
      %slice3A = vector.extract_strided_slice %get3A_31 {offsets = [0], sizes = [1], strides = [1]} : vector<16xi32> to vector<1xi32>
      %squeeze3A = vector.extract %slice3A[0] : i32 from vector<1xi32>
      %slice3A_38 = vector.extract_strided_slice %get3A_37 {offsets = [0], sizes = [1], strides = [1]} : vector<16xi32> to vector<1xi32>
      %squeeze3A_39 = vector.extract %slice3A_38[0] : i32 from vector<1xi32>
      %shift_right_arithmetic3A = arith.constant 3 : i32
      %shift_right_arithmetic3A_40 = arith.shrsi %squeeze3A, %shift_right_arithmetic3A : i32
      %and3A = arith.constant 7 : i32
      %and3A_41 = arith.andi %squeeze3A, %and3A : i32
      %mul3A_42 = arith.constant 16 : i32
      %mul3A_43 = arith.muli %scan3A_26, %mul3A_42 : i32
      %add3A_44 = arith.constant 0 : i32
      %add3A_45 = arith.addi %mul3A_43, %add3A_44 : i32
      %dma_start3A = arith.constant 0 : i32
      %dma_start3A_46 = arith.constant 0 : i32
      %dma_start3A_47 = tpu.memref_slice %arg9[%add3A_45, %dma_start3A, %dma_start3A_46] : memref<256x1x64xf32, #tpu.memory_space<vmem>> -> memref<1x1x64xf32, #tpu.memory_space<vmem>>
      %dma_start3A_48 = tpu.memref_squeeze %dma_start3A_47 : memref<1x1x64xf32, #tpu.memory_space<vmem>> -> memref<1x64xf32, #tpu.memory_space<vmem>>
      %dma_start3A_49 = arith.constant 0 : i32
      %dma_start3A_50 = tpu.memref_slice %arg4[%shift_right_arithmetic3A_40, %and3A_41, %dma_start3A_49] : memref<125000x8x64xf32, #tpu.memory_space<hbm>> -> memref<1x1x64xf32, #tpu.memory_space<hbm>>
      %dma_start3A_51 = tpu.memref_squeeze %dma_start3A_50 : memref<1x1x64xf32, #tpu.memory_space<hbm>> -> memref<1x64xf32, #tpu.memory_space<hbm>>
      %dma_start3A_52 = arith.constant 0 : i32
      %dma_start3A_53 = arith.constant 0 : i32
      %dma_start3A_54 = tpu.memref_slice %arg9[%add3A_45, %dma_start3A_52, %dma_start3A_53] : memref<256x1x64xf32, #tpu.memory_space<vmem>> -> memref<1x1x64xf32, #tpu.memory_space<vmem>>
      %dma_start3A_55 = tpu.memref_squeeze %dma_start3A_54 : memref<1x1x64xf32, #tpu.memory_space<vmem>> -> memref<1x64xf32, #tpu.memory_space<vmem>>
      %dma_start3A_56 = arith.constant 0 : i32
      %dma_start3A_57 = tpu.memref_slice %arg4[%shift_right_arithmetic3A_40, %and3A_41, %dma_start3A_56] : memref<125000x8x64xf32, #tpu.memory_space<hbm>> -> memref<1x1x64xf32, #tpu.memory_space<hbm>>
      %dma_start3A_58 = tpu.memref_squeeze %dma_start3A_57 : memref<1x1x64xf32, #tpu.memory_space<hbm>> -> memref<1x64xf32, #tpu.memory_space<hbm>>
      tpu.enqueue_dma source(%dma_start3A_58 : memref<1x64xf32, #tpu.memory_space<hbm>>) target(%dma_start3A_55 : memref<1x64xf32, #tpu.memory_space<vmem>>) target_semaphore(%arg12 : memref<!tpu.dma_semaphore, #tpu.memory_space<semaphore_mem>>)
      %shift_right_arithmetic3A_59 = arith.constant 3 : i32
      %shift_right_arithmetic3A_60 = arith.shrsi %squeeze3A_39, %shift_right_arithmetic3A_59 : i32
      %and3A_61 = arith.constant 7 : i32
      %and3A_62 = arith.andi %squeeze3A_39, %and3A_61 : i32
      %mul3A_63 = arith.constant 16 : i32
      %mul3A_64 = arith.muli %scan3A_26, %mul3A_63 : i32
      %add3A_65 = arith.constant 0 : i32
      %add3A_66 = arith.addi %mul3A_64, %add3A_65 : i32
      %dma_start3A_67 = arith.constant 0 : i32
      %dma_start3A_68 = arith.constant 0 : i32
      %dma_start3A_69 = tpu.memref_slice %arg10[%add3A_66, %dma_start3A_67, %dma_start3A_68] : memref<256x1x64xf32, #tpu.memory_space<vmem>> -> memref<1x1x64xf32, #tpu.memory_space<vmem>>
      %dma_start3A_70 = tpu.memref_squeeze %dma_start3A_69 : memref<1x1x64xf32, #tpu.memory_space<vmem>> -> memref<1x64xf32, #tpu.memory_space<vmem>>
      %dma_start3A_71 = arith.constant 0 : i32
      %dma_start3A_72 = tpu.memref_slice %arg5[%shift_right_arithmetic3A_60, %and3A_62, %dma_start3A_71] : memref<125000x8x64xf32, #tpu.memory_space<hbm>> -> memref<1x1x64xf32, #tpu.memory_space<hbm>>
      %dma_start3A_73 = tpu.memref_squeeze %dma_start3A_72 : memref<1x1x64xf32, #tpu.memory_space<hbm>> -> memref<1x64xf32, #tpu.memory_space<hbm>>
      %dma_start3A_74 = arith.constant 0 : i32
      %dma_start3A_75 = arith.constant 0 : i32
      %dma_start3A_76 = tpu.memref_slice %arg10[%add3A_66, %dma_start3A_74, %dma_start3A_75] : memref<256x1x64xf32, #tpu.memory_space<vmem>> -> memref<1x1x64xf32, #tpu.memory_space<vmem>>
      %dma_start3A_77 = tpu.memref_squeeze %dma_start3A_76 : memref<1x1x64xf32, #tpu.memory_space<vmem>> -> memref<1x64xf32, #tpu.memory_space<vmem>>
      %dma_start3A_78 = arith.constant 0 : i32
      %dma_start3A_79 = tpu.memref_slice %arg5[%shift_right_arithmetic3A_60, %and3A_62, %dma_start3A_78] : memref<125000x8x64xf32, #tpu.memory_space<hbm>> -> memref<1x1x64xf32, #tpu.memory_space<hbm>>
      %dma_start3A_80 = tpu.memref_squeeze %dma_start3A_79 : memref<1x1x64xf32, #tpu.memory_space<hbm>> -> memref<1x64xf32, #tpu.memory_space<hbm>>
      tpu.enqueue_dma source(%dma_start3A_80 : memref<1x64xf32, #tpu.memory_space<hbm>>) target(%dma_start3A_77 : memref<1x64xf32, #tpu.memory_space<vmem>>) target_semaphore(%arg12 : memref<!tpu.dma_semaphore, #tpu.memory_space<semaphore_mem>>)
      %slice3A_81 = vector.extract_strided_slice %get3A_31 {offsets = [1], sizes = [1], strides = [1]} : vector<16xi32> to vector<1xi32>
      %squeeze3A_82 = vector.extract %slice3A_81[0] : i32 from vector<1xi32>
      %slice3A_83 = vector.extract_strided_slice %get3A_37 {offsets = [1], sizes = [1], strides = [1]} : vector<16xi32> to vector<1xi32>
      %squeeze3A_84 = vector.extract %slice3A_83[0] : i32 from vector<1xi32>
      %shift_right_arithmetic3A_85 = arith.constant 3 : i32
      %shift_right_arithmetic3A_86 = arith.shrsi %squeeze3A_82, %shift_right_arithmetic3A_85 : i32
      %and3A_87 = arith.constant 7 : i32
      %and3A_88 = arith.andi %squeeze3A_82, %and3A_87 : i32
      %mul3A_89 = arith.constant 16 : i32
      %mul3A_90 = arith.muli %scan3A_26, %mul3A_89 : i32
      %add3A_91 = arith.constant 1 : i32
      %add3A_92 = arith.addi %mul3A_90, %add3A_91 : i32
      %dma_start3A_93 = arith.constant 0 : i32
      %dma_start3A_94 = arith.constant 0 : i32
      %dma_start3A_95 = tpu.memref_slice %arg9[%add3A_92, %dma_start3A_93, %dma_start3A_94] : memref<256x1x64xf32, #tpu.memory_space<vmem>> -> memref<1x1x64xf32, #tpu.memory_space<vmem>>
      %dma_start3A_96 = tpu.memref_squeeze %dma_start3A_95 : memref<1x1x64xf32, #tpu.memory_space<vmem>> -> memref<1x64xf32, #tpu.memory_space<vmem>>
      %dma_start3A_97 = arith.constant 0 : i32
      %dma_start3A_98 = tpu.memref_slice %arg4[%shift_right_arithmetic3A_86, %and3A_88, %dma_start3A_97] : memref<125000x8x64xf32, #tpu.memory_space<hbm>> -> memref<1x1x64xf32, #tpu.memory_space<hbm>>
      %dma_start3A_99 = tpu.memref_squeeze %dma_start3A_98 : memref<1x1x64xf32, #tpu.memory_space<hbm>> -> memref<1x64xf32, #tpu.memory_space<hbm>>
      %dma_start3A_100 = arith.constant 0 : i32
      %dma_start3A_101 = arith.constant 0 : i32
      %dma_start3A_102 = tpu.memref_slice %arg9[%add3A_92, %dma_start3A_100, %dma_start3A_101] : memref<256x1x64xf32, #tpu.memory_space<vmem>> -> memref<1x1x64xf32, #tpu.memory_space<vmem>>
      %dma_start3A_103 = tpu.memref_squeeze %dma_start3A_102 : memref<1x1x64xf32, #tpu.memory_space<vmem>> -> memref<1x64xf32, #tpu.memory_space<vmem>>
      %dma_start3A_104 = arith.constant 0 : i32
      %dma_start3A_105 = tpu.memref_slice %arg4[%shift_right_arithmetic3A_86, %and3A_88, %dma_start3A_104] : memref<125000x8x64xf32, #tpu.memory_space<hbm>> -> memref<1x1x64xf32, #tpu.memory_space<hbm>>
      %dma_start3A_106 = tpu.memref_squeeze %dma_start3A_105 : memref<1x1x64xf32, #tpu.memory_space<hbm>> -> memref<1x64xf32, #tpu.memory_space<hbm>>
      tpu.enqueue_dma source(%dma_start3A_106 : memref<1x64xf32, #tpu.memory_space<hbm>>) target(%dma_start3A_103 : memref<1x64xf32, #tpu.memory_space<vmem>>) target_semaphore(%arg12 : memref<!tpu.dma_semaphore, #tpu.memory_space<semaphore_mem>>)
      %shift_right_arithmetic3A_107 = arith.constant 3 : i32
      %shift_right_arithmetic3A_108 = arith.shrsi %squeeze3A_84, %shift_right_arithmetic3A_107 : i32
      %and3A_109 = arith.constant 7 : i32
      %and3A_110 = arith.andi %squeeze3A_84, %and3A_109 : i32
      %mul3A_111 = arith.constant 16 : i32
      %mul3A_112 = arith.muli %scan3A_26, %mul3A_111 : i32
      %add3A_113 = arith.constant 1 : i32
      %add3A_114 = arith.addi %mul3A_112, %add3A_113 : i32
      %dma_start3A_115 = arith.constant 0 : i32
      %dma_start3A_116 = arith.constant 0 : i32
      %dma_start3A_117 = tpu.memref_slice %arg10[%add3A_114, %dma_start3A_115, %dma_start3A_116] : memref<256x1x64xf32, #tpu.memory_space<vmem>> -> memref<1x1x64xf32, #tpu.memory_space<vmem>>
      %dma_start3A_118 = tpu.memref_squeeze %dma_start3A_117 : memref<1x1x64xf32, #tpu.memory_space<vmem>> -> memref<1x64xf32, #tpu.memory_space<vmem>>
      %dma_start3A_119 = arith.constant 0 : i32
      %dma_start3A_120 = tpu.memref_slice %arg5[%shift_right_arithmetic3A_108, %and3A_110, %dma_start3A_119] : memref<125000x8x64xf32, #tpu.memory_space<hbm>> -> memref<1x1x64xf32, #tpu.memory_space<hbm>>
      %dma_start3A_121 = tpu.memref_squeeze %dma_start3A_120 : memref<1x1x64xf32, #tpu.memory_space<hbm>> -> memref<1x64xf32, #tpu.memory_space<hbm>>
      %dma_start3A_122 = arith.constant 0 : i32
      %dma_start3A_123 = arith.constant 0 : i32
      %dma_start3A_124 = tpu.memref_slice %arg10[%add3A_114, %dma_start3A_122, %dma_start3A_123] : memref<256x1x64xf32, #tpu.memory_space<vmem>> -> memref<1x1x64xf32, #tpu.memory_space<vmem>>
      %dma_start3A_125 = tpu.memref_squeeze %dma_start3A_124 : memref<1x1x64xf32, #tpu.memory_space<vmem>> -> memref<1x64xf32, #tpu.memory_space<vmem>>
      %dma_start3A_126 = arith.constant 0 : i32
      %dma_start3A_127 = tpu.memref_slice %arg5[%shift_right_arithmetic3A_108, %and3A_110, %dma_start3A_126] : memref<125000x8x64xf32, #tpu.memory_space<hbm>> -> memref<1x1x64xf32, #tpu.memory_space<hbm>>
      %dma_start3A_128 = tpu.memref_squeeze %dma_start3A_127 : memref<1x1x64xf32, #tpu.memory_space<hbm>> -> memref<1x64xf32, #tpu.memory_space<hbm>>
      tpu.enqueue_dma source(%dma_start3A_128 : memref<1x64xf32, #tpu.memory_space<hbm>>) target(%dma_start3A_125 : memref<1x64xf32, #tpu.memory_space<vmem>>) target_semaphore(%arg12 : memref<!tpu.dma_semaphore, #tpu.memory_space<semaphore_mem>>)
      %slice3A_129 = vector.extract_strided_slice %get3A_31 {offsets = [2], sizes = [1], strides = [1]} : vector<16xi32> to vector<1xi32>
      %squeeze3A_130 = vector.extract %slice3A_129[0] : i32 from vector<1xi32>
      %slice3A_131 = vector.extract_strided_slice %get3A_37 {offsets = [2], sizes = [1], strides = [1]} : vector<16xi32> to vector<1xi32>
      %squeeze3A_132 = vector.extract %slice3A_131[0] : i32 from vector<1xi32>
      %shift_right_arithmetic3A_133 = arith.constant 3 : i32
      %shift_right_arithmetic3A_134 = arith.shrsi %squeeze3A_130, %shift_right_arithmetic3A_133 : i32
      %and3A_135 = arith.constant 7 : i32
      %and3A_136 = arith.andi %squeeze3A_130, %and3A_135 : i32
      %mul3A_137 = arith.constant 16 : i32
      %mul3A_138 = arith.muli %scan3A_26, %mul3A_137 : i32
      %add3A_139 = arith.constant 2 : i32
      %add3A_140 = arith.addi %mul3A_138, %add3A_139 : i32
      %dma_start3A_141 = arith.constant 0 : i32
      %dma_start3A_142 = arith.constant 0 : i32
      %dma_start3A_143 = tpu.memref_slice %arg9[%add3A_140, %dma_start3A_141, %dma_start3A_142] : memref<256x1x64xf32, #tpu.memory_space<vmem>> -> memref<1x1x64xf32, #tpu.memory_space<vmem>>
      %dma_start3A_144 = tpu.memref_squeeze %dma_start3A_143 : memref<1x1x64xf32, #tpu.memory_space<vmem>> -> memref<1x64xf32, #tpu.memory_space<vmem>>
      %dma_start3A_145 = arith.constant 0 : i32
      %dma_start3A_146 = tpu.memref_slice %arg4[%shift_right_arithmetic3A_134, %and3A_136, %dma_start3A_145] : memref<125000x8x64xf32, #tpu.memory_space<hbm>> -> memref<1x1x64xf32, #tpu.memory_space<hbm>>
      %dma_start3A_147 = tpu.memref_squeeze %dma_start3A_146 : memref<1x1x64xf32, #tpu.memory_space<hbm>> -> memref<1x64xf32, #tpu.memory_space<hbm>>
      %dma_start3A_148 = arith.constant 0 : i32
      %dma_start3A_149 = arith.constant 0 : i32
      %dma_start3A_150 = tpu.memref_slice %arg9[%add3A_140, %dma_start3A_148, %dma_start3A_149] : memref<256x1x64xf32, #tpu.memory_space<vmem>> -> memref<1x1x64xf32, #tpu.memory_space<vmem>>
      %dma_start3A_151 = tpu.memref_squeeze %dma_start3A_150 : memref<1x1x64xf32, #tpu.memory_space<vmem>> -> memref<1x64xf32, #tpu.memory_space<vmem>>
      %dma_start3A_152 = arith.constant 0 : i32
      %dma_start3A_153 = tpu.memref_slice %arg4[%shift_right_arithmetic3A_134, %and3A_136, %dma_start3A_152] : memref<125000x8x64xf32, #tpu.memory_space<hbm>> -> memref<1x1x64xf32, #tpu.memory_space<hbm>>
      %dma_start3A_154 = tpu.memref_squeeze %dma_start3A_153 : memref<1x1x64xf32, #tpu.memory_space<hbm>> -> memref<1x64xf32, #tpu.memory_space<hbm>>
      tpu.enqueue_dma source(%dma_start3A_154 : memref<1x64xf32, #tpu.memory_space<hbm>>) target(%dma_start3A_151 : memref<1x64xf32, #tpu.memory_space<vmem>>) target_semaphore(%arg12 : memref<!tpu.dma_semaphore, #tpu.memory_space<semaphore_mem>>)
      %shift_right_arithmetic3A_155 = arith.constant 3 : i32
      %shift_right_arithmetic3A_156 = arith.shrsi %squeeze3A_132, %shift_right_arithmetic3A_155 : i32
      %and3A_157 = arith.constant 7 : i32
      %and3A_158 = arith.andi %squeeze3A_132, %and3A_157 : i32
      %mul3A_159 = arith.constant 16 : i32
      %mul3A_160 = arith.muli %scan3A_26, %mul3A_159 : i32
      %add3A_161 = arith.constant 2 : i32
      %add3A_162 = arith.addi %mul3A_160, %add3A_161 : i32
      %dma_start3A_163 = arith.constant 0 : i32
      %dma_start3A_164 = arith.constant 0 : i32
      %dma_start3A_165 = tpu.memref_slice %arg10[%add3A_162, %dma_start3A_163, %dma_start3A_164] : memref<256x1x64xf32, #tpu.memory_space<vmem>> -> memref<1x1x64xf32, #tpu.memory_space<vmem>>
      %dma_start3A_166 = tpu.memref_squeeze %dma_start3A_165 : memref<1x1x64xf32, #tpu.memory_space<vmem>> -> memref<1x64xf32, #tpu.memory_space<vmem>>
      %dma_start3A_167 = arith.constant 0 : i32
      %dma_start3A_168 = tpu.memref_slice %arg5[%shift_right_arithmetic3A_156, %and3A_158, %dma_start3A_167] : memref<125000x8x64xf32, #tpu.memory_space<hbm>> -> memref<1x1x64xf32, #tpu.memory_space<hbm>>
      %dma_start3A_169 = tpu.memref_squeeze %dma_start3A_168 : memref<1x1x64xf32, #tpu.memory_space<hbm>> -> memref<1x64xf32, #tpu.memory_space<hbm>>
      %dma_start3A_170 = arith.constant 0 : i32
      %dma_start3A_171 = arith.constant 0 : i32
      %dma_start3A_172 = tpu.memref_slice %arg10[%add3A_162, %dma_start3A_170, %dma_start3A_171] : memref<256x1x64xf32, #tpu.memory_space<vmem>> -> memref<1x1x64xf32, #tpu.memory_space<vmem>>
      %dma_start3A_173 = tpu.memref_squeeze %dma_start3A_172 : memref<1x1x64xf32, #tpu.memory_space<vmem>> -> memref<1x64xf32, #tpu.memory_space<vmem>>
      %dma_start3A_174 = arith.constant 0 : i32
      %dma_start3A_175 = tpu.memref_slice %arg5[%shift_right_arithmetic3A_156, %and3A_158, %dma_start3A_174] : memref<125000x8x64xf32, #tpu.memory_space<hbm>> -> memref<1x1x64xf32, #tpu.memory_space<hbm>>
      %dma_start3A_176 = tpu.memref_squeeze %dma_start3A_175 : memref<1x1x64xf32, #tpu.memory_space<hbm>> -> memref<1x64xf32, #tpu.memory_space<hbm>>
      tpu.enqueue_dma source(%dma_start3A_176 : memref<1x64xf32, #tpu.memory_space<hbm>>) target(%dma_start3A_173 : memref<1x64xf32, #tpu.memory_space<vmem>>) target_semaphore(%arg12 : memref<!tpu.dma_semaphore, #tpu.memory_space<semaphore_mem>>)
      %slice3A_177 = vector.extract_strided_slice %get3A_31 {offsets = [3], sizes = [1], strides = [1]} : vector<16xi32> to vector<1xi32>
      %squeeze3A_178 = vector.extract %slice3A_177[0] : i32 from vector<1xi32>
      %slice3A_179 = vector.extract_strided_slice %get3A_37 {offsets = [3], sizes = [1], strides = [1]} : vector<16xi32> to vector<1xi32>
      %squeeze3A_180 = vector.extract %slice3A_179[0] : i32 from vector<1xi32>
      %shift_right_arithmetic3A_181 = arith.constant 3 : i32
      %shift_right_arithmetic3A_182 = arith.shrsi %squeeze3A_178, %shift_right_arithmetic3A_181 : i32
      %and3A_183 = arith.constant 7 : i32
      %and3A_184 = arith.andi %squeeze3A_178, %and3A_183 : i32
      %mul3A_185 = arith.constant 16 : i32
      %mul3A_186 = arith.muli %scan3A_26, %mul3A_185 : i32
      %add3A_187 = arith.constant 3 : i32
      %add3A_188 = arith.addi %mul3A_186, %add3A_187 : i32
      %dma_start3A_189 = arith.constant 0 : i32
      %dma_start3A_190 = arith.constant 0 : i32
      %dma_start3A_191 = tpu.memref_slice %arg9[%add3A_188, %dma_start3A_189, %dma_start3A_190] : memref<256x1x64xf32, #tpu.memory_space<vmem>> -> memref<1x1x64xf32, #tpu.memory_space<vmem>>
      %dma_start3A_192 = tpu.memref_squeeze %dma_start3A_191 : memref<1x1x64xf32, #tpu.memory_space<vmem>> -> memref<1x64xf32, #tpu.memory_space<vmem>>
      %dma_start3A_193 = arith.constant 0 : i32
      %dma_start3A_194 = tpu.memref_slice %arg4[%shift_right_arithmetic3A_182, %and3A_184, %dma_start3A_193] : memref<125000x8x64xf32, #tpu.memory_space<hbm>> -> memref<1x1x64xf32, #tpu.memory_space<hbm>>
      %dma_start3A_195 = tpu.memref_squeeze %dma_start3A_194 : memref<1x1x64xf32, #tpu.memory_space<hbm>> -> memref<1x64xf32, #tpu.memory_space<hbm>>
      %dma_start3A_196 = arith.constant 0 : i32
      %dma_start3A_197 = arith.constant 0 : i32
      %dma_start3A_198 = tpu.memref_slice %arg9[%add3A_188, %dma_start3A_196, %dma_start3A_197] : memref<256x1x64xf32, #tpu.memory_space<vmem>> -> memref<1x1x64xf32, #tpu.memory_space<vmem>>
      %dma_start3A_199 = tpu.memref_squeeze %dma_start3A_198 : memref<1x1x64xf32, #tpu.memory_space<vmem>> -> memref<1x64xf32, #tpu.memory_space<vmem>>
      %dma_start3A_200 = arith.constant 0 : i32
      %dma_start3A_201 = tpu.memref_slice %arg4[%shift_right_arithmetic3A_182, %and3A_184, %dma_start3A_200] : memref<125000x8x64xf32, #tpu.memory_space<hbm>> -> memref<1x1x64xf32, #tpu.memory_space<hbm>>
      %dma_start3A_202 = tpu.memref_squeeze %dma_start3A_201 : memref<1x1x64xf32, #tpu.memory_space<hbm>> -> memref<1x64xf32, #tpu.memory_space<hbm>>
      tpu.enqueue_dma source(%dma_start3A_202 : memref<1x64xf32, #tpu.memory_space<hbm>>) target(%dma_start3A_199 : memref<1x64xf32, #tpu.memory_space<vmem>>) target_semaphore(%arg12 : memref<!tpu.dma_semaphore, #tpu.memory_space<semaphore_mem>>)
      %shift_right_arithmetic3A_203 = arith.constant 3 : i32
      %shift_right_arithmetic3A_204 = arith.shrsi %squeeze3A_180, %shift_right_arithmetic3A_203 : i32
      %and3A_205 = arith.constant 7 : i32
      %and3A_206 = arith.andi %squeeze3A_180, %and3A_205 : i32
      %mul3A_207 = arith.constant 16 : i32
      %mul3A_208 = arith.muli %scan3A_26, %mul3A_207 : i32
      %add3A_209 = arith.constant 3 : i32
      %add3A_210 = arith.addi %mul3A_208, %add3A_209 : i32
      %dma_start3A_211 = arith.constant 0 : i32
      %dma_start3A_212 = arith.constant 0 : i32
      %dma_start3A_213 = tpu.memref_slice %arg10[%add3A_210, %dma_start3A_211, %dma_start3A_212] : memref<256x1x64xf32, #tpu.memory_space<vmem>> -> memref<1x1x64xf32, #tpu.memory_space<vmem>>
      %dma_start3A_214 = tpu.memref_squeeze %dma_start3A_213 : memref<1x1x64xf32, #tpu.memory_space<vmem>> -> memref<1x64xf32, #tpu.memory_space<vmem>>
      %dma_start3A_215 = arith.constant 0 : i32
      %dma_start3A_216 = tpu.memref_slice %arg5[%shift_right_arithmetic3A_204, %and3A_206, %dma_start3A_215] : memref<125000x8x64xf32, #tpu.memory_space<hbm>> -> memref<1x1x64xf32, #tpu.memory_space<hbm>>
      %dma_start3A_217 = tpu.memref_squeeze %dma_start3A_216 : memref<1x1x64xf32, #tpu.memory_space<hbm>> -> memref<1x64xf32, #tpu.memory_space<hbm>>
      %dma_start3A_218 = arith.constant 0 : i32
      %dma_start3A_219 = arith.constant 0 : i32
      %dma_start3A_220 = tpu.memref_slice %arg10[%add3A_210, %dma_start3A_218, %dma_start3A_219] : memref<256x1x64xf32, #tpu.memory_space<vmem>> -> memref<1x1x64xf32, #tpu.memory_space<vmem>>
      %dma_start3A_221 = tpu.memref_squeeze %dma_start3A_220 : memref<1x1x64xf32, #tpu.memory_space<vmem>> -> memref<1x64xf32, #tpu.memory_space<vmem>>
      %dma_start3A_222 = arith.constant 0 : i32
      %dma_start3A_223 = tpu.memref_slice %arg5[%shift_right_arithmetic3A_204, %and3A_206, %dma_start3A_222] : memref<125000x8x64xf32, #tpu.memory_space<hbm>> -> memref<1x1x64xf32, #tpu.memory_space<hbm>>
      %dma_start3A_224 = tpu.memref_squeeze %dma_start3A_223 : memref<1x1x64xf32, #tpu.memory_space<hbm>> -> memref<1x64xf32, #tpu.memory_space<hbm>>
      tpu.enqueue_dma source(%dma_start3A_224 : memref<1x64xf32, #tpu.memory_space<hbm>>) target(%dma_start3A_221 : memref<1x64xf32, #tpu.memory_space<vmem>>) target_semaphore(%arg12 : memref<!tpu.dma_semaphore, #tpu.memory_space<semaphore_mem>>)
      %slice3A_225 = vector.extract_strided_slice %get3A_31 {offsets = [4], sizes = [1], strides = [1]} : vector<16xi32> to vector<1xi32>
      %squeeze3A_226 = vector.extract %slice3A_225[0] : i32 from vector<1xi32>
      %slice3A_227 = vector.extract_strided_slice %get3A_37 {offsets = [4], sizes = [1], strides = [1]} : vector<16xi32> to vector<1xi32>
      %squeeze3A_228 = vector.extract %slice3A_227[0] : i32 from vector<1xi32>
      %shift_right_arithmetic3A_229 = arith.constant 3 : i32
      %shift_right_arithmetic3A_230 = arith.shrsi %squeeze3A_226, %shift_right_arithmetic3A_229 : i32
      %and3A_231 = arith.constant 7 : i32
      %and3A_232 = arith.andi %squeeze3A_226, %and3A_231 : i32
      %mul3A_233 = arith.constant 16 : i32
      %mul3A_234 = arith.muli %scan3A_26, %mul3A_233 : i32
      %add3A_235 = arith.constant 4 : i32
      %add3A_236 = arith.addi %mul3A_234, %add3A_235 : i32
      %dma_start3A_237 = arith.constant 0 : i32
      %dma_start3A_238 = arith.constant 0 : i32
      %dma_start3A_239 = tpu.memref_slice %arg9[%add3A_236, %dma_start3A_237, %dma_start3A_238] : memref<256x1x64xf32, #tpu.memory_space<vmem>> -> memref<1x1x64xf32, #tpu.memory_space<vmem>>
      %dma_start3A_240 = tpu.memref_squeeze %dma_start3A_239 : memref<1x1x64xf32, #tpu.memory_space<vmem>> -> memref<1x64xf32, #tpu.memory_space<vmem>>
      %dma_start3A_241 = arith.constant 0 : i32
      %dma_start3A_242 = tpu.memref_slice %arg4[%shift_right_arithmetic3A_230, %and3A_232, %dma_start3A_241] : memref<125000x8x64xf32, #tpu.memory_space<hbm>> -> memref<1x1x64xf32, #tpu.memory_space<hbm>>
      %dma_start3A_243 = tpu.memref_squeeze %dma_start3A_242 : memref<1x1x64xf32, #tpu.memory_space<hbm>> -> memref<1x64xf32, #tpu.memory_space<hbm>>
      %dma_start3A_244 = arith.constant 0 : i32
      %dma_start3A_245 = arith.constant 0 : i32
      %dma_start3A_246 = tpu.memref_slice %arg9[%add3A_236, %dma_start3A_244, %dma_start3A_245] : memref<256x1x64xf32, #tpu.memory_space<vmem>> -> memref<1x1x64xf32, #tpu.memory_space<vmem>>
      %dma_start3A_247 = tpu.memref_squeeze %dma_start3A_246 : memref<1x1x64xf32, #tpu.memory_space<vmem>> -> memref<1x64xf32, #tpu.memory_space<vmem>>
      %dma_start3A_248 = arith.constant 0 : i32
      %dma_start3A_249 = tpu.memref_slice %arg4[%shift_right_arithmetic3A_230, %and3A_232, %dma_start3A_248] : memref<125000x8x64xf32, #tpu.memory_space<hbm>> -> memref<1x1x64xf32, #tpu.memory_space<hbm>>
      %dma_start3A_250 = tpu.memref_squeeze %dma_start3A_249 : memref<1x1x64xf32, #tpu.memory_space<hbm>> -> memref<1x64xf32, #tpu.memory_space<hbm>>
      tpu.enqueue_dma source(%dma_start3A_250 : memref<1x64xf32, #tpu.memory_space<hbm>>) target(%dma_start3A_247 : memref<1x64xf32, #tpu.memory_space<vmem>>) target_semaphore(%arg12 : memref<!tpu.dma_semaphore, #tpu.memory_space<semaphore_mem>>)
      %shift_right_arithmetic3A_251 = arith.constant 3 : i32
      %shift_right_arithmetic3A_252 = arith.shrsi %squeeze3A_228, %shift_right_arithmetic3A_251 : i32
      %and3A_253 = arith.constant 7 : i32
      %and3A_254 = arith.andi %squeeze3A_228, %and3A_253 : i32
      %mul3A_255 = arith.constant 16 : i32
      %mul3A_256 = arith.muli %scan3A_26, %mul3A_255 : i32
      %add3A_257 = arith.constant 4 : i32
      %add3A_258 = arith.addi %mul3A_256, %add3A_257 : i32
      %dma_start3A_259 = arith.constant 0 : i32
      %dma_start3A_260 = arith.constant 0 : i32
      %dma_start3A_261 = tpu.memref_slice %arg10[%add3A_258, %dma_start3A_259, %dma_start3A_260] : memref<256x1x64xf32, #tpu.memory_space<vmem>> -> memref<1x1x64xf32, #tpu.memory_space<vmem>>
      %dma_start3A_262 = tpu.memref_squeeze %dma_start3A_261 : memref<1x1x64xf32, #tpu.memory_space<vmem>> -> memref<1x64xf32, #tpu.memory_space<vmem>>
      %dma_start3A_263 = arith.constant 0 : i32
      %dma_start3A_264 = tpu.memref_slice %arg5[%shift_right_arithmetic3A_252, %and3A_254, %dma_start3A_263] : memref<125000x8x64xf32, #tpu.memory_space<hbm>> -> memref<1x1x64xf32, #tpu.memory_space<hbm>>
      %dma_start3A_265 = tpu.memref_squeeze %dma_start3A_264 : memref<1x1x64xf32, #tpu.memory_space<hbm>> -> memref<1x64xf32, #tpu.memory_space<hbm>>
      %dma_start3A_266 = arith.constant 0 : i32
      %dma_start3A_267 = arith.constant 0 : i32
      %dma_start3A_268 = tpu.memref_slice %arg10[%add3A_258, %dma_start3A_266, %dma_start3A_267] : memref<256x1x64xf32, #tpu.memory_space<vmem>> -> memref<1x1x64xf32, #tpu.memory_space<vmem>>
      %dma_start3A_269 = tpu.memref_squeeze %dma_start3A_268 : memref<1x1x64xf32, #tpu.memory_space<vmem>> -> memref<1x64xf32, #tpu.memory_space<vmem>>
      %dma_start3A_270 = arith.constant 0 : i32
      %dma_start3A_271 = tpu.memref_slice %arg5[%shift_right_arithmetic3A_252, %and3A_254, %dma_start3A_270] : memref<125000x8x64xf32, #tpu.memory_space<hbm>> -> memref<1x1x64xf32, #tpu.memory_space<hbm>>
      %dma_start3A_272 = tpu.memref_squeeze %dma_start3A_271 : memref<1x1x64xf32, #tpu.memory_space<hbm>> -> memref<1x64xf32, #tpu.memory_space<hbm>>
      tpu.enqueue_dma source(%dma_start3A_272 : memref<1x64xf32, #tpu.memory_space<hbm>>) target(%dma_start3A_269 : memref<1x64xf32, #tpu.memory_space<vmem>>) target_semaphore(%arg12 : memref<!tpu.dma_semaphore, #tpu.memory_space<semaphore_mem>>)
      %slice3A_273 = vector.extract_strided_slice %get3A_31 {offsets = [5], sizes = [1], strides = [1]} : vector<16xi32> to vector<1xi32>
      %squeeze3A_274 = vector.extract %slice3A_273[0] : i32 from vector<1xi32>
      %slice3A_275 = vector.extract_strided_slice %get3A_37 {offsets = [5], sizes = [1], strides = [1]} : vector<16xi32> to vector<1xi32>
      %squeeze3A_276 = vector.extract %slice3A_275[0] : i32 from vector<1xi32>
      %shift_right_arithmetic3A_277 = arith.constant 3 : i32
      %shift_right_arithmetic3A_278 = arith.shrsi %squeeze3A_274, %shift_right_arithmetic3A_277 : i32
      %and3A_279 = arith.constant 7 : i32
      %and3A_280 = arith.andi %squeeze3A_274, %and3A_279 : i32
      %mul3A_281 = arith.constant 16 : i32
      %mul3A_282 = arith.muli %scan3A_26, %mul3A_281 : i32
      %add3A_283 = arith.constant 5 : i32
      %add3A_284 = arith.addi %mul3A_282, %add3A_283 : i32
      %dma_start3A_285 = arith.constant 0 : i32
      %dma_start3A_286 = arith.constant 0 : i32
      %dma_start3A_287 = tpu.memref_slice %arg9[%add3A_284, %dma_start3A_285, %dma_start3A_286] : memref<256x1x64xf32, #tpu.memory_space<vmem>> -> memref<1x1x64xf32, #tpu.memory_space<vmem>>
      %dma_start3A_288 = tpu.memref_squeeze %dma_start3A_287 : memref<1x1x64xf32, #tpu.memory_space<vmem>> -> memref<1x64xf32, #tpu.memory_space<vmem>>
      %dma_start3A_289 = arith.constant 0 : i32
      %dma_start3A_290 = tpu.memref_slice %arg4[%shift_right_arithmetic3A_278, %and3A_280, %dma_start3A_289] : memref<125000x8x64xf32, #tpu.memory_space<hbm>> -> memref<1x1x64xf32, #tpu.memory_space<hbm>>
      %dma_start3A_291 = tpu.memref_squeeze %dma_start3A_290 : memref<1x1x64xf32, #tpu.memory_space<hbm>> -> memref<1x64xf32, #tpu.memory_space<hbm>>
      %dma_start3A_292 = arith.constant 0 : i32
      %dma_start3A_293 = arith.constant 0 : i32
      %dma_start3A_294 = tpu.memref_slice %arg9[%add3A_284, %dma_start3A_292, %dma_start3A_293] : memref<256x1x64xf32, #tpu.memory_space<vmem>> -> memref<1x1x64xf32, #tpu.memory_space<vmem>>
      %dma_start3A_295 = tpu.memref_squeeze %dma_start3A_294 : memref<1x1x64xf32, #tpu.memory_space<vmem>> -> memref<1x64xf32, #tpu.memory_space<vmem>>
      %dma_start3A_296 = arith.constant 0 : i32
      %dma_start3A_297 = tpu.memref_slice %arg4[%shift_right_arithmetic3A_278, %and3A_280, %dma_start3A_296] : memref<125000x8x64xf32, #tpu.memory_space<hbm>> -> memref<1x1x64xf32, #tpu.memory_space<hbm>>
      %dma_start3A_298 = tpu.memref_squeeze %dma_start3A_297 : memref<1x1x64xf32, #tpu.memory_space<hbm>> -> memref<1x64xf32, #tpu.memory_space<hbm>>
      tpu.enqueue_dma source(%dma_start3A_298 : memref<1x64xf32, #tpu.memory_space<hbm>>) target(%dma_start3A_295 : memref<1x64xf32, #tpu.memory_space<vmem>>) target_semaphore(%arg12 : memref<!tpu.dma_semaphore, #tpu.memory_space<semaphore_mem>>)
      %shift_right_arithmetic3A_299 = arith.constant 3 : i32
      %shift_right_arithmetic3A_300 = arith.shrsi %squeeze3A_276, %shift_right_arithmetic3A_299 : i32
      %and3A_301 = arith.constant 7 : i32
      %and3A_302 = arith.andi %squeeze3A_276, %and3A_301 : i32
      %mul3A_303 = arith.constant 16 : i32
      %mul3A_304 = arith.muli %scan3A_26, %mul3A_303 : i32
      %add3A_305 = arith.constant 5 : i32
      %add3A_306 = arith.addi %mul3A_304, %add3A_305 : i32
      %dma_start3A_307 = arith.constant 0 : i32
      %dma_start3A_308 = arith.constant 0 : i32
      %dma_start3A_309 = tpu.memref_slice %arg10[%add3A_306, %dma_start3A_307, %dma_start3A_308] : memref<256x1x64xf32, #tpu.memory_space<vmem>> -> memref<1x1x64xf32, #tpu.memory_space<vmem>>
      %dma_start3A_310 = tpu.memref_squeeze %dma_start3A_309 : memref<1x1x64xf32, #tpu.memory_space<vmem>> -> memref<1x64xf32, #tpu.memory_space<vmem>>
      %dma_start3A_311 = arith.constant 0 : i32
      %dma_start3A_312 = tpu.memref_slice %arg5[%shift_right_arithmetic3A_300, %and3A_302, %dma_start3A_311] : memref<125000x8x64xf32, #tpu.memory_space<hbm>> -> memref<1x1x64xf32, #tpu.memory_space<hbm>>
      %dma_start3A_313 = tpu.memref_squeeze %dma_start3A_312 : memref<1x1x64xf32, #tpu.memory_space<hbm>> -> memref<1x64xf32, #tpu.memory_space<hbm>>
      %dma_start3A_314 = arith.constant 0 : i32
      %dma_start3A_315 = arith.constant 0 : i32
      %dma_start3A_316 = tpu.memref_slice %arg10[%add3A_306, %dma_start3A_314, %dma_start3A_315] : memref<256x1x64xf32, #tpu.memory_space<vmem>> -> memref<1x1x64xf32, #tpu.memory_space<vmem>>
      %dma_start3A_317 = tpu.memref_squeeze %dma_start3A_316 : memref<1x1x64xf32, #tpu.memory_space<vmem>> -> memref<1x64xf32, #tpu.memory_space<vmem>>
      %dma_start3A_318 = arith.constant 0 : i32
      %dma_start3A_319 = tpu.memref_slice %arg5[%shift_right_arithmetic3A_300, %and3A_302, %dma_start3A_318] : memref<125000x8x64xf32, #tpu.memory_space<hbm>> -> memref<1x1x64xf32, #tpu.memory_space<hbm>>
      %dma_start3A_320 = tpu.memref_squeeze %dma_start3A_319 : memref<1x1x64xf32, #tpu.memory_space<hbm>> -> memref<1x64xf32, #tpu.memory_space<hbm>>
      tpu.enqueue_dma source(%dma_start3A_320 : memref<1x64xf32, #tpu.memory_space<hbm>>) target(%dma_start3A_317 : memref<1x64xf32, #tpu.memory_space<vmem>>) target_semaphore(%arg12 : memref<!tpu.dma_semaphore, #tpu.memory_space<semaphore_mem>>)
      %slice3A_321 = vector.extract_strided_slice %get3A_31 {offsets = [6], sizes = [1], strides = [1]} : vector<16xi32> to vector<1xi32>
      %squeeze3A_322 = vector.extract %slice3A_321[0] : i32 from vector<1xi32>
      %slice3A_323 = vector.extract_strided_slice %get3A_37 {offsets = [6], sizes = [1], strides = [1]} : vector<16xi32> to vector<1xi32>
      %squeeze3A_324 = vector.extract %slice3A_323[0] : i32 from vector<1xi32>
      %shift_right_arithmetic3A_325 = arith.constant 3 : i32
      %shift_right_arithmetic3A_326 = arith.shrsi %squeeze3A_322, %shift_right_arithmetic3A_325 : i32
      %and3A_327 = arith.constant 7 : i32
      %and3A_328 = arith.andi %squeeze3A_322, %and3A_327 : i32
      %mul3A_329 = arith.constant 16 : i32
      %mul3A_330 = arith.muli %scan3A_26, %mul3A_329 : i32
      %add3A_331 = arith.constant 6 : i32
      %add3A_332 = arith.addi %mul3A_330, %add3A_331 : i32
      %dma_start3A_333 = arith.constant 0 : i32
      %dma_start3A_334 = arith.constant 0 : i32
      %dma_start3A_335 = tpu.memref_slice %arg9[%add3A_332, %dma_start3A_333, %dma_start3A_334] : memref<256x1x64xf32, #tpu.memory_space<vmem>> -> memref<1x1x64xf32, #tpu.memory_space<vmem>>
      %dma_start3A_336 = tpu.memref_squeeze %dma_start3A_335 : memref<1x1x64xf32, #tpu.memory_space<vmem>> -> memref<1x64xf32, #tpu.memory_space<vmem>>
      %dma_start3A_337 = arith.constant 0 : i32
      %dma_start3A_338 = tpu.memref_slice %arg4[%shift_right_arithmetic3A_326, %and3A_328, %dma_start3A_337] : memref<125000x8x64xf32, #tpu.memory_space<hbm>> -> memref<1x1x64xf32, #tpu.memory_space<hbm>>
      %dma_start3A_339 = tpu.memref_squeeze %dma_start3A_338 : memref<1x1x64xf32, #tpu.memory_space<hbm>> -> memref<1x64xf32, #tpu.memory_space<hbm>>
      %dma_start3A_340 = arith.constant 0 : i32
      %dma_start3A_341 = arith.constant 0 : i32
      %dma_start3A_342 = tpu.memref_slice %arg9[%add3A_332, %dma_start3A_340, %dma_start3A_341] : memref<256x1x64xf32, #tpu.memory_space<vmem>> -> memref<1x1x64xf32, #tpu.memory_space<vmem>>
      %dma_start3A_343 = tpu.memref_squeeze %dma_start3A_342 : memref<1x1x64xf32, #tpu.memory_space<vmem>> -> memref<1x64xf32, #tpu.memory_space<vmem>>
      %dma_start3A_344 = arith.constant 0 : i32
      %dma_start3A_345 = tpu.memref_slice %arg4[%shift_right_arithmetic3A_326, %and3A_328, %dma_start3A_344] : memref<125000x8x64xf32, #tpu.memory_space<hbm>> -> memref<1x1x64xf32, #tpu.memory_space<hbm>>
      %dma_start3A_346 = tpu.memref_squeeze %dma_start3A_345 : memref<1x1x64xf32, #tpu.memory_space<hbm>> -> memref<1x64xf32, #tpu.memory_space<hbm>>
      tpu.enqueue_dma source(%dma_start3A_346 : memref<1x64xf32, #tpu.memory_space<hbm>>) target(%dma_start3A_343 : memref<1x64xf32, #tpu.memory_space<vmem>>) target_semaphore(%arg12 : memref<!tpu.dma_semaphore, #tpu.memory_space<semaphore_mem>>)
      %shift_right_arithmetic3A_347 = arith.constant 3 : i32
      %shift_right_arithmetic3A_348 = arith.shrsi %squeeze3A_324, %shift_right_arithmetic3A_347 : i32
      %and3A_349 = arith.constant 7 : i32
      %and3A_350 = arith.andi %squeeze3A_324, %and3A_349 : i32
      %mul3A_351 = arith.constant 16 : i32
      %mul3A_352 = arith.muli %scan3A_26, %mul3A_351 : i32
      %add3A_353 = arith.constant 6 : i32
      %add3A_354 = arith.addi %mul3A_352, %add3A_353 : i32
      %dma_start3A_355 = arith.constant 0 : i32
      %dma_start3A_356 = arith.constant 0 : i32
      %dma_start3A_357 = tpu.memref_slice %arg10[%add3A_354, %dma_start3A_355, %dma_start3A_356] : memref<256x1x64xf32, #tpu.memory_space<vmem>> -> memref<1x1x64xf32, #tpu.memory_space<vmem>>
      %dma_start3A_358 = tpu.memref_squeeze %dma_start3A_357 : memref<1x1x64xf32, #tpu.memory_space<vmem>> -> memref<1x64xf32, #tpu.memory_space<vmem>>
      %dma_start3A_359 = arith.constant 0 : i32
      %dma_start3A_360 = tpu.memref_slice %arg5[%shift_right_arithmetic3A_348, %and3A_350, %dma_start3A_359] : memref<125000x8x64xf32, #tpu.memory_space<hbm>> -> memref<1x1x64xf32, #tpu.memory_space<hbm>>
      %dma_start3A_361 = tpu.memref_squeeze %dma_start3A_360 : memref<1x1x64xf32, #tpu.memory_space<hbm>> -> memref<1x64xf32, #tpu.memory_space<hbm>>
      %dma_start3A_362 = arith.constant 0 : i32
      %dma_start3A_363 = arith.constant 0 : i32
      %dma_start3A_364 = tpu.memref_slice %arg10[%add3A_354, %dma_start3A_362, %dma_start3A_363] : memref<256x1x64xf32, #tpu.memory_space<vmem>> -> memref<1x1x64xf32, #tpu.memory_space<vmem>>
      %dma_start3A_365 = tpu.memref_squeeze %dma_start3A_364 : memref<1x1x64xf32, #tpu.memory_space<vmem>> -> memref<1x64xf32, #tpu.memory_space<vmem>>
      %dma_start3A_366 = arith.constant 0 : i32
      %dma_start3A_367 = tpu.memref_slice %arg5[%shift_right_arithmetic3A_348, %and3A_350, %dma_start3A_366] : memref<125000x8x64xf32, #tpu.memory_space<hbm>> -> memref<1x1x64xf32, #tpu.memory_space<hbm>>
      %dma_start3A_368 = tpu.memref_squeeze %dma_start3A_367 : memref<1x1x64xf32, #tpu.memory_space<hbm>> -> memref<1x64xf32, #tpu.memory_space<hbm>>
      tpu.enqueue_dma source(%dma_start3A_368 : memref<1x64xf32, #tpu.memory_space<hbm>>) target(%dma_start3A_365 : memref<1x64xf32, #tpu.memory_space<vmem>>) target_semaphore(%arg12 : memref<!tpu.dma_semaphore, #tpu.memory_space<semaphore_mem>>)
      %slice3A_369 = vector.extract_strided_slice %get3A_31 {offsets = [7], sizes = [1], strides = [1]} : vector<16xi32> to vector<1xi32>
      %squeeze3A_370 = vector.extract %slice3A_369[0] : i32 from vector<1xi32>
      %slice3A_371 = vector.extract_strided_slice %get3A_37 {offsets = [7], sizes = [1], strides = [1]} : vector<16xi32> to vector<1xi32>
      %squeeze3A_372 = vector.extract %slice3A_371[0] : i32 from vector<1xi32>
      %shift_right_arithmetic3A_373 = arith.constant 3 : i32
      %shift_right_arithmetic3A_374 = arith.shrsi %squeeze3A_370, %shift_right_arithmetic3A_373 : i32
      %and3A_375 = arith.constant 7 : i32
      %and3A_376 = arith.andi %squeeze3A_370, %and3A_375 : i32
      %mul3A_377 = arith.constant 16 : i32
      %mul3A_378 = arith.muli %scan3A_26, %mul3A_377 : i32
      %add3A_379 = arith.constant 7 : i32
      %add3A_380 = arith.addi %mul3A_378, %add3A_379 : i32
      %dma_start3A_381 = arith.constant 0 : i32
      %dma_start3A_382 = arith.constant 0 : i32
      %dma_start3A_383 = tpu.memref_slice %arg9[%add3A_380, %dma_start3A_381, %dma_start3A_382] : memref<256x1x64xf32, #tpu.memory_space<vmem>> -> memref<1x1x64xf32, #tpu.memory_space<vmem>>
      %dma_start3A_384 = tpu.memref_squeeze %dma_start3A_383 : memref<1x1x64xf32, #tpu.memory_space<vmem>> -> memref<1x64xf32, #tpu.memory_space<vmem>>
      %dma_start3A_385 = arith.constant 0 : i32
      %dma_start3A_386 = tpu.memref_slice %arg4[%shift_right_arithmetic3A_374, %and3A_376, %dma_start3A_385] : memref<125000x8x64xf32, #tpu.memory_space<hbm>> -> memref<1x1x64xf32, #tpu.memory_space<hbm>>
      %dma_start3A_387 = tpu.memref_squeeze %dma_start3A_386 : memref<1x1x64xf32, #tpu.memory_space<hbm>> -> memref<1x64xf32, #tpu.memory_space<hbm>>
      %dma_start3A_388 = arith.constant 0 : i32
      %dma_start3A_389 = arith.constant 0 : i32
      %dma_start3A_390 = tpu.memref_slice %arg9[%add3A_380, %dma_start3A_388, %dma_start3A_389] : memref<256x1x64xf32, #tpu.memory_space<vmem>> -> memref<1x1x64xf32, #tpu.memory_space<vmem>>
      %dma_start3A_391 = tpu.memref_squeeze %dma_start3A_390 : memref<1x1x64xf32, #tpu.memory_space<vmem>> -> memref<1x64xf32, #tpu.memory_space<vmem>>
      %dma_start3A_392 = arith.constant 0 : i32
      %dma_start3A_393 = tpu.memref_slice %arg4[%shift_right_arithmetic3A_374, %and3A_376, %dma_start3A_392] : memref<125000x8x64xf32, #tpu.memory_space<hbm>> -> memref<1x1x64xf32, #tpu.memory_space<hbm>>
      %dma_start3A_394 = tpu.memref_squeeze %dma_start3A_393 : memref<1x1x64xf32, #tpu.memory_space<hbm>> -> memref<1x64xf32, #tpu.memory_space<hbm>>
      tpu.enqueue_dma source(%dma_start3A_394 : memref<1x64xf32, #tpu.memory_space<hbm>>) target(%dma_start3A_391 : memref<1x64xf32, #tpu.memory_space<vmem>>) target_semaphore(%arg12 : memref<!tpu.dma_semaphore, #tpu.memory_space<semaphore_mem>>)
      %shift_right_arithmetic3A_395 = arith.constant 3 : i32
      %shift_right_arithmetic3A_396 = arith.shrsi %squeeze3A_372, %shift_right_arithmetic3A_395 : i32
      %and3A_397 = arith.constant 7 : i32
      %and3A_398 = arith.andi %squeeze3A_372, %and3A_397 : i32
      %mul3A_399 = arith.constant 16 : i32
      %mul3A_400 = arith.muli %scan3A_26, %mul3A_399 : i32
      %add3A_401 = arith.constant 7 : i32
      %add3A_402 = arith.addi %mul3A_400, %add3A_401 : i32
      %dma_start3A_403 = arith.constant 0 : i32
      %dma_start3A_404 = arith.constant 0 : i32
      %dma_start3A_405 = tpu.memref_slice %arg10[%add3A_402, %dma_start3A_403, %dma_start3A_404] : memref<256x1x64xf32, #tpu.memory_space<vmem>> -> memref<1x1x64xf32, #tpu.memory_space<vmem>>
      %dma_start3A_406 = tpu.memref_squeeze %dma_start3A_405 : memref<1x1x64xf32, #tpu.memory_space<vmem>> -> memref<1x64xf32, #tpu.memory_space<vmem>>
      %dma_start3A_407 = arith.constant 0 : i32
      %dma_start3A_408 = tpu.memref_slice %arg5[%shift_right_arithmetic3A_396, %and3A_398, %dma_start3A_407] : memref<125000x8x64xf32, #tpu.memory_space<hbm>> -> memref<1x1x64xf32, #tpu.memory_space<hbm>>
      %dma_start3A_409 = tpu.memref_squeeze %dma_start3A_408 : memref<1x1x64xf32, #tpu.memory_space<hbm>> -> memref<1x64xf32, #tpu.memory_space<hbm>>
      %dma_start3A_410 = arith.constant 0 : i32
      %dma_start3A_411 = arith.constant 0 : i32
      %dma_start3A_412 = tpu.memref_slice %arg10[%add3A_402, %dma_start3A_410, %dma_start3A_411] : memref<256x1x64xf32, #tpu.memory_space<vmem>> -> memref<1x1x64xf32, #tpu.memory_space<vmem>>
      %dma_start3A_413 = tpu.memref_squeeze %dma_start3A_412 : memref<1x1x64xf32, #tpu.memory_space<vmem>> -> memref<1x64xf32, #tpu.memory_space<vmem>>
      %dma_start3A_414 = arith.constant 0 : i32
      %dma_start3A_415 = tpu.memref_slice %arg5[%shift_right_arithmetic3A_396, %and3A_398, %dma_start3A_414] : memref<125000x8x64xf32, #tpu.memory_space<hbm>> -> memref<1x1x64xf32, #tpu.memory_space<hbm>>
      %dma_start3A_416 = tpu.memref_squeeze %dma_start3A_415 : memref<1x1x64xf32, #tpu.memory_space<hbm>> -> memref<1x64xf32, #tpu.memory_space<hbm>>
      tpu.enqueue_dma source(%dma_start3A_416 : memref<1x64xf32, #tpu.memory_space<hbm>>) target(%dma_start3A_413 : memref<1x64xf32, #tpu.memory_space<vmem>>) target_semaphore(%arg12 : memref<!tpu.dma_semaphore, #tpu.memory_space<semaphore_mem>>)
      %slice3A_417 = vector.extract_strided_slice %get3A_31 {offsets = [8], sizes = [1], strides = [1]} : vector<16xi32> to vector<1xi32>
      %squeeze3A_418 = vector.extract %slice3A_417[0] : i32 from vector<1xi32>
      %slice3A_419 = vector.extract_strided_slice %get3A_37 {offsets = [8], sizes = [1], strides = [1]} : vector<16xi32> to vector<1xi32>
      %squeeze3A_420 = vector.extract %slice3A_419[0] : i32 from vector<1xi32>
      %shift_right_arithmetic3A_421 = arith.constant 3 : i32
      %shift_right_arithmetic3A_422 = arith.shrsi %squeeze3A_418, %shift_right_arithmetic3A_421 : i32
      %and3A_423 = arith.constant 7 : i32
      %and3A_424 = arith.andi %squeeze3A_418, %and3A_423 : i32
      %mul3A_425 = arith.constant 16 : i32
      %mul3A_426 = arith.muli %scan3A_26, %mul3A_425 : i32
      %add3A_427 = arith.constant 8 : i32
      %add3A_428 = arith.addi %mul3A_426, %add3A_427 : i32
      %dma_start3A_429 = arith.constant 0 : i32
      %dma_start3A_430 = arith.constant 0 : i32
      %dma_start3A_431 = tpu.memref_slice %arg9[%add3A_428, %dma_start3A_429, %dma_start3A_430] : memref<256x1x64xf32, #tpu.memory_space<vmem>> -> memref<1x1x64xf32, #tpu.memory_space<vmem>>
      %dma_start3A_432 = tpu.memref_squeeze %dma_start3A_431 : memref<1x1x64xf32, #tpu.memory_space<vmem>> -> memref<1x64xf32, #tpu.memory_space<vmem>>
      %dma_start3A_433 = arith.constant 0 : i32
      %dma_start3A_434 = tpu.memref_slice %arg4[%shift_right_arithmetic3A_422, %and3A_424, %dma_start3A_433] : memref<125000x8x64xf32, #tpu.memory_space<hbm>> -> memref<1x1x64xf32, #tpu.memory_space<hbm>>
      %dma_start3A_435 = tpu.memref_squeeze %dma_start3A_434 : memref<1x1x64xf32, #tpu.memory_space<hbm>> -> memref<1x64xf32, #tpu.memory_space<hbm>>
      %dma_start3A_436 = arith.constant 0 : i32
      %dma_start3A_437 = arith.constant 0 : i32
      %dma_start3A_438 = tpu.memref_slice %arg9[%add3A_428, %dma_start3A_436, %dma_start3A_437] : memref<256x1x64xf32, #tpu.memory_space<vmem>> -> memref<1x1x64xf32, #tpu.memory_space<vmem>>
      %dma_start3A_439 = tpu.memref_squeeze %dma_start3A_438 : memref<1x1x64xf32, #tpu.memory_space<vmem>> -> memref<1x64xf32, #tpu.memory_space<vmem>>
      %dma_start3A_440 = arith.constant 0 : i32
      %dma_start3A_441 = tpu.memref_slice %arg4[%shift_right_arithmetic3A_422, %and3A_424, %dma_start3A_440] : memref<125000x8x64xf32, #tpu.memory_space<hbm>> -> memref<1x1x64xf32, #tpu.memory_space<hbm>>
      %dma_start3A_442 = tpu.memref_squeeze %dma_start3A_441 : memref<1x1x64xf32, #tpu.memory_space<hbm>> -> memref<1x64xf32, #tpu.memory_space<hbm>>
      tpu.enqueue_dma source(%dma_start3A_442 : memref<1x64xf32, #tpu.memory_space<hbm>>) target(%dma_start3A_439 : memref<1x64xf32, #tpu.memory_space<vmem>>) target_semaphore(%arg12 : memref<!tpu.dma_semaphore, #tpu.memory_space<semaphore_mem>>)
      %shift_right_arithmetic3A_443 = arith.constant 3 : i32
      %shift_right_arithmetic3A_444 = arith.shrsi %squeeze3A_420, %shift_right_arithmetic3A_443 : i32
      %and3A_445 = arith.constant 7 : i32
      %and3A_446 = arith.andi %squeeze3A_420, %and3A_445 : i32
      %mul3A_447 = arith.constant 16 : i32
      %mul3A_448 = arith.muli %scan3A_26, %mul3A_447 : i32
      %add3A_449 = arith.constant 8 : i32
      %add3A_450 = arith.addi %mul3A_448, %add3A_449 : i32
      %dma_start3A_451 = arith.constant 0 : i32
      %dma_start3A_452 = arith.constant 0 : i32
      %dma_start3A_453 = tpu.memref_slice %arg10[%add3A_450, %dma_start3A_451, %dma_start3A_452] : memref<256x1x64xf32, #tpu.memory_space<vmem>> -> memref<1x1x64xf32, #tpu.memory_space<vmem>>
      %dma_start3A_454 = tpu.memref_squeeze %dma_start3A_453 : memref<1x1x64xf32, #tpu.memory_space<vmem>> -> memref<1x64xf32, #tpu.memory_space<vmem>>
      %dma_start3A_455 = arith.constant 0 : i32
      %dma_start3A_456 = tpu.memref_slice %arg5[%shift_right_arithmetic3A_444, %and3A_446, %dma_start3A_455] : memref<125000x8x64xf32, #tpu.memory_space<hbm>> -> memref<1x1x64xf32, #tpu.memory_space<hbm>>
      %dma_start3A_457 = tpu.memref_squeeze %dma_start3A_456 : memref<1x1x64xf32, #tpu.memory_space<hbm>> -> memref<1x64xf32, #tpu.memory_space<hbm>>
      %dma_start3A_458 = arith.constant 0 : i32
      %dma_start3A_459 = arith.constant 0 : i32
      %dma_start3A_460 = tpu.memref_slice %arg10[%add3A_450, %dma_start3A_458, %dma_start3A_459] : memref<256x1x64xf32, #tpu.memory_space<vmem>> -> memref<1x1x64xf32, #tpu.memory_space<vmem>>
      %dma_start3A_461 = tpu.memref_squeeze %dma_start3A_460 : memref<1x1x64xf32, #tpu.memory_space<vmem>> -> memref<1x64xf32, #tpu.memory_space<vmem>>
      %dma_start3A_462 = arith.constant 0 : i32
      %dma_start3A_463 = tpu.memref_slice %arg5[%shift_right_arithmetic3A_444, %and3A_446, %dma_start3A_462] : memref<125000x8x64xf32, #tpu.memory_space<hbm>> -> memref<1x1x64xf32, #tpu.memory_space<hbm>>
      %dma_start3A_464 = tpu.memref_squeeze %dma_start3A_463 : memref<1x1x64xf32, #tpu.memory_space<hbm>> -> memref<1x64xf32, #tpu.memory_space<hbm>>
      tpu.enqueue_dma source(%dma_start3A_464 : memref<1x64xf32, #tpu.memory_space<hbm>>) target(%dma_start3A_461 : memref<1x64xf32, #tpu.memory_space<vmem>>) target_semaphore(%arg12 : memref<!tpu.dma_semaphore, #tpu.memory_space<semaphore_mem>>)
      %slice3A_465 = vector.extract_strided_slice %get3A_31 {offsets = [9], sizes = [1], strides = [1]} : vector<16xi32> to vector<1xi32>
      %squeeze3A_466 = vector.extract %slice3A_465[0] : i32 from vector<1xi32>
      %slice3A_467 = vector.extract_strided_slice %get3A_37 {offsets = [9], sizes = [1], strides = [1]} : vector<16xi32> to vector<1xi32>
      %squeeze3A_468 = vector.extract %slice3A_467[0] : i32 from vector<1xi32>
      %shift_right_arithmetic3A_469 = arith.constant 3 : i32
      %shift_right_arithmetic3A_470 = arith.shrsi %squeeze3A_466, %shift_right_arithmetic3A_469 : i32
      %and3A_471 = arith.constant 7 : i32
      %and3A_472 = arith.andi %squeeze3A_466, %and3A_471 : i32
      %mul3A_473 = arith.constant 16 : i32
      %mul3A_474 = arith.muli %scan3A_26, %mul3A_473 : i32
      %add3A_475 = arith.constant 9 : i32
      %add3A_476 = arith.addi %mul3A_474, %add3A_475 : i32
      %dma_start3A_477 = arith.constant 0 : i32
      %dma_start3A_478 = arith.constant 0 : i32
      %dma_start3A_479 = tpu.memref_slice %arg9[%add3A_476, %dma_start3A_477, %dma_start3A_478] : memref<256x1x64xf32, #tpu.memory_space<vmem>> -> memref<1x1x64xf32, #tpu.memory_space<vmem>>
      %dma_start3A_480 = tpu.memref_squeeze %dma_start3A_479 : memref<1x1x64xf32, #tpu.memory_space<vmem>> -> memref<1x64xf32, #tpu.memory_space<vmem>>
      %dma_start3A_481 = arith.constant 0 : i32
      %dma_start3A_482 = tpu.memref_slice %arg4[%shift_right_arithmetic3A_470, %and3A_472, %dma_start3A_481] : memref<125000x8x64xf32, #tpu.memory_space<hbm>> -> memref<1x1x64xf32, #tpu.memory_space<hbm>>
      %dma_start3A_483 = tpu.memref_squeeze %dma_start3A_482 : memref<1x1x64xf32, #tpu.memory_space<hbm>> -> memref<1x64xf32, #tpu.memory_space<hbm>>
      %dma_start3A_484 = arith.constant 0 : i32
      %dma_start3A_485 = arith.constant 0 : i32
      %dma_start3A_486 = tpu.memref_slice %arg9[%add3A_476, %dma_start3A_484, %dma_start3A_485] : memref<256x1x64xf32, #tpu.memory_space<vmem>> -> memref<1x1x64xf32, #tpu.memory_space<vmem>>
      %dma_start3A_487 = tpu.memref_squeeze %dma_start3A_486 : memref<1x1x64xf32, #tpu.memory_space<vmem>> -> memref<1x64xf32, #tpu.memory_space<vmem>>
      %dma_start3A_488 = arith.constant 0 : i32
      %dma_start3A_489 = tpu.memref_slice %arg4[%shift_right_arithmetic3A_470, %and3A_472, %dma_start3A_488] : memref<125000x8x64xf32, #tpu.memory_space<hbm>> -> memref<1x1x64xf32, #tpu.memory_space<hbm>>
      %dma_start3A_490 = tpu.memref_squeeze %dma_start3A_489 : memref<1x1x64xf32, #tpu.memory_space<hbm>> -> memref<1x64xf32, #tpu.memory_space<hbm>>
      tpu.enqueue_dma source(%dma_start3A_490 : memref<1x64xf32, #tpu.memory_space<hbm>>) target(%dma_start3A_487 : memref<1x64xf32, #tpu.memory_space<vmem>>) target_semaphore(%arg12 : memref<!tpu.dma_semaphore, #tpu.memory_space<semaphore_mem>>)
      %shift_right_arithmetic3A_491 = arith.constant 3 : i32
      %shift_right_arithmetic3A_492 = arith.shrsi %squeeze3A_468, %shift_right_arithmetic3A_491 : i32
      %and3A_493 = arith.constant 7 : i32
      %and3A_494 = arith.andi %squeeze3A_468, %and3A_493 : i32
      %mul3A_495 = arith.constant 16 : i32
      %mul3A_496 = arith.muli %scan3A_26, %mul3A_495 : i32
      %add3A_497 = arith.constant 9 : i32
      %add3A_498 = arith.addi %mul3A_496, %add3A_497 : i32
      %dma_start3A_499 = arith.constant 0 : i32
      %dma_start3A_500 = arith.constant 0 : i32
      %dma_start3A_501 = tpu.memref_slice %arg10[%add3A_498, %dma_start3A_499, %dma_start3A_500] : memref<256x1x64xf32, #tpu.memory_space<vmem>> -> memref<1x1x64xf32, #tpu.memory_space<vmem>>
      %dma_start3A_502 = tpu.memref_squeeze %dma_start3A_501 : memref<1x1x64xf32, #tpu.memory_space<vmem>> -> memref<1x64xf32, #tpu.memory_space<vmem>>
      %dma_start3A_503 = arith.constant 0 : i32
      %dma_start3A_504 = tpu.memref_slice %arg5[%shift_right_arithmetic3A_492, %and3A_494, %dma_start3A_503] : memref<125000x8x64xf32, #tpu.memory_space<hbm>> -> memref<1x1x64xf32, #tpu.memory_space<hbm>>
      %dma_start3A_505 = tpu.memref_squeeze %dma_start3A_504 : memref<1x1x64xf32, #tpu.memory_space<hbm>> -> memref<1x64xf32, #tpu.memory_space<hbm>>
      %dma_start3A_506 = arith.constant 0 : i32
      %dma_start3A_507 = arith.constant 0 : i32
      %dma_start3A_508 = tpu.memref_slice %arg10[%add3A_498, %dma_start3A_506, %dma_start3A_507] : memref<256x1x64xf32, #tpu.memory_space<vmem>> -> memref<1x1x64xf32, #tpu.memory_space<vmem>>
      %dma_start3A_509 = tpu.memref_squeeze %dma_start3A_508 : memref<1x1x64xf32, #tpu.memory_space<vmem>> -> memref<1x64xf32, #tpu.memory_space<vmem>>
      %dma_start3A_510 = arith.constant 0 : i32
      %dma_start3A_511 = tpu.memref_slice %arg5[%shift_right_arithmetic3A_492, %and3A_494, %dma_start3A_510] : memref<125000x8x64xf32, #tpu.memory_space<hbm>> -> memref<1x1x64xf32, #tpu.memory_space<hbm>>
      %dma_start3A_512 = tpu.memref_squeeze %dma_start3A_511 : memref<1x1x64xf32, #tpu.memory_space<hbm>> -> memref<1x64xf32, #tpu.memory_space<hbm>>
      tpu.enqueue_dma source(%dma_start3A_512 : memref<1x64xf32, #tpu.memory_space<hbm>>) target(%dma_start3A_509 : memref<1x64xf32, #tpu.memory_space<vmem>>) target_semaphore(%arg12 : memref<!tpu.dma_semaphore, #tpu.memory_space<semaphore_mem>>)
      %slice3A_513 = vector.extract_strided_slice %get3A_31 {offsets = [10], sizes = [1], strides = [1]} : vector<16xi32> to vector<1xi32>
      %squeeze3A_514 = vector.extract %slice3A_513[0] : i32 from vector<1xi32>
      %slice3A_515 = vector.extract_strided_slice %get3A_37 {offsets = [10], sizes = [1], strides = [1]} : vector<16xi32> to vector<1xi32>
      %squeeze3A_516 = vector.extract %slice3A_515[0] : i32 from vector<1xi32>
      %shift_right_arithmetic3A_517 = arith.constant 3 : i32
      %shift_right_arithmetic3A_518 = arith.shrsi %squeeze3A_514, %shift_right_arithmetic3A_517 : i32
      %and3A_519 = arith.constant 7 : i32
      %and3A_520 = arith.andi %squeeze3A_514, %and3A_519 : i32
      %mul3A_521 = arith.constant 16 : i32
      %mul3A_522 = arith.muli %scan3A_26, %mul3A_521 : i32
      %add3A_523 = arith.constant 10 : i32
      %add3A_524 = arith.addi %mul3A_522, %add3A_523 : i32
      %dma_start3A_525 = arith.constant 0 : i32
      %dma_start3A_526 = arith.constant 0 : i32
      %dma_start3A_527 = tpu.memref_slice %arg9[%add3A_524, %dma_start3A_525, %dma_start3A_526] : memref<256x1x64xf32, #tpu.memory_space<vmem>> -> memref<1x1x64xf32, #tpu.memory_space<vmem>>
      %dma_start3A_528 = tpu.memref_squeeze %dma_start3A_527 : memref<1x1x64xf32, #tpu.memory_space<vmem>> -> memref<1x64xf32, #tpu.memory_space<vmem>>
      %dma_start3A_529 = arith.constant 0 : i32
      %dma_start3A_530 = tpu.memref_slice %arg4[%shift_right_arithmetic3A_518, %and3A_520, %dma_start3A_529] : memref<125000x8x64xf32, #tpu.memory_space<hbm>> -> memref<1x1x64xf32, #tpu.memory_space<hbm>>
      %dma_start3A_531 = tpu.memref_squeeze %dma_start3A_530 : memref<1x1x64xf32, #tpu.memory_space<hbm>> -> memref<1x64xf32, #tpu.memory_space<hbm>>
      %dma_start3A_532 = arith.constant 0 : i32
      %dma_start3A_533 = arith.constant 0 : i32
      %dma_start3A_534 = tpu.memref_slice %arg9[%add3A_524, %dma_start3A_532, %dma_start3A_533] : memref<256x1x64xf32, #tpu.memory_space<vmem>> -> memref<1x1x64xf32, #tpu.memory_space<vmem>>
      %dma_start3A_535 = tpu.memref_squeeze %dma_start3A_534 : memref<1x1x64xf32, #tpu.memory_space<vmem>> -> memref<1x64xf32, #tpu.memory_space<vmem>>
      %dma_start3A_536 = arith.constant 0 : i32
      %dma_start3A_537 = tpu.memref_slice %arg4[%shift_right_arithmetic3A_518, %and3A_520, %dma_start3A_536] : memref<125000x8x64xf32, #tpu.memory_space<hbm>> -> memref<1x1x64xf32, #tpu.memory_space<hbm>>
      %dma_start3A_538 = tpu.memref_squeeze %dma_start3A_537 : memref<1x1x64xf32, #tpu.memory_space<hbm>> -> memref<1x64xf32, #tpu.memory_space<hbm>>
      tpu.enqueue_dma source(%dma_start3A_538 : memref<1x64xf32, #tpu.memory_space<hbm>>) target(%dma_start3A_535 : memref<1x64xf32, #tpu.memory_space<vmem>>) target_semaphore(%arg12 : memref<!tpu.dma_semaphore, #tpu.memory_space<semaphore_mem>>)
      %shift_right_arithmetic3A_539 = arith.constant 3 : i32
      %shift_right_arithmetic3A_540 = arith.shrsi %squeeze3A_516, %shift_right_arithmetic3A_539 : i32
      %and3A_541 = arith.constant 7 : i32
      %and3A_542 = arith.andi %squeeze3A_516, %and3A_541 : i32
      %mul3A_543 = arith.constant 16 : i32
      %mul3A_544 = arith.muli %scan3A_26, %mul3A_543 : i32
      %add3A_545 = arith.constant 10 : i32
      %add3A_546 = arith.addi %mul3A_544, %add3A_545 : i32
      %dma_start3A_547 = arith.constant 0 : i32
      %dma_start3A_548 = arith.constant 0 : i32
      %dma_start3A_549 = tpu.memref_slice %arg10[%add3A_546, %dma_start3A_547, %dma_start3A_548] : memref<256x1x64xf32, #tpu.memory_space<vmem>> -> memref<1x1x64xf32, #tpu.memory_space<vmem>>
      %dma_start3A_550 = tpu.memref_squeeze %dma_start3A_549 : memref<1x1x64xf32, #tpu.memory_space<vmem>> -> memref<1x64xf32, #tpu.memory_space<vmem>>
      %dma_start3A_551 = arith.constant 0 : i32
      %dma_start3A_552 = tpu.memref_slice %arg5[%shift_right_arithmetic3A_540, %and3A_542, %dma_start3A_551] : memref<125000x8x64xf32, #tpu.memory_space<hbm>> -> memref<1x1x64xf32, #tpu.memory_space<hbm>>
      %dma_start3A_553 = tpu.memref_squeeze %dma_start3A_552 : memref<1x1x64xf32, #tpu.memory_space<hbm>> -> memref<1x64xf32, #tpu.memory_space<hbm>>
      %dma_start3A_554 = arith.constant 0 : i32
      %dma_start3A_555 = arith.constant 0 : i32
      %dma_start3A_556 = tpu.memref_slice %arg10[%add3A_546, %dma_start3A_554, %dma_start3A_555] : memref<256x1x64xf32, #tpu.memory_space<vmem>> -> memref<1x1x64xf32, #tpu.memory_space<vmem>>
      %dma_start3A_557 = tpu.memref_squeeze %dma_start3A_556 : memref<1x1x64xf32, #tpu.memory_space<vmem>> -> memref<1x64xf32, #tpu.memory_space<vmem>>
      %dma_start3A_558 = arith.constant 0 : i32
      %dma_start3A_559 = tpu.memref_slice %arg5[%shift_right_arithmetic3A_540, %and3A_542, %dma_start3A_558] : memref<125000x8x64xf32, #tpu.memory_space<hbm>> -> memref<1x1x64xf32, #tpu.memory_space<hbm>>
      %dma_start3A_560 = tpu.memref_squeeze %dma_start3A_559 : memref<1x1x64xf32, #tpu.memory_space<hbm>> -> memref<1x64xf32, #tpu.memory_space<hbm>>
      tpu.enqueue_dma source(%dma_start3A_560 : memref<1x64xf32, #tpu.memory_space<hbm>>) target(%dma_start3A_557 : memref<1x64xf32, #tpu.memory_space<vmem>>) target_semaphore(%arg12 : memref<!tpu.dma_semaphore, #tpu.memory_space<semaphore_mem>>)
      %slice3A_561 = vector.extract_strided_slice %get3A_31 {offsets = [11], sizes = [1], strides = [1]} : vector<16xi32> to vector<1xi32>
      %squeeze3A_562 = vector.extract %slice3A_561[0] : i32 from vector<1xi32>
      %slice3A_563 = vector.extract_strided_slice %get3A_37 {offsets = [11], sizes = [1], strides = [1]} : vector<16xi32> to vector<1xi32>
      %squeeze3A_564 = vector.extract %slice3A_563[0] : i32 from vector<1xi32>
      %shift_right_arithmetic3A_565 = arith.constant 3 : i32
      %shift_right_arithmetic3A_566 = arith.shrsi %squeeze3A_562, %shift_right_arithmetic3A_565 : i32
      %and3A_567 = arith.constant 7 : i32
      %and3A_568 = arith.andi %squeeze3A_562, %and3A_567 : i32
      %mul3A_569 = arith.constant 16 : i32
      %mul3A_570 = arith.muli %scan3A_26, %mul3A_569 : i32
      %add3A_571 = arith.constant 11 : i32
      %add3A_572 = arith.addi %mul3A_570, %add3A_571 : i32
      %dma_start3A_573 = arith.constant 0 : i32
      %dma_start3A_574 = arith.constant 0 : i32
      %dma_start3A_575 = tpu.memref_slice %arg9[%add3A_572, %dma_start3A_573, %dma_start3A_574] : memref<256x1x64xf32, #tpu.memory_space<vmem>> -> memref<1x1x64xf32, #tpu.memory_space<vmem>>
      %dma_start3A_576 = tpu.memref_squeeze %dma_start3A_575 : memref<1x1x64xf32, #tpu.memory_space<vmem>> -> memref<1x64xf32, #tpu.memory_space<vmem>>
      %dma_start3A_577 = arith.constant 0 : i32
      %dma_start3A_578 = tpu.memref_slice %arg4[%shift_right_arithmetic3A_566, %and3A_568, %dma_start3A_577] : memref<125000x8x64xf32, #tpu.memory_space<hbm>> -> memref<1x1x64xf32, #tpu.memory_space<hbm>>
      %dma_start3A_579 = tpu.memref_squeeze %dma_start3A_578 : memref<1x1x64xf32, #tpu.memory_space<hbm>> -> memref<1x64xf32, #tpu.memory_space<hbm>>
      %dma_start3A_580 = arith.constant 0 : i32
      %dma_start3A_581 = arith.constant 0 : i32
      %dma_start3A_582 = tpu.memref_slice %arg9[%add3A_572, %dma_start3A_580, %dma_start3A_581] : memref<256x1x64xf32, #tpu.memory_space<vmem>> -> memref<1x1x64xf32, #tpu.memory_space<vmem>>
      %dma_start3A_583 = tpu.memref_squeeze %dma_start3A_582 : memref<1x1x64xf32, #tpu.memory_space<vmem>> -> memref<1x64xf32, #tpu.memory_space<vmem>>
      %dma_start3A_584 = arith.constant 0 : i32
      %dma_start3A_585 = tpu.memref_slice %arg4[%shift_right_arithmetic3A_566, %and3A_568, %dma_start3A_584] : memref<125000x8x64xf32, #tpu.memory_space<hbm>> -> memref<1x1x64xf32, #tpu.memory_space<hbm>>
      %dma_start3A_586 = tpu.memref_squeeze %dma_start3A_585 : memref<1x1x64xf32, #tpu.memory_space<hbm>> -> memref<1x64xf32, #tpu.memory_space<hbm>>
      tpu.enqueue_dma source(%dma_start3A_586 : memref<1x64xf32, #tpu.memory_space<hbm>>) target(%dma_start3A_583 : memref<1x64xf32, #tpu.memory_space<vmem>>) target_semaphore(%arg12 : memref<!tpu.dma_semaphore, #tpu.memory_space<semaphore_mem>>)
      %shift_right_arithmetic3A_587 = arith.constant 3 : i32
      %shift_right_arithmetic3A_588 = arith.shrsi %squeeze3A_564, %shift_right_arithmetic3A_587 : i32
      %and3A_589 = arith.constant 7 : i32
      %and3A_590 = arith.andi %squeeze3A_564, %and3A_589 : i32
      %mul3A_591 = arith.constant 16 : i32
      %mul3A_592 = arith.muli %scan3A_26, %mul3A_591 : i32
      %add3A_593 = arith.constant 11 : i32
      %add3A_594 = arith.addi %mul3A_592, %add3A_593 : i32
      %dma_start3A_595 = arith.constant 0 : i32
      %dma_start3A_596 = arith.constant 0 : i32
      %dma_start3A_597 = tpu.memref_slice %arg10[%add3A_594, %dma_start3A_595, %dma_start3A_596] : memref<256x1x64xf32, #tpu.memory_space<vmem>> -> memref<1x1x64xf32, #tpu.memory_space<vmem>>
      %dma_start3A_598 = tpu.memref_squeeze %dma_start3A_597 : memref<1x1x64xf32, #tpu.memory_space<vmem>> -> memref<1x64xf32, #tpu.memory_space<vmem>>
      %dma_start3A_599 = arith.constant 0 : i32
      %dma_start3A_600 = tpu.memref_slice %arg5[%shift_right_arithmetic3A_588, %and3A_590, %dma_start3A_599] : memref<125000x8x64xf32, #tpu.memory_space<hbm>> -> memref<1x1x64xf32, #tpu.memory_space<hbm>>
      %dma_start3A_601 = tpu.memref_squeeze %dma_start3A_600 : memref<1x1x64xf32, #tpu.memory_space<hbm>> -> memref<1x64xf32, #tpu.memory_space<hbm>>
      %dma_start3A_602 = arith.constant 0 : i32
      %dma_start3A_603 = arith.constant 0 : i32
      %dma_start3A_604 = tpu.memref_slice %arg10[%add3A_594, %dma_start3A_602, %dma_start3A_603] : memref<256x1x64xf32, #tpu.memory_space<vmem>> -> memref<1x1x64xf32, #tpu.memory_space<vmem>>
      %dma_start3A_605 = tpu.memref_squeeze %dma_start3A_604 : memref<1x1x64xf32, #tpu.memory_space<vmem>> -> memref<1x64xf32, #tpu.memory_space<vmem>>
      %dma_start3A_606 = arith.constant 0 : i32
      %dma_start3A_607 = tpu.memref_slice %arg5[%shift_right_arithmetic3A_588, %and3A_590, %dma_start3A_606] : memref<125000x8x64xf32, #tpu.memory_space<hbm>> -> memref<1x1x64xf32, #tpu.memory_space<hbm>>
      %dma_start3A_608 = tpu.memref_squeeze %dma_start3A_607 : memref<1x1x64xf32, #tpu.memory_space<hbm>> -> memref<1x64xf32, #tpu.memory_space<hbm>>
      tpu.enqueue_dma source(%dma_start3A_608 : memref<1x64xf32, #tpu.memory_space<hbm>>) target(%dma_start3A_605 : memref<1x64xf32, #tpu.memory_space<vmem>>) target_semaphore(%arg12 : memref<!tpu.dma_semaphore, #tpu.memory_space<semaphore_mem>>)
      %slice3A_609 = vector.extract_strided_slice %get3A_31 {offsets = [12], sizes = [1], strides = [1]} : vector<16xi32> to vector<1xi32>
      %squeeze3A_610 = vector.extract %slice3A_609[0] : i32 from vector<1xi32>
      %slice3A_611 = vector.extract_strided_slice %get3A_37 {offsets = [12], sizes = [1], strides = [1]} : vector<16xi32> to vector<1xi32>
      %squeeze3A_612 = vector.extract %slice3A_611[0] : i32 from vector<1xi32>
      %shift_right_arithmetic3A_613 = arith.constant 3 : i32
      %shift_right_arithmetic3A_614 = arith.shrsi %squeeze3A_610, %shift_right_arithmetic3A_613 : i32
      %and3A_615 = arith.constant 7 : i32
      %and3A_616 = arith.andi %squeeze3A_610, %and3A_615 : i32
      %mul3A_617 = arith.constant 16 : i32
      %mul3A_618 = arith.muli %scan3A_26, %mul3A_617 : i32
      %add3A_619 = arith.constant 12 : i32
      %add3A_620 = arith.addi %mul3A_618, %add3A_619 : i32
      %dma_start3A_621 = arith.constant 0 : i32
      %dma_start3A_622 = arith.constant 0 : i32
      %dma_start3A_623 = tpu.memref_slice %arg9[%add3A_620, %dma_start3A_621, %dma_start3A_622] : memref<256x1x64xf32, #tpu.memory_space<vmem>> -> memref<1x1x64xf32, #tpu.memory_space<vmem>>
      %dma_start3A_624 = tpu.memref_squeeze %dma_start3A_623 : memref<1x1x64xf32, #tpu.memory_space<vmem>> -> memref<1x64xf32, #tpu.memory_space<vmem>>
      %dma_start3A_625 = arith.constant 0 : i32
      %dma_start3A_626 = tpu.memref_slice %arg4[%shift_right_arithmetic3A_614, %and3A_616, %dma_start3A_625] : memref<125000x8x64xf32, #tpu.memory_space<hbm>> -> memref<1x1x64xf32, #tpu.memory_space<hbm>>
      %dma_start3A_627 = tpu.memref_squeeze %dma_start3A_626 : memref<1x1x64xf32, #tpu.memory_space<hbm>> -> memref<1x64xf32, #tpu.memory_space<hbm>>
      %dma_start3A_628 = arith.constant 0 : i32
      %dma_start3A_629 = arith.constant 0 : i32
      %dma_start3A_630 = tpu.memref_slice %arg9[%add3A_620, %dma_start3A_628, %dma_start3A_629] : memref<256x1x64xf32, #tpu.memory_space<vmem>> -> memref<1x1x64xf32, #tpu.memory_space<vmem>>
      %dma_start3A_631 = tpu.memref_squeeze %dma_start3A_630 : memref<1x1x64xf32, #tpu.memory_space<vmem>> -> memref<1x64xf32, #tpu.memory_space<vmem>>
      %dma_start3A_632 = arith.constant 0 : i32
      %dma_start3A_633 = tpu.memref_slice %arg4[%shift_right_arithmetic3A_614, %and3A_616, %dma_start3A_632] : memref<125000x8x64xf32, #tpu.memory_space<hbm>> -> memref<1x1x64xf32, #tpu.memory_space<hbm>>
      %dma_start3A_634 = tpu.memref_squeeze %dma_start3A_633 : memref<1x1x64xf32, #tpu.memory_space<hbm>> -> memref<1x64xf32, #tpu.memory_space<hbm>>
      tpu.enqueue_dma source(%dma_start3A_634 : memref<1x64xf32, #tpu.memory_space<hbm>>) target(%dma_start3A_631 : memref<1x64xf32, #tpu.memory_space<vmem>>) target_semaphore(%arg12 : memref<!tpu.dma_semaphore, #tpu.memory_space<semaphore_mem>>)
      %shift_right_arithmetic3A_635 = arith.constant 3 : i32
      %shift_right_arithmetic3A_636 = arith.shrsi %squeeze3A_612, %shift_right_arithmetic3A_635 : i32
      %and3A_637 = arith.constant 7 : i32
      %and3A_638 = arith.andi %squeeze3A_612, %and3A_637 : i32
      %mul3A_639 = arith.constant 16 : i32
      %mul3A_640 = arith.muli %scan3A_26, %mul3A_639 : i32
      %add3A_641 = arith.constant 12 : i32
      %add3A_642 = arith.addi %mul3A_640, %add3A_641 : i32
      %dma_start3A_643 = arith.constant 0 : i32
      %dma_start3A_644 = arith.constant 0 : i32
      %dma_start3A_645 = tpu.memref_slice %arg10[%add3A_642, %dma_start3A_643, %dma_start3A_644] : memref<256x1x64xf32, #tpu.memory_space<vmem>> -> memref<1x1x64xf32, #tpu.memory_space<vmem>>
      %dma_start3A_646 = tpu.memref_squeeze %dma_start3A_645 : memref<1x1x64xf32, #tpu.memory_space<vmem>> -> memref<1x64xf32, #tpu.memory_space<vmem>>
      %dma_start3A_647 = arith.constant 0 : i32
      %dma_start3A_648 = tpu.memref_slice %arg5[%shift_right_arithmetic3A_636, %and3A_638, %dma_start3A_647] : memref<125000x8x64xf32, #tpu.memory_space<hbm>> -> memref<1x1x64xf32, #tpu.memory_space<hbm>>
      %dma_start3A_649 = tpu.memref_squeeze %dma_start3A_648 : memref<1x1x64xf32, #tpu.memory_space<hbm>> -> memref<1x64xf32, #tpu.memory_space<hbm>>
      %dma_start3A_650 = arith.constant 0 : i32
      %dma_start3A_651 = arith.constant 0 : i32
      %dma_start3A_652 = tpu.memref_slice %arg10[%add3A_642, %dma_start3A_650, %dma_start3A_651] : memref<256x1x64xf32, #tpu.memory_space<vmem>> -> memref<1x1x64xf32, #tpu.memory_space<vmem>>
      %dma_start3A_653 = tpu.memref_squeeze %dma_start3A_652 : memref<1x1x64xf32, #tpu.memory_space<vmem>> -> memref<1x64xf32, #tpu.memory_space<vmem>>
      %dma_start3A_654 = arith.constant 0 : i32
      %dma_start3A_655 = tpu.memref_slice %arg5[%shift_right_arithmetic3A_636, %and3A_638, %dma_start3A_654] : memref<125000x8x64xf32, #tpu.memory_space<hbm>> -> memref<1x1x64xf32, #tpu.memory_space<hbm>>
      %dma_start3A_656 = tpu.memref_squeeze %dma_start3A_655 : memref<1x1x64xf32, #tpu.memory_space<hbm>> -> memref<1x64xf32, #tpu.memory_space<hbm>>
      tpu.enqueue_dma source(%dma_start3A_656 : memref<1x64xf32, #tpu.memory_space<hbm>>) target(%dma_start3A_653 : memref<1x64xf32, #tpu.memory_space<vmem>>) target_semaphore(%arg12 : memref<!tpu.dma_semaphore, #tpu.memory_space<semaphore_mem>>)
      %slice3A_657 = vector.extract_strided_slice %get3A_31 {offsets = [13], sizes = [1], strides = [1]} : vector<16xi32> to vector<1xi32>
      %squeeze3A_658 = vector.extract %slice3A_657[0] : i32 from vector<1xi32>
      %slice3A_659 = vector.extract_strided_slice %get3A_37 {offsets = [13], sizes = [1], strides = [1]} : vector<16xi32> to vector<1xi32>
      %squeeze3A_660 = vector.extract %slice3A_659[0] : i32 from vector<1xi32>
      %shift_right_arithmetic3A_661 = arith.constant 3 : i32
      %shift_right_arithmetic3A_662 = arith.shrsi %squeeze3A_658, %shift_right_arithmetic3A_661 : i32
      %and3A_663 = arith.constant 7 : i32
      %and3A_664 = arith.andi %squeeze3A_658, %and3A_663 : i32
      %mul3A_665 = arith.constant 16 : i32
      %mul3A_666 = arith.muli %scan3A_26, %mul3A_665 : i32
      %add3A_667 = arith.constant 13 : i32
      %add3A_668 = arith.addi %mul3A_666, %add3A_667 : i32
      %dma_start3A_669 = arith.constant 0 : i32
      %dma_start3A_670 = arith.constant 0 : i32
      %dma_start3A_671 = tpu.memref_slice %arg9[%add3A_668, %dma_start3A_669, %dma_start3A_670] : memref<256x1x64xf32, #tpu.memory_space<vmem>> -> memref<1x1x64xf32, #tpu.memory_space<vmem>>
      %dma_start3A_672 = tpu.memref_squeeze %dma_start3A_671 : memref<1x1x64xf32, #tpu.memory_space<vmem>> -> memref<1x64xf32, #tpu.memory_space<vmem>>
      %dma_start3A_673 = arith.constant 0 : i32
      %dma_start3A_674 = tpu.memref_slice %arg4[%shift_right_arithmetic3A_662, %and3A_664, %dma_start3A_673] : memref<125000x8x64xf32, #tpu.memory_space<hbm>> -> memref<1x1x64xf32, #tpu.memory_space<hbm>>
      %dma_start3A_675 = tpu.memref_squeeze %dma_start3A_674 : memref<1x1x64xf32, #tpu.memory_space<hbm>> -> memref<1x64xf32, #tpu.memory_space<hbm>>
      %dma_start3A_676 = arith.constant 0 : i32
      %dma_start3A_677 = arith.constant 0 : i32
      %dma_start3A_678 = tpu.memref_slice %arg9[%add3A_668, %dma_start3A_676, %dma_start3A_677] : memref<256x1x64xf32, #tpu.memory_space<vmem>> -> memref<1x1x64xf32, #tpu.memory_space<vmem>>
      %dma_start3A_679 = tpu.memref_squeeze %dma_start3A_678 : memref<1x1x64xf32, #tpu.memory_space<vmem>> -> memref<1x64xf32, #tpu.memory_space<vmem>>
      %dma_start3A_680 = arith.constant 0 : i32
      %dma_start3A_681 = tpu.memref_slice %arg4[%shift_right_arithmetic3A_662, %and3A_664, %dma_start3A_680] : memref<125000x8x64xf32, #tpu.memory_space<hbm>> -> memref<1x1x64xf32, #tpu.memory_space<hbm>>
      %dma_start3A_682 = tpu.memref_squeeze %dma_start3A_681 : memref<1x1x64xf32, #tpu.memory_space<hbm>> -> memref<1x64xf32, #tpu.memory_space<hbm>>
      tpu.enqueue_dma source(%dma_start3A_682 : memref<1x64xf32, #tpu.memory_space<hbm>>) target(%dma_start3A_679 : memref<1x64xf32, #tpu.memory_space<vmem>>) target_semaphore(%arg12 : memref<!tpu.dma_semaphore, #tpu.memory_space<semaphore_mem>>)
      %shift_right_arithmetic3A_683 = arith.constant 3 : i32
      %shift_right_arithmetic3A_684 = arith.shrsi %squeeze3A_660, %shift_right_arithmetic3A_683 : i32
      %and3A_685 = arith.constant 7 : i32
      %and3A_686 = arith.andi %squeeze3A_660, %and3A_685 : i32
      %mul3A_687 = arith.constant 16 : i32
      %mul3A_688 = arith.muli %scan3A_26, %mul3A_687 : i32
      %add3A_689 = arith.constant 13 : i32
      %add3A_690 = arith.addi %mul3A_688, %add3A_689 : i32
      %dma_start3A_691 = arith.constant 0 : i32
      %dma_start3A_692 = arith.constant 0 : i32
      %dma_start3A_693 = tpu.memref_slice %arg10[%add3A_690, %dma_start3A_691, %dma_start3A_692] : memref<256x1x64xf32, #tpu.memory_space<vmem>> -> memref<1x1x64xf32, #tpu.memory_space<vmem>>
      %dma_start3A_694 = tpu.memref_squeeze %dma_start3A_693 : memref<1x1x64xf32, #tpu.memory_space<vmem>> -> memref<1x64xf32, #tpu.memory_space<vmem>>
      %dma_start3A_695 = arith.constant 0 : i32
      %dma_start3A_696 = tpu.memref_slice %arg5[%shift_right_arithmetic3A_684, %and3A_686, %dma_start3A_695] : memref<125000x8x64xf32, #tpu.memory_space<hbm>> -> memref<1x1x64xf32, #tpu.memory_space<hbm>>
      %dma_start3A_697 = tpu.memref_squeeze %dma_start3A_696 : memref<1x1x64xf32, #tpu.memory_space<hbm>> -> memref<1x64xf32, #tpu.memory_space<hbm>>
      %dma_start3A_698 = arith.constant 0 : i32
      %dma_start3A_699 = arith.constant 0 : i32
      %dma_start3A_700 = tpu.memref_slice %arg10[%add3A_690, %dma_start3A_698, %dma_start3A_699] : memref<256x1x64xf32, #tpu.memory_space<vmem>> -> memref<1x1x64xf32, #tpu.memory_space<vmem>>
      %dma_start3A_701 = tpu.memref_squeeze %dma_start3A_700 : memref<1x1x64xf32, #tpu.memory_space<vmem>> -> memref<1x64xf32, #tpu.memory_space<vmem>>
      %dma_start3A_702 = arith.constant 0 : i32
      %dma_start3A_703 = tpu.memref_slice %arg5[%shift_right_arithmetic3A_684, %and3A_686, %dma_start3A_702] : memref<125000x8x64xf32, #tpu.memory_space<hbm>> -> memref<1x1x64xf32, #tpu.memory_space<hbm>>
      %dma_start3A_704 = tpu.memref_squeeze %dma_start3A_703 : memref<1x1x64xf32, #tpu.memory_space<hbm>> -> memref<1x64xf32, #tpu.memory_space<hbm>>
      tpu.enqueue_dma source(%dma_start3A_704 : memref<1x64xf32, #tpu.memory_space<hbm>>) target(%dma_start3A_701 : memref<1x64xf32, #tpu.memory_space<vmem>>) target_semaphore(%arg12 : memref<!tpu.dma_semaphore, #tpu.memory_space<semaphore_mem>>)
      %slice3A_705 = vector.extract_strided_slice %get3A_31 {offsets = [14], sizes = [1], strides = [1]} : vector<16xi32> to vector<1xi32>
      %squeeze3A_706 = vector.extract %slice3A_705[0] : i32 from vector<1xi32>
      %slice3A_707 = vector.extract_strided_slice %get3A_37 {offsets = [14], sizes = [1], strides = [1]} : vector<16xi32> to vector<1xi32>
      %squeeze3A_708 = vector.extract %slice3A_707[0] : i32 from vector<1xi32>
      %shift_right_arithmetic3A_709 = arith.constant 3 : i32
      %shift_right_arithmetic3A_710 = arith.shrsi %squeeze3A_706, %shift_right_arithmetic3A_709 : i32
      %and3A_711 = arith.constant 7 : i32
      %and3A_712 = arith.andi %squeeze3A_706, %and3A_711 : i32
      %mul3A_713 = arith.constant 16 : i32
      %mul3A_714 = arith.muli %scan3A_26, %mul3A_713 : i32
      %add3A_715 = arith.constant 14 : i32
      %add3A_716 = arith.addi %mul3A_714, %add3A_715 : i32
      %dma_start3A_717 = arith.constant 0 : i32
      %dma_start3A_718 = arith.constant 0 : i32
      %dma_start3A_719 = tpu.memref_slice %arg9[%add3A_716, %dma_start3A_717, %dma_start3A_718] : memref<256x1x64xf32, #tpu.memory_space<vmem>> -> memref<1x1x64xf32, #tpu.memory_space<vmem>>
      %dma_start3A_720 = tpu.memref_squeeze %dma_start3A_719 : memref<1x1x64xf32, #tpu.memory_space<vmem>> -> memref<1x64xf32, #tpu.memory_space<vmem>>
      %dma_start3A_721 = arith.constant 0 : i32
      %dma_start3A_722 = tpu.memref_slice %arg4[%shift_right_arithmetic3A_710, %and3A_712, %dma_start3A_721] : memref<125000x8x64xf32, #tpu.memory_space<hbm>> -> memref<1x1x64xf32, #tpu.memory_space<hbm>>
      %dma_start3A_723 = tpu.memref_squeeze %dma_start3A_722 : memref<1x1x64xf32, #tpu.memory_space<hbm>> -> memref<1x64xf32, #tpu.memory_space<hbm>>
      %dma_start3A_724 = arith.constant 0 : i32
      %dma_start3A_725 = arith.constant 0 : i32
      %dma_start3A_726 = tpu.memref_slice %arg9[%add3A_716, %dma_start3A_724, %dma_start3A_725] : memref<256x1x64xf32, #tpu.memory_space<vmem>> -> memref<1x1x64xf32, #tpu.memory_space<vmem>>
      %dma_start3A_727 = tpu.memref_squeeze %dma_start3A_726 : memref<1x1x64xf32, #tpu.memory_space<vmem>> -> memref<1x64xf32, #tpu.memory_space<vmem>>
      %dma_start3A_728 = arith.constant 0 : i32
      %dma_start3A_729 = tpu.memref_slice %arg4[%shift_right_arithmetic3A_710, %and3A_712, %dma_start3A_728] : memref<125000x8x64xf32, #tpu.memory_space<hbm>> -> memref<1x1x64xf32, #tpu.memory_space<hbm>>
      %dma_start3A_730 = tpu.memref_squeeze %dma_start3A_729 : memref<1x1x64xf32, #tpu.memory_space<hbm>> -> memref<1x64xf32, #tpu.memory_space<hbm>>
      tpu.enqueue_dma source(%dma_start3A_730 : memref<1x64xf32, #tpu.memory_space<hbm>>) target(%dma_start3A_727 : memref<1x64xf32, #tpu.memory_space<vmem>>) target_semaphore(%arg12 : memref<!tpu.dma_semaphore, #tpu.memory_space<semaphore_mem>>)
      %shift_right_arithmetic3A_731 = arith.constant 3 : i32
      %shift_right_arithmetic3A_732 = arith.shrsi %squeeze3A_708, %shift_right_arithmetic3A_731 : i32
      %and3A_733 = arith.constant 7 : i32
      %and3A_734 = arith.andi %squeeze3A_708, %and3A_733 : i32
      %mul3A_735 = arith.constant 16 : i32
      %mul3A_736 = arith.muli %scan3A_26, %mul3A_735 : i32
      %add3A_737 = arith.constant 14 : i32
      %add3A_738 = arith.addi %mul3A_736, %add3A_737 : i32
      %dma_start3A_739 = arith.constant 0 : i32
      %dma_start3A_740 = arith.constant 0 : i32
      %dma_start3A_741 = tpu.memref_slice %arg10[%add3A_738, %dma_start3A_739, %dma_start3A_740] : memref<256x1x64xf32, #tpu.memory_space<vmem>> -> memref<1x1x64xf32, #tpu.memory_space<vmem>>
      %dma_start3A_742 = tpu.memref_squeeze %dma_start3A_741 : memref<1x1x64xf32, #tpu.memory_space<vmem>> -> memref<1x64xf32, #tpu.memory_space<vmem>>
      %dma_start3A_743 = arith.constant 0 : i32
      %dma_start3A_744 = tpu.memref_slice %arg5[%shift_right_arithmetic3A_732, %and3A_734, %dma_start3A_743] : memref<125000x8x64xf32, #tpu.memory_space<hbm>> -> memref<1x1x64xf32, #tpu.memory_space<hbm>>
      %dma_start3A_745 = tpu.memref_squeeze %dma_start3A_744 : memref<1x1x64xf32, #tpu.memory_space<hbm>> -> memref<1x64xf32, #tpu.memory_space<hbm>>
      %dma_start3A_746 = arith.constant 0 : i32
      %dma_start3A_747 = arith.constant 0 : i32
      %dma_start3A_748 = tpu.memref_slice %arg10[%add3A_738, %dma_start3A_746, %dma_start3A_747] : memref<256x1x64xf32, #tpu.memory_space<vmem>> -> memref<1x1x64xf32, #tpu.memory_space<vmem>>
      %dma_start3A_749 = tpu.memref_squeeze %dma_start3A_748 : memref<1x1x64xf32, #tpu.memory_space<vmem>> -> memref<1x64xf32, #tpu.memory_space<vmem>>
      %dma_start3A_750 = arith.constant 0 : i32
      %dma_start3A_751 = tpu.memref_slice %arg5[%shift_right_arithmetic3A_732, %and3A_734, %dma_start3A_750] : memref<125000x8x64xf32, #tpu.memory_space<hbm>> -> memref<1x1x64xf32, #tpu.memory_space<hbm>>
      %dma_start3A_752 = tpu.memref_squeeze %dma_start3A_751 : memref<1x1x64xf32, #tpu.memory_space<hbm>> -> memref<1x64xf32, #tpu.memory_space<hbm>>
      tpu.enqueue_dma source(%dma_start3A_752 : memref<1x64xf32, #tpu.memory_space<hbm>>) target(%dma_start3A_749 : memref<1x64xf32, #tpu.memory_space<vmem>>) target_semaphore(%arg12 : memref<!tpu.dma_semaphore, #tpu.memory_space<semaphore_mem>>)
      %slice3A_753 = vector.extract_strided_slice %get3A_31 {offsets = [15], sizes = [1], strides = [1]} : vector<16xi32> to vector<1xi32>
      %squeeze3A_754 = vector.extract %slice3A_753[0] : i32 from vector<1xi32>
      %slice3A_755 = vector.extract_strided_slice %get3A_37 {offsets = [15], sizes = [1], strides = [1]} : vector<16xi32> to vector<1xi32>
      %squeeze3A_756 = vector.extract %slice3A_755[0] : i32 from vector<1xi32>
      %shift_right_arithmetic3A_757 = arith.constant 3 : i32
      %shift_right_arithmetic3A_758 = arith.shrsi %squeeze3A_754, %shift_right_arithmetic3A_757 : i32
      %and3A_759 = arith.constant 7 : i32
      %and3A_760 = arith.andi %squeeze3A_754, %and3A_759 : i32
      %mul3A_761 = arith.constant 16 : i32
      %mul3A_762 = arith.muli %scan3A_26, %mul3A_761 : i32
      %add3A_763 = arith.constant 15 : i32
      %add3A_764 = arith.addi %mul3A_762, %add3A_763 : i32
      %dma_start3A_765 = arith.constant 0 : i32
      %dma_start3A_766 = arith.constant 0 : i32
      %dma_start3A_767 = tpu.memref_slice %arg9[%add3A_764, %dma_start3A_765, %dma_start3A_766] : memref<256x1x64xf32, #tpu.memory_space<vmem>> -> memref<1x1x64xf32, #tpu.memory_space<vmem>>
      %dma_start3A_768 = tpu.memref_squeeze %dma_start3A_767 : memref<1x1x64xf32, #tpu.memory_space<vmem>> -> memref<1x64xf32, #tpu.memory_space<vmem>>
      %dma_start3A_769 = arith.constant 0 : i32
      %dma_start3A_770 = tpu.memref_slice %arg4[%shift_right_arithmetic3A_758, %and3A_760, %dma_start3A_769] : memref<125000x8x64xf32, #tpu.memory_space<hbm>> -> memref<1x1x64xf32, #tpu.memory_space<hbm>>
      %dma_start3A_771 = tpu.memref_squeeze %dma_start3A_770 : memref<1x1x64xf32, #tpu.memory_space<hbm>> -> memref<1x64xf32, #tpu.memory_space<hbm>>
      %dma_start3A_772 = arith.constant 0 : i32
      %dma_start3A_773 = arith.constant 0 : i32
      %dma_start3A_774 = tpu.memref_slice %arg9[%add3A_764, %dma_start3A_772, %dma_start3A_773] : memref<256x1x64xf32, #tpu.memory_space<vmem>> -> memref<1x1x64xf32, #tpu.memory_space<vmem>>
      %dma_start3A_775 = tpu.memref_squeeze %dma_start3A_774 : memref<1x1x64xf32, #tpu.memory_space<vmem>> -> memref<1x64xf32, #tpu.memory_space<vmem>>
      %dma_start3A_776 = arith.constant 0 : i32
      %dma_start3A_777 = tpu.memref_slice %arg4[%shift_right_arithmetic3A_758, %and3A_760, %dma_start3A_776] : memref<125000x8x64xf32, #tpu.memory_space<hbm>> -> memref<1x1x64xf32, #tpu.memory_space<hbm>>
      %dma_start3A_778 = tpu.memref_squeeze %dma_start3A_777 : memref<1x1x64xf32, #tpu.memory_space<hbm>> -> memref<1x64xf32, #tpu.memory_space<hbm>>
      tpu.enqueue_dma source(%dma_start3A_778 : memref<1x64xf32, #tpu.memory_space<hbm>>) target(%dma_start3A_775 : memref<1x64xf32, #tpu.memory_space<vmem>>) target_semaphore(%arg12 : memref<!tpu.dma_semaphore, #tpu.memory_space<semaphore_mem>>)
      %shift_right_arithmetic3A_779 = arith.constant 3 : i32
      %shift_right_arithmetic3A_780 = arith.shrsi %squeeze3A_756, %shift_right_arithmetic3A_779 : i32
      %and3A_781 = arith.constant 7 : i32
      %and3A_782 = arith.andi %squeeze3A_756, %and3A_781 : i32
      %mul3A_783 = arith.constant 16 : i32
      %mul3A_784 = arith.muli %scan3A_26, %mul3A_783 : i32
      %add3A_785 = arith.constant 15 : i32
      %add3A_786 = arith.addi %mul3A_784, %add3A_785 : i32
      %dma_start3A_787 = arith.constant 0 : i32
      %dma_start3A_788 = arith.constant 0 : i32
      %dma_start3A_789 = tpu.memref_slice %arg10[%add3A_786, %dma_start3A_787, %dma_start3A_788] : memref<256x1x64xf32, #tpu.memory_space<vmem>> -> memref<1x1x64xf32, #tpu.memory_space<vmem>>
      %dma_start3A_790 = tpu.memref_squeeze %dma_start3A_789 : memref<1x1x64xf32, #tpu.memory_space<vmem>> -> memref<1x64xf32, #tpu.memory_space<vmem>>
      %dma_start3A_791 = arith.constant 0 : i32
      %dma_start3A_792 = tpu.memref_slice %arg5[%shift_right_arithmetic3A_780, %and3A_782, %dma_start3A_791] : memref<125000x8x64xf32, #tpu.memory_space<hbm>> -> memref<1x1x64xf32, #tpu.memory_space<hbm>>
      %dma_start3A_793 = tpu.memref_squeeze %dma_start3A_792 : memref<1x1x64xf32, #tpu.memory_space<hbm>> -> memref<1x64xf32, #tpu.memory_space<hbm>>
      %dma_start3A_794 = arith.constant 0 : i32
      %dma_start3A_795 = arith.constant 0 : i32
      %dma_start3A_796 = tpu.memref_slice %arg10[%add3A_786, %dma_start3A_794, %dma_start3A_795] : memref<256x1x64xf32, #tpu.memory_space<vmem>> -> memref<1x1x64xf32, #tpu.memory_space<vmem>>
      %dma_start3A_797 = tpu.memref_squeeze %dma_start3A_796 : memref<1x1x64xf32, #tpu.memory_space<vmem>> -> memref<1x64xf32, #tpu.memory_space<vmem>>
      %dma_start3A_798 = arith.constant 0 : i32
      %dma_start3A_799 = tpu.memref_slice %arg5[%shift_right_arithmetic3A_780, %and3A_782, %dma_start3A_798] : memref<125000x8x64xf32, #tpu.memory_space<hbm>> -> memref<1x1x64xf32, #tpu.memory_space<hbm>>
      %dma_start3A_800 = tpu.memref_squeeze %dma_start3A_799 : memref<1x1x64xf32, #tpu.memory_space<hbm>> -> memref<1x64xf32, #tpu.memory_space<hbm>>
      tpu.enqueue_dma source(%dma_start3A_800 : memref<1x64xf32, #tpu.memory_space<hbm>>) target(%dma_start3A_797 : memref<1x64xf32, #tpu.memory_space<vmem>>) target_semaphore(%arg12 : memref<!tpu.dma_semaphore, #tpu.memory_space<semaphore_mem>>)
    }
    %scan3A_7 = arith.constant 16 : i32
    %scan3A_8 = arith.constant 0 : i32
    %scan3A_9 = arith.constant 0 : i32
    %scan3A_10 = arith.constant 16 : i32
    %scan3A_11 = arith.addi %scan3A_9, %scan3A_10 : i32
    %scan3A_12 = arith.constant 1 : i32
    scf.for %scan3A_26 = %scan3A_9 to %scan3A_11 step %scan3A_12  : i32 {
      %dma_wait3A = arith.constant 0 : i32
      %dma_wait3A_27 = arith.constant 0 : i32
      %dma_wait3A_28 = arith.constant 0 : i32
      %dma_wait3A_29 = arith.constant 0 : i32
      %dma_wait3A_30 = tpu.memref_slice %arg9[%dma_wait3A_27, %dma_wait3A_28, %dma_wait3A_29] : memref<256x1x64xf32, #tpu.memory_space<vmem>> -> memref<1x1x64xf32, #tpu.memory_space<vmem>>
      %dma_wait3A_31 = tpu.memref_squeeze %dma_wait3A_30 : memref<1x1x64xf32, #tpu.memory_space<vmem>> -> memref<1x64xf32, #tpu.memory_space<vmem>>
      %dma_wait3A_32 = arith.constant 0 : i32
      %dma_wait3A_33 = arith.constant 0 : i32
      %dma_wait3A_34 = tpu.memref_slice %arg4[%dma_wait3A, %dma_wait3A_32, %dma_wait3A_33] : memref<125000x8x64xf32, #tpu.memory_space<hbm>> -> memref<1x1x64xf32, #tpu.memory_space<hbm>>
      %dma_wait3A_35 = tpu.memref_squeeze %dma_wait3A_34 : memref<1x1x64xf32, #tpu.memory_space<hbm>> -> memref<1x64xf32, #tpu.memory_space<hbm>>
      %dma_wait3A_36 = arith.constant 0 : i32
      %dma_wait3A_37 = arith.constant 0 : i32
      %dma_wait3A_38 = tpu.memref_slice %arg9[%dma_wait3A_27, %dma_wait3A_36, %dma_wait3A_37] : memref<256x1x64xf32, #tpu.memory_space<vmem>> -> memref<1x1x64xf32, #tpu.memory_space<vmem>>
      %dma_wait3A_39 = tpu.memref_squeeze %dma_wait3A_38 : memref<1x1x64xf32, #tpu.memory_space<vmem>> -> memref<1x64xf32, #tpu.memory_space<vmem>>
      %dma_wait3A_40 = arith.constant 0 : i32
      %dma_wait3A_41 = arith.constant 0 : i32
      %dma_wait3A_42 = tpu.memref_slice %arg4[%dma_wait3A, %dma_wait3A_40, %dma_wait3A_41] : memref<125000x8x64xf32, #tpu.memory_space<hbm>> -> memref<1x1x64xf32, #tpu.memory_space<hbm>>
      %dma_wait3A_43 = tpu.memref_squeeze %dma_wait3A_42 : memref<1x1x64xf32, #tpu.memory_space<hbm>> -> memref<1x64xf32, #tpu.memory_space<hbm>>
      tpu.wait_dma2 semaphore(%arg12 : memref<!tpu.dma_semaphore, #tpu.memory_space<semaphore_mem>>) src(%dma_wait3A_43 : memref<1x64xf32, #tpu.memory_space<hbm>>) dst(%dma_wait3A_39 : memref<1x64xf32, #tpu.memory_space<vmem>>)
      %dma_wait3A_44 = arith.constant 0 : i32
      %dma_wait3A_45 = arith.constant 0 : i32
      %dma_wait3A_46 = arith.constant 0 : i32
      %dma_wait3A_47 = arith.constant 0 : i32
      %dma_wait3A_48 = tpu.memref_slice %arg9[%dma_wait3A_45, %dma_wait3A_46, %dma_wait3A_47] : memref<256x1x64xf32, #tpu.memory_space<vmem>> -> memref<1x1x64xf32, #tpu.memory_space<vmem>>
      %dma_wait3A_49 = tpu.memref_squeeze %dma_wait3A_48 : memref<1x1x64xf32, #tpu.memory_space<vmem>> -> memref<1x64xf32, #tpu.memory_space<vmem>>
      %dma_wait3A_50 = arith.constant 0 : i32
      %dma_wait3A_51 = arith.constant 0 : i32
      %dma_wait3A_52 = tpu.memref_slice %arg4[%dma_wait3A_44, %dma_wait3A_50, %dma_wait3A_51] : memref<125000x8x64xf32, #tpu.memory_space<hbm>> -> memref<1x1x64xf32, #tpu.memory_space<hbm>>
      %dma_wait3A_53 = tpu.memref_squeeze %dma_wait3A_52 : memref<1x1x64xf32, #tpu.memory_space<hbm>> -> memref<1x64xf32, #tpu.memory_space<hbm>>
      %dma_wait3A_54 = arith.constant 0 : i32
      %dma_wait3A_55 = arith.constant 0 : i32
      %dma_wait3A_56 = tpu.memref_slice %arg9[%dma_wait3A_45, %dma_wait3A_54, %dma_wait3A_55] : memref<256x1x64xf32, #tpu.memory_space<vmem>> -> memref<1x1x64xf32, #tpu.memory_space<vmem>>
      %dma_wait3A_57 = tpu.memref_squeeze %dma_wait3A_56 : memref<1x1x64xf32, #tpu.memory_space<vmem>> -> memref<1x64xf32, #tpu.memory_space<vmem>>
      %dma_wait3A_58 = arith.constant 0 : i32
      %dma_wait3A_59 = arith.constant 0 : i32
      %dma_wait3A_60 = tpu.memref_slice %arg4[%dma_wait3A_44, %dma_wait3A_58, %dma_wait3A_59] : memref<125000x8x64xf32, #tpu.memory_space<hbm>> -> memref<1x1x64xf32, #tpu.memory_space<hbm>>
      %dma_wait3A_61 = tpu.memref_squeeze %dma_wait3A_60 : memref<1x1x64xf32, #tpu.memory_space<hbm>> -> memref<1x64xf32, #tpu.memory_space<hbm>>
      tpu.wait_dma2 semaphore(%arg12 : memref<!tpu.dma_semaphore, #tpu.memory_space<semaphore_mem>>) src(%dma_wait3A_61 : memref<1x64xf32, #tpu.memory_space<hbm>>) dst(%dma_wait3A_57 : memref<1x64xf32, #tpu.memory_space<vmem>>)
      %dma_wait3A_62 = arith.constant 0 : i32
      %dma_wait3A_63 = arith.constant 0 : i32
      %dma_wait3A_64 = arith.constant 0 : i32
      %dma_wait3A_65 = arith.constant 0 : i32
      %dma_wait3A_66 = tpu.memref_slice %arg9[%dma_wait3A_63, %dma_wait3A_64, %dma_wait3A_65] : memref<256x1x64xf32, #tpu.memory_space<vmem>> -> memref<1x1x64xf32, #tpu.memory_space<vmem>>
      %dma_wait3A_67 = tpu.memref_squeeze %dma_wait3A_66 : memref<1x1x64xf32, #tpu.memory_space<vmem>> -> memref<1x64xf32, #tpu.memory_space<vmem>>
      %dma_wait3A_68 = arith.constant 0 : i32
      %dma_wait3A_69 = arith.constant 0 : i32
      %dma_wait3A_70 = tpu.memref_slice %arg4[%dma_wait3A_62, %dma_wait3A_68, %dma_wait3A_69] : memref<125000x8x64xf32, #tpu.memory_space<hbm>> -> memref<1x1x64xf32, #tpu.memory_space<hbm>>
      %dma_wait3A_71 = tpu.memref_squeeze %dma_wait3A_70 : memref<1x1x64xf32, #tpu.memory_space<hbm>> -> memref<1x64xf32, #tpu.memory_space<hbm>>
      %dma_wait3A_72 = arith.constant 0 : i32
      %dma_wait3A_73 = arith.constant 0 : i32
      %dma_wait3A_74 = tpu.memref_slice %arg9[%dma_wait3A_63, %dma_wait3A_72, %dma_wait3A_73] : memref<256x1x64xf32, #tpu.memory_space<vmem>> -> memref<1x1x64xf32, #tpu.memory_space<vmem>>
      %dma_wait3A_75 = tpu.memref_squeeze %dma_wait3A_74 : memref<1x1x64xf32, #tpu.memory_space<vmem>> -> memref<1x64xf32, #tpu.memory_space<vmem>>
      %dma_wait3A_76 = arith.constant 0 : i32
      %dma_wait3A_77 = arith.constant 0 : i32
      %dma_wait3A_78 = tpu.memref_slice %arg4[%dma_wait3A_62, %dma_wait3A_76, %dma_wait3A_77] : memref<125000x8x64xf32, #tpu.memory_space<hbm>> -> memref<1x1x64xf32, #tpu.memory_space<hbm>>
      %dma_wait3A_79 = tpu.memref_squeeze %dma_wait3A_78 : memref<1x1x64xf32, #tpu.memory_space<hbm>> -> memref<1x64xf32, #tpu.memory_space<hbm>>
      tpu.wait_dma2 semaphore(%arg12 : memref<!tpu.dma_semaphore, #tpu.memory_space<semaphore_mem>>) src(%dma_wait3A_79 : memref<1x64xf32, #tpu.memory_space<hbm>>) dst(%dma_wait3A_75 : memref<1x64xf32, #tpu.memory_space<vmem>>)
      %dma_wait3A_80 = arith.constant 0 : i32
      %dma_wait3A_81 = arith.constant 0 : i32
      %dma_wait3A_82 = arith.constant 0 : i32
      %dma_wait3A_83 = arith.constant 0 : i32
      %dma_wait3A_84 = tpu.memref_slice %arg9[%dma_wait3A_81, %dma_wait3A_82, %dma_wait3A_83] : memref<256x1x64xf32, #tpu.memory_space<vmem>> -> memref<1x1x64xf32, #tpu.memory_space<vmem>>
      %dma_wait3A_85 = tpu.memref_squeeze %dma_wait3A_84 : memref<1x1x64xf32, #tpu.memory_space<vmem>> -> memref<1x64xf32, #tpu.memory_space<vmem>>
      %dma_wait3A_86 = arith.constant 0 : i32
      %dma_wait3A_87 = arith.constant 0 : i32
      %dma_wait3A_88 = tpu.memref_slice %arg4[%dma_wait3A_80, %dma_wait3A_86, %dma_wait3A_87] : memref<125000x8x64xf32, #tpu.memory_space<hbm>> -> memref<1x1x64xf32, #tpu.memory_space<hbm>>
      %dma_wait3A_89 = tpu.memref_squeeze %dma_wait3A_88 : memref<1x1x64xf32, #tpu.memory_space<hbm>> -> memref<1x64xf32, #tpu.memory_space<hbm>>
      %dma_wait3A_90 = arith.constant 0 : i32
      %dma_wait3A_91 = arith.constant 0 : i32
      %dma_wait3A_92 = tpu.memref_slice %arg9[%dma_wait3A_81, %dma_wait3A_90, %dma_wait3A_91] : memref<256x1x64xf32, #tpu.memory_space<vmem>> -> memref<1x1x64xf32, #tpu.memory_space<vmem>>
      %dma_wait3A_93 = tpu.memref_squeeze %dma_wait3A_92 : memref<1x1x64xf32, #tpu.memory_space<vmem>> -> memref<1x64xf32, #tpu.memory_space<vmem>>
      %dma_wait3A_94 = arith.constant 0 : i32
      %dma_wait3A_95 = arith.constant 0 : i32
      %dma_wait3A_96 = tpu.memref_slice %arg4[%dma_wait3A_80, %dma_wait3A_94, %dma_wait3A_95] : memref<125000x8x64xf32, #tpu.memory_space<hbm>> -> memref<1x1x64xf32, #tpu.memory_space<hbm>>
      %dma_wait3A_97 = tpu.memref_squeeze %dma_wait3A_96 : memref<1x1x64xf32, #tpu.memory_space<hbm>> -> memref<1x64xf32, #tpu.memory_space<hbm>>
      tpu.wait_dma2 semaphore(%arg12 : memref<!tpu.dma_semaphore, #tpu.memory_space<semaphore_mem>>) src(%dma_wait3A_97 : memref<1x64xf32, #tpu.memory_space<hbm>>) dst(%dma_wait3A_93 : memref<1x64xf32, #tpu.memory_space<vmem>>)
      %dma_wait3A_98 = arith.constant 0 : i32
      %dma_wait3A_99 = arith.constant 0 : i32
      %dma_wait3A_100 = arith.constant 0 : i32
      %dma_wait3A_101 = arith.constant 0 : i32
      %dma_wait3A_102 = tpu.memref_slice %arg9[%dma_wait3A_99, %dma_wait3A_100, %dma_wait3A_101] : memref<256x1x64xf32, #tpu.memory_space<vmem>> -> memref<1x1x64xf32, #tpu.memory_space<vmem>>
      %dma_wait3A_103 = tpu.memref_squeeze %dma_wait3A_102 : memref<1x1x64xf32, #tpu.memory_space<vmem>> -> memref<1x64xf32, #tpu.memory_space<vmem>>
      %dma_wait3A_104 = arith.constant 0 : i32
      %dma_wait3A_105 = arith.constant 0 : i32
      %dma_wait3A_106 = tpu.memref_slice %arg4[%dma_wait3A_98, %dma_wait3A_104, %dma_wait3A_105] : memref<125000x8x64xf32, #tpu.memory_space<hbm>> -> memref<1x1x64xf32, #tpu.memory_space<hbm>>
      %dma_wait3A_107 = tpu.memref_squeeze %dma_wait3A_106 : memref<1x1x64xf32, #tpu.memory_space<hbm>> -> memref<1x64xf32, #tpu.memory_space<hbm>>
      %dma_wait3A_108 = arith.constant 0 : i32
      %dma_wait3A_109 = arith.constant 0 : i32
      %dma_wait3A_110 = tpu.memref_slice %arg9[%dma_wait3A_99, %dma_wait3A_108, %dma_wait3A_109] : memref<256x1x64xf32, #tpu.memory_space<vmem>> -> memref<1x1x64xf32, #tpu.memory_space<vmem>>
      %dma_wait3A_111 = tpu.memref_squeeze %dma_wait3A_110 : memref<1x1x64xf32, #tpu.memory_space<vmem>> -> memref<1x64xf32, #tpu.memory_space<vmem>>
      %dma_wait3A_112 = arith.constant 0 : i32
      %dma_wait3A_113 = arith.constant 0 : i32
      %dma_wait3A_114 = tpu.memref_slice %arg4[%dma_wait3A_98, %dma_wait3A_112, %dma_wait3A_113] : memref<125000x8x64xf32, #tpu.memory_space<hbm>> -> memref<1x1x64xf32, #tpu.memory_space<hbm>>
      %dma_wait3A_115 = tpu.memref_squeeze %dma_wait3A_114 : memref<1x1x64xf32, #tpu.memory_space<hbm>> -> memref<1x64xf32, #tpu.memory_space<hbm>>
      tpu.wait_dma2 semaphore(%arg12 : memref<!tpu.dma_semaphore, #tpu.memory_space<semaphore_mem>>) src(%dma_wait3A_115 : memref<1x64xf32, #tpu.memory_space<hbm>>) dst(%dma_wait3A_111 : memref<1x64xf32, #tpu.memory_space<vmem>>)
      %dma_wait3A_116 = arith.constant 0 : i32
      %dma_wait3A_117 = arith.constant 0 : i32
      %dma_wait3A_118 = arith.constant 0 : i32
      %dma_wait3A_119 = arith.constant 0 : i32
      %dma_wait3A_120 = tpu.memref_slice %arg9[%dma_wait3A_117, %dma_wait3A_118, %dma_wait3A_119] : memref<256x1x64xf32, #tpu.memory_space<vmem>> -> memref<1x1x64xf32, #tpu.memory_space<vmem>>
      %dma_wait3A_121 = tpu.memref_squeeze %dma_wait3A_120 : memref<1x1x64xf32, #tpu.memory_space<vmem>> -> memref<1x64xf32, #tpu.memory_space<vmem>>
      %dma_wait3A_122 = arith.constant 0 : i32
      %dma_wait3A_123 = arith.constant 0 : i32
      %dma_wait3A_124 = tpu.memref_slice %arg4[%dma_wait3A_116, %dma_wait3A_122, %dma_wait3A_123] : memref<125000x8x64xf32, #tpu.memory_space<hbm>> -> memref<1x1x64xf32, #tpu.memory_space<hbm>>
      %dma_wait3A_125 = tpu.memref_squeeze %dma_wait3A_124 : memref<1x1x64xf32, #tpu.memory_space<hbm>> -> memref<1x64xf32, #tpu.memory_space<hbm>>
      %dma_wait3A_126 = arith.constant 0 : i32
      %dma_wait3A_127 = arith.constant 0 : i32
      %dma_wait3A_128 = tpu.memref_slice %arg9[%dma_wait3A_117, %dma_wait3A_126, %dma_wait3A_127] : memref<256x1x64xf32, #tpu.memory_space<vmem>> -> memref<1x1x64xf32, #tpu.memory_space<vmem>>
      %dma_wait3A_129 = tpu.memref_squeeze %dma_wait3A_128 : memref<1x1x64xf32, #tpu.memory_space<vmem>> -> memref<1x64xf32, #tpu.memory_space<vmem>>
      %dma_wait3A_130 = arith.constant 0 : i32
      %dma_wait3A_131 = arith.constant 0 : i32
      %dma_wait3A_132 = tpu.memref_slice %arg4[%dma_wait3A_116, %dma_wait3A_130, %dma_wait3A_131] : memref<125000x8x64xf32, #tpu.memory_space<hbm>> -> memref<1x1x64xf32, #tpu.memory_space<hbm>>
      %dma_wait3A_133 = tpu.memref_squeeze %dma_wait3A_132 : memref<1x1x64xf32, #tpu.memory_space<hbm>> -> memref<1x64xf32, #tpu.memory_space<hbm>>
      tpu.wait_dma2 semaphore(%arg12 : memref<!tpu.dma_semaphore, #tpu.memory_space<semaphore_mem>>) src(%dma_wait3A_133 : memref<1x64xf32, #tpu.memory_space<hbm>>) dst(%dma_wait3A_129 : memref<1x64xf32, #tpu.memory_space<vmem>>)
      %dma_wait3A_134 = arith.constant 0 : i32
      %dma_wait3A_135 = arith.constant 0 : i32
      %dma_wait3A_136 = arith.constant 0 : i32
      %dma_wait3A_137 = arith.constant 0 : i32
      %dma_wait3A_138 = tpu.memref_slice %arg9[%dma_wait3A_135, %dma_wait3A_136, %dma_wait3A_137] : memref<256x1x64xf32, #tpu.memory_space<vmem>> -> memref<1x1x64xf32, #tpu.memory_space<vmem>>
      %dma_wait3A_139 = tpu.memref_squeeze %dma_wait3A_138 : memref<1x1x64xf32, #tpu.memory_space<vmem>> -> memref<1x64xf32, #tpu.memory_space<vmem>>
      %dma_wait3A_140 = arith.constant 0 : i32
      %dma_wait3A_141 = arith.constant 0 : i32
      %dma_wait3A_142 = tpu.memref_slice %arg4[%dma_wait3A_134, %dma_wait3A_140, %dma_wait3A_141] : memref<125000x8x64xf32, #tpu.memory_space<hbm>> -> memref<1x1x64xf32, #tpu.memory_space<hbm>>
      %dma_wait3A_143 = tpu.memref_squeeze %dma_wait3A_142 : memref<1x1x64xf32, #tpu.memory_space<hbm>> -> memref<1x64xf32, #tpu.memory_space<hbm>>
      %dma_wait3A_144 = arith.constant 0 : i32
      %dma_wait3A_145 = arith.constant 0 : i32
      %dma_wait3A_146 = tpu.memref_slice %arg9[%dma_wait3A_135, %dma_wait3A_144, %dma_wait3A_145] : memref<256x1x64xf32, #tpu.memory_space<vmem>> -> memref<1x1x64xf32, #tpu.memory_space<vmem>>
      %dma_wait3A_147 = tpu.memref_squeeze %dma_wait3A_146 : memref<1x1x64xf32, #tpu.memory_space<vmem>> -> memref<1x64xf32, #tpu.memory_space<vmem>>
      %dma_wait3A_148 = arith.constant 0 : i32
      %dma_wait3A_149 = arith.constant 0 : i32
      %dma_wait3A_150 = tpu.memref_slice %arg4[%dma_wait3A_134, %dma_wait3A_148, %dma_wait3A_149] : memref<125000x8x64xf32, #tpu.memory_space<hbm>> -> memref<1x1x64xf32, #tpu.memory_space<hbm>>
      %dma_wait3A_151 = tpu.memref_squeeze %dma_wait3A_150 : memref<1x1x64xf32, #tpu.memory_space<hbm>> -> memref<1x64xf32, #tpu.memory_space<hbm>>
      tpu.wait_dma2 semaphore(%arg12 : memref<!tpu.dma_semaphore, #tpu.memory_space<semaphore_mem>>) src(%dma_wait3A_151 : memref<1x64xf32, #tpu.memory_space<hbm>>) dst(%dma_wait3A_147 : memref<1x64xf32, #tpu.memory_space<vmem>>)
      %dma_wait3A_152 = arith.constant 0 : i32
      %dma_wait3A_153 = arith.constant 0 : i32
      %dma_wait3A_154 = arith.constant 0 : i32
      %dma_wait3A_155 = arith.constant 0 : i32
      %dma_wait3A_156 = tpu.memref_slice %arg9[%dma_wait3A_153, %dma_wait3A_154, %dma_wait3A_155] : memref<256x1x64xf32, #tpu.memory_space<vmem>> -> memref<1x1x64xf32, #tpu.memory_space<vmem>>
      %dma_wait3A_157 = tpu.memref_squeeze %dma_wait3A_156 : memref<1x1x64xf32, #tpu.memory_space<vmem>> -> memref<1x64xf32, #tpu.memory_space<vmem>>
      %dma_wait3A_158 = arith.constant 0 : i32
      %dma_wait3A_159 = arith.constant 0 : i32
      %dma_wait3A_160 = tpu.memref_slice %arg4[%dma_wait3A_152, %dma_wait3A_158, %dma_wait3A_159] : memref<125000x8x64xf32, #tpu.memory_space<hbm>> -> memref<1x1x64xf32, #tpu.memory_space<hbm>>
      %dma_wait3A_161 = tpu.memref_squeeze %dma_wait3A_160 : memref<1x1x64xf32, #tpu.memory_space<hbm>> -> memref<1x64xf32, #tpu.memory_space<hbm>>
      %dma_wait3A_162 = arith.constant 0 : i32
      %dma_wait3A_163 = arith.constant 0 : i32
      %dma_wait3A_164 = tpu.memref_slice %arg9[%dma_wait3A_153, %dma_wait3A_162, %dma_wait3A_163] : memref<256x1x64xf32, #tpu.memory_space<vmem>> -> memref<1x1x64xf32, #tpu.memory_space<vmem>>
      %dma_wait3A_165 = tpu.memref_squeeze %dma_wait3A_164 : memref<1x1x64xf32, #tpu.memory_space<vmem>> -> memref<1x64xf32, #tpu.memory_space<vmem>>
      %dma_wait3A_166 = arith.constant 0 : i32
      %dma_wait3A_167 = arith.constant 0 : i32
      %dma_wait3A_168 = tpu.memref_slice %arg4[%dma_wait3A_152, %dma_wait3A_166, %dma_wait3A_167] : memref<125000x8x64xf32, #tpu.memory_space<hbm>> -> memref<1x1x64xf32, #tpu.memory_space<hbm>>
      %dma_wait3A_169 = tpu.memref_squeeze %dma_wait3A_168 : memref<1x1x64xf32, #tpu.memory_space<hbm>> -> memref<1x64xf32, #tpu.memory_space<hbm>>
      tpu.wait_dma2 semaphore(%arg12 : memref<!tpu.dma_semaphore, #tpu.memory_space<semaphore_mem>>) src(%dma_wait3A_169 : memref<1x64xf32, #tpu.memory_space<hbm>>) dst(%dma_wait3A_165 : memref<1x64xf32, #tpu.memory_space<vmem>>)
      %dma_wait3A_170 = arith.constant 0 : i32
      %dma_wait3A_171 = arith.constant 0 : i32
      %dma_wait3A_172 = arith.constant 0 : i32
      %dma_wait3A_173 = arith.constant 0 : i32
      %dma_wait3A_174 = tpu.memref_slice %arg9[%dma_wait3A_171, %dma_wait3A_172, %dma_wait3A_173] : memref<256x1x64xf32, #tpu.memory_space<vmem>> -> memref<1x1x64xf32, #tpu.memory_space<vmem>>
      %dma_wait3A_175 = tpu.memref_squeeze %dma_wait3A_174 : memref<1x1x64xf32, #tpu.memory_space<vmem>> -> memref<1x64xf32, #tpu.memory_space<vmem>>
      %dma_wait3A_176 = arith.constant 0 : i32
      %dma_wait3A_177 = arith.constant 0 : i32
      %dma_wait3A_178 = tpu.memref_slice %arg4[%dma_wait3A_170, %dma_wait3A_176, %dma_wait3A_177] : memref<125000x8x64xf32, #tpu.memory_space<hbm>> -> memref<1x1x64xf32, #tpu.memory_space<hbm>>
      %dma_wait3A_179 = tpu.memref_squeeze %dma_wait3A_178 : memref<1x1x64xf32, #tpu.memory_space<hbm>> -> memref<1x64xf32, #tpu.memory_space<hbm>>
      %dma_wait3A_180 = arith.constant 0 : i32
      %dma_wait3A_181 = arith.constant 0 : i32
      %dma_wait3A_182 = tpu.memref_slice %arg9[%dma_wait3A_171, %dma_wait3A_180, %dma_wait3A_181] : memref<256x1x64xf32, #tpu.memory_space<vmem>> -> memref<1x1x64xf32, #tpu.memory_space<vmem>>
      %dma_wait3A_183 = tpu.memref_squeeze %dma_wait3A_182 : memref<1x1x64xf32, #tpu.memory_space<vmem>> -> memref<1x64xf32, #tpu.memory_space<vmem>>
      %dma_wait3A_184 = arith.constant 0 : i32
      %dma_wait3A_185 = arith.constant 0 : i32
      %dma_wait3A_186 = tpu.memref_slice %arg4[%dma_wait3A_170, %dma_wait3A_184, %dma_wait3A_185] : memref<125000x8x64xf32, #tpu.memory_space<hbm>> -> memref<1x1x64xf32, #tpu.memory_space<hbm>>
      %dma_wait3A_187 = tpu.memref_squeeze %dma_wait3A_186 : memref<1x1x64xf32, #tpu.memory_space<hbm>> -> memref<1x64xf32, #tpu.memory_space<hbm>>
      tpu.wait_dma2 semaphore(%arg12 : memref<!tpu.dma_semaphore, #tpu.memory_space<semaphore_mem>>) src(%dma_wait3A_187 : memref<1x64xf32, #tpu.memory_space<hbm>>) dst(%dma_wait3A_183 : memref<1x64xf32, #tpu.memory_space<vmem>>)
      %dma_wait3A_188 = arith.constant 0 : i32
      %dma_wait3A_189 = arith.constant 0 : i32
      %dma_wait3A_190 = arith.constant 0 : i32
      %dma_wait3A_191 = arith.constant 0 : i32
      %dma_wait3A_192 = tpu.memref_slice %arg9[%dma_wait3A_189, %dma_wait3A_190, %dma_wait3A_191] : memref<256x1x64xf32, #tpu.memory_space<vmem>> -> memref<1x1x64xf32, #tpu.memory_space<vmem>>
      %dma_wait3A_193 = tpu.memref_squeeze %dma_wait3A_192 : memref<1x1x64xf32, #tpu.memory_space<vmem>> -> memref<1x64xf32, #tpu.memory_space<vmem>>
      %dma_wait3A_194 = arith.constant 0 : i32
      %dma_wait3A_195 = arith.constant 0 : i32
      %dma_wait3A_196 = tpu.memref_slice %arg4[%dma_wait3A_188, %dma_wait3A_194, %dma_wait3A_195] : memref<125000x8x64xf32, #tpu.memory_space<hbm>> -> memref<1x1x64xf32, #tpu.memory_space<hbm>>
      %dma_wait3A_197 = tpu.memref_squeeze %dma_wait3A_196 : memref<1x1x64xf32, #tpu.memory_space<hbm>> -> memref<1x64xf32, #tpu.memory_space<hbm>>
      %dma_wait3A_198 = arith.constant 0 : i32
      %dma_wait3A_199 = arith.constant 0 : i32
      %dma_wait3A_200 = tpu.memref_slice %arg9[%dma_wait3A_189, %dma_wait3A_198, %dma_wait3A_199] : memref<256x1x64xf32, #tpu.memory_space<vmem>> -> memref<1x1x64xf32, #tpu.memory_space<vmem>>
      %dma_wait3A_201 = tpu.memref_squeeze %dma_wait3A_200 : memref<1x1x64xf32, #tpu.memory_space<vmem>> -> memref<1x64xf32, #tpu.memory_space<vmem>>
      %dma_wait3A_202 = arith.constant 0 : i32
      %dma_wait3A_203 = arith.constant 0 : i32
      %dma_wait3A_204 = tpu.memref_slice %arg4[%dma_wait3A_188, %dma_wait3A_202, %dma_wait3A_203] : memref<125000x8x64xf32, #tpu.memory_space<hbm>> -> memref<1x1x64xf32, #tpu.memory_space<hbm>>
      %dma_wait3A_205 = tpu.memref_squeeze %dma_wait3A_204 : memref<1x1x64xf32, #tpu.memory_space<hbm>> -> memref<1x64xf32, #tpu.memory_space<hbm>>
      tpu.wait_dma2 semaphore(%arg12 : memref<!tpu.dma_semaphore, #tpu.memory_space<semaphore_mem>>) src(%dma_wait3A_205 : memref<1x64xf32, #tpu.memory_space<hbm>>) dst(%dma_wait3A_201 : memref<1x64xf32, #tpu.memory_space<vmem>>)
      %dma_wait3A_206 = arith.constant 0 : i32
      %dma_wait3A_207 = arith.constant 0 : i32
      %dma_wait3A_208 = arith.constant 0 : i32
      %dma_wait3A_209 = arith.constant 0 : i32
      %dma_wait3A_210 = tpu.memref_slice %arg9[%dma_wait3A_207, %dma_wait3A_208, %dma_wait3A_209] : memref<256x1x64xf32, #tpu.memory_space<vmem>> -> memref<1x1x64xf32, #tpu.memory_space<vmem>>
      %dma_wait3A_211 = tpu.memref_squeeze %dma_wait3A_210 : memref<1x1x64xf32, #tpu.memory_space<vmem>> -> memref<1x64xf32, #tpu.memory_space<vmem>>
      %dma_wait3A_212 = arith.constant 0 : i32
      %dma_wait3A_213 = arith.constant 0 : i32
      %dma_wait3A_214 = tpu.memref_slice %arg4[%dma_wait3A_206, %dma_wait3A_212, %dma_wait3A_213] : memref<125000x8x64xf32, #tpu.memory_space<hbm>> -> memref<1x1x64xf32, #tpu.memory_space<hbm>>
      %dma_wait3A_215 = tpu.memref_squeeze %dma_wait3A_214 : memref<1x1x64xf32, #tpu.memory_space<hbm>> -> memref<1x64xf32, #tpu.memory_space<hbm>>
      %dma_wait3A_216 = arith.constant 0 : i32
      %dma_wait3A_217 = arith.constant 0 : i32
      %dma_wait3A_218 = tpu.memref_slice %arg9[%dma_wait3A_207, %dma_wait3A_216, %dma_wait3A_217] : memref<256x1x64xf32, #tpu.memory_space<vmem>> -> memref<1x1x64xf32, #tpu.memory_space<vmem>>
      %dma_wait3A_219 = tpu.memref_squeeze %dma_wait3A_218 : memref<1x1x64xf32, #tpu.memory_space<vmem>> -> memref<1x64xf32, #tpu.memory_space<vmem>>
      %dma_wait3A_220 = arith.constant 0 : i32
      %dma_wait3A_221 = arith.constant 0 : i32
      %dma_wait3A_222 = tpu.memref_slice %arg4[%dma_wait3A_206, %dma_wait3A_220, %dma_wait3A_221] : memref<125000x8x64xf32, #tpu.memory_space<hbm>> -> memref<1x1x64xf32, #tpu.memory_space<hbm>>
      %dma_wait3A_223 = tpu.memref_squeeze %dma_wait3A_222 : memref<1x1x64xf32, #tpu.memory_space<hbm>> -> memref<1x64xf32, #tpu.memory_space<hbm>>
      tpu.wait_dma2 semaphore(%arg12 : memref<!tpu.dma_semaphore, #tpu.memory_space<semaphore_mem>>) src(%dma_wait3A_223 : memref<1x64xf32, #tpu.memory_space<hbm>>) dst(%dma_wait3A_219 : memref<1x64xf32, #tpu.memory_space<vmem>>)
      %dma_wait3A_224 = arith.constant 0 : i32
      %dma_wait3A_225 = arith.constant 0 : i32
      %dma_wait3A_226 = arith.constant 0 : i32
      %dma_wait3A_227 = arith.constant 0 : i32
      %dma_wait3A_228 = tpu.memref_slice %arg9[%dma_wait3A_225, %dma_wait3A_226, %dma_wait3A_227] : memref<256x1x64xf32, #tpu.memory_space<vmem>> -> memref<1x1x64xf32, #tpu.memory_space<vmem>>
      %dma_wait3A_229 = tpu.memref_squeeze %dma_wait3A_228 : memref<1x1x64xf32, #tpu.memory_space<vmem>> -> memref<1x64xf32, #tpu.memory_space<vmem>>
      %dma_wait3A_230 = arith.constant 0 : i32
      %dma_wait3A_231 = arith.constant 0 : i32
      %dma_wait3A_232 = tpu.memref_slice %arg4[%dma_wait3A_224, %dma_wait3A_230, %dma_wait3A_231] : memref<125000x8x64xf32, #tpu.memory_space<hbm>> -> memref<1x1x64xf32, #tpu.memory_space<hbm>>
      %dma_wait3A_233 = tpu.memref_squeeze %dma_wait3A_232 : memref<1x1x64xf32, #tpu.memory_space<hbm>> -> memref<1x64xf32, #tpu.memory_space<hbm>>
      %dma_wait3A_234 = arith.constant 0 : i32
      %dma_wait3A_235 = arith.constant 0 : i32
      %dma_wait3A_236 = tpu.memref_slice %arg9[%dma_wait3A_225, %dma_wait3A_234, %dma_wait3A_235] : memref<256x1x64xf32, #tpu.memory_space<vmem>> -> memref<1x1x64xf32, #tpu.memory_space<vmem>>
      %dma_wait3A_237 = tpu.memref_squeeze %dma_wait3A_236 : memref<1x1x64xf32, #tpu.memory_space<vmem>> -> memref<1x64xf32, #tpu.memory_space<vmem>>
      %dma_wait3A_238 = arith.constant 0 : i32
      %dma_wait3A_239 = arith.constant 0 : i32
      %dma_wait3A_240 = tpu.memref_slice %arg4[%dma_wait3A_224, %dma_wait3A_238, %dma_wait3A_239] : memref<125000x8x64xf32, #tpu.memory_space<hbm>> -> memref<1x1x64xf32, #tpu.memory_space<hbm>>
      %dma_wait3A_241 = tpu.memref_squeeze %dma_wait3A_240 : memref<1x1x64xf32, #tpu.memory_space<hbm>> -> memref<1x64xf32, #tpu.memory_space<hbm>>
      tpu.wait_dma2 semaphore(%arg12 : memref<!tpu.dma_semaphore, #tpu.memory_space<semaphore_mem>>) src(%dma_wait3A_241 : memref<1x64xf32, #tpu.memory_space<hbm>>) dst(%dma_wait3A_237 : memref<1x64xf32, #tpu.memory_space<vmem>>)
      %dma_wait3A_242 = arith.constant 0 : i32
      %dma_wait3A_243 = arith.constant 0 : i32
      %dma_wait3A_244 = arith.constant 0 : i32
      %dma_wait3A_245 = arith.constant 0 : i32
      %dma_wait3A_246 = tpu.memref_slice %arg9[%dma_wait3A_243, %dma_wait3A_244, %dma_wait3A_245] : memref<256x1x64xf32, #tpu.memory_space<vmem>> -> memref<1x1x64xf32, #tpu.memory_space<vmem>>
      %dma_wait3A_247 = tpu.memref_squeeze %dma_wait3A_246 : memref<1x1x64xf32, #tpu.memory_space<vmem>> -> memref<1x64xf32, #tpu.memory_space<vmem>>
      %dma_wait3A_248 = arith.constant 0 : i32
      %dma_wait3A_249 = arith.constant 0 : i32
      %dma_wait3A_250 = tpu.memref_slice %arg4[%dma_wait3A_242, %dma_wait3A_248, %dma_wait3A_249] : memref<125000x8x64xf32, #tpu.memory_space<hbm>> -> memref<1x1x64xf32, #tpu.memory_space<hbm>>
      %dma_wait3A_251 = tpu.memref_squeeze %dma_wait3A_250 : memref<1x1x64xf32, #tpu.memory_space<hbm>> -> memref<1x64xf32, #tpu.memory_space<hbm>>
      %dma_wait3A_252 = arith.constant 0 : i32
      %dma_wait3A_253 = arith.constant 0 : i32
      %dma_wait3A_254 = tpu.memref_slice %arg9[%dma_wait3A_243, %dma_wait3A_252, %dma_wait3A_253] : memref<256x1x64xf32, #tpu.memory_space<vmem>> -> memref<1x1x64xf32, #tpu.memory_space<vmem>>
      %dma_wait3A_255 = tpu.memref_squeeze %dma_wait3A_254 : memref<1x1x64xf32, #tpu.memory_space<vmem>> -> memref<1x64xf32, #tpu.memory_space<vmem>>
      %dma_wait3A_256 = arith.constant 0 : i32
      %dma_wait3A_257 = arith.constant 0 : i32
      %dma_wait3A_258 = tpu.memref_slice %arg4[%dma_wait3A_242, %dma_wait3A_256, %dma_wait3A_257] : memref<125000x8x64xf32, #tpu.memory_space<hbm>> -> memref<1x1x64xf32, #tpu.memory_space<hbm>>
      %dma_wait3A_259 = tpu.memref_squeeze %dma_wait3A_258 : memref<1x1x64xf32, #tpu.memory_space<hbm>> -> memref<1x64xf32, #tpu.memory_space<hbm>>
      tpu.wait_dma2 semaphore(%arg12 : memref<!tpu.dma_semaphore, #tpu.memory_space<semaphore_mem>>) src(%dma_wait3A_259 : memref<1x64xf32, #tpu.memory_space<hbm>>) dst(%dma_wait3A_255 : memref<1x64xf32, #tpu.memory_space<vmem>>)
      %dma_wait3A_260 = arith.constant 0 : i32
      %dma_wait3A_261 = arith.constant 0 : i32
      %dma_wait3A_262 = arith.constant 0 : i32
      %dma_wait3A_263 = arith.constant 0 : i32
      %dma_wait3A_264 = tpu.memref_slice %arg9[%dma_wait3A_261, %dma_wait3A_262, %dma_wait3A_263] : memref<256x1x64xf32, #tpu.memory_space<vmem>> -> memref<1x1x64xf32, #tpu.memory_space<vmem>>
      %dma_wait3A_265 = tpu.memref_squeeze %dma_wait3A_264 : memref<1x1x64xf32, #tpu.memory_space<vmem>> -> memref<1x64xf32, #tpu.memory_space<vmem>>
      %dma_wait3A_266 = arith.constant 0 : i32
      %dma_wait3A_267 = arith.constant 0 : i32
      %dma_wait3A_268 = tpu.memref_slice %arg4[%dma_wait3A_260, %dma_wait3A_266, %dma_wait3A_267] : memref<125000x8x64xf32, #tpu.memory_space<hbm>> -> memref<1x1x64xf32, #tpu.memory_space<hbm>>
      %dma_wait3A_269 = tpu.memref_squeeze %dma_wait3A_268 : memref<1x1x64xf32, #tpu.memory_space<hbm>> -> memref<1x64xf32, #tpu.memory_space<hbm>>
      %dma_wait3A_270 = arith.constant 0 : i32
      %dma_wait3A_271 = arith.constant 0 : i32
      %dma_wait3A_272 = tpu.memref_slice %arg9[%dma_wait3A_261, %dma_wait3A_270, %dma_wait3A_271] : memref<256x1x64xf32, #tpu.memory_space<vmem>> -> memref<1x1x64xf32, #tpu.memory_space<vmem>>
      %dma_wait3A_273 = tpu.memref_squeeze %dma_wait3A_272 : memref<1x1x64xf32, #tpu.memory_space<vmem>> -> memref<1x64xf32, #tpu.memory_space<vmem>>
      %dma_wait3A_274 = arith.constant 0 : i32
      %dma_wait3A_275 = arith.constant 0 : i32
      %dma_wait3A_276 = tpu.memref_slice %arg4[%dma_wait3A_260, %dma_wait3A_274, %dma_wait3A_275] : memref<125000x8x64xf32, #tpu.memory_space<hbm>> -> memref<1x1x64xf32, #tpu.memory_space<hbm>>
      %dma_wait3A_277 = tpu.memref_squeeze %dma_wait3A_276 : memref<1x1x64xf32, #tpu.memory_space<hbm>> -> memref<1x64xf32, #tpu.memory_space<hbm>>
      tpu.wait_dma2 semaphore(%arg12 : memref<!tpu.dma_semaphore, #tpu.memory_space<semaphore_mem>>) src(%dma_wait3A_277 : memref<1x64xf32, #tpu.memory_space<hbm>>) dst(%dma_wait3A_273 : memref<1x64xf32, #tpu.memory_space<vmem>>)
      %dma_wait3A_278 = arith.constant 0 : i32
      %dma_wait3A_279 = arith.constant 0 : i32
      %dma_wait3A_280 = arith.constant 0 : i32
      %dma_wait3A_281 = arith.constant 0 : i32
      %dma_wait3A_282 = tpu.memref_slice %arg9[%dma_wait3A_279, %dma_wait3A_280, %dma_wait3A_281] : memref<256x1x64xf32, #tpu.memory_space<vmem>> -> memref<1x1x64xf32, #tpu.memory_space<vmem>>
      %dma_wait3A_283 = tpu.memref_squeeze %dma_wait3A_282 : memref<1x1x64xf32, #tpu.memory_space<vmem>> -> memref<1x64xf32, #tpu.memory_space<vmem>>
      %dma_wait3A_284 = arith.constant 0 : i32
      %dma_wait3A_285 = arith.constant 0 : i32
      %dma_wait3A_286 = tpu.memref_slice %arg4[%dma_wait3A_278, %dma_wait3A_284, %dma_wait3A_285] : memref<125000x8x64xf32, #tpu.memory_space<hbm>> -> memref<1x1x64xf32, #tpu.memory_space<hbm>>
      %dma_wait3A_287 = tpu.memref_squeeze %dma_wait3A_286 : memref<1x1x64xf32, #tpu.memory_space<hbm>> -> memref<1x64xf32, #tpu.memory_space<hbm>>
      %dma_wait3A_288 = arith.constant 0 : i32
      %dma_wait3A_289 = arith.constant 0 : i32
      %dma_wait3A_290 = tpu.memref_slice %arg9[%dma_wait3A_279, %dma_wait3A_288, %dma_wait3A_289] : memref<256x1x64xf32, #tpu.memory_space<vmem>> -> memref<1x1x64xf32, #tpu.memory_space<vmem>>
      %dma_wait3A_291 = tpu.memref_squeeze %dma_wait3A_290 : memref<1x1x64xf32, #tpu.memory_space<vmem>> -> memref<1x64xf32, #tpu.memory_space<vmem>>
      %dma_wait3A_292 = arith.constant 0 : i32
      %dma_wait3A_293 = arith.constant 0 : i32
      %dma_wait3A_294 = tpu.memref_slice %arg4[%dma_wait3A_278, %dma_wait3A_292, %dma_wait3A_293] : memref<125000x8x64xf32, #tpu.memory_space<hbm>> -> memref<1x1x64xf32, #tpu.memory_space<hbm>>
      %dma_wait3A_295 = tpu.memref_squeeze %dma_wait3A_294 : memref<1x1x64xf32, #tpu.memory_space<hbm>> -> memref<1x64xf32, #tpu.memory_space<hbm>>
      tpu.wait_dma2 semaphore(%arg12 : memref<!tpu.dma_semaphore, #tpu.memory_space<semaphore_mem>>) src(%dma_wait3A_295 : memref<1x64xf32, #tpu.memory_space<hbm>>) dst(%dma_wait3A_291 : memref<1x64xf32, #tpu.memory_space<vmem>>)
      %dma_wait3A_296 = arith.constant 0 : i32
      %dma_wait3A_297 = arith.constant 0 : i32
      %dma_wait3A_298 = arith.constant 0 : i32
      %dma_wait3A_299 = arith.constant 0 : i32
      %dma_wait3A_300 = tpu.memref_slice %arg9[%dma_wait3A_297, %dma_wait3A_298, %dma_wait3A_299] : memref<256x1x64xf32, #tpu.memory_space<vmem>> -> memref<1x1x64xf32, #tpu.memory_space<vmem>>
      %dma_wait3A_301 = tpu.memref_squeeze %dma_wait3A_300 : memref<1x1x64xf32, #tpu.memory_space<vmem>> -> memref<1x64xf32, #tpu.memory_space<vmem>>
      %dma_wait3A_302 = arith.constant 0 : i32
      %dma_wait3A_303 = arith.constant 0 : i32
      %dma_wait3A_304 = tpu.memref_slice %arg4[%dma_wait3A_296, %dma_wait3A_302, %dma_wait3A_303] : memref<125000x8x64xf32, #tpu.memory_space<hbm>> -> memref<1x1x64xf32, #tpu.memory_space<hbm>>
      %dma_wait3A_305 = tpu.memref_squeeze %dma_wait3A_304 : memref<1x1x64xf32, #tpu.memory_space<hbm>> -> memref<1x64xf32, #tpu.memory_space<hbm>>
      %dma_wait3A_306 = arith.constant 0 : i32
      %dma_wait3A_307 = arith.constant 0 : i32
      %dma_wait3A_308 = tpu.memref_slice %arg9[%dma_wait3A_297, %dma_wait3A_306, %dma_wait3A_307] : memref<256x1x64xf32, #tpu.memory_space<vmem>> -> memref<1x1x64xf32, #tpu.memory_space<vmem>>
      %dma_wait3A_309 = tpu.memref_squeeze %dma_wait3A_308 : memref<1x1x64xf32, #tpu.memory_space<vmem>> -> memref<1x64xf32, #tpu.memory_space<vmem>>
      %dma_wait3A_310 = arith.constant 0 : i32
      %dma_wait3A_311 = arith.constant 0 : i32
      %dma_wait3A_312 = tpu.memref_slice %arg4[%dma_wait3A_296, %dma_wait3A_310, %dma_wait3A_311] : memref<125000x8x64xf32, #tpu.memory_space<hbm>> -> memref<1x1x64xf32, #tpu.memory_space<hbm>>
      %dma_wait3A_313 = tpu.memref_squeeze %dma_wait3A_312 : memref<1x1x64xf32, #tpu.memory_space<hbm>> -> memref<1x64xf32, #tpu.memory_space<hbm>>
      tpu.wait_dma2 semaphore(%arg12 : memref<!tpu.dma_semaphore, #tpu.memory_space<semaphore_mem>>) src(%dma_wait3A_313 : memref<1x64xf32, #tpu.memory_space<hbm>>) dst(%dma_wait3A_309 : memref<1x64xf32, #tpu.memory_space<vmem>>)
      %dma_wait3A_314 = arith.constant 0 : i32
      %dma_wait3A_315 = arith.constant 0 : i32
      %dma_wait3A_316 = arith.constant 0 : i32
      %dma_wait3A_317 = arith.constant 0 : i32
      %dma_wait3A_318 = tpu.memref_slice %arg9[%dma_wait3A_315, %dma_wait3A_316, %dma_wait3A_317] : memref<256x1x64xf32, #tpu.memory_space<vmem>> -> memref<1x1x64xf32, #tpu.memory_space<vmem>>
      %dma_wait3A_319 = tpu.memref_squeeze %dma_wait3A_318 : memref<1x1x64xf32, #tpu.memory_space<vmem>> -> memref<1x64xf32, #tpu.memory_space<vmem>>
      %dma_wait3A_320 = arith.constant 0 : i32
      %dma_wait3A_321 = arith.constant 0 : i32
      %dma_wait3A_322 = tpu.memref_slice %arg4[%dma_wait3A_314, %dma_wait3A_320, %dma_wait3A_321] : memref<125000x8x64xf32, #tpu.memory_space<hbm>> -> memref<1x1x64xf32, #tpu.memory_space<hbm>>
      %dma_wait3A_323 = tpu.memref_squeeze %dma_wait3A_322 : memref<1x1x64xf32, #tpu.memory_space<hbm>> -> memref<1x64xf32, #tpu.memory_space<hbm>>
      %dma_wait3A_324 = arith.constant 0 : i32
      %dma_wait3A_325 = arith.constant 0 : i32
      %dma_wait3A_326 = tpu.memref_slice %arg9[%dma_wait3A_315, %dma_wait3A_324, %dma_wait3A_325] : memref<256x1x64xf32, #tpu.memory_space<vmem>> -> memref<1x1x64xf32, #tpu.memory_space<vmem>>
      %dma_wait3A_327 = tpu.memref_squeeze %dma_wait3A_326 : memref<1x1x64xf32, #tpu.memory_space<vmem>> -> memref<1x64xf32, #tpu.memory_space<vmem>>
      %dma_wait3A_328 = arith.constant 0 : i32
      %dma_wait3A_329 = arith.constant 0 : i32
      %dma_wait3A_330 = tpu.memref_slice %arg4[%dma_wait3A_314, %dma_wait3A_328, %dma_wait3A_329] : memref<125000x8x64xf32, #tpu.memory_space<hbm>> -> memref<1x1x64xf32, #tpu.memory_space<hbm>>
      %dma_wait3A_331 = tpu.memref_squeeze %dma_wait3A_330 : memref<1x1x64xf32, #tpu.memory_space<hbm>> -> memref<1x64xf32, #tpu.memory_space<hbm>>
      tpu.wait_dma2 semaphore(%arg12 : memref<!tpu.dma_semaphore, #tpu.memory_space<semaphore_mem>>) src(%dma_wait3A_331 : memref<1x64xf32, #tpu.memory_space<hbm>>) dst(%dma_wait3A_327 : memref<1x64xf32, #tpu.memory_space<vmem>>)
      %dma_wait3A_332 = arith.constant 0 : i32
      %dma_wait3A_333 = arith.constant 0 : i32
      %dma_wait3A_334 = arith.constant 0 : i32
      %dma_wait3A_335 = arith.constant 0 : i32
      %dma_wait3A_336 = tpu.memref_slice %arg9[%dma_wait3A_333, %dma_wait3A_334, %dma_wait3A_335] : memref<256x1x64xf32, #tpu.memory_space<vmem>> -> memref<1x1x64xf32, #tpu.memory_space<vmem>>
      %dma_wait3A_337 = tpu.memref_squeeze %dma_wait3A_336 : memref<1x1x64xf32, #tpu.memory_space<vmem>> -> memref<1x64xf32, #tpu.memory_space<vmem>>
      %dma_wait3A_338 = arith.constant 0 : i32
      %dma_wait3A_339 = arith.constant 0 : i32
      %dma_wait3A_340 = tpu.memref_slice %arg4[%dma_wait3A_332, %dma_wait3A_338, %dma_wait3A_339] : memref<125000x8x64xf32, #tpu.memory_space<hbm>> -> memref<1x1x64xf32, #tpu.memory_space<hbm>>
      %dma_wait3A_341 = tpu.memref_squeeze %dma_wait3A_340 : memref<1x1x64xf32, #tpu.memory_space<hbm>> -> memref<1x64xf32, #tpu.memory_space<hbm>>
      %dma_wait3A_342 = arith.constant 0 : i32
      %dma_wait3A_343 = arith.constant 0 : i32
      %dma_wait3A_344 = tpu.memref_slice %arg9[%dma_wait3A_333, %dma_wait3A_342, %dma_wait3A_343] : memref<256x1x64xf32, #tpu.memory_space<vmem>> -> memref<1x1x64xf32, #tpu.memory_space<vmem>>
      %dma_wait3A_345 = tpu.memref_squeeze %dma_wait3A_344 : memref<1x1x64xf32, #tpu.memory_space<vmem>> -> memref<1x64xf32, #tpu.memory_space<vmem>>
      %dma_wait3A_346 = arith.constant 0 : i32
      %dma_wait3A_347 = arith.constant 0 : i32
      %dma_wait3A_348 = tpu.memref_slice %arg4[%dma_wait3A_332, %dma_wait3A_346, %dma_wait3A_347] : memref<125000x8x64xf32, #tpu.memory_space<hbm>> -> memref<1x1x64xf32, #tpu.memory_space<hbm>>
      %dma_wait3A_349 = tpu.memref_squeeze %dma_wait3A_348 : memref<1x1x64xf32, #tpu.memory_space<hbm>> -> memref<1x64xf32, #tpu.memory_space<hbm>>
      tpu.wait_dma2 semaphore(%arg12 : memref<!tpu.dma_semaphore, #tpu.memory_space<semaphore_mem>>) src(%dma_wait3A_349 : memref<1x64xf32, #tpu.memory_space<hbm>>) dst(%dma_wait3A_345 : memref<1x64xf32, #tpu.memory_space<vmem>>)
      %dma_wait3A_350 = arith.constant 0 : i32
      %dma_wait3A_351 = arith.constant 0 : i32
      %dma_wait3A_352 = arith.constant 0 : i32
      %dma_wait3A_353 = arith.constant 0 : i32
      %dma_wait3A_354 = tpu.memref_slice %arg9[%dma_wait3A_351, %dma_wait3A_352, %dma_wait3A_353] : memref<256x1x64xf32, #tpu.memory_space<vmem>> -> memref<1x1x64xf32, #tpu.memory_space<vmem>>
      %dma_wait3A_355 = tpu.memref_squeeze %dma_wait3A_354 : memref<1x1x64xf32, #tpu.memory_space<vmem>> -> memref<1x64xf32, #tpu.memory_space<vmem>>
      %dma_wait3A_356 = arith.constant 0 : i32
      %dma_wait3A_357 = arith.constant 0 : i32
      %dma_wait3A_358 = tpu.memref_slice %arg4[%dma_wait3A_350, %dma_wait3A_356, %dma_wait3A_357] : memref<125000x8x64xf32, #tpu.memory_space<hbm>> -> memref<1x1x64xf32, #tpu.memory_space<hbm>>
      %dma_wait3A_359 = tpu.memref_squeeze %dma_wait3A_358 : memref<1x1x64xf32, #tpu.memory_space<hbm>> -> memref<1x64xf32, #tpu.memory_space<hbm>>
      %dma_wait3A_360 = arith.constant 0 : i32
      %dma_wait3A_361 = arith.constant 0 : i32
      %dma_wait3A_362 = tpu.memref_slice %arg9[%dma_wait3A_351, %dma_wait3A_360, %dma_wait3A_361] : memref<256x1x64xf32, #tpu.memory_space<vmem>> -> memref<1x1x64xf32, #tpu.memory_space<vmem>>
      %dma_wait3A_363 = tpu.memref_squeeze %dma_wait3A_362 : memref<1x1x64xf32, #tpu.memory_space<vmem>> -> memref<1x64xf32, #tpu.memory_space<vmem>>
      %dma_wait3A_364 = arith.constant 0 : i32
      %dma_wait3A_365 = arith.constant 0 : i32
      %dma_wait3A_366 = tpu.memref_slice %arg4[%dma_wait3A_350, %dma_wait3A_364, %dma_wait3A_365] : memref<125000x8x64xf32, #tpu.memory_space<hbm>> -> memref<1x1x64xf32, #tpu.memory_space<hbm>>
      %dma_wait3A_367 = tpu.memref_squeeze %dma_wait3A_366 : memref<1x1x64xf32, #tpu.memory_space<hbm>> -> memref<1x64xf32, #tpu.memory_space<hbm>>
      tpu.wait_dma2 semaphore(%arg12 : memref<!tpu.dma_semaphore, #tpu.memory_space<semaphore_mem>>) src(%dma_wait3A_367 : memref<1x64xf32, #tpu.memory_space<hbm>>) dst(%dma_wait3A_363 : memref<1x64xf32, #tpu.memory_space<vmem>>)
      %dma_wait3A_368 = arith.constant 0 : i32
      %dma_wait3A_369 = arith.constant 0 : i32
      %dma_wait3A_370 = arith.constant 0 : i32
      %dma_wait3A_371 = arith.constant 0 : i32
      %dma_wait3A_372 = tpu.memref_slice %arg9[%dma_wait3A_369, %dma_wait3A_370, %dma_wait3A_371] : memref<256x1x64xf32, #tpu.memory_space<vmem>> -> memref<1x1x64xf32, #tpu.memory_space<vmem>>
      %dma_wait3A_373 = tpu.memref_squeeze %dma_wait3A_372 : memref<1x1x64xf32, #tpu.memory_space<vmem>> -> memref<1x64xf32, #tpu.memory_space<vmem>>
      %dma_wait3A_374 = arith.constant 0 : i32
      %dma_wait3A_375 = arith.constant 0 : i32
      %dma_wait3A_376 = tpu.memref_slice %arg4[%dma_wait3A_368, %dma_wait3A_374, %dma_wait3A_375] : memref<125000x8x64xf32, #tpu.memory_space<hbm>> -> memref<1x1x64xf32, #tpu.memory_space<hbm>>
      %dma_wait3A_377 = tpu.memref_squeeze %dma_wait3A_376 : memref<1x1x64xf32, #tpu.memory_space<hbm>> -> memref<1x64xf32, #tpu.memory_space<hbm>>
      %dma_wait3A_378 = arith.constant 0 : i32
      %dma_wait3A_379 = arith.constant 0 : i32
      %dma_wait3A_380 = tpu.memref_slice %arg9[%dma_wait3A_369, %dma_wait3A_378, %dma_wait3A_379] : memref<256x1x64xf32, #tpu.memory_space<vmem>> -> memref<1x1x64xf32, #tpu.memory_space<vmem>>
      %dma_wait3A_381 = tpu.memref_squeeze %dma_wait3A_380 : memref<1x1x64xf32, #tpu.memory_space<vmem>> -> memref<1x64xf32, #tpu.memory_space<vmem>>
      %dma_wait3A_382 = arith.constant 0 : i32
      %dma_wait3A_383 = arith.constant 0 : i32
      %dma_wait3A_384 = tpu.memref_slice %arg4[%dma_wait3A_368, %dma_wait3A_382, %dma_wait3A_383] : memref<125000x8x64xf32, #tpu.memory_space<hbm>> -> memref<1x1x64xf32, #tpu.memory_space<hbm>>
      %dma_wait3A_385 = tpu.memref_squeeze %dma_wait3A_384 : memref<1x1x64xf32, #tpu.memory_space<hbm>> -> memref<1x64xf32, #tpu.memory_space<hbm>>
      tpu.wait_dma2 semaphore(%arg12 : memref<!tpu.dma_semaphore, #tpu.memory_space<semaphore_mem>>) src(%dma_wait3A_385 : memref<1x64xf32, #tpu.memory_space<hbm>>) dst(%dma_wait3A_381 : memref<1x64xf32, #tpu.memory_space<vmem>>)
      %dma_wait3A_386 = arith.constant 0 : i32
      %dma_wait3A_387 = arith.constant 0 : i32
      %dma_wait3A_388 = arith.constant 0 : i32
      %dma_wait3A_389 = arith.constant 0 : i32
      %dma_wait3A_390 = tpu.memref_slice %arg9[%dma_wait3A_387, %dma_wait3A_388, %dma_wait3A_389] : memref<256x1x64xf32, #tpu.memory_space<vmem>> -> memref<1x1x64xf32, #tpu.memory_space<vmem>>
      %dma_wait3A_391 = tpu.memref_squeeze %dma_wait3A_390 : memref<1x1x64xf32, #tpu.memory_space<vmem>> -> memref<1x64xf32, #tpu.memory_space<vmem>>
      %dma_wait3A_392 = arith.constant 0 : i32
      %dma_wait3A_393 = arith.constant 0 : i32
      %dma_wait3A_394 = tpu.memref_slice %arg4[%dma_wait3A_386, %dma_wait3A_392, %dma_wait3A_393] : memref<125000x8x64xf32, #tpu.memory_space<hbm>> -> memref<1x1x64xf32, #tpu.memory_space<hbm>>
      %dma_wait3A_395 = tpu.memref_squeeze %dma_wait3A_394 : memref<1x1x64xf32, #tpu.memory_space<hbm>> -> memref<1x64xf32, #tpu.memory_space<hbm>>
      %dma_wait3A_396 = arith.constant 0 : i32
      %dma_wait3A_397 = arith.constant 0 : i32
      %dma_wait3A_398 = tpu.memref_slice %arg9[%dma_wait3A_387, %dma_wait3A_396, %dma_wait3A_397] : memref<256x1x64xf32, #tpu.memory_space<vmem>> -> memref<1x1x64xf32, #tpu.memory_space<vmem>>
      %dma_wait3A_399 = tpu.memref_squeeze %dma_wait3A_398 : memref<1x1x64xf32, #tpu.memory_space<vmem>> -> memref<1x64xf32, #tpu.memory_space<vmem>>
      %dma_wait3A_400 = arith.constant 0 : i32
      %dma_wait3A_401 = arith.constant 0 : i32
      %dma_wait3A_402 = tpu.memref_slice %arg4[%dma_wait3A_386, %dma_wait3A_400, %dma_wait3A_401] : memref<125000x8x64xf32, #tpu.memory_space<hbm>> -> memref<1x1x64xf32, #tpu.memory_space<hbm>>
      %dma_wait3A_403 = tpu.memref_squeeze %dma_wait3A_402 : memref<1x1x64xf32, #tpu.memory_space<hbm>> -> memref<1x64xf32, #tpu.memory_space<hbm>>
      tpu.wait_dma2 semaphore(%arg12 : memref<!tpu.dma_semaphore, #tpu.memory_space<semaphore_mem>>) src(%dma_wait3A_403 : memref<1x64xf32, #tpu.memory_space<hbm>>) dst(%dma_wait3A_399 : memref<1x64xf32, #tpu.memory_space<vmem>>)
      %dma_wait3A_404 = arith.constant 0 : i32
      %dma_wait3A_405 = arith.constant 0 : i32
      %dma_wait3A_406 = arith.constant 0 : i32
      %dma_wait3A_407 = arith.constant 0 : i32
      %dma_wait3A_408 = tpu.memref_slice %arg9[%dma_wait3A_405, %dma_wait3A_406, %dma_wait3A_407] : memref<256x1x64xf32, #tpu.memory_space<vmem>> -> memref<1x1x64xf32, #tpu.memory_space<vmem>>
      %dma_wait3A_409 = tpu.memref_squeeze %dma_wait3A_408 : memref<1x1x64xf32, #tpu.memory_space<vmem>> -> memref<1x64xf32, #tpu.memory_space<vmem>>
      %dma_wait3A_410 = arith.constant 0 : i32
      %dma_wait3A_411 = arith.constant 0 : i32
      %dma_wait3A_412 = tpu.memref_slice %arg4[%dma_wait3A_404, %dma_wait3A_410, %dma_wait3A_411] : memref<125000x8x64xf32, #tpu.memory_space<hbm>> -> memref<1x1x64xf32, #tpu.memory_space<hbm>>
      %dma_wait3A_413 = tpu.memref_squeeze %dma_wait3A_412 : memref<1x1x64xf32, #tpu.memory_space<hbm>> -> memref<1x64xf32, #tpu.memory_space<hbm>>
      %dma_wait3A_414 = arith.constant 0 : i32
      %dma_wait3A_415 = arith.constant 0 : i32
      %dma_wait3A_416 = tpu.memref_slice %arg9[%dma_wait3A_405, %dma_wait3A_414, %dma_wait3A_415] : memref<256x1x64xf32, #tpu.memory_space<vmem>> -> memref<1x1x64xf32, #tpu.memory_space<vmem>>
      %dma_wait3A_417 = tpu.memref_squeeze %dma_wait3A_416 : memref<1x1x64xf32, #tpu.memory_space<vmem>> -> memref<1x64xf32, #tpu.memory_space<vmem>>
      %dma_wait3A_418 = arith.constant 0 : i32
      %dma_wait3A_419 = arith.constant 0 : i32
      %dma_wait3A_420 = tpu.memref_slice %arg4[%dma_wait3A_404, %dma_wait3A_418, %dma_wait3A_419] : memref<125000x8x64xf32, #tpu.memory_space<hbm>> -> memref<1x1x64xf32, #tpu.memory_space<hbm>>
      %dma_wait3A_421 = tpu.memref_squeeze %dma_wait3A_420 : memref<1x1x64xf32, #tpu.memory_space<hbm>> -> memref<1x64xf32, #tpu.memory_space<hbm>>
      tpu.wait_dma2 semaphore(%arg12 : memref<!tpu.dma_semaphore, #tpu.memory_space<semaphore_mem>>) src(%dma_wait3A_421 : memref<1x64xf32, #tpu.memory_space<hbm>>) dst(%dma_wait3A_417 : memref<1x64xf32, #tpu.memory_space<vmem>>)
      %dma_wait3A_422 = arith.constant 0 : i32
      %dma_wait3A_423 = arith.constant 0 : i32
      %dma_wait3A_424 = arith.constant 0 : i32
      %dma_wait3A_425 = arith.constant 0 : i32
      %dma_wait3A_426 = tpu.memref_slice %arg9[%dma_wait3A_423, %dma_wait3A_424, %dma_wait3A_425] : memref<256x1x64xf32, #tpu.memory_space<vmem>> -> memref<1x1x64xf32, #tpu.memory_space<vmem>>
      %dma_wait3A_427 = tpu.memref_squeeze %dma_wait3A_426 : memref<1x1x64xf32, #tpu.memory_space<vmem>> -> memref<1x64xf32, #tpu.memory_space<vmem>>
      %dma_wait3A_428 = arith.constant 0 : i32
      %dma_wait3A_429 = arith.constant 0 : i32
      %dma_wait3A_430 = tpu.memref_slice %arg4[%dma_wait3A_422, %dma_wait3A_428, %dma_wait3A_429] : memref<125000x8x64xf32, #tpu.memory_space<hbm>> -> memref<1x1x64xf32, #tpu.memory_space<hbm>>
      %dma_wait3A_431 = tpu.memref_squeeze %dma_wait3A_430 : memref<1x1x64xf32, #tpu.memory_space<hbm>> -> memref<1x64xf32, #tpu.memory_space<hbm>>
      %dma_wait3A_432 = arith.constant 0 : i32
      %dma_wait3A_433 = arith.constant 0 : i32
      %dma_wait3A_434 = tpu.memref_slice %arg9[%dma_wait3A_423, %dma_wait3A_432, %dma_wait3A_433] : memref<256x1x64xf32, #tpu.memory_space<vmem>> -> memref<1x1x64xf32, #tpu.memory_space<vmem>>
      %dma_wait3A_435 = tpu.memref_squeeze %dma_wait3A_434 : memref<1x1x64xf32, #tpu.memory_space<vmem>> -> memref<1x64xf32, #tpu.memory_space<vmem>>
      %dma_wait3A_436 = arith.constant 0 : i32
      %dma_wait3A_437 = arith.constant 0 : i32
      %dma_wait3A_438 = tpu.memref_slice %arg4[%dma_wait3A_422, %dma_wait3A_436, %dma_wait3A_437] : memref<125000x8x64xf32, #tpu.memory_space<hbm>> -> memref<1x1x64xf32, #tpu.memory_space<hbm>>
      %dma_wait3A_439 = tpu.memref_squeeze %dma_wait3A_438 : memref<1x1x64xf32, #tpu.memory_space<hbm>> -> memref<1x64xf32, #tpu.memory_space<hbm>>
      tpu.wait_dma2 semaphore(%arg12 : memref<!tpu.dma_semaphore, #tpu.memory_space<semaphore_mem>>) src(%dma_wait3A_439 : memref<1x64xf32, #tpu.memory_space<hbm>>) dst(%dma_wait3A_435 : memref<1x64xf32, #tpu.memory_space<vmem>>)
      %dma_wait3A_440 = arith.constant 0 : i32
      %dma_wait3A_441 = arith.constant 0 : i32
      %dma_wait3A_442 = arith.constant 0 : i32
      %dma_wait3A_443 = arith.constant 0 : i32
      %dma_wait3A_444 = tpu.memref_slice %arg9[%dma_wait3A_441, %dma_wait3A_442, %dma_wait3A_443] : memref<256x1x64xf32, #tpu.memory_space<vmem>> -> memref<1x1x64xf32, #tpu.memory_space<vmem>>
      %dma_wait3A_445 = tpu.memref_squeeze %dma_wait3A_444 : memref<1x1x64xf32, #tpu.memory_space<vmem>> -> memref<1x64xf32, #tpu.memory_space<vmem>>
      %dma_wait3A_446 = arith.constant 0 : i32
      %dma_wait3A_447 = arith.constant 0 : i32
      %dma_wait3A_448 = tpu.memref_slice %arg4[%dma_wait3A_440, %dma_wait3A_446, %dma_wait3A_447] : memref<125000x8x64xf32, #tpu.memory_space<hbm>> -> memref<1x1x64xf32, #tpu.memory_space<hbm>>
      %dma_wait3A_449 = tpu.memref_squeeze %dma_wait3A_448 : memref<1x1x64xf32, #tpu.memory_space<hbm>> -> memref<1x64xf32, #tpu.memory_space<hbm>>
      %dma_wait3A_450 = arith.constant 0 : i32
      %dma_wait3A_451 = arith.constant 0 : i32
      %dma_wait3A_452 = tpu.memref_slice %arg9[%dma_wait3A_441, %dma_wait3A_450, %dma_wait3A_451] : memref<256x1x64xf32, #tpu.memory_space<vmem>> -> memref<1x1x64xf32, #tpu.memory_space<vmem>>
      %dma_wait3A_453 = tpu.memref_squeeze %dma_wait3A_452 : memref<1x1x64xf32, #tpu.memory_space<vmem>> -> memref<1x64xf32, #tpu.memory_space<vmem>>
      %dma_wait3A_454 = arith.constant 0 : i32
      %dma_wait3A_455 = arith.constant 0 : i32
      %dma_wait3A_456 = tpu.memref_slice %arg4[%dma_wait3A_440, %dma_wait3A_454, %dma_wait3A_455] : memref<125000x8x64xf32, #tpu.memory_space<hbm>> -> memref<1x1x64xf32, #tpu.memory_space<hbm>>
      %dma_wait3A_457 = tpu.memref_squeeze %dma_wait3A_456 : memref<1x1x64xf32, #tpu.memory_space<hbm>> -> memref<1x64xf32, #tpu.memory_space<hbm>>
      tpu.wait_dma2 semaphore(%arg12 : memref<!tpu.dma_semaphore, #tpu.memory_space<semaphore_mem>>) src(%dma_wait3A_457 : memref<1x64xf32, #tpu.memory_space<hbm>>) dst(%dma_wait3A_453 : memref<1x64xf32, #tpu.memory_space<vmem>>)
      %dma_wait3A_458 = arith.constant 0 : i32
      %dma_wait3A_459 = arith.constant 0 : i32
      %dma_wait3A_460 = arith.constant 0 : i32
      %dma_wait3A_461 = arith.constant 0 : i32
      %dma_wait3A_462 = tpu.memref_slice %arg9[%dma_wait3A_459, %dma_wait3A_460, %dma_wait3A_461] : memref<256x1x64xf32, #tpu.memory_space<vmem>> -> memref<1x1x64xf32, #tpu.memory_space<vmem>>
      %dma_wait3A_463 = tpu.memref_squeeze %dma_wait3A_462 : memref<1x1x64xf32, #tpu.memory_space<vmem>> -> memref<1x64xf32, #tpu.memory_space<vmem>>
      %dma_wait3A_464 = arith.constant 0 : i32
      %dma_wait3A_465 = arith.constant 0 : i32
      %dma_wait3A_466 = tpu.memref_slice %arg4[%dma_wait3A_458, %dma_wait3A_464, %dma_wait3A_465] : memref<125000x8x64xf32, #tpu.memory_space<hbm>> -> memref<1x1x64xf32, #tpu.memory_space<hbm>>
      %dma_wait3A_467 = tpu.memref_squeeze %dma_wait3A_466 : memref<1x1x64xf32, #tpu.memory_space<hbm>> -> memref<1x64xf32, #tpu.memory_space<hbm>>
      %dma_wait3A_468 = arith.constant 0 : i32
      %dma_wait3A_469 = arith.constant 0 : i32
      %dma_wait3A_470 = tpu.memref_slice %arg9[%dma_wait3A_459, %dma_wait3A_468, %dma_wait3A_469] : memref<256x1x64xf32, #tpu.memory_space<vmem>> -> memref<1x1x64xf32, #tpu.memory_space<vmem>>
      %dma_wait3A_471 = tpu.memref_squeeze %dma_wait3A_470 : memref<1x1x64xf32, #tpu.memory_space<vmem>> -> memref<1x64xf32, #tpu.memory_space<vmem>>
      %dma_wait3A_472 = arith.constant 0 : i32
      %dma_wait3A_473 = arith.constant 0 : i32
      %dma_wait3A_474 = tpu.memref_slice %arg4[%dma_wait3A_458, %dma_wait3A_472, %dma_wait3A_473] : memref<125000x8x64xf32, #tpu.memory_space<hbm>> -> memref<1x1x64xf32, #tpu.memory_space<hbm>>
      %dma_wait3A_475 = tpu.memref_squeeze %dma_wait3A_474 : memref<1x1x64xf32, #tpu.memory_space<hbm>> -> memref<1x64xf32, #tpu.memory_space<hbm>>
      tpu.wait_dma2 semaphore(%arg12 : memref<!tpu.dma_semaphore, #tpu.memory_space<semaphore_mem>>) src(%dma_wait3A_475 : memref<1x64xf32, #tpu.memory_space<hbm>>) dst(%dma_wait3A_471 : memref<1x64xf32, #tpu.memory_space<vmem>>)
      %dma_wait3A_476 = arith.constant 0 : i32
      %dma_wait3A_477 = arith.constant 0 : i32
      %dma_wait3A_478 = arith.constant 0 : i32
      %dma_wait3A_479 = arith.constant 0 : i32
      %dma_wait3A_480 = tpu.memref_slice %arg9[%dma_wait3A_477, %dma_wait3A_478, %dma_wait3A_479] : memref<256x1x64xf32, #tpu.memory_space<vmem>> -> memref<1x1x64xf32, #tpu.memory_space<vmem>>
      %dma_wait3A_481 = tpu.memref_squeeze %dma_wait3A_480 : memref<1x1x64xf32, #tpu.memory_space<vmem>> -> memref<1x64xf32, #tpu.memory_space<vmem>>
      %dma_wait3A_482 = arith.constant 0 : i32
      %dma_wait3A_483 = arith.constant 0 : i32
      %dma_wait3A_484 = tpu.memref_slice %arg4[%dma_wait3A_476, %dma_wait3A_482, %dma_wait3A_483] : memref<125000x8x64xf32, #tpu.memory_space<hbm>> -> memref<1x1x64xf32, #tpu.memory_space<hbm>>
      %dma_wait3A_485 = tpu.memref_squeeze %dma_wait3A_484 : memref<1x1x64xf32, #tpu.memory_space<hbm>> -> memref<1x64xf32, #tpu.memory_space<hbm>>
      %dma_wait3A_486 = arith.constant 0 : i32
      %dma_wait3A_487 = arith.constant 0 : i32
      %dma_wait3A_488 = tpu.memref_slice %arg9[%dma_wait3A_477, %dma_wait3A_486, %dma_wait3A_487] : memref<256x1x64xf32, #tpu.memory_space<vmem>> -> memref<1x1x64xf32, #tpu.memory_space<vmem>>
      %dma_wait3A_489 = tpu.memref_squeeze %dma_wait3A_488 : memref<1x1x64xf32, #tpu.memory_space<vmem>> -> memref<1x64xf32, #tpu.memory_space<vmem>>
      %dma_wait3A_490 = arith.constant 0 : i32
      %dma_wait3A_491 = arith.constant 0 : i32
      %dma_wait3A_492 = tpu.memref_slice %arg4[%dma_wait3A_476, %dma_wait3A_490, %dma_wait3A_491] : memref<125000x8x64xf32, #tpu.memory_space<hbm>> -> memref<1x1x64xf32, #tpu.memory_space<hbm>>
      %dma_wait3A_493 = tpu.memref_squeeze %dma_wait3A_492 : memref<1x1x64xf32, #tpu.memory_space<hbm>> -> memref<1x64xf32, #tpu.memory_space<hbm>>
      tpu.wait_dma2 semaphore(%arg12 : memref<!tpu.dma_semaphore, #tpu.memory_space<semaphore_mem>>) src(%dma_wait3A_493 : memref<1x64xf32, #tpu.memory_space<hbm>>) dst(%dma_wait3A_489 : memref<1x64xf32, #tpu.memory_space<vmem>>)
      %dma_wait3A_494 = arith.constant 0 : i32
      %dma_wait3A_495 = arith.constant 0 : i32
      %dma_wait3A_496 = arith.constant 0 : i32
      %dma_wait3A_497 = arith.constant 0 : i32
      %dma_wait3A_498 = tpu.memref_slice %arg9[%dma_wait3A_495, %dma_wait3A_496, %dma_wait3A_497] : memref<256x1x64xf32, #tpu.memory_space<vmem>> -> memref<1x1x64xf32, #tpu.memory_space<vmem>>
      %dma_wait3A_499 = tpu.memref_squeeze %dma_wait3A_498 : memref<1x1x64xf32, #tpu.memory_space<vmem>> -> memref<1x64xf32, #tpu.memory_space<vmem>>
      %dma_wait3A_500 = arith.constant 0 : i32
      %dma_wait3A_501 = arith.constant 0 : i32
      %dma_wait3A_502 = tpu.memref_slice %arg4[%dma_wait3A_494, %dma_wait3A_500, %dma_wait3A_501] : memref<125000x8x64xf32, #tpu.memory_space<hbm>> -> memref<1x1x64xf32, #tpu.memory_space<hbm>>
      %dma_wait3A_503 = tpu.memref_squeeze %dma_wait3A_502 : memref<1x1x64xf32, #tpu.memory_space<hbm>> -> memref<1x64xf32, #tpu.memory_space<hbm>>
      %dma_wait3A_504 = arith.constant 0 : i32
      %dma_wait3A_505 = arith.constant 0 : i32
      %dma_wait3A_506 = tpu.memref_slice %arg9[%dma_wait3A_495, %dma_wait3A_504, %dma_wait3A_505] : memref<256x1x64xf32, #tpu.memory_space<vmem>> -> memref<1x1x64xf32, #tpu.memory_space<vmem>>
      %dma_wait3A_507 = tpu.memref_squeeze %dma_wait3A_506 : memref<1x1x64xf32, #tpu.memory_space<vmem>> -> memref<1x64xf32, #tpu.memory_space<vmem>>
      %dma_wait3A_508 = arith.constant 0 : i32
      %dma_wait3A_509 = arith.constant 0 : i32
      %dma_wait3A_510 = tpu.memref_slice %arg4[%dma_wait3A_494, %dma_wait3A_508, %dma_wait3A_509] : memref<125000x8x64xf32, #tpu.memory_space<hbm>> -> memref<1x1x64xf32, #tpu.memory_space<hbm>>
      %dma_wait3A_511 = tpu.memref_squeeze %dma_wait3A_510 : memref<1x1x64xf32, #tpu.memory_space<hbm>> -> memref<1x64xf32, #tpu.memory_space<hbm>>
      tpu.wait_dma2 semaphore(%arg12 : memref<!tpu.dma_semaphore, #tpu.memory_space<semaphore_mem>>) src(%dma_wait3A_511 : memref<1x64xf32, #tpu.memory_space<hbm>>) dst(%dma_wait3A_507 : memref<1x64xf32, #tpu.memory_space<vmem>>)
      %dma_wait3A_512 = arith.constant 0 : i32
      %dma_wait3A_513 = arith.constant 0 : i32
      %dma_wait3A_514 = arith.constant 0 : i32
      %dma_wait3A_515 = arith.constant 0 : i32
      %dma_wait3A_516 = tpu.memref_slice %arg9[%dma_wait3A_513, %dma_wait3A_514, %dma_wait3A_515] : memref<256x1x64xf32, #tpu.memory_space<vmem>> -> memref<1x1x64xf32, #tpu.memory_space<vmem>>
      %dma_wait3A_517 = tpu.memref_squeeze %dma_wait3A_516 : memref<1x1x64xf32, #tpu.memory_space<vmem>> -> memref<1x64xf32, #tpu.memory_space<vmem>>
      %dma_wait3A_518 = arith.constant 0 : i32
      %dma_wait3A_519 = arith.constant 0 : i32
      %dma_wait3A_520 = tpu.memref_slice %arg4[%dma_wait3A_512, %dma_wait3A_518, %dma_wait3A_519] : memref<125000x8x64xf32, #tpu.memory_space<hbm>> -> memref<1x1x64xf32, #tpu.memory_space<hbm>>
      %dma_wait3A_521 = tpu.memref_squeeze %dma_wait3A_520 : memref<1x1x64xf32, #tpu.memory_space<hbm>> -> memref<1x64xf32, #tpu.memory_space<hbm>>
      %dma_wait3A_522 = arith.constant 0 : i32
      %dma_wait3A_523 = arith.constant 0 : i32
      %dma_wait3A_524 = tpu.memref_slice %arg9[%dma_wait3A_513, %dma_wait3A_522, %dma_wait3A_523] : memref<256x1x64xf32, #tpu.memory_space<vmem>> -> memref<1x1x64xf32, #tpu.memory_space<vmem>>
      %dma_wait3A_525 = tpu.memref_squeeze %dma_wait3A_524 : memref<1x1x64xf32, #tpu.memory_space<vmem>> -> memref<1x64xf32, #tpu.memory_space<vmem>>
      %dma_wait3A_526 = arith.constant 0 : i32
      %dma_wait3A_527 = arith.constant 0 : i32
      %dma_wait3A_528 = tpu.memref_slice %arg4[%dma_wait3A_512, %dma_wait3A_526, %dma_wait3A_527] : memref<125000x8x64xf32, #tpu.memory_space<hbm>> -> memref<1x1x64xf32, #tpu.memory_space<hbm>>
      %dma_wait3A_529 = tpu.memref_squeeze %dma_wait3A_528 : memref<1x1x64xf32, #tpu.memory_space<hbm>> -> memref<1x64xf32, #tpu.memory_space<hbm>>
      tpu.wait_dma2 semaphore(%arg12 : memref<!tpu.dma_semaphore, #tpu.memory_space<semaphore_mem>>) src(%dma_wait3A_529 : memref<1x64xf32, #tpu.memory_space<hbm>>) dst(%dma_wait3A_525 : memref<1x64xf32, #tpu.memory_space<vmem>>)
      %dma_wait3A_530 = arith.constant 0 : i32
      %dma_wait3A_531 = arith.constant 0 : i32
      %dma_wait3A_532 = arith.constant 0 : i32
      %dma_wait3A_533 = arith.constant 0 : i32
      %dma_wait3A_534 = tpu.memref_slice %arg9[%dma_wait3A_531, %dma_wait3A_532, %dma_wait3A_533] : memref<256x1x64xf32, #tpu.memory_space<vmem>> -> memref<1x1x64xf32, #tpu.memory_space<vmem>>
      %dma_wait3A_535 = tpu.memref_squeeze %dma_wait3A_534 : memref<1x1x64xf32, #tpu.memory_space<vmem>> -> memref<1x64xf32, #tpu.memory_space<vmem>>
      %dma_wait3A_536 = arith.constant 0 : i32
      %dma_wait3A_537 = arith.constant 0 : i32
      %dma_wait3A_538 = tpu.memref_slice %arg4[%dma_wait3A_530, %dma_wait3A_536, %dma_wait3A_537] : memref<125000x8x64xf32, #tpu.memory_space<hbm>> -> memref<1x1x64xf32, #tpu.memory_space<hbm>>
      %dma_wait3A_539 = tpu.memref_squeeze %dma_wait3A_538 : memref<1x1x64xf32, #tpu.memory_space<hbm>> -> memref<1x64xf32, #tpu.memory_space<hbm>>
      %dma_wait3A_540 = arith.constant 0 : i32
      %dma_wait3A_541 = arith.constant 0 : i32
      %dma_wait3A_542 = tpu.memref_slice %arg9[%dma_wait3A_531, %dma_wait3A_540, %dma_wait3A_541] : memref<256x1x64xf32, #tpu.memory_space<vmem>> -> memref<1x1x64xf32, #tpu.memory_space<vmem>>
      %dma_wait3A_543 = tpu.memref_squeeze %dma_wait3A_542 : memref<1x1x64xf32, #tpu.memory_space<vmem>> -> memref<1x64xf32, #tpu.memory_space<vmem>>
      %dma_wait3A_544 = arith.constant 0 : i32
      %dma_wait3A_545 = arith.constant 0 : i32
      %dma_wait3A_546 = tpu.memref_slice %arg4[%dma_wait3A_530, %dma_wait3A_544, %dma_wait3A_545] : memref<125000x8x64xf32, #tpu.memory_space<hbm>> -> memref<1x1x64xf32, #tpu.memory_space<hbm>>
      %dma_wait3A_547 = tpu.memref_squeeze %dma_wait3A_546 : memref<1x1x64xf32, #tpu.memory_space<hbm>> -> memref<1x64xf32, #tpu.memory_space<hbm>>
      tpu.wait_dma2 semaphore(%arg12 : memref<!tpu.dma_semaphore, #tpu.memory_space<semaphore_mem>>) src(%dma_wait3A_547 : memref<1x64xf32, #tpu.memory_space<hbm>>) dst(%dma_wait3A_543 : memref<1x64xf32, #tpu.memory_space<vmem>>)
      %dma_wait3A_548 = arith.constant 0 : i32
      %dma_wait3A_549 = arith.constant 0 : i32
      %dma_wait3A_550 = arith.constant 0 : i32
      %dma_wait3A_551 = arith.constant 0 : i32
      %dma_wait3A_552 = tpu.memref_slice %arg9[%dma_wait3A_549, %dma_wait3A_550, %dma_wait3A_551] : memref<256x1x64xf32, #tpu.memory_space<vmem>> -> memref<1x1x64xf32, #tpu.memory_space<vmem>>
      %dma_wait3A_553 = tpu.memref_squeeze %dma_wait3A_552 : memref<1x1x64xf32, #tpu.memory_space<vmem>> -> memref<1x64xf32, #tpu.memory_space<vmem>>
      %dma_wait3A_554 = arith.constant 0 : i32
      %dma_wait3A_555 = arith.constant 0 : i32
      %dma_wait3A_556 = tpu.memref_slice %arg4[%dma_wait3A_548, %dma_wait3A_554, %dma_wait3A_555] : memref<125000x8x64xf32, #tpu.memory_space<hbm>> -> memref<1x1x64xf32, #tpu.memory_space<hbm>>
      %dma_wait3A_557 = tpu.memref_squeeze %dma_wait3A_556 : memref<1x1x64xf32, #tpu.memory_space<hbm>> -> memref<1x64xf32, #tpu.memory_space<hbm>>
      %dma_wait3A_558 = arith.constant 0 : i32
      %dma_wait3A_559 = arith.constant 0 : i32
      %dma_wait3A_560 = tpu.memref_slice %arg9[%dma_wait3A_549, %dma_wait3A_558, %dma_wait3A_559] : memref<256x1x64xf32, #tpu.memory_space<vmem>> -> memref<1x1x64xf32, #tpu.memory_space<vmem>>
      %dma_wait3A_561 = tpu.memref_squeeze %dma_wait3A_560 : memref<1x1x64xf32, #tpu.memory_space<vmem>> -> memref<1x64xf32, #tpu.memory_space<vmem>>
      %dma_wait3A_562 = arith.constant 0 : i32
      %dma_wait3A_563 = arith.constant 0 : i32
      %dma_wait3A_564 = tpu.memref_slice %arg4[%dma_wait3A_548, %dma_wait3A_562, %dma_wait3A_563] : memref<125000x8x64xf32, #tpu.memory_space<hbm>> -> memref<1x1x64xf32, #tpu.memory_space<hbm>>
      %dma_wait3A_565 = tpu.memref_squeeze %dma_wait3A_564 : memref<1x1x64xf32, #tpu.memory_space<hbm>> -> memref<1x64xf32, #tpu.memory_space<hbm>>
      tpu.wait_dma2 semaphore(%arg12 : memref<!tpu.dma_semaphore, #tpu.memory_space<semaphore_mem>>) src(%dma_wait3A_565 : memref<1x64xf32, #tpu.memory_space<hbm>>) dst(%dma_wait3A_561 : memref<1x64xf32, #tpu.memory_space<vmem>>)
      %dma_wait3A_566 = arith.constant 0 : i32
      %dma_wait3A_567 = arith.constant 0 : i32
      %dma_wait3A_568 = arith.constant 0 : i32
      %dma_wait3A_569 = arith.constant 0 : i32
      %dma_wait3A_570 = tpu.memref_slice %arg9[%dma_wait3A_567, %dma_wait3A_568, %dma_wait3A_569] : memref<256x1x64xf32, #tpu.memory_space<vmem>> -> memref<1x1x64xf32, #tpu.memory_space<vmem>>
      %dma_wait3A_571 = tpu.memref_squeeze %dma_wait3A_570 : memref<1x1x64xf32, #tpu.memory_space<vmem>> -> memref<1x64xf32, #tpu.memory_space<vmem>>
      %dma_wait3A_572 = arith.constant 0 : i32
      %dma_wait3A_573 = arith.constant 0 : i32
      %dma_wait3A_574 = tpu.memref_slice %arg4[%dma_wait3A_566, %dma_wait3A_572, %dma_wait3A_573] : memref<125000x8x64xf32, #tpu.memory_space<hbm>> -> memref<1x1x64xf32, #tpu.memory_space<hbm>>
      %dma_wait3A_575 = tpu.memref_squeeze %dma_wait3A_574 : memref<1x1x64xf32, #tpu.memory_space<hbm>> -> memref<1x64xf32, #tpu.memory_space<hbm>>
      %dma_wait3A_576 = arith.constant 0 : i32
      %dma_wait3A_577 = arith.constant 0 : i32
      %dma_wait3A_578 = tpu.memref_slice %arg9[%dma_wait3A_567, %dma_wait3A_576, %dma_wait3A_577] : memref<256x1x64xf32, #tpu.memory_space<vmem>> -> memref<1x1x64xf32, #tpu.memory_space<vmem>>
      %dma_wait3A_579 = tpu.memref_squeeze %dma_wait3A_578 : memref<1x1x64xf32, #tpu.memory_space<vmem>> -> memref<1x64xf32, #tpu.memory_space<vmem>>
      %dma_wait3A_580 = arith.constant 0 : i32
      %dma_wait3A_581 = arith.constant 0 : i32
      %dma_wait3A_582 = tpu.memref_slice %arg4[%dma_wait3A_566, %dma_wait3A_580, %dma_wait3A_581] : memref<125000x8x64xf32, #tpu.memory_space<hbm>> -> memref<1x1x64xf32, #tpu.memory_space<hbm>>
      %dma_wait3A_583 = tpu.memref_squeeze %dma_wait3A_582 : memref<1x1x64xf32, #tpu.memory_space<hbm>> -> memref<1x64xf32, #tpu.memory_space<hbm>>
      tpu.wait_dma2 semaphore(%arg12 : memref<!tpu.dma_semaphore, #tpu.memory_space<semaphore_mem>>) src(%dma_wait3A_583 : memref<1x64xf32, #tpu.memory_space<hbm>>) dst(%dma_wait3A_579 : memref<1x64xf32, #tpu.memory_space<vmem>>)
      %dma_wait3A_584 = arith.constant 0 : i32
      %dma_wait3A_585 = arith.constant 0 : i32
      %dma_wait3A_586 = arith.constant 0 : i32
      %dma_wait3A_587 = arith.constant 0 : i32
      %dma_wait3A_588 = tpu.memref_slice %arg9[%dma_wait3A_585, %dma_wait3A_586, %dma_wait3A_587] : memref<256x1x64xf32, #tpu.memory_space<vmem>> -> memref<1x1x64xf32, #tpu.memory_space<vmem>>
      %dma_wait3A_589 = tpu.memref_squeeze %dma_wait3A_588 : memref<1x1x64xf32, #tpu.memory_space<vmem>> -> memref<1x64xf32, #tpu.memory_space<vmem>>
      %dma_wait3A_590 = arith.constant 0 : i32
      %dma_wait3A_591 = arith.constant 0 : i32
      %dma_wait3A_592 = tpu.memref_slice %arg4[%dma_wait3A_584, %dma_wait3A_590, %dma_wait3A_591] : memref<125000x8x64xf32, #tpu.memory_space<hbm>> -> memref<1x1x64xf32, #tpu.memory_space<hbm>>
      %dma_wait3A_593 = tpu.memref_squeeze %dma_wait3A_592 : memref<1x1x64xf32, #tpu.memory_space<hbm>> -> memref<1x64xf32, #tpu.memory_space<hbm>>
      %dma_wait3A_594 = arith.constant 0 : i32
      %dma_wait3A_595 = arith.constant 0 : i32
      %dma_wait3A_596 = tpu.memref_slice %arg9[%dma_wait3A_585, %dma_wait3A_594, %dma_wait3A_595] : memref<256x1x64xf32, #tpu.memory_space<vmem>> -> memref<1x1x64xf32, #tpu.memory_space<vmem>>
      %dma_wait3A_597 = tpu.memref_squeeze %dma_wait3A_596 : memref<1x1x64xf32, #tpu.memory_space<vmem>> -> memref<1x64xf32, #tpu.memory_space<vmem>>
      %dma_wait3A_598 = arith.constant 0 : i32
      %dma_wait3A_599 = arith.constant 0 : i32
      %dma_wait3A_600 = tpu.memref_slice %arg4[%dma_wait3A_584, %dma_wait3A_598, %dma_wait3A_599] : memref<125000x8x64xf32, #tpu.memory_space<hbm>> -> memref<1x1x64xf32, #tpu.memory_space<hbm>>
      %dma_wait3A_601 = tpu.memref_squeeze %dma_wait3A_600 : memref<1x1x64xf32, #tpu.memory_space<hbm>> -> memref<1x64xf32, #tpu.memory_space<hbm>>
      tpu.wait_dma2 semaphore(%arg12 : memref<!tpu.dma_semaphore, #tpu.memory_space<semaphore_mem>>) src(%dma_wait3A_601 : memref<1x64xf32, #tpu.memory_space<hbm>>) dst(%dma_wait3A_597 : memref<1x64xf32, #tpu.memory_space<vmem>>)
      %mul3A_602 = arith.constant 16 : i32
      %mul3A_603 = arith.muli %scan3A_26, %mul3A_602 : i32
      %add3A_604 = vector.broadcast %mul3A_603 : i32 to vector<16xi32>
      %add3A_605 = arith.addi %add3A_604, %iota3A : vector<16xi32>
      %broadcast_in_dim3A = arith.constant 0 : i32
      %broadcast_in_dim3A_606 = vector.broadcast %broadcast_in_dim3A : i32 to vector<16xi32>
      %broadcast_in_dim3A_607 = arith.constant 0.000000e+00 : f32
      %broadcast_in_dim3A_608 = vector.broadcast %broadcast_in_dim3A_607 : f32 to vector<16xf32>
      %scan3A_609 = arith.constant 0 : i32
      %scan3A_610 = arith.constant 64 : i32
      %scan3A_611 = arith.addi %scan3A_609, %scan3A_610 : i32
      %scan3A_612 = arith.constant 1 : i32
      %scan3A_613 = scf.for %scan3A_620 = %scan3A_609 to %scan3A_611 step %scan3A_612 iter_args(%scan3A_621 = %broadcast_in_dim3A_608) -> (vector<16xf32>)  : i32 {
        %add3A_622 = vector.broadcast %scan3A_620 : i32 to vector<16xi32>
        %add3A_623 = arith.addi %iota3A, %add3A_622 : vector<16xi32>
        %and3A = arith.constant 63 : i32
        %and3A_624 = vector.broadcast %and3A : i32 to vector<16xi32>
        %and3A_625 = arith.andi %add3A_623, %and3A_624 : vector<16xi32>
        %gather3A = tpu.vector_load_idx %arg9[%add3A_605, %broadcast_in_dim3A_606, %and3A_625] : memref<256x1x64xf32, #tpu.memory_space<vmem>>[vector<16xi32>, vector<16xi32>, vector<16xi32>], vector<16xf32>,
        %gather3A_626 = tpu.vector_load_idx %arg10[%add3A_605, %broadcast_in_dim3A_606, %and3A_625] : memref<256x1x64xf32, #tpu.memory_space<vmem>>[vector<16xi32>, vector<16xi32>, vector<16xi32>], vector<16xf32>,
        %mul3A_627 = arith.mulf %gather3A, %gather3A_626 : vector<16xf32>
        %add3A_628 = arith.addf %scan3A_621, %mul3A_627 : vector<16xf32>
        scf.yield %add3A_628 : vector<16xf32>
      }
      %scan3A_614 = arith.constant 64 : i32
      %mul3A_615 = arith.constant 16 : i32
      %mul3A_616 = arith.muli %scan3A_26, %mul3A_615 : i32
      %add3A_617 = arith.constant 0 : i32
      %add3A_618 = arith.addi %add3A_617, %mul3A_616 : i32
      %swap3A = arith.index_cast %add3A_618 : i32 to index
      %swap3A_619 = tpu.vector_load %arg11[%swap3A] {strides = array<i32>} : memref<512xf32, #tpu.memory_space<vmem>>, vector<16xf32>,
      tpu.vector_store %arg11[%swap3A], %scan3A_613 {strides = array<i32>} : memref<512xf32, #tpu.memory_space<vmem>>, vector<16xf32>,
    }
    %scan3A_13 = arith.constant 16 : i32
    %scan3A_14 = arith.constant 0 : i32
    %scan3A_15 = arith.constant 0 : i32
    %scan3A_16 = arith.constant 16 : i32
    %scan3A_17 = arith.addi %scan3A_15, %scan3A_16 : i32
    %scan3A_18 = arith.constant 1 : i32
    scf.for %scan3A_26 = %scan3A_15 to %scan3A_17 step %scan3A_18  : i32 {
      %mul3A_27 = arith.constant 16 : i32
      %mul3A_28 = arith.muli %scan3A_26, %mul3A_27 : i32
      %add3A_29 = arith.constant 256 : i32
      %add3A_30 = arith.addi %add3A_29, %mul3A_28 : i32
      %get3A = arith.index_cast %add3A_30 : i32 to index
      %get3A_31 = tpu.vector_load %arg7[%get3A] {strides = array<i32>} : memref<512xi32, #tpu.memory_space<vmem>>, vector<16xi32>,
      %mul3A_32 = arith.constant 16 : i32
      %mul3A_33 = arith.muli %scan3A_26, %mul3A_32 : i32
      %add3A_34 = arith.constant 256 : i32
      %add3A_35 = arith.addi %add3A_34, %mul3A_33 : i32
      %get3A_36 = arith.index_cast %add3A_35 : i32 to index
      %get3A_37 = tpu.vector_load %arg8[%get3A_36] {strides = array<i32>} : memref<512xi32, #tpu.memory_space<vmem>>, vector<16xi32>,
      %slice3A = vector.extract_strided_slice %get3A_31 {offsets = [0], sizes = [1], strides = [1]} : vector<16xi32> to vector<1xi32>
      %squeeze3A = vector.extract %slice3A[0] : i32 from vector<1xi32>
      %slice3A_38 = vector.extract_strided_slice %get3A_37 {offsets = [0], sizes = [1], strides = [1]} : vector<16xi32> to vector<1xi32>
      %squeeze3A_39 = vector.extract %slice3A_38[0] : i32 from vector<1xi32>
      %shift_right_arithmetic3A = arith.constant 3 : i32
      %shift_right_arithmetic3A_40 = arith.shrsi %squeeze3A, %shift_right_arithmetic3A : i32
      %and3A = arith.constant 7 : i32
      %and3A_41 = arith.andi %squeeze3A, %and3A : i32
      %mul3A_42 = arith.constant 16 : i32
      %mul3A_43 = arith.muli %scan3A_26, %mul3A_42 : i32
      %add3A_44 = arith.constant 0 : i32
      %add3A_45 = arith.addi %mul3A_43, %add3A_44 : i32
      %dma_start3A = arith.constant 0 : i32
      %dma_start3A_46 = arith.constant 0 : i32
      %dma_start3A_47 = tpu.memref_slice %arg9[%add3A_45, %dma_start3A, %dma_start3A_46] : memref<256x1x64xf32, #tpu.memory_space<vmem>> -> memref<1x1x64xf32, #tpu.memory_space<vmem>>
      %dma_start3A_48 = tpu.memref_squeeze %dma_start3A_47 : memref<1x1x64xf32, #tpu.memory_space<vmem>> -> memref<1x64xf32, #tpu.memory_space<vmem>>
      %dma_start3A_49 = arith.constant 0 : i32
      %dma_start3A_50 = tpu.memref_slice %arg4[%shift_right_arithmetic3A_40, %and3A_41, %dma_start3A_49] : memref<125000x8x64xf32, #tpu.memory_space<hbm>> -> memref<1x1x64xf32, #tpu.memory_space<hbm>>
      %dma_start3A_51 = tpu.memref_squeeze %dma_start3A_50 : memref<1x1x64xf32, #tpu.memory_space<hbm>> -> memref<1x64xf32, #tpu.memory_space<hbm>>
      %dma_start3A_52 = arith.constant 0 : i32
      %dma_start3A_53 = arith.constant 0 : i32
      %dma_start3A_54 = tpu.memref_slice %arg9[%add3A_45, %dma_start3A_52, %dma_start3A_53] : memref<256x1x64xf32, #tpu.memory_space<vmem>> -> memref<1x1x64xf32, #tpu.memory_space<vmem>>
      %dma_start3A_55 = tpu.memref_squeeze %dma_start3A_54 : memref<1x1x64xf32, #tpu.memory_space<vmem>> -> memref<1x64xf32, #tpu.memory_space<vmem>>
      %dma_start3A_56 = arith.constant 0 : i32
      %dma_start3A_57 = tpu.memref_slice %arg4[%shift_right_arithmetic3A_40, %and3A_41, %dma_start3A_56] : memref<125000x8x64xf32, #tpu.memory_space<hbm>> -> memref<1x1x64xf32, #tpu.memory_space<hbm>>
      %dma_start3A_58 = tpu.memref_squeeze %dma_start3A_57 : memref<1x1x64xf32, #tpu.memory_space<hbm>> -> memref<1x64xf32, #tpu.memory_space<hbm>>
      tpu.enqueue_dma source(%dma_start3A_58 : memref<1x64xf32, #tpu.memory_space<hbm>>) target(%dma_start3A_55 : memref<1x64xf32, #tpu.memory_space<vmem>>) target_semaphore(%arg12 : memref<!tpu.dma_semaphore, #tpu.memory_space<semaphore_mem>>)
      %shift_right_arithmetic3A_59 = arith.constant 3 : i32
      %shift_right_arithmetic3A_60 = arith.shrsi %squeeze3A_39, %shift_right_arithmetic3A_59 : i32
      %and3A_61 = arith.constant 7 : i32
      %and3A_62 = arith.andi %squeeze3A_39, %and3A_61 : i32
      %mul3A_63 = arith.constant 16 : i32
      %mul3A_64 = arith.muli %scan3A_26, %mul3A_63 : i32
      %add3A_65 = arith.constant 0 : i32
      %add3A_66 = arith.addi %mul3A_64, %add3A_65 : i32
      %dma_start3A_67 = arith.constant 0 : i32
      %dma_start3A_68 = arith.constant 0 : i32
      %dma_start3A_69 = tpu.memref_slice %arg10[%add3A_66, %dma_start3A_67, %dma_start3A_68] : memref<256x1x64xf32, #tpu.memory_space<vmem>> -> memref<1x1x64xf32, #tpu.memory_space<vmem>>
      %dma_start3A_70 = tpu.memref_squeeze %dma_start3A_69 : memref<1x1x64xf32, #tpu.memory_space<vmem>> -> memref<1x64xf32, #tpu.memory_space<vmem>>
      %dma_start3A_71 = arith.constant 0 : i32
      %dma_start3A_72 = tpu.memref_slice %arg5[%shift_right_arithmetic3A_60, %and3A_62, %dma_start3A_71] : memref<125000x8x64xf32, #tpu.memory_space<hbm>> -> memref<1x1x64xf32, #tpu.memory_space<hbm>>
      %dma_start3A_73 = tpu.memref_squeeze %dma_start3A_72 : memref<1x1x64xf32, #tpu.memory_space<hbm>> -> memref<1x64xf32, #tpu.memory_space<hbm>>
      %dma_start3A_74 = arith.constant 0 : i32
      %dma_start3A_75 = arith.constant 0 : i32
      %dma_start3A_76 = tpu.memref_slice %arg10[%add3A_66, %dma_start3A_74, %dma_start3A_75] : memref<256x1x64xf32, #tpu.memory_space<vmem>> -> memref<1x1x64xf32, #tpu.memory_space<vmem>>
      %dma_start3A_77 = tpu.memref_squeeze %dma_start3A_76 : memref<1x1x64xf32, #tpu.memory_space<vmem>> -> memref<1x64xf32, #tpu.memory_space<vmem>>
      %dma_start3A_78 = arith.constant 0 : i32
      %dma_start3A_79 = tpu.memref_slice %arg5[%shift_right_arithmetic3A_60, %and3A_62, %dma_start3A_78] : memref<125000x8x64xf32, #tpu.memory_space<hbm>> -> memref<1x1x64xf32, #tpu.memory_space<hbm>>
      %dma_start3A_80 = tpu.memref_squeeze %dma_start3A_79 : memref<1x1x64xf32, #tpu.memory_space<hbm>> -> memref<1x64xf32, #tpu.memory_space<hbm>>
      tpu.enqueue_dma source(%dma_start3A_80 : memref<1x64xf32, #tpu.memory_space<hbm>>) target(%dma_start3A_77 : memref<1x64xf32, #tpu.memory_space<vmem>>) target_semaphore(%arg12 : memref<!tpu.dma_semaphore, #tpu.memory_space<semaphore_mem>>)
      %slice3A_81 = vector.extract_strided_slice %get3A_31 {offsets = [1], sizes = [1], strides = [1]} : vector<16xi32> to vector<1xi32>
      %squeeze3A_82 = vector.extract %slice3A_81[0] : i32 from vector<1xi32>
      %slice3A_83 = vector.extract_strided_slice %get3A_37 {offsets = [1], sizes = [1], strides = [1]} : vector<16xi32> to vector<1xi32>
      %squeeze3A_84 = vector.extract %slice3A_83[0] : i32 from vector<1xi32>
      %shift_right_arithmetic3A_85 = arith.constant 3 : i32
      %shift_right_arithmetic3A_86 = arith.shrsi %squeeze3A_82, %shift_right_arithmetic3A_85 : i32
      %and3A_87 = arith.constant 7 : i32
      %and3A_88 = arith.andi %squeeze3A_82, %and3A_87 : i32
      %mul3A_89 = arith.constant 16 : i32
      %mul3A_90 = arith.muli %scan3A_26, %mul3A_89 : i32
      %add3A_91 = arith.constant 1 : i32
      %add3A_92 = arith.addi %mul3A_90, %add3A_91 : i32
      %dma_start3A_93 = arith.constant 0 : i32
      %dma_start3A_94 = arith.constant 0 : i32
      %dma_start3A_95 = tpu.memref_slice %arg9[%add3A_92, %dma_start3A_93, %dma_start3A_94] : memref<256x1x64xf32, #tpu.memory_space<vmem>> -> memref<1x1x64xf32, #tpu.memory_space<vmem>>
      %dma_start3A_96 = tpu.memref_squeeze %dma_start3A_95 : memref<1x1x64xf32, #tpu.memory_space<vmem>> -> memref<1x64xf32, #tpu.memory_space<vmem>>
      %dma_start3A_97 = arith.constant 0 : i32
      %dma_start3A_98 = tpu.memref_slice %arg4[%shift_right_arithmetic3A_86, %and3A_88, %dma_start3A_97] : memref<125000x8x64xf32, #tpu.memory_space<hbm>> -> memref<1x1x64xf32, #tpu.memory_space<hbm>>
      %dma_start3A_99 = tpu.memref_squeeze %dma_start3A_98 : memref<1x1x64xf32, #tpu.memory_space<hbm>> -> memref<1x64xf32, #tpu.memory_space<hbm>>
      %dma_start3A_100 = arith.constant 0 : i32
      %dma_start3A_101 = arith.constant 0 : i32
      %dma_start3A_102 = tpu.memref_slice %arg9[%add3A_92, %dma_start3A_100, %dma_start3A_101] : memref<256x1x64xf32, #tpu.memory_space<vmem>> -> memref<1x1x64xf32, #tpu.memory_space<vmem>>
      %dma_start3A_103 = tpu.memref_squeeze %dma_start3A_102 : memref<1x1x64xf32, #tpu.memory_space<vmem>> -> memref<1x64xf32, #tpu.memory_space<vmem>>
      %dma_start3A_104 = arith.constant 0 : i32
      %dma_start3A_105 = tpu.memref_slice %arg4[%shift_right_arithmetic3A_86, %and3A_88, %dma_start3A_104] : memref<125000x8x64xf32, #tpu.memory_space<hbm>> -> memref<1x1x64xf32, #tpu.memory_space<hbm>>
      %dma_start3A_106 = tpu.memref_squeeze %dma_start3A_105 : memref<1x1x64xf32, #tpu.memory_space<hbm>> -> memref<1x64xf32, #tpu.memory_space<hbm>>
      tpu.enqueue_dma source(%dma_start3A_106 : memref<1x64xf32, #tpu.memory_space<hbm>>) target(%dma_start3A_103 : memref<1x64xf32, #tpu.memory_space<vmem>>) target_semaphore(%arg12 : memref<!tpu.dma_semaphore, #tpu.memory_space<semaphore_mem>>)
      %shift_right_arithmetic3A_107 = arith.constant 3 : i32
      %shift_right_arithmetic3A_108 = arith.shrsi %squeeze3A_84, %shift_right_arithmetic3A_107 : i32
      %and3A_109 = arith.constant 7 : i32
      %and3A_110 = arith.andi %squeeze3A_84, %and3A_109 : i32
      %mul3A_111 = arith.constant 16 : i32
      %mul3A_112 = arith.muli %scan3A_26, %mul3A_111 : i32
      %add3A_113 = arith.constant 1 : i32
      %add3A_114 = arith.addi %mul3A_112, %add3A_113 : i32
      %dma_start3A_115 = arith.constant 0 : i32
      %dma_start3A_116 = arith.constant 0 : i32
      %dma_start3A_117 = tpu.memref_slice %arg10[%add3A_114, %dma_start3A_115, %dma_start3A_116] : memref<256x1x64xf32, #tpu.memory_space<vmem>> -> memref<1x1x64xf32, #tpu.memory_space<vmem>>
      %dma_start3A_118 = tpu.memref_squeeze %dma_start3A_117 : memref<1x1x64xf32, #tpu.memory_space<vmem>> -> memref<1x64xf32, #tpu.memory_space<vmem>>
      %dma_start3A_119 = arith.constant 0 : i32
      %dma_start3A_120 = tpu.memref_slice %arg5[%shift_right_arithmetic3A_108, %and3A_110, %dma_start3A_119] : memref<125000x8x64xf32, #tpu.memory_space<hbm>> -> memref<1x1x64xf32, #tpu.memory_space<hbm>>
      %dma_start3A_121 = tpu.memref_squeeze %dma_start3A_120 : memref<1x1x64xf32, #tpu.memory_space<hbm>> -> memref<1x64xf32, #tpu.memory_space<hbm>>
      %dma_start3A_122 = arith.constant 0 : i32
      %dma_start3A_123 = arith.constant 0 : i32
      %dma_start3A_124 = tpu.memref_slice %arg10[%add3A_114, %dma_start3A_122, %dma_start3A_123] : memref<256x1x64xf32, #tpu.memory_space<vmem>> -> memref<1x1x64xf32, #tpu.memory_space<vmem>>
      %dma_start3A_125 = tpu.memref_squeeze %dma_start3A_124 : memref<1x1x64xf32, #tpu.memory_space<vmem>> -> memref<1x64xf32, #tpu.memory_space<vmem>>
      %dma_start3A_126 = arith.constant 0 : i32
      %dma_start3A_127 = tpu.memref_slice %arg5[%shift_right_arithmetic3A_108, %and3A_110, %dma_start3A_126] : memref<125000x8x64xf32, #tpu.memory_space<hbm>> -> memref<1x1x64xf32, #tpu.memory_space<hbm>>
      %dma_start3A_128 = tpu.memref_squeeze %dma_start3A_127 : memref<1x1x64xf32, #tpu.memory_space<hbm>> -> memref<1x64xf32, #tpu.memory_space<hbm>>
      tpu.enqueue_dma source(%dma_start3A_128 : memref<1x64xf32, #tpu.memory_space<hbm>>) target(%dma_start3A_125 : memref<1x64xf32, #tpu.memory_space<vmem>>) target_semaphore(%arg12 : memref<!tpu.dma_semaphore, #tpu.memory_space<semaphore_mem>>)
      %slice3A_129 = vector.extract_strided_slice %get3A_31 {offsets = [2], sizes = [1], strides = [1]} : vector<16xi32> to vector<1xi32>
      %squeeze3A_130 = vector.extract %slice3A_129[0] : i32 from vector<1xi32>
      %slice3A_131 = vector.extract_strided_slice %get3A_37 {offsets = [2], sizes = [1], strides = [1]} : vector<16xi32> to vector<1xi32>
      %squeeze3A_132 = vector.extract %slice3A_131[0] : i32 from vector<1xi32>
      %shift_right_arithmetic3A_133 = arith.constant 3 : i32
      %shift_right_arithmetic3A_134 = arith.shrsi %squeeze3A_130, %shift_right_arithmetic3A_133 : i32
      %and3A_135 = arith.constant 7 : i32
      %and3A_136 = arith.andi %squeeze3A_130, %and3A_135 : i32
      %mul3A_137 = arith.constant 16 : i32
      %mul3A_138 = arith.muli %scan3A_26, %mul3A_137 : i32
      %add3A_139 = arith.constant 2 : i32
      %add3A_140 = arith.addi %mul3A_138, %add3A_139 : i32
      %dma_start3A_141 = arith.constant 0 : i32
      %dma_start3A_142 = arith.constant 0 : i32
      %dma_start3A_143 = tpu.memref_slice %arg9[%add3A_140, %dma_start3A_141, %dma_start3A_142] : memref<256x1x64xf32, #tpu.memory_space<vmem>> -> memref<1x1x64xf32, #tpu.memory_space<vmem>>
      %dma_start3A_144 = tpu.memref_squeeze %dma_start3A_143 : memref<1x1x64xf32, #tpu.memory_space<vmem>> -> memref<1x64xf32, #tpu.memory_space<vmem>>
      %dma_start3A_145 = arith.constant 0 : i32
      %dma_start3A_146 = tpu.memref_slice %arg4[%shift_right_arithmetic3A_134, %and3A_136, %dma_start3A_145] : memref<125000x8x64xf32, #tpu.memory_space<hbm>> -> memref<1x1x64xf32, #tpu.memory_space<hbm>>
      %dma_start3A_147 = tpu.memref_squeeze %dma_start3A_146 : memref<1x1x64xf32, #tpu.memory_space<hbm>> -> memref<1x64xf32, #tpu.memory_space<hbm>>
      %dma_start3A_148 = arith.constant 0 : i32
      %dma_start3A_149 = arith.constant 0 : i32
      %dma_start3A_150 = tpu.memref_slice %arg9[%add3A_140, %dma_start3A_148, %dma_start3A_149] : memref<256x1x64xf32, #tpu.memory_space<vmem>> -> memref<1x1x64xf32, #tpu.memory_space<vmem>>
      %dma_start3A_151 = tpu.memref_squeeze %dma_start3A_150 : memref<1x1x64xf32, #tpu.memory_space<vmem>> -> memref<1x64xf32, #tpu.memory_space<vmem>>
      %dma_start3A_152 = arith.constant 0 : i32
      %dma_start3A_153 = tpu.memref_slice %arg4[%shift_right_arithmetic3A_134, %and3A_136, %dma_start3A_152] : memref<125000x8x64xf32, #tpu.memory_space<hbm>> -> memref<1x1x64xf32, #tpu.memory_space<hbm>>
      %dma_start3A_154 = tpu.memref_squeeze %dma_start3A_153 : memref<1x1x64xf32, #tpu.memory_space<hbm>> -> memref<1x64xf32, #tpu.memory_space<hbm>>
      tpu.enqueue_dma source(%dma_start3A_154 : memref<1x64xf32, #tpu.memory_space<hbm>>) target(%dma_start3A_151 : memref<1x64xf32, #tpu.memory_space<vmem>>) target_semaphore(%arg12 : memref<!tpu.dma_semaphore, #tpu.memory_space<semaphore_mem>>)
      %shift_right_arithmetic3A_155 = arith.constant 3 : i32
      %shift_right_arithmetic3A_156 = arith.shrsi %squeeze3A_132, %shift_right_arithmetic3A_155 : i32
      %and3A_157 = arith.constant 7 : i32
      %and3A_158 = arith.andi %squeeze3A_132, %and3A_157 : i32
      %mul3A_159 = arith.constant 16 : i32
      %mul3A_160 = arith.muli %scan3A_26, %mul3A_159 : i32
      %add3A_161 = arith.constant 2 : i32
      %add3A_162 = arith.addi %mul3A_160, %add3A_161 : i32
      %dma_start3A_163 = arith.constant 0 : i32
      %dma_start3A_164 = arith.constant 0 : i32
      %dma_start3A_165 = tpu.memref_slice %arg10[%add3A_162, %dma_start3A_163, %dma_start3A_164] : memref<256x1x64xf32, #tpu.memory_space<vmem>> -> memref<1x1x64xf32, #tpu.memory_space<vmem>>
      %dma_start3A_166 = tpu.memref_squeeze %dma_start3A_165 : memref<1x1x64xf32, #tpu.memory_space<vmem>> -> memref<1x64xf32, #tpu.memory_space<vmem>>
      %dma_start3A_167 = arith.constant 0 : i32
      %dma_start3A_168 = tpu.memref_slice %arg5[%shift_right_arithmetic3A_156, %and3A_158, %dma_start3A_167] : memref<125000x8x64xf32, #tpu.memory_space<hbm>> -> memref<1x1x64xf32, #tpu.memory_space<hbm>>
      %dma_start3A_169 = tpu.memref_squeeze %dma_start3A_168 : memref<1x1x64xf32, #tpu.memory_space<hbm>> -> memref<1x64xf32, #tpu.memory_space<hbm>>
      %dma_start3A_170 = arith.constant 0 : i32
      %dma_start3A_171 = arith.constant 0 : i32
      %dma_start3A_172 = tpu.memref_slice %arg10[%add3A_162, %dma_start3A_170, %dma_start3A_171] : memref<256x1x64xf32, #tpu.memory_space<vmem>> -> memref<1x1x64xf32, #tpu.memory_space<vmem>>
      %dma_start3A_173 = tpu.memref_squeeze %dma_start3A_172 : memref<1x1x64xf32, #tpu.memory_space<vmem>> -> memref<1x64xf32, #tpu.memory_space<vmem>>
      %dma_start3A_174 = arith.constant 0 : i32
      %dma_start3A_175 = tpu.memref_slice %arg5[%shift_right_arithmetic3A_156, %and3A_158, %dma_start3A_174] : memref<125000x8x64xf32, #tpu.memory_space<hbm>> -> memref<1x1x64xf32, #tpu.memory_space<hbm>>
      %dma_start3A_176 = tpu.memref_squeeze %dma_start3A_175 : memref<1x1x64xf32, #tpu.memory_space<hbm>> -> memref<1x64xf32, #tpu.memory_space<hbm>>
      tpu.enqueue_dma source(%dma_start3A_176 : memref<1x64xf32, #tpu.memory_space<hbm>>) target(%dma_start3A_173 : memref<1x64xf32, #tpu.memory_space<vmem>>) target_semaphore(%arg12 : memref<!tpu.dma_semaphore, #tpu.memory_space<semaphore_mem>>)
      %slice3A_177 = vector.extract_strided_slice %get3A_31 {offsets = [3], sizes = [1], strides = [1]} : vector<16xi32> to vector<1xi32>
      %squeeze3A_178 = vector.extract %slice3A_177[0] : i32 from vector<1xi32>
      %slice3A_179 = vector.extract_strided_slice %get3A_37 {offsets = [3], sizes = [1], strides = [1]} : vector<16xi32> to vector<1xi32>
      %squeeze3A_180 = vector.extract %slice3A_179[0] : i32 from vector<1xi32>
      %shift_right_arithmetic3A_181 = arith.constant 3 : i32
      %shift_right_arithmetic3A_182 = arith.shrsi %squeeze3A_178, %shift_right_arithmetic3A_181 : i32
      %and3A_183 = arith.constant 7 : i32
      %and3A_184 = arith.andi %squeeze3A_178, %and3A_183 : i32
      %mul3A_185 = arith.constant 16 : i32
      %mul3A_186 = arith.muli %scan3A_26, %mul3A_185 : i32
      %add3A_187 = arith.constant 3 : i32
      %add3A_188 = arith.addi %mul3A_186, %add3A_187 : i32
      %dma_start3A_189 = arith.constant 0 : i32
      %dma_start3A_190 = arith.constant 0 : i32
      %dma_start3A_191 = tpu.memref_slice %arg9[%add3A_188, %dma_start3A_189, %dma_start3A_190] : memref<256x1x64xf32, #tpu.memory_space<vmem>> -> memref<1x1x64xf32, #tpu.memory_space<vmem>>
      %dma_start3A_192 = tpu.memref_squeeze %dma_start3A_191 : memref<1x1x64xf32, #tpu.memory_space<vmem>> -> memref<1x64xf32, #tpu.memory_space<vmem>>
      %dma_start3A_193 = arith.constant 0 : i32
      %dma_start3A_194 = tpu.memref_slice %arg4[%shift_right_arithmetic3A_182, %and3A_184, %dma_start3A_193] : memref<125000x8x64xf32, #tpu.memory_space<hbm>> -> memref<1x1x64xf32, #tpu.memory_space<hbm>>
      %dma_start3A_195 = tpu.memref_squeeze %dma_start3A_194 : memref<1x1x64xf32, #tpu.memory_space<hbm>> -> memref<1x64xf32, #tpu.memory_space<hbm>>
      %dma_start3A_196 = arith.constant 0 : i32
      %dma_start3A_197 = arith.constant 0 : i32
      %dma_start3A_198 = tpu.memref_slice %arg9[%add3A_188, %dma_start3A_196, %dma_start3A_197] : memref<256x1x64xf32, #tpu.memory_space<vmem>> -> memref<1x1x64xf32, #tpu.memory_space<vmem>>
      %dma_start3A_199 = tpu.memref_squeeze %dma_start3A_198 : memref<1x1x64xf32, #tpu.memory_space<vmem>> -> memref<1x64xf32, #tpu.memory_space<vmem>>
      %dma_start3A_200 = arith.constant 0 : i32
      %dma_start3A_201 = tpu.memref_slice %arg4[%shift_right_arithmetic3A_182, %and3A_184, %dma_start3A_200] : memref<125000x8x64xf32, #tpu.memory_space<hbm>> -> memref<1x1x64xf32, #tpu.memory_space<hbm>>
      %dma_start3A_202 = tpu.memref_squeeze %dma_start3A_201 : memref<1x1x64xf32, #tpu.memory_space<hbm>> -> memref<1x64xf32, #tpu.memory_space<hbm>>
      tpu.enqueue_dma source(%dma_start3A_202 : memref<1x64xf32, #tpu.memory_space<hbm>>) target(%dma_start3A_199 : memref<1x64xf32, #tpu.memory_space<vmem>>) target_semaphore(%arg12 : memref<!tpu.dma_semaphore, #tpu.memory_space<semaphore_mem>>)
      %shift_right_arithmetic3A_203 = arith.constant 3 : i32
      %shift_right_arithmetic3A_204 = arith.shrsi %squeeze3A_180, %shift_right_arithmetic3A_203 : i32
      %and3A_205 = arith.constant 7 : i32
      %and3A_206 = arith.andi %squeeze3A_180, %and3A_205 : i32
      %mul3A_207 = arith.constant 16 : i32
      %mul3A_208 = arith.muli %scan3A_26, %mul3A_207 : i32
      %add3A_209 = arith.constant 3 : i32
      %add3A_210 = arith.addi %mul3A_208, %add3A_209 : i32
      %dma_start3A_211 = arith.constant 0 : i32
      %dma_start3A_212 = arith.constant 0 : i32
      %dma_start3A_213 = tpu.memref_slice %arg10[%add3A_210, %dma_start3A_211, %dma_start3A_212] : memref<256x1x64xf32, #tpu.memory_space<vmem>> -> memref<1x1x64xf32, #tpu.memory_space<vmem>>
      %dma_start3A_214 = tpu.memref_squeeze %dma_start3A_213 : memref<1x1x64xf32, #tpu.memory_space<vmem>> -> memref<1x64xf32, #tpu.memory_space<vmem>>
      %dma_start3A_215 = arith.constant 0 : i32
      %dma_start3A_216 = tpu.memref_slice %arg5[%shift_right_arithmetic3A_204, %and3A_206, %dma_start3A_215] : memref<125000x8x64xf32, #tpu.memory_space<hbm>> -> memref<1x1x64xf32, #tpu.memory_space<hbm>>
      %dma_start3A_217 = tpu.memref_squeeze %dma_start3A_216 : memref<1x1x64xf32, #tpu.memory_space<hbm>> -> memref<1x64xf32, #tpu.memory_space<hbm>>
      %dma_start3A_218 = arith.constant 0 : i32
      %dma_start3A_219 = arith.constant 0 : i32
      %dma_start3A_220 = tpu.memref_slice %arg10[%add3A_210, %dma_start3A_218, %dma_start3A_219] : memref<256x1x64xf32, #tpu.memory_space<vmem>> -> memref<1x1x64xf32, #tpu.memory_space<vmem>>
      %dma_start3A_221 = tpu.memref_squeeze %dma_start3A_220 : memref<1x1x64xf32, #tpu.memory_space<vmem>> -> memref<1x64xf32, #tpu.memory_space<vmem>>
      %dma_start3A_222 = arith.constant 0 : i32
      %dma_start3A_223 = tpu.memref_slice %arg5[%shift_right_arithmetic3A_204, %and3A_206, %dma_start3A_222] : memref<125000x8x64xf32, #tpu.memory_space<hbm>> -> memref<1x1x64xf32, #tpu.memory_space<hbm>>
      %dma_start3A_224 = tpu.memref_squeeze %dma_start3A_223 : memref<1x1x64xf32, #tpu.memory_space<hbm>> -> memref<1x64xf32, #tpu.memory_space<hbm>>
      tpu.enqueue_dma source(%dma_start3A_224 : memref<1x64xf32, #tpu.memory_space<hbm>>) target(%dma_start3A_221 : memref<1x64xf32, #tpu.memory_space<vmem>>) target_semaphore(%arg12 : memref<!tpu.dma_semaphore, #tpu.memory_space<semaphore_mem>>)
      %slice3A_225 = vector.extract_strided_slice %get3A_31 {offsets = [4], sizes = [1], strides = [1]} : vector<16xi32> to vector<1xi32>
      %squeeze3A_226 = vector.extract %slice3A_225[0] : i32 from vector<1xi32>
      %slice3A_227 = vector.extract_strided_slice %get3A_37 {offsets = [4], sizes = [1], strides = [1]} : vector<16xi32> to vector<1xi32>
      %squeeze3A_228 = vector.extract %slice3A_227[0] : i32 from vector<1xi32>
      %shift_right_arithmetic3A_229 = arith.constant 3 : i32
      %shift_right_arithmetic3A_230 = arith.shrsi %squeeze3A_226, %shift_right_arithmetic3A_229 : i32
      %and3A_231 = arith.constant 7 : i32
      %and3A_232 = arith.andi %squeeze3A_226, %and3A_231 : i32
      %mul3A_233 = arith.constant 16 : i32
      %mul3A_234 = arith.muli %scan3A_26, %mul3A_233 : i32
      %add3A_235 = arith.constant 4 : i32
      %add3A_236 = arith.addi %mul3A_234, %add3A_235 : i32
      %dma_start3A_237 = arith.constant 0 : i32
      %dma_start3A_238 = arith.constant 0 : i32
      %dma_start3A_239 = tpu.memref_slice %arg9[%add3A_236, %dma_start3A_237, %dma_start3A_238] : memref<256x1x64xf32, #tpu.memory_space<vmem>> -> memref<1x1x64xf32, #tpu.memory_space<vmem>>
      %dma_start3A_240 = tpu.memref_squeeze %dma_start3A_239 : memref<1x1x64xf32, #tpu.memory_space<vmem>> -> memref<1x64xf32, #tpu.memory_space<vmem>>
      %dma_start3A_241 = arith.constant 0 : i32
      %dma_start3A_242 = tpu.memref_slice %arg4[%shift_right_arithmetic3A_230, %and3A_232, %dma_start3A_241] : memref<125000x8x64xf32, #tpu.memory_space<hbm>> -> memref<1x1x64xf32, #tpu.memory_space<hbm>>
      %dma_start3A_243 = tpu.memref_squeeze %dma_start3A_242 : memref<1x1x64xf32, #tpu.memory_space<hbm>> -> memref<1x64xf32, #tpu.memory_space<hbm>>
      %dma_start3A_244 = arith.constant 0 : i32
      %dma_start3A_245 = arith.constant 0 : i32
      %dma_start3A_246 = tpu.memref_slice %arg9[%add3A_236, %dma_start3A_244, %dma_start3A_245] : memref<256x1x64xf32, #tpu.memory_space<vmem>> -> memref<1x1x64xf32, #tpu.memory_space<vmem>>
      %dma_start3A_247 = tpu.memref_squeeze %dma_start3A_246 : memref<1x1x64xf32, #tpu.memory_space<vmem>> -> memref<1x64xf32, #tpu.memory_space<vmem>>
      %dma_start3A_248 = arith.constant 0 : i32
      %dma_start3A_249 = tpu.memref_slice %arg4[%shift_right_arithmetic3A_230, %and3A_232, %dma_start3A_248] : memref<125000x8x64xf32, #tpu.memory_space<hbm>> -> memref<1x1x64xf32, #tpu.memory_space<hbm>>
      %dma_start3A_250 = tpu.memref_squeeze %dma_start3A_249 : memref<1x1x64xf32, #tpu.memory_space<hbm>> -> memref<1x64xf32, #tpu.memory_space<hbm>>
      tpu.enqueue_dma source(%dma_start3A_250 : memref<1x64xf32, #tpu.memory_space<hbm>>) target(%dma_start3A_247 : memref<1x64xf32, #tpu.memory_space<vmem>>) target_semaphore(%arg12 : memref<!tpu.dma_semaphore, #tpu.memory_space<semaphore_mem>>)
      %shift_right_arithmetic3A_251 = arith.constant 3 : i32
      %shift_right_arithmetic3A_252 = arith.shrsi %squeeze3A_228, %shift_right_arithmetic3A_251 : i32
      %and3A_253 = arith.constant 7 : i32
      %and3A_254 = arith.andi %squeeze3A_228, %and3A_253 : i32
      %mul3A_255 = arith.constant 16 : i32
      %mul3A_256 = arith.muli %scan3A_26, %mul3A_255 : i32
      %add3A_257 = arith.constant 4 : i32
      %add3A_258 = arith.addi %mul3A_256, %add3A_257 : i32
      %dma_start3A_259 = arith.constant 0 : i32
      %dma_start3A_260 = arith.constant 0 : i32
      %dma_start3A_261 = tpu.memref_slice %arg10[%add3A_258, %dma_start3A_259, %dma_start3A_260] : memref<256x1x64xf32, #tpu.memory_space<vmem>> -> memref<1x1x64xf32, #tpu.memory_space<vmem>>
      %dma_start3A_262 = tpu.memref_squeeze %dma_start3A_261 : memref<1x1x64xf32, #tpu.memory_space<vmem>> -> memref<1x64xf32, #tpu.memory_space<vmem>>
      %dma_start3A_263 = arith.constant 0 : i32
      %dma_start3A_264 = tpu.memref_slice %arg5[%shift_right_arithmetic3A_252, %and3A_254, %dma_start3A_263] : memref<125000x8x64xf32, #tpu.memory_space<hbm>> -> memref<1x1x64xf32, #tpu.memory_space<hbm>>
      %dma_start3A_265 = tpu.memref_squeeze %dma_start3A_264 : memref<1x1x64xf32, #tpu.memory_space<hbm>> -> memref<1x64xf32, #tpu.memory_space<hbm>>
      %dma_start3A_266 = arith.constant 0 : i32
      %dma_start3A_267 = arith.constant 0 : i32
      %dma_start3A_268 = tpu.memref_slice %arg10[%add3A_258, %dma_start3A_266, %dma_start3A_267] : memref<256x1x64xf32, #tpu.memory_space<vmem>> -> memref<1x1x64xf32, #tpu.memory_space<vmem>>
      %dma_start3A_269 = tpu.memref_squeeze %dma_start3A_268 : memref<1x1x64xf32, #tpu.memory_space<vmem>> -> memref<1x64xf32, #tpu.memory_space<vmem>>
      %dma_start3A_270 = arith.constant 0 : i32
      %dma_start3A_271 = tpu.memref_slice %arg5[%shift_right_arithmetic3A_252, %and3A_254, %dma_start3A_270] : memref<125000x8x64xf32, #tpu.memory_space<hbm>> -> memref<1x1x64xf32, #tpu.memory_space<hbm>>
      %dma_start3A_272 = tpu.memref_squeeze %dma_start3A_271 : memref<1x1x64xf32, #tpu.memory_space<hbm>> -> memref<1x64xf32, #tpu.memory_space<hbm>>
      tpu.enqueue_dma source(%dma_start3A_272 : memref<1x64xf32, #tpu.memory_space<hbm>>) target(%dma_start3A_269 : memref<1x64xf32, #tpu.memory_space<vmem>>) target_semaphore(%arg12 : memref<!tpu.dma_semaphore, #tpu.memory_space<semaphore_mem>>)
      %slice3A_273 = vector.extract_strided_slice %get3A_31 {offsets = [5], sizes = [1], strides = [1]} : vector<16xi32> to vector<1xi32>
      %squeeze3A_274 = vector.extract %slice3A_273[0] : i32 from vector<1xi32>
      %slice3A_275 = vector.extract_strided_slice %get3A_37 {offsets = [5], sizes = [1], strides = [1]} : vector<16xi32> to vector<1xi32>
      %squeeze3A_276 = vector.extract %slice3A_275[0] : i32 from vector<1xi32>
      %shift_right_arithmetic3A_277 = arith.constant 3 : i32
      %shift_right_arithmetic3A_278 = arith.shrsi %squeeze3A_274, %shift_right_arithmetic3A_277 : i32
      %and3A_279 = arith.constant 7 : i32
      %and3A_280 = arith.andi %squeeze3A_274, %and3A_279 : i32
      %mul3A_281 = arith.constant 16 : i32
      %mul3A_282 = arith.muli %scan3A_26, %mul3A_281 : i32
      %add3A_283 = arith.constant 5 : i32
      %add3A_284 = arith.addi %mul3A_282, %add3A_283 : i32
      %dma_start3A_285 = arith.constant 0 : i32
      %dma_start3A_286 = arith.constant 0 : i32
      %dma_start3A_287 = tpu.memref_slice %arg9[%add3A_284, %dma_start3A_285, %dma_start3A_286] : memref<256x1x64xf32, #tpu.memory_space<vmem>> -> memref<1x1x64xf32, #tpu.memory_space<vmem>>
      %dma_start3A_288 = tpu.memref_squeeze %dma_start3A_287 : memref<1x1x64xf32, #tpu.memory_space<vmem>> -> memref<1x64xf32, #tpu.memory_space<vmem>>
      %dma_start3A_289 = arith.constant 0 : i32
      %dma_start3A_290 = tpu.memref_slice %arg4[%shift_right_arithmetic3A_278, %and3A_280, %dma_start3A_289] : memref<125000x8x64xf32, #tpu.memory_space<hbm>> -> memref<1x1x64xf32, #tpu.memory_space<hbm>>
      %dma_start3A_291 = tpu.memref_squeeze %dma_start3A_290 : memref<1x1x64xf32, #tpu.memory_space<hbm>> -> memref<1x64xf32, #tpu.memory_space<hbm>>
      %dma_start3A_292 = arith.constant 0 : i32
      %dma_start3A_293 = arith.constant 0 : i32
      %dma_start3A_294 = tpu.memref_slice %arg9[%add3A_284, %dma_start3A_292, %dma_start3A_293] : memref<256x1x64xf32, #tpu.memory_space<vmem>> -> memref<1x1x64xf32, #tpu.memory_space<vmem>>
      %dma_start3A_295 = tpu.memref_squeeze %dma_start3A_294 : memref<1x1x64xf32, #tpu.memory_space<vmem>> -> memref<1x64xf32, #tpu.memory_space<vmem>>
      %dma_start3A_296 = arith.constant 0 : i32
      %dma_start3A_297 = tpu.memref_slice %arg4[%shift_right_arithmetic3A_278, %and3A_280, %dma_start3A_296] : memref<125000x8x64xf32, #tpu.memory_space<hbm>> -> memref<1x1x64xf32, #tpu.memory_space<hbm>>
      %dma_start3A_298 = tpu.memref_squeeze %dma_start3A_297 : memref<1x1x64xf32, #tpu.memory_space<hbm>> -> memref<1x64xf32, #tpu.memory_space<hbm>>
      tpu.enqueue_dma source(%dma_start3A_298 : memref<1x64xf32, #tpu.memory_space<hbm>>) target(%dma_start3A_295 : memref<1x64xf32, #tpu.memory_space<vmem>>) target_semaphore(%arg12 : memref<!tpu.dma_semaphore, #tpu.memory_space<semaphore_mem>>)
      %shift_right_arithmetic3A_299 = arith.constant 3 : i32
      %shift_right_arithmetic3A_300 = arith.shrsi %squeeze3A_276, %shift_right_arithmetic3A_299 : i32
      %and3A_301 = arith.constant 7 : i32
      %and3A_302 = arith.andi %squeeze3A_276, %and3A_301 : i32
      %mul3A_303 = arith.constant 16 : i32
      %mul3A_304 = arith.muli %scan3A_26, %mul3A_303 : i32
      %add3A_305 = arith.constant 5 : i32
      %add3A_306 = arith.addi %mul3A_304, %add3A_305 : i32
      %dma_start3A_307 = arith.constant 0 : i32
      %dma_start3A_308 = arith.constant 0 : i32
      %dma_start3A_309 = tpu.memref_slice %arg10[%add3A_306, %dma_start3A_307, %dma_start3A_308] : memref<256x1x64xf32, #tpu.memory_space<vmem>> -> memref<1x1x64xf32, #tpu.memory_space<vmem>>
      %dma_start3A_310 = tpu.memref_squeeze %dma_start3A_309 : memref<1x1x64xf32, #tpu.memory_space<vmem>> -> memref<1x64xf32, #tpu.memory_space<vmem>>
      %dma_start3A_311 = arith.constant 0 : i32
      %dma_start3A_312 = tpu.memref_slice %arg5[%shift_right_arithmetic3A_300, %and3A_302, %dma_start3A_311] : memref<125000x8x64xf32, #tpu.memory_space<hbm>> -> memref<1x1x64xf32, #tpu.memory_space<hbm>>
      %dma_start3A_313 = tpu.memref_squeeze %dma_start3A_312 : memref<1x1x64xf32, #tpu.memory_space<hbm>> -> memref<1x64xf32, #tpu.memory_space<hbm>>
      %dma_start3A_314 = arith.constant 0 : i32
      %dma_start3A_315 = arith.constant 0 : i32
      %dma_start3A_316 = tpu.memref_slice %arg10[%add3A_306, %dma_start3A_314, %dma_start3A_315] : memref<256x1x64xf32, #tpu.memory_space<vmem>> -> memref<1x1x64xf32, #tpu.memory_space<vmem>>
      %dma_start3A_317 = tpu.memref_squeeze %dma_start3A_316 : memref<1x1x64xf32, #tpu.memory_space<vmem>> -> memref<1x64xf32, #tpu.memory_space<vmem>>
      %dma_start3A_318 = arith.constant 0 : i32
      %dma_start3A_319 = tpu.memref_slice %arg5[%shift_right_arithmetic3A_300, %and3A_302, %dma_start3A_318] : memref<125000x8x64xf32, #tpu.memory_space<hbm>> -> memref<1x1x64xf32, #tpu.memory_space<hbm>>
      %dma_start3A_320 = tpu.memref_squeeze %dma_start3A_319 : memref<1x1x64xf32, #tpu.memory_space<hbm>> -> memref<1x64xf32, #tpu.memory_space<hbm>>
      tpu.enqueue_dma source(%dma_start3A_320 : memref<1x64xf32, #tpu.memory_space<hbm>>) target(%dma_start3A_317 : memref<1x64xf32, #tpu.memory_space<vmem>>) target_semaphore(%arg12 : memref<!tpu.dma_semaphore, #tpu.memory_space<semaphore_mem>>)
      %slice3A_321 = vector.extract_strided_slice %get3A_31 {offsets = [6], sizes = [1], strides = [1]} : vector<16xi32> to vector<1xi32>
      %squeeze3A_322 = vector.extract %slice3A_321[0] : i32 from vector<1xi32>
      %slice3A_323 = vector.extract_strided_slice %get3A_37 {offsets = [6], sizes = [1], strides = [1]} : vector<16xi32> to vector<1xi32>
      %squeeze3A_324 = vector.extract %slice3A_323[0] : i32 from vector<1xi32>
      %shift_right_arithmetic3A_325 = arith.constant 3 : i32
      %shift_right_arithmetic3A_326 = arith.shrsi %squeeze3A_322, %shift_right_arithmetic3A_325 : i32
      %and3A_327 = arith.constant 7 : i32
      %and3A_328 = arith.andi %squeeze3A_322, %and3A_327 : i32
      %mul3A_329 = arith.constant 16 : i32
      %mul3A_330 = arith.muli %scan3A_26, %mul3A_329 : i32
      %add3A_331 = arith.constant 6 : i32
      %add3A_332 = arith.addi %mul3A_330, %add3A_331 : i32
      %dma_start3A_333 = arith.constant 0 : i32
      %dma_start3A_334 = arith.constant 0 : i32
      %dma_start3A_335 = tpu.memref_slice %arg9[%add3A_332, %dma_start3A_333, %dma_start3A_334] : memref<256x1x64xf32, #tpu.memory_space<vmem>> -> memref<1x1x64xf32, #tpu.memory_space<vmem>>
      %dma_start3A_336 = tpu.memref_squeeze %dma_start3A_335 : memref<1x1x64xf32, #tpu.memory_space<vmem>> -> memref<1x64xf32, #tpu.memory_space<vmem>>
      %dma_start3A_337 = arith.constant 0 : i32
      %dma_start3A_338 = tpu.memref_slice %arg4[%shift_right_arithmetic3A_326, %and3A_328, %dma_start3A_337] : memref<125000x8x64xf32, #tpu.memory_space<hbm>> -> memref<1x1x64xf32, #tpu.memory_space<hbm>>
      %dma_start3A_339 = tpu.memref_squeeze %dma_start3A_338 : memref<1x1x64xf32, #tpu.memory_space<hbm>> -> memref<1x64xf32, #tpu.memory_space<hbm>>
      %dma_start3A_340 = arith.constant 0 : i32
      %dma_start3A_341 = arith.constant 0 : i32
      %dma_start3A_342 = tpu.memref_slice %arg9[%add3A_332, %dma_start3A_340, %dma_start3A_341] : memref<256x1x64xf32, #tpu.memory_space<vmem>> -> memref<1x1x64xf32, #tpu.memory_space<vmem>>
      %dma_start3A_343 = tpu.memref_squeeze %dma_start3A_342 : memref<1x1x64xf32, #tpu.memory_space<vmem>> -> memref<1x64xf32, #tpu.memory_space<vmem>>
      %dma_start3A_344 = arith.constant 0 : i32
      %dma_start3A_345 = tpu.memref_slice %arg4[%shift_right_arithmetic3A_326, %and3A_328, %dma_start3A_344] : memref<125000x8x64xf32, #tpu.memory_space<hbm>> -> memref<1x1x64xf32, #tpu.memory_space<hbm>>
      %dma_start3A_346 = tpu.memref_squeeze %dma_start3A_345 : memref<1x1x64xf32, #tpu.memory_space<hbm>> -> memref<1x64xf32, #tpu.memory_space<hbm>>
      tpu.enqueue_dma source(%dma_start3A_346 : memref<1x64xf32, #tpu.memory_space<hbm>>) target(%dma_start3A_343 : memref<1x64xf32, #tpu.memory_space<vmem>>) target_semaphore(%arg12 : memref<!tpu.dma_semaphore, #tpu.memory_space<semaphore_mem>>)
      %shift_right_arithmetic3A_347 = arith.constant 3 : i32
      %shift_right_arithmetic3A_348 = arith.shrsi %squeeze3A_324, %shift_right_arithmetic3A_347 : i32
      %and3A_349 = arith.constant 7 : i32
      %and3A_350 = arith.andi %squeeze3A_324, %and3A_349 : i32
      %mul3A_351 = arith.constant 16 : i32
      %mul3A_352 = arith.muli %scan3A_26, %mul3A_351 : i32
      %add3A_353 = arith.constant 6 : i32
      %add3A_354 = arith.addi %mul3A_352, %add3A_353 : i32
      %dma_start3A_355 = arith.constant 0 : i32
      %dma_start3A_356 = arith.constant 0 : i32
      %dma_start3A_357 = tpu.memref_slice %arg10[%add3A_354, %dma_start3A_355, %dma_start3A_356] : memref<256x1x64xf32, #tpu.memory_space<vmem>> -> memref<1x1x64xf32, #tpu.memory_space<vmem>>
      %dma_start3A_358 = tpu.memref_squeeze %dma_start3A_357 : memref<1x1x64xf32, #tpu.memory_space<vmem>> -> memref<1x64xf32, #tpu.memory_space<vmem>>
      %dma_start3A_359 = arith.constant 0 : i32
      %dma_start3A_360 = tpu.memref_slice %arg5[%shift_right_arithmetic3A_348, %and3A_350, %dma_start3A_359] : memref<125000x8x64xf32, #tpu.memory_space<hbm>> -> memref<1x1x64xf32, #tpu.memory_space<hbm>>
      %dma_start3A_361 = tpu.memref_squeeze %dma_start3A_360 : memref<1x1x64xf32, #tpu.memory_space<hbm>> -> memref<1x64xf32, #tpu.memory_space<hbm>>
      %dma_start3A_362 = arith.constant 0 : i32
      %dma_start3A_363 = arith.constant 0 : i32
      %dma_start3A_364 = tpu.memref_slice %arg10[%add3A_354, %dma_start3A_362, %dma_start3A_363] : memref<256x1x64xf32, #tpu.memory_space<vmem>> -> memref<1x1x64xf32, #tpu.memory_space<vmem>>
      %dma_start3A_365 = tpu.memref_squeeze %dma_start3A_364 : memref<1x1x64xf32, #tpu.memory_space<vmem>> -> memref<1x64xf32, #tpu.memory_space<vmem>>
      %dma_start3A_366 = arith.constant 0 : i32
      %dma_start3A_367 = tpu.memref_slice %arg5[%shift_right_arithmetic3A_348, %and3A_350, %dma_start3A_366] : memref<125000x8x64xf32, #tpu.memory_space<hbm>> -> memref<1x1x64xf32, #tpu.memory_space<hbm>>
      %dma_start3A_368 = tpu.memref_squeeze %dma_start3A_367 : memref<1x1x64xf32, #tpu.memory_space<hbm>> -> memref<1x64xf32, #tpu.memory_space<hbm>>
      tpu.enqueue_dma source(%dma_start3A_368 : memref<1x64xf32, #tpu.memory_space<hbm>>) target(%dma_start3A_365 : memref<1x64xf32, #tpu.memory_space<vmem>>) target_semaphore(%arg12 : memref<!tpu.dma_semaphore, #tpu.memory_space<semaphore_mem>>)
      %slice3A_369 = vector.extract_strided_slice %get3A_31 {offsets = [7], sizes = [1], strides = [1]} : vector<16xi32> to vector<1xi32>
      %squeeze3A_370 = vector.extract %slice3A_369[0] : i32 from vector<1xi32>
      %slice3A_371 = vector.extract_strided_slice %get3A_37 {offsets = [7], sizes = [1], strides = [1]} : vector<16xi32> to vector<1xi32>
      %squeeze3A_372 = vector.extract %slice3A_371[0] : i32 from vector<1xi32>
      %shift_right_arithmetic3A_373 = arith.constant 3 : i32
      %shift_right_arithmetic3A_374 = arith.shrsi %squeeze3A_370, %shift_right_arithmetic3A_373 : i32
      %and3A_375 = arith.constant 7 : i32
      %and3A_376 = arith.andi %squeeze3A_370, %and3A_375 : i32
      %mul3A_377 = arith.constant 16 : i32
      %mul3A_378 = arith.muli %scan3A_26, %mul3A_377 : i32
      %add3A_379 = arith.constant 7 : i32
      %add3A_380 = arith.addi %mul3A_378, %add3A_379 : i32
      %dma_start3A_381 = arith.constant 0 : i32
      %dma_start3A_382 = arith.constant 0 : i32
      %dma_start3A_383 = tpu.memref_slice %arg9[%add3A_380, %dma_start3A_381, %dma_start3A_382] : memref<256x1x64xf32, #tpu.memory_space<vmem>> -> memref<1x1x64xf32, #tpu.memory_space<vmem>>
      %dma_start3A_384 = tpu.memref_squeeze %dma_start3A_383 : memref<1x1x64xf32, #tpu.memory_space<vmem>> -> memref<1x64xf32, #tpu.memory_space<vmem>>
      %dma_start3A_385 = arith.constant 0 : i32
      %dma_start3A_386 = tpu.memref_slice %arg4[%shift_right_arithmetic3A_374, %and3A_376, %dma_start3A_385] : memref<125000x8x64xf32, #tpu.memory_space<hbm>> -> memref<1x1x64xf32, #tpu.memory_space<hbm>>
      %dma_start3A_387 = tpu.memref_squeeze %dma_start3A_386 : memref<1x1x64xf32, #tpu.memory_space<hbm>> -> memref<1x64xf32, #tpu.memory_space<hbm>>
      %dma_start3A_388 = arith.constant 0 : i32
      %dma_start3A_389 = arith.constant 0 : i32
      %dma_start3A_390 = tpu.memref_slice %arg9[%add3A_380, %dma_start3A_388, %dma_start3A_389] : memref<256x1x64xf32, #tpu.memory_space<vmem>> -> memref<1x1x64xf32, #tpu.memory_space<vmem>>
      %dma_start3A_391 = tpu.memref_squeeze %dma_start3A_390 : memref<1x1x64xf32, #tpu.memory_space<vmem>> -> memref<1x64xf32, #tpu.memory_space<vmem>>
      %dma_start3A_392 = arith.constant 0 : i32
      %dma_start3A_393 = tpu.memref_slice %arg4[%shift_right_arithmetic3A_374, %and3A_376, %dma_start3A_392] : memref<125000x8x64xf32, #tpu.memory_space<hbm>> -> memref<1x1x64xf32, #tpu.memory_space<hbm>>
      %dma_start3A_394 = tpu.memref_squeeze %dma_start3A_393 : memref<1x1x64xf32, #tpu.memory_space<hbm>> -> memref<1x64xf32, #tpu.memory_space<hbm>>
      tpu.enqueue_dma source(%dma_start3A_394 : memref<1x64xf32, #tpu.memory_space<hbm>>) target(%dma_start3A_391 : memref<1x64xf32, #tpu.memory_space<vmem>>) target_semaphore(%arg12 : memref<!tpu.dma_semaphore, #tpu.memory_space<semaphore_mem>>)
      %shift_right_arithmetic3A_395 = arith.constant 3 : i32
      %shift_right_arithmetic3A_396 = arith.shrsi %squeeze3A_372, %shift_right_arithmetic3A_395 : i32
      %and3A_397 = arith.constant 7 : i32
      %and3A_398 = arith.andi %squeeze3A_372, %and3A_397 : i32
      %mul3A_399 = arith.constant 16 : i32
      %mul3A_400 = arith.muli %scan3A_26, %mul3A_399 : i32
      %add3A_401 = arith.constant 7 : i32
      %add3A_402 = arith.addi %mul3A_400, %add3A_401 : i32
      %dma_start3A_403 = arith.constant 0 : i32
      %dma_start3A_404 = arith.constant 0 : i32
      %dma_start3A_405 = tpu.memref_slice %arg10[%add3A_402, %dma_start3A_403, %dma_start3A_404] : memref<256x1x64xf32, #tpu.memory_space<vmem>> -> memref<1x1x64xf32, #tpu.memory_space<vmem>>
      %dma_start3A_406 = tpu.memref_squeeze %dma_start3A_405 : memref<1x1x64xf32, #tpu.memory_space<vmem>> -> memref<1x64xf32, #tpu.memory_space<vmem>>
      %dma_start3A_407 = arith.constant 0 : i32
      %dma_start3A_408 = tpu.memref_slice %arg5[%shift_right_arithmetic3A_396, %and3A_398, %dma_start3A_407] : memref<125000x8x64xf32, #tpu.memory_space<hbm>> -> memref<1x1x64xf32, #tpu.memory_space<hbm>>
      %dma_start3A_409 = tpu.memref_squeeze %dma_start3A_408 : memref<1x1x64xf32, #tpu.memory_space<hbm>> -> memref<1x64xf32, #tpu.memory_space<hbm>>
      %dma_start3A_410 = arith.constant 0 : i32
      %dma_start3A_411 = arith.constant 0 : i32
      %dma_start3A_412 = tpu.memref_slice %arg10[%add3A_402, %dma_start3A_410, %dma_start3A_411] : memref<256x1x64xf32, #tpu.memory_space<vmem>> -> memref<1x1x64xf32, #tpu.memory_space<vmem>>
      %dma_start3A_413 = tpu.memref_squeeze %dma_start3A_412 : memref<1x1x64xf32, #tpu.memory_space<vmem>> -> memref<1x64xf32, #tpu.memory_space<vmem>>
      %dma_start3A_414 = arith.constant 0 : i32
      %dma_start3A_415 = tpu.memref_slice %arg5[%shift_right_arithmetic3A_396, %and3A_398, %dma_start3A_414] : memref<125000x8x64xf32, #tpu.memory_space<hbm>> -> memref<1x1x64xf32, #tpu.memory_space<hbm>>
      %dma_start3A_416 = tpu.memref_squeeze %dma_start3A_415 : memref<1x1x64xf32, #tpu.memory_space<hbm>> -> memref<1x64xf32, #tpu.memory_space<hbm>>
      tpu.enqueue_dma source(%dma_start3A_416 : memref<1x64xf32, #tpu.memory_space<hbm>>) target(%dma_start3A_413 : memref<1x64xf32, #tpu.memory_space<vmem>>) target_semaphore(%arg12 : memref<!tpu.dma_semaphore, #tpu.memory_space<semaphore_mem>>)
      %slice3A_417 = vector.extract_strided_slice %get3A_31 {offsets = [8], sizes = [1], strides = [1]} : vector<16xi32> to vector<1xi32>
      %squeeze3A_418 = vector.extract %slice3A_417[0] : i32 from vector<1xi32>
      %slice3A_419 = vector.extract_strided_slice %get3A_37 {offsets = [8], sizes = [1], strides = [1]} : vector<16xi32> to vector<1xi32>
      %squeeze3A_420 = vector.extract %slice3A_419[0] : i32 from vector<1xi32>
      %shift_right_arithmetic3A_421 = arith.constant 3 : i32
      %shift_right_arithmetic3A_422 = arith.shrsi %squeeze3A_418, %shift_right_arithmetic3A_421 : i32
      %and3A_423 = arith.constant 7 : i32
      %and3A_424 = arith.andi %squeeze3A_418, %and3A_423 : i32
      %mul3A_425 = arith.constant 16 : i32
      %mul3A_426 = arith.muli %scan3A_26, %mul3A_425 : i32
      %add3A_427 = arith.constant 8 : i32
      %add3A_428 = arith.addi %mul3A_426, %add3A_427 : i32
      %dma_start3A_429 = arith.constant 0 : i32
      %dma_start3A_430 = arith.constant 0 : i32
      %dma_start3A_431 = tpu.memref_slice %arg9[%add3A_428, %dma_start3A_429, %dma_start3A_430] : memref<256x1x64xf32, #tpu.memory_space<vmem>> -> memref<1x1x64xf32, #tpu.memory_space<vmem>>
      %dma_start3A_432 = tpu.memref_squeeze %dma_start3A_431 : memref<1x1x64xf32, #tpu.memory_space<vmem>> -> memref<1x64xf32, #tpu.memory_space<vmem>>
      %dma_start3A_433 = arith.constant 0 : i32
      %dma_start3A_434 = tpu.memref_slice %arg4[%shift_right_arithmetic3A_422, %and3A_424, %dma_start3A_433] : memref<125000x8x64xf32, #tpu.memory_space<hbm>> -> memref<1x1x64xf32, #tpu.memory_space<hbm>>
      %dma_start3A_435 = tpu.memref_squeeze %dma_start3A_434 : memref<1x1x64xf32, #tpu.memory_space<hbm>> -> memref<1x64xf32, #tpu.memory_space<hbm>>
      %dma_start3A_436 = arith.constant 0 : i32
      %dma_start3A_437 = arith.constant 0 : i32
      %dma_start3A_438 = tpu.memref_slice %arg9[%add3A_428, %dma_start3A_436, %dma_start3A_437] : memref<256x1x64xf32, #tpu.memory_space<vmem>> -> memref<1x1x64xf32, #tpu.memory_space<vmem>>
      %dma_start3A_439 = tpu.memref_squeeze %dma_start3A_438 : memref<1x1x64xf32, #tpu.memory_space<vmem>> -> memref<1x64xf32, #tpu.memory_space<vmem>>
      %dma_start3A_440 = arith.constant 0 : i32
      %dma_start3A_441 = tpu.memref_slice %arg4[%shift_right_arithmetic3A_422, %and3A_424, %dma_start3A_440] : memref<125000x8x64xf32, #tpu.memory_space<hbm>> -> memref<1x1x64xf32, #tpu.memory_space<hbm>>
      %dma_start3A_442 = tpu.memref_squeeze %dma_start3A_441 : memref<1x1x64xf32, #tpu.memory_space<hbm>> -> memref<1x64xf32, #tpu.memory_space<hbm>>
      tpu.enqueue_dma source(%dma_start3A_442 : memref<1x64xf32, #tpu.memory_space<hbm>>) target(%dma_start3A_439 : memref<1x64xf32, #tpu.memory_space<vmem>>) target_semaphore(%arg12 : memref<!tpu.dma_semaphore, #tpu.memory_space<semaphore_mem>>)
      %shift_right_arithmetic3A_443 = arith.constant 3 : i32
      %shift_right_arithmetic3A_444 = arith.shrsi %squeeze3A_420, %shift_right_arithmetic3A_443 : i32
      %and3A_445 = arith.constant 7 : i32
      %and3A_446 = arith.andi %squeeze3A_420, %and3A_445 : i32
      %mul3A_447 = arith.constant 16 : i32
      %mul3A_448 = arith.muli %scan3A_26, %mul3A_447 : i32
      %add3A_449 = arith.constant 8 : i32
      %add3A_450 = arith.addi %mul3A_448, %add3A_449 : i32
      %dma_start3A_451 = arith.constant 0 : i32
      %dma_start3A_452 = arith.constant 0 : i32
      %dma_start3A_453 = tpu.memref_slice %arg10[%add3A_450, %dma_start3A_451, %dma_start3A_452] : memref<256x1x64xf32, #tpu.memory_space<vmem>> -> memref<1x1x64xf32, #tpu.memory_space<vmem>>
      %dma_start3A_454 = tpu.memref_squeeze %dma_start3A_453 : memref<1x1x64xf32, #tpu.memory_space<vmem>> -> memref<1x64xf32, #tpu.memory_space<vmem>>
      %dma_start3A_455 = arith.constant 0 : i32
      %dma_start3A_456 = tpu.memref_slice %arg5[%shift_right_arithmetic3A_444, %and3A_446, %dma_start3A_455] : memref<125000x8x64xf32, #tpu.memory_space<hbm>> -> memref<1x1x64xf32, #tpu.memory_space<hbm>>
      %dma_start3A_457 = tpu.memref_squeeze %dma_start3A_456 : memref<1x1x64xf32, #tpu.memory_space<hbm>> -> memref<1x64xf32, #tpu.memory_space<hbm>>
      %dma_start3A_458 = arith.constant 0 : i32
      %dma_start3A_459 = arith.constant 0 : i32
      %dma_start3A_460 = tpu.memref_slice %arg10[%add3A_450, %dma_start3A_458, %dma_start3A_459] : memref<256x1x64xf32, #tpu.memory_space<vmem>> -> memref<1x1x64xf32, #tpu.memory_space<vmem>>
      %dma_start3A_461 = tpu.memref_squeeze %dma_start3A_460 : memref<1x1x64xf32, #tpu.memory_space<vmem>> -> memref<1x64xf32, #tpu.memory_space<vmem>>
      %dma_start3A_462 = arith.constant 0 : i32
      %dma_start3A_463 = tpu.memref_slice %arg5[%shift_right_arithmetic3A_444, %and3A_446, %dma_start3A_462] : memref<125000x8x64xf32, #tpu.memory_space<hbm>> -> memref<1x1x64xf32, #tpu.memory_space<hbm>>
      %dma_start3A_464 = tpu.memref_squeeze %dma_start3A_463 : memref<1x1x64xf32, #tpu.memory_space<hbm>> -> memref<1x64xf32, #tpu.memory_space<hbm>>
      tpu.enqueue_dma source(%dma_start3A_464 : memref<1x64xf32, #tpu.memory_space<hbm>>) target(%dma_start3A_461 : memref<1x64xf32, #tpu.memory_space<vmem>>) target_semaphore(%arg12 : memref<!tpu.dma_semaphore, #tpu.memory_space<semaphore_mem>>)
      %slice3A_465 = vector.extract_strided_slice %get3A_31 {offsets = [9], sizes = [1], strides = [1]} : vector<16xi32> to vector<1xi32>
      %squeeze3A_466 = vector.extract %slice3A_465[0] : i32 from vector<1xi32>
      %slice3A_467 = vector.extract_strided_slice %get3A_37 {offsets = [9], sizes = [1], strides = [1]} : vector<16xi32> to vector<1xi32>
      %squeeze3A_468 = vector.extract %slice3A_467[0] : i32 from vector<1xi32>
      %shift_right_arithmetic3A_469 = arith.constant 3 : i32
      %shift_right_arithmetic3A_470 = arith.shrsi %squeeze3A_466, %shift_right_arithmetic3A_469 : i32
      %and3A_471 = arith.constant 7 : i32
      %and3A_472 = arith.andi %squeeze3A_466, %and3A_471 : i32
      %mul3A_473 = arith.constant 16 : i32
      %mul3A_474 = arith.muli %scan3A_26, %mul3A_473 : i32
      %add3A_475 = arith.constant 9 : i32
      %add3A_476 = arith.addi %mul3A_474, %add3A_475 : i32
      %dma_start3A_477 = arith.constant 0 : i32
      %dma_start3A_478 = arith.constant 0 : i32
      %dma_start3A_479 = tpu.memref_slice %arg9[%add3A_476, %dma_start3A_477, %dma_start3A_478] : memref<256x1x64xf32, #tpu.memory_space<vmem>> -> memref<1x1x64xf32, #tpu.memory_space<vmem>>
      %dma_start3A_480 = tpu.memref_squeeze %dma_start3A_479 : memref<1x1x64xf32, #tpu.memory_space<vmem>> -> memref<1x64xf32, #tpu.memory_space<vmem>>
      %dma_start3A_481 = arith.constant 0 : i32
      %dma_start3A_482 = tpu.memref_slice %arg4[%shift_right_arithmetic3A_470, %and3A_472, %dma_start3A_481] : memref<125000x8x64xf32, #tpu.memory_space<hbm>> -> memref<1x1x64xf32, #tpu.memory_space<hbm>>
      %dma_start3A_483 = tpu.memref_squeeze %dma_start3A_482 : memref<1x1x64xf32, #tpu.memory_space<hbm>> -> memref<1x64xf32, #tpu.memory_space<hbm>>
      %dma_start3A_484 = arith.constant 0 : i32
      %dma_start3A_485 = arith.constant 0 : i32
      %dma_start3A_486 = tpu.memref_slice %arg9[%add3A_476, %dma_start3A_484, %dma_start3A_485] : memref<256x1x64xf32, #tpu.memory_space<vmem>> -> memref<1x1x64xf32, #tpu.memory_space<vmem>>
      %dma_start3A_487 = tpu.memref_squeeze %dma_start3A_486 : memref<1x1x64xf32, #tpu.memory_space<vmem>> -> memref<1x64xf32, #tpu.memory_space<vmem>>
      %dma_start3A_488 = arith.constant 0 : i32
      %dma_start3A_489 = tpu.memref_slice %arg4[%shift_right_arithmetic3A_470, %and3A_472, %dma_start3A_488] : memref<125000x8x64xf32, #tpu.memory_space<hbm>> -> memref<1x1x64xf32, #tpu.memory_space<hbm>>
      %dma_start3A_490 = tpu.memref_squeeze %dma_start3A_489 : memref<1x1x64xf32, #tpu.memory_space<hbm>> -> memref<1x64xf32, #tpu.memory_space<hbm>>
      tpu.enqueue_dma source(%dma_start3A_490 : memref<1x64xf32, #tpu.memory_space<hbm>>) target(%dma_start3A_487 : memref<1x64xf32, #tpu.memory_space<vmem>>) target_semaphore(%arg12 : memref<!tpu.dma_semaphore, #tpu.memory_space<semaphore_mem>>)
      %shift_right_arithmetic3A_491 = arith.constant 3 : i32
      %shift_right_arithmetic3A_492 = arith.shrsi %squeeze3A_468, %shift_right_arithmetic3A_491 : i32
      %and3A_493 = arith.constant 7 : i32
      %and3A_494 = arith.andi %squeeze3A_468, %and3A_493 : i32
      %mul3A_495 = arith.constant 16 : i32
      %mul3A_496 = arith.muli %scan3A_26, %mul3A_495 : i32
      %add3A_497 = arith.constant 9 : i32
      %add3A_498 = arith.addi %mul3A_496, %add3A_497 : i32
      %dma_start3A_499 = arith.constant 0 : i32
      %dma_start3A_500 = arith.constant 0 : i32
      %dma_start3A_501 = tpu.memref_slice %arg10[%add3A_498, %dma_start3A_499, %dma_start3A_500] : memref<256x1x64xf32, #tpu.memory_space<vmem>> -> memref<1x1x64xf32, #tpu.memory_space<vmem>>
      %dma_start3A_502 = tpu.memref_squeeze %dma_start3A_501 : memref<1x1x64xf32, #tpu.memory_space<vmem>> -> memref<1x64xf32, #tpu.memory_space<vmem>>
      %dma_start3A_503 = arith.constant 0 : i32
      %dma_start3A_504 = tpu.memref_slice %arg5[%shift_right_arithmetic3A_492, %and3A_494, %dma_start3A_503] : memref<125000x8x64xf32, #tpu.memory_space<hbm>> -> memref<1x1x64xf32, #tpu.memory_space<hbm>>
      %dma_start3A_505 = tpu.memref_squeeze %dma_start3A_504 : memref<1x1x64xf32, #tpu.memory_space<hbm>> -> memref<1x64xf32, #tpu.memory_space<hbm>>
      %dma_start3A_506 = arith.constant 0 : i32
      %dma_start3A_507 = arith.constant 0 : i32
      %dma_start3A_508 = tpu.memref_slice %arg10[%add3A_498, %dma_start3A_506, %dma_start3A_507] : memref<256x1x64xf32, #tpu.memory_space<vmem>> -> memref<1x1x64xf32, #tpu.memory_space<vmem>>
      %dma_start3A_509 = tpu.memref_squeeze %dma_start3A_508 : memref<1x1x64xf32, #tpu.memory_space<vmem>> -> memref<1x64xf32, #tpu.memory_space<vmem>>
      %dma_start3A_510 = arith.constant 0 : i32
      %dma_start3A_511 = tpu.memref_slice %arg5[%shift_right_arithmetic3A_492, %and3A_494, %dma_start3A_510] : memref<125000x8x64xf32, #tpu.memory_space<hbm>> -> memref<1x1x64xf32, #tpu.memory_space<hbm>>
      %dma_start3A_512 = tpu.memref_squeeze %dma_start3A_511 : memref<1x1x64xf32, #tpu.memory_space<hbm>> -> memref<1x64xf32, #tpu.memory_space<hbm>>
      tpu.enqueue_dma source(%dma_start3A_512 : memref<1x64xf32, #tpu.memory_space<hbm>>) target(%dma_start3A_509 : memref<1x64xf32, #tpu.memory_space<vmem>>) target_semaphore(%arg12 : memref<!tpu.dma_semaphore, #tpu.memory_space<semaphore_mem>>)
      %slice3A_513 = vector.extract_strided_slice %get3A_31 {offsets = [10], sizes = [1], strides = [1]} : vector<16xi32> to vector<1xi32>
      %squeeze3A_514 = vector.extract %slice3A_513[0] : i32 from vector<1xi32>
      %slice3A_515 = vector.extract_strided_slice %get3A_37 {offsets = [10], sizes = [1], strides = [1]} : vector<16xi32> to vector<1xi32>
      %squeeze3A_516 = vector.extract %slice3A_515[0] : i32 from vector<1xi32>
      %shift_right_arithmetic3A_517 = arith.constant 3 : i32
      %shift_right_arithmetic3A_518 = arith.shrsi %squeeze3A_514, %shift_right_arithmetic3A_517 : i32
      %and3A_519 = arith.constant 7 : i32
      %and3A_520 = arith.andi %squeeze3A_514, %and3A_519 : i32
      %mul3A_521 = arith.constant 16 : i32
      %mul3A_522 = arith.muli %scan3A_26, %mul3A_521 : i32
      %add3A_523 = arith.constant 10 : i32
      %add3A_524 = arith.addi %mul3A_522, %add3A_523 : i32
      %dma_start3A_525 = arith.constant 0 : i32
      %dma_start3A_526 = arith.constant 0 : i32
      %dma_start3A_527 = tpu.memref_slice %arg9[%add3A_524, %dma_start3A_525, %dma_start3A_526] : memref<256x1x64xf32, #tpu.memory_space<vmem>> -> memref<1x1x64xf32, #tpu.memory_space<vmem>>
      %dma_start3A_528 = tpu.memref_squeeze %dma_start3A_527 : memref<1x1x64xf32, #tpu.memory_space<vmem>> -> memref<1x64xf32, #tpu.memory_space<vmem>>
      %dma_start3A_529 = arith.constant 0 : i32
      %dma_start3A_530 = tpu.memref_slice %arg4[%shift_right_arithmetic3A_518, %and3A_520, %dma_start3A_529] : memref<125000x8x64xf32, #tpu.memory_space<hbm>> -> memref<1x1x64xf32, #tpu.memory_space<hbm>>
      %dma_start3A_531 = tpu.memref_squeeze %dma_start3A_530 : memref<1x1x64xf32, #tpu.memory_space<hbm>> -> memref<1x64xf32, #tpu.memory_space<hbm>>
      %dma_start3A_532 = arith.constant 0 : i32
      %dma_start3A_533 = arith.constant 0 : i32
      %dma_start3A_534 = tpu.memref_slice %arg9[%add3A_524, %dma_start3A_532, %dma_start3A_533] : memref<256x1x64xf32, #tpu.memory_space<vmem>> -> memref<1x1x64xf32, #tpu.memory_space<vmem>>
      %dma_start3A_535 = tpu.memref_squeeze %dma_start3A_534 : memref<1x1x64xf32, #tpu.memory_space<vmem>> -> memref<1x64xf32, #tpu.memory_space<vmem>>
      %dma_start3A_536 = arith.constant 0 : i32
      %dma_start3A_537 = tpu.memref_slice %arg4[%shift_right_arithmetic3A_518, %and3A_520, %dma_start3A_536] : memref<125000x8x64xf32, #tpu.memory_space<hbm>> -> memref<1x1x64xf32, #tpu.memory_space<hbm>>
      %dma_start3A_538 = tpu.memref_squeeze %dma_start3A_537 : memref<1x1x64xf32, #tpu.memory_space<hbm>> -> memref<1x64xf32, #tpu.memory_space<hbm>>
      tpu.enqueue_dma source(%dma_start3A_538 : memref<1x64xf32, #tpu.memory_space<hbm>>) target(%dma_start3A_535 : memref<1x64xf32, #tpu.memory_space<vmem>>) target_semaphore(%arg12 : memref<!tpu.dma_semaphore, #tpu.memory_space<semaphore_mem>>)
      %shift_right_arithmetic3A_539 = arith.constant 3 : i32
      %shift_right_arithmetic3A_540 = arith.shrsi %squeeze3A_516, %shift_right_arithmetic3A_539 : i32
      %and3A_541 = arith.constant 7 : i32
      %and3A_542 = arith.andi %squeeze3A_516, %and3A_541 : i32
      %mul3A_543 = arith.constant 16 : i32
      %mul3A_544 = arith.muli %scan3A_26, %mul3A_543 : i32
      %add3A_545 = arith.constant 10 : i32
      %add3A_546 = arith.addi %mul3A_544, %add3A_545 : i32
      %dma_start3A_547 = arith.constant 0 : i32
      %dma_start3A_548 = arith.constant 0 : i32
      %dma_start3A_549 = tpu.memref_slice %arg10[%add3A_546, %dma_start3A_547, %dma_start3A_548] : memref<256x1x64xf32, #tpu.memory_space<vmem>> -> memref<1x1x64xf32, #tpu.memory_space<vmem>>
      %dma_start3A_550 = tpu.memref_squeeze %dma_start3A_549 : memref<1x1x64xf32, #tpu.memory_space<vmem>> -> memref<1x64xf32, #tpu.memory_space<vmem>>
      %dma_start3A_551 = arith.constant 0 : i32
      %dma_start3A_552 = tpu.memref_slice %arg5[%shift_right_arithmetic3A_540, %and3A_542, %dma_start3A_551] : memref<125000x8x64xf32, #tpu.memory_space<hbm>> -> memref<1x1x64xf32, #tpu.memory_space<hbm>>
      %dma_start3A_553 = tpu.memref_squeeze %dma_start3A_552 : memref<1x1x64xf32, #tpu.memory_space<hbm>> -> memref<1x64xf32, #tpu.memory_space<hbm>>
      %dma_start3A_554 = arith.constant 0 : i32
      %dma_start3A_555 = arith.constant 0 : i32
      %dma_start3A_556 = tpu.memref_slice %arg10[%add3A_546, %dma_start3A_554, %dma_start3A_555] : memref<256x1x64xf32, #tpu.memory_space<vmem>> -> memref<1x1x64xf32, #tpu.memory_space<vmem>>
      %dma_start3A_557 = tpu.memref_squeeze %dma_start3A_556 : memref<1x1x64xf32, #tpu.memory_space<vmem>> -> memref<1x64xf32, #tpu.memory_space<vmem>>
      %dma_start3A_558 = arith.constant 0 : i32
      %dma_start3A_559 = tpu.memref_slice %arg5[%shift_right_arithmetic3A_540, %and3A_542, %dma_start3A_558] : memref<125000x8x64xf32, #tpu.memory_space<hbm>> -> memref<1x1x64xf32, #tpu.memory_space<hbm>>
      %dma_start3A_560 = tpu.memref_squeeze %dma_start3A_559 : memref<1x1x64xf32, #tpu.memory_space<hbm>> -> memref<1x64xf32, #tpu.memory_space<hbm>>
      tpu.enqueue_dma source(%dma_start3A_560 : memref<1x64xf32, #tpu.memory_space<hbm>>) target(%dma_start3A_557 : memref<1x64xf32, #tpu.memory_space<vmem>>) target_semaphore(%arg12 : memref<!tpu.dma_semaphore, #tpu.memory_space<semaphore_mem>>)
      %slice3A_561 = vector.extract_strided_slice %get3A_31 {offsets = [11], sizes = [1], strides = [1]} : vector<16xi32> to vector<1xi32>
      %squeeze3A_562 = vector.extract %slice3A_561[0] : i32 from vector<1xi32>
      %slice3A_563 = vector.extract_strided_slice %get3A_37 {offsets = [11], sizes = [1], strides = [1]} : vector<16xi32> to vector<1xi32>
      %squeeze3A_564 = vector.extract %slice3A_563[0] : i32 from vector<1xi32>
      %shift_right_arithmetic3A_565 = arith.constant 3 : i32
      %shift_right_arithmetic3A_566 = arith.shrsi %squeeze3A_562, %shift_right_arithmetic3A_565 : i32
      %and3A_567 = arith.constant 7 : i32
      %and3A_568 = arith.andi %squeeze3A_562, %and3A_567 : i32
      %mul3A_569 = arith.constant 16 : i32
      %mul3A_570 = arith.muli %scan3A_26, %mul3A_569 : i32
      %add3A_571 = arith.constant 11 : i32
      %add3A_572 = arith.addi %mul3A_570, %add3A_571 : i32
      %dma_start3A_573 = arith.constant 0 : i32
      %dma_start3A_574 = arith.constant 0 : i32
      %dma_start3A_575 = tpu.memref_slice %arg9[%add3A_572, %dma_start3A_573, %dma_start3A_574] : memref<256x1x64xf32, #tpu.memory_space<vmem>> -> memref<1x1x64xf32, #tpu.memory_space<vmem>>
      %dma_start3A_576 = tpu.memref_squeeze %dma_start3A_575 : memref<1x1x64xf32, #tpu.memory_space<vmem>> -> memref<1x64xf32, #tpu.memory_space<vmem>>
      %dma_start3A_577 = arith.constant 0 : i32
      %dma_start3A_578 = tpu.memref_slice %arg4[%shift_right_arithmetic3A_566, %and3A_568, %dma_start3A_577] : memref<125000x8x64xf32, #tpu.memory_space<hbm>> -> memref<1x1x64xf32, #tpu.memory_space<hbm>>
      %dma_start3A_579 = tpu.memref_squeeze %dma_start3A_578 : memref<1x1x64xf32, #tpu.memory_space<hbm>> -> memref<1x64xf32, #tpu.memory_space<hbm>>
      %dma_start3A_580 = arith.constant 0 : i32
      %dma_start3A_581 = arith.constant 0 : i32
      %dma_start3A_582 = tpu.memref_slice %arg9[%add3A_572, %dma_start3A_580, %dma_start3A_581] : memref<256x1x64xf32, #tpu.memory_space<vmem>> -> memref<1x1x64xf32, #tpu.memory_space<vmem>>
      %dma_start3A_583 = tpu.memref_squeeze %dma_start3A_582 : memref<1x1x64xf32, #tpu.memory_space<vmem>> -> memref<1x64xf32, #tpu.memory_space<vmem>>
      %dma_start3A_584 = arith.constant 0 : i32
      %dma_start3A_585 = tpu.memref_slice %arg4[%shift_right_arithmetic3A_566, %and3A_568, %dma_start3A_584] : memref<125000x8x64xf32, #tpu.memory_space<hbm>> -> memref<1x1x64xf32, #tpu.memory_space<hbm>>
      %dma_start3A_586 = tpu.memref_squeeze %dma_start3A_585 : memref<1x1x64xf32, #tpu.memory_space<hbm>> -> memref<1x64xf32, #tpu.memory_space<hbm>>
      tpu.enqueue_dma source(%dma_start3A_586 : memref<1x64xf32, #tpu.memory_space<hbm>>) target(%dma_start3A_583 : memref<1x64xf32, #tpu.memory_space<vmem>>) target_semaphore(%arg12 : memref<!tpu.dma_semaphore, #tpu.memory_space<semaphore_mem>>)
      %shift_right_arithmetic3A_587 = arith.constant 3 : i32
      %shift_right_arithmetic3A_588 = arith.shrsi %squeeze3A_564, %shift_right_arithmetic3A_587 : i32
      %and3A_589 = arith.constant 7 : i32
      %and3A_590 = arith.andi %squeeze3A_564, %and3A_589 : i32
      %mul3A_591 = arith.constant 16 : i32
      %mul3A_592 = arith.muli %scan3A_26, %mul3A_591 : i32
      %add3A_593 = arith.constant 11 : i32
      %add3A_594 = arith.addi %mul3A_592, %add3A_593 : i32
      %dma_start3A_595 = arith.constant 0 : i32
      %dma_start3A_596 = arith.constant 0 : i32
      %dma_start3A_597 = tpu.memref_slice %arg10[%add3A_594, %dma_start3A_595, %dma_start3A_596] : memref<256x1x64xf32, #tpu.memory_space<vmem>> -> memref<1x1x64xf32, #tpu.memory_space<vmem>>
      %dma_start3A_598 = tpu.memref_squeeze %dma_start3A_597 : memref<1x1x64xf32, #tpu.memory_space<vmem>> -> memref<1x64xf32, #tpu.memory_space<vmem>>
      %dma_start3A_599 = arith.constant 0 : i32
      %dma_start3A_600 = tpu.memref_slice %arg5[%shift_right_arithmetic3A_588, %and3A_590, %dma_start3A_599] : memref<125000x8x64xf32, #tpu.memory_space<hbm>> -> memref<1x1x64xf32, #tpu.memory_space<hbm>>
      %dma_start3A_601 = tpu.memref_squeeze %dma_start3A_600 : memref<1x1x64xf32, #tpu.memory_space<hbm>> -> memref<1x64xf32, #tpu.memory_space<hbm>>
      %dma_start3A_602 = arith.constant 0 : i32
      %dma_start3A_603 = arith.constant 0 : i32
      %dma_start3A_604 = tpu.memref_slice %arg10[%add3A_594, %dma_start3A_602, %dma_start3A_603] : memref<256x1x64xf32, #tpu.memory_space<vmem>> -> memref<1x1x64xf32, #tpu.memory_space<vmem>>
      %dma_start3A_605 = tpu.memref_squeeze %dma_start3A_604 : memref<1x1x64xf32, #tpu.memory_space<vmem>> -> memref<1x64xf32, #tpu.memory_space<vmem>>
      %dma_start3A_606 = arith.constant 0 : i32
      %dma_start3A_607 = tpu.memref_slice %arg5[%shift_right_arithmetic3A_588, %and3A_590, %dma_start3A_606] : memref<125000x8x64xf32, #tpu.memory_space<hbm>> -> memref<1x1x64xf32, #tpu.memory_space<hbm>>
      %dma_start3A_608 = tpu.memref_squeeze %dma_start3A_607 : memref<1x1x64xf32, #tpu.memory_space<hbm>> -> memref<1x64xf32, #tpu.memory_space<hbm>>
      tpu.enqueue_dma source(%dma_start3A_608 : memref<1x64xf32, #tpu.memory_space<hbm>>) target(%dma_start3A_605 : memref<1x64xf32, #tpu.memory_space<vmem>>) target_semaphore(%arg12 : memref<!tpu.dma_semaphore, #tpu.memory_space<semaphore_mem>>)
      %slice3A_609 = vector.extract_strided_slice %get3A_31 {offsets = [12], sizes = [1], strides = [1]} : vector<16xi32> to vector<1xi32>
      %squeeze3A_610 = vector.extract %slice3A_609[0] : i32 from vector<1xi32>
      %slice3A_611 = vector.extract_strided_slice %get3A_37 {offsets = [12], sizes = [1], strides = [1]} : vector<16xi32> to vector<1xi32>
      %squeeze3A_612 = vector.extract %slice3A_611[0] : i32 from vector<1xi32>
      %shift_right_arithmetic3A_613 = arith.constant 3 : i32
      %shift_right_arithmetic3A_614 = arith.shrsi %squeeze3A_610, %shift_right_arithmetic3A_613 : i32
      %and3A_615 = arith.constant 7 : i32
      %and3A_616 = arith.andi %squeeze3A_610, %and3A_615 : i32
      %mul3A_617 = arith.constant 16 : i32
      %mul3A_618 = arith.muli %scan3A_26, %mul3A_617 : i32
      %add3A_619 = arith.constant 12 : i32
      %add3A_620 = arith.addi %mul3A_618, %add3A_619 : i32
      %dma_start3A_621 = arith.constant 0 : i32
      %dma_start3A_622 = arith.constant 0 : i32
      %dma_start3A_623 = tpu.memref_slice %arg9[%add3A_620, %dma_start3A_621, %dma_start3A_622] : memref<256x1x64xf32, #tpu.memory_space<vmem>> -> memref<1x1x64xf32, #tpu.memory_space<vmem>>
      %dma_start3A_624 = tpu.memref_squeeze %dma_start3A_623 : memref<1x1x64xf32, #tpu.memory_space<vmem>> -> memref<1x64xf32, #tpu.memory_space<vmem>>
      %dma_start3A_625 = arith.constant 0 : i32
      %dma_start3A_626 = tpu.memref_slice %arg4[%shift_right_arithmetic3A_614, %and3A_616, %dma_start3A_625] : memref<125000x8x64xf32, #tpu.memory_space<hbm>> -> memref<1x1x64xf32, #tpu.memory_space<hbm>>
      %dma_start3A_627 = tpu.memref_squeeze %dma_start3A_626 : memref<1x1x64xf32, #tpu.memory_space<hbm>> -> memref<1x64xf32, #tpu.memory_space<hbm>>
      %dma_start3A_628 = arith.constant 0 : i32
      %dma_start3A_629 = arith.constant 0 : i32
      %dma_start3A_630 = tpu.memref_slice %arg9[%add3A_620, %dma_start3A_628, %dma_start3A_629] : memref<256x1x64xf32, #tpu.memory_space<vmem>> -> memref<1x1x64xf32, #tpu.memory_space<vmem>>
      %dma_start3A_631 = tpu.memref_squeeze %dma_start3A_630 : memref<1x1x64xf32, #tpu.memory_space<vmem>> -> memref<1x64xf32, #tpu.memory_space<vmem>>
      %dma_start3A_632 = arith.constant 0 : i32
      %dma_start3A_633 = tpu.memref_slice %arg4[%shift_right_arithmetic3A_614, %and3A_616, %dma_start3A_632] : memref<125000x8x64xf32, #tpu.memory_space<hbm>> -> memref<1x1x64xf32, #tpu.memory_space<hbm>>
      %dma_start3A_634 = tpu.memref_squeeze %dma_start3A_633 : memref<1x1x64xf32, #tpu.memory_space<hbm>> -> memref<1x64xf32, #tpu.memory_space<hbm>>
      tpu.enqueue_dma source(%dma_start3A_634 : memref<1x64xf32, #tpu.memory_space<hbm>>) target(%dma_start3A_631 : memref<1x64xf32, #tpu.memory_space<vmem>>) target_semaphore(%arg12 : memref<!tpu.dma_semaphore, #tpu.memory_space<semaphore_mem>>)
      %shift_right_arithmetic3A_635 = arith.constant 3 : i32
      %shift_right_arithmetic3A_636 = arith.shrsi %squeeze3A_612, %shift_right_arithmetic3A_635 : i32
      %and3A_637 = arith.constant 7 : i32
      %and3A_638 = arith.andi %squeeze3A_612, %and3A_637 : i32
      %mul3A_639 = arith.constant 16 : i32
      %mul3A_640 = arith.muli %scan3A_26, %mul3A_639 : i32
      %add3A_641 = arith.constant 12 : i32
      %add3A_642 = arith.addi %mul3A_640, %add3A_641 : i32
      %dma_start3A_643 = arith.constant 0 : i32
      %dma_start3A_644 = arith.constant 0 : i32
      %dma_start3A_645 = tpu.memref_slice %arg10[%add3A_642, %dma_start3A_643, %dma_start3A_644] : memref<256x1x64xf32, #tpu.memory_space<vmem>> -> memref<1x1x64xf32, #tpu.memory_space<vmem>>
      %dma_start3A_646 = tpu.memref_squeeze %dma_start3A_645 : memref<1x1x64xf32, #tpu.memory_space<vmem>> -> memref<1x64xf32, #tpu.memory_space<vmem>>
      %dma_start3A_647 = arith.constant 0 : i32
      %dma_start3A_648 = tpu.memref_slice %arg5[%shift_right_arithmetic3A_636, %and3A_638, %dma_start3A_647] : memref<125000x8x64xf32, #tpu.memory_space<hbm>> -> memref<1x1x64xf32, #tpu.memory_space<hbm>>
      %dma_start3A_649 = tpu.memref_squeeze %dma_start3A_648 : memref<1x1x64xf32, #tpu.memory_space<hbm>> -> memref<1x64xf32, #tpu.memory_space<hbm>>
      %dma_start3A_650 = arith.constant 0 : i32
      %dma_start3A_651 = arith.constant 0 : i32
      %dma_start3A_652 = tpu.memref_slice %arg10[%add3A_642, %dma_start3A_650, %dma_start3A_651] : memref<256x1x64xf32, #tpu.memory_space<vmem>> -> memref<1x1x64xf32, #tpu.memory_space<vmem>>
      %dma_start3A_653 = tpu.memref_squeeze %dma_start3A_652 : memref<1x1x64xf32, #tpu.memory_space<vmem>> -> memref<1x64xf32, #tpu.memory_space<vmem>>
      %dma_start3A_654 = arith.constant 0 : i32
      %dma_start3A_655 = tpu.memref_slice %arg5[%shift_right_arithmetic3A_636, %and3A_638, %dma_start3A_654] : memref<125000x8x64xf32, #tpu.memory_space<hbm>> -> memref<1x1x64xf32, #tpu.memory_space<hbm>>
      %dma_start3A_656 = tpu.memref_squeeze %dma_start3A_655 : memref<1x1x64xf32, #tpu.memory_space<hbm>> -> memref<1x64xf32, #tpu.memory_space<hbm>>
      tpu.enqueue_dma source(%dma_start3A_656 : memref<1x64xf32, #tpu.memory_space<hbm>>) target(%dma_start3A_653 : memref<1x64xf32, #tpu.memory_space<vmem>>) target_semaphore(%arg12 : memref<!tpu.dma_semaphore, #tpu.memory_space<semaphore_mem>>)
      %slice3A_657 = vector.extract_strided_slice %get3A_31 {offsets = [13], sizes = [1], strides = [1]} : vector<16xi32> to vector<1xi32>
      %squeeze3A_658 = vector.extract %slice3A_657[0] : i32 from vector<1xi32>
      %slice3A_659 = vector.extract_strided_slice %get3A_37 {offsets = [13], sizes = [1], strides = [1]} : vector<16xi32> to vector<1xi32>
      %squeeze3A_660 = vector.extract %slice3A_659[0] : i32 from vector<1xi32>
      %shift_right_arithmetic3A_661 = arith.constant 3 : i32
      %shift_right_arithmetic3A_662 = arith.shrsi %squeeze3A_658, %shift_right_arithmetic3A_661 : i32
      %and3A_663 = arith.constant 7 : i32
      %and3A_664 = arith.andi %squeeze3A_658, %and3A_663 : i32
      %mul3A_665 = arith.constant 16 : i32
      %mul3A_666 = arith.muli %scan3A_26, %mul3A_665 : i32
      %add3A_667 = arith.constant 13 : i32
      %add3A_668 = arith.addi %mul3A_666, %add3A_667 : i32
      %dma_start3A_669 = arith.constant 0 : i32
      %dma_start3A_670 = arith.constant 0 : i32
      %dma_start3A_671 = tpu.memref_slice %arg9[%add3A_668, %dma_start3A_669, %dma_start3A_670] : memref<256x1x64xf32, #tpu.memory_space<vmem>> -> memref<1x1x64xf32, #tpu.memory_space<vmem>>
      %dma_start3A_672 = tpu.memref_squeeze %dma_start3A_671 : memref<1x1x64xf32, #tpu.memory_space<vmem>> -> memref<1x64xf32, #tpu.memory_space<vmem>>
      %dma_start3A_673 = arith.constant 0 : i32
      %dma_start3A_674 = tpu.memref_slice %arg4[%shift_right_arithmetic3A_662, %and3A_664, %dma_start3A_673] : memref<125000x8x64xf32, #tpu.memory_space<hbm>> -> memref<1x1x64xf32, #tpu.memory_space<hbm>>
      %dma_start3A_675 = tpu.memref_squeeze %dma_start3A_674 : memref<1x1x64xf32, #tpu.memory_space<hbm>> -> memref<1x64xf32, #tpu.memory_space<hbm>>
      %dma_start3A_676 = arith.constant 0 : i32
      %dma_start3A_677 = arith.constant 0 : i32
      %dma_start3A_678 = tpu.memref_slice %arg9[%add3A_668, %dma_start3A_676, %dma_start3A_677] : memref<256x1x64xf32, #tpu.memory_space<vmem>> -> memref<1x1x64xf32, #tpu.memory_space<vmem>>
      %dma_start3A_679 = tpu.memref_squeeze %dma_start3A_678 : memref<1x1x64xf32, #tpu.memory_space<vmem>> -> memref<1x64xf32, #tpu.memory_space<vmem>>
      %dma_start3A_680 = arith.constant 0 : i32
      %dma_start3A_681 = tpu.memref_slice %arg4[%shift_right_arithmetic3A_662, %and3A_664, %dma_start3A_680] : memref<125000x8x64xf32, #tpu.memory_space<hbm>> -> memref<1x1x64xf32, #tpu.memory_space<hbm>>
      %dma_start3A_682 = tpu.memref_squeeze %dma_start3A_681 : memref<1x1x64xf32, #tpu.memory_space<hbm>> -> memref<1x64xf32, #tpu.memory_space<hbm>>
      tpu.enqueue_dma source(%dma_start3A_682 : memref<1x64xf32, #tpu.memory_space<hbm>>) target(%dma_start3A_679 : memref<1x64xf32, #tpu.memory_space<vmem>>) target_semaphore(%arg12 : memref<!tpu.dma_semaphore, #tpu.memory_space<semaphore_mem>>)
      %shift_right_arithmetic3A_683 = arith.constant 3 : i32
      %shift_right_arithmetic3A_684 = arith.shrsi %squeeze3A_660, %shift_right_arithmetic3A_683 : i32
      %and3A_685 = arith.constant 7 : i32
      %and3A_686 = arith.andi %squeeze3A_660, %and3A_685 : i32
      %mul3A_687 = arith.constant 16 : i32
      %mul3A_688 = arith.muli %scan3A_26, %mul3A_687 : i32
      %add3A_689 = arith.constant 13 : i32
      %add3A_690 = arith.addi %mul3A_688, %add3A_689 : i32
      %dma_start3A_691 = arith.constant 0 : i32
      %dma_start3A_692 = arith.constant 0 : i32
      %dma_start3A_693 = tpu.memref_slice %arg10[%add3A_690, %dma_start3A_691, %dma_start3A_692] : memref<256x1x64xf32, #tpu.memory_space<vmem>> -> memref<1x1x64xf32, #tpu.memory_space<vmem>>
      %dma_start3A_694 = tpu.memref_squeeze %dma_start3A_693 : memref<1x1x64xf32, #tpu.memory_space<vmem>> -> memref<1x64xf32, #tpu.memory_space<vmem>>
      %dma_start3A_695 = arith.constant 0 : i32
      %dma_start3A_696 = tpu.memref_slice %arg5[%shift_right_arithmetic3A_684, %and3A_686, %dma_start3A_695] : memref<125000x8x64xf32, #tpu.memory_space<hbm>> -> memref<1x1x64xf32, #tpu.memory_space<hbm>>
      %dma_start3A_697 = tpu.memref_squeeze %dma_start3A_696 : memref<1x1x64xf32, #tpu.memory_space<hbm>> -> memref<1x64xf32, #tpu.memory_space<hbm>>
      %dma_start3A_698 = arith.constant 0 : i32
      %dma_start3A_699 = arith.constant 0 : i32
      %dma_start3A_700 = tpu.memref_slice %arg10[%add3A_690, %dma_start3A_698, %dma_start3A_699] : memref<256x1x64xf32, #tpu.memory_space<vmem>> -> memref<1x1x64xf32, #tpu.memory_space<vmem>>
      %dma_start3A_701 = tpu.memref_squeeze %dma_start3A_700 : memref<1x1x64xf32, #tpu.memory_space<vmem>> -> memref<1x64xf32, #tpu.memory_space<vmem>>
      %dma_start3A_702 = arith.constant 0 : i32
      %dma_start3A_703 = tpu.memref_slice %arg5[%shift_right_arithmetic3A_684, %and3A_686, %dma_start3A_702] : memref<125000x8x64xf32, #tpu.memory_space<hbm>> -> memref<1x1x64xf32, #tpu.memory_space<hbm>>
      %dma_start3A_704 = tpu.memref_squeeze %dma_start3A_703 : memref<1x1x64xf32, #tpu.memory_space<hbm>> -> memref<1x64xf32, #tpu.memory_space<hbm>>
      tpu.enqueue_dma source(%dma_start3A_704 : memref<1x64xf32, #tpu.memory_space<hbm>>) target(%dma_start3A_701 : memref<1x64xf32, #tpu.memory_space<vmem>>) target_semaphore(%arg12 : memref<!tpu.dma_semaphore, #tpu.memory_space<semaphore_mem>>)
      %slice3A_705 = vector.extract_strided_slice %get3A_31 {offsets = [14], sizes = [1], strides = [1]} : vector<16xi32> to vector<1xi32>
      %squeeze3A_706 = vector.extract %slice3A_705[0] : i32 from vector<1xi32>
      %slice3A_707 = vector.extract_strided_slice %get3A_37 {offsets = [14], sizes = [1], strides = [1]} : vector<16xi32> to vector<1xi32>
      %squeeze3A_708 = vector.extract %slice3A_707[0] : i32 from vector<1xi32>
      %shift_right_arithmetic3A_709 = arith.constant 3 : i32
      %shift_right_arithmetic3A_710 = arith.shrsi %squeeze3A_706, %shift_right_arithmetic3A_709 : i32
      %and3A_711 = arith.constant 7 : i32
      %and3A_712 = arith.andi %squeeze3A_706, %and3A_711 : i32
      %mul3A_713 = arith.constant 16 : i32
      %mul3A_714 = arith.muli %scan3A_26, %mul3A_713 : i32
      %add3A_715 = arith.constant 14 : i32
      %add3A_716 = arith.addi %mul3A_714, %add3A_715 : i32
      %dma_start3A_717 = arith.constant 0 : i32
      %dma_start3A_718 = arith.constant 0 : i32
      %dma_start3A_719 = tpu.memref_slice %arg9[%add3A_716, %dma_start3A_717, %dma_start3A_718] : memref<256x1x64xf32, #tpu.memory_space<vmem>> -> memref<1x1x64xf32, #tpu.memory_space<vmem>>
      %dma_start3A_720 = tpu.memref_squeeze %dma_start3A_719 : memref<1x1x64xf32, #tpu.memory_space<vmem>> -> memref<1x64xf32, #tpu.memory_space<vmem>>
      %dma_start3A_721 = arith.constant 0 : i32
      %dma_start3A_722 = tpu.memref_slice %arg4[%shift_right_arithmetic3A_710, %and3A_712, %dma_start3A_721] : memref<125000x8x64xf32, #tpu.memory_space<hbm>> -> memref<1x1x64xf32, #tpu.memory_space<hbm>>
      %dma_start3A_723 = tpu.memref_squeeze %dma_start3A_722 : memref<1x1x64xf32, #tpu.memory_space<hbm>> -> memref<1x64xf32, #tpu.memory_space<hbm>>
      %dma_start3A_724 = arith.constant 0 : i32
      %dma_start3A_725 = arith.constant 0 : i32
      %dma_start3A_726 = tpu.memref_slice %arg9[%add3A_716, %dma_start3A_724, %dma_start3A_725] : memref<256x1x64xf32, #tpu.memory_space<vmem>> -> memref<1x1x64xf32, #tpu.memory_space<vmem>>
      %dma_start3A_727 = tpu.memref_squeeze %dma_start3A_726 : memref<1x1x64xf32, #tpu.memory_space<vmem>> -> memref<1x64xf32, #tpu.memory_space<vmem>>
      %dma_start3A_728 = arith.constant 0 : i32
      %dma_start3A_729 = tpu.memref_slice %arg4[%shift_right_arithmetic3A_710, %and3A_712, %dma_start3A_728] : memref<125000x8x64xf32, #tpu.memory_space<hbm>> -> memref<1x1x64xf32, #tpu.memory_space<hbm>>
      %dma_start3A_730 = tpu.memref_squeeze %dma_start3A_729 : memref<1x1x64xf32, #tpu.memory_space<hbm>> -> memref<1x64xf32, #tpu.memory_space<hbm>>
      tpu.enqueue_dma source(%dma_start3A_730 : memref<1x64xf32, #tpu.memory_space<hbm>>) target(%dma_start3A_727 : memref<1x64xf32, #tpu.memory_space<vmem>>) target_semaphore(%arg12 : memref<!tpu.dma_semaphore, #tpu.memory_space<semaphore_mem>>)
      %shift_right_arithmetic3A_731 = arith.constant 3 : i32
      %shift_right_arithmetic3A_732 = arith.shrsi %squeeze3A_708, %shift_right_arithmetic3A_731 : i32
      %and3A_733 = arith.constant 7 : i32
      %and3A_734 = arith.andi %squeeze3A_708, %and3A_733 : i32
      %mul3A_735 = arith.constant 16 : i32
      %mul3A_736 = arith.muli %scan3A_26, %mul3A_735 : i32
      %add3A_737 = arith.constant 14 : i32
      %add3A_738 = arith.addi %mul3A_736, %add3A_737 : i32
      %dma_start3A_739 = arith.constant 0 : i32
      %dma_start3A_740 = arith.constant 0 : i32
      %dma_start3A_741 = tpu.memref_slice %arg10[%add3A_738, %dma_start3A_739, %dma_start3A_740] : memref<256x1x64xf32, #tpu.memory_space<vmem>> -> memref<1x1x64xf32, #tpu.memory_space<vmem>>
      %dma_start3A_742 = tpu.memref_squeeze %dma_start3A_741 : memref<1x1x64xf32, #tpu.memory_space<vmem>> -> memref<1x64xf32, #tpu.memory_space<vmem>>
      %dma_start3A_743 = arith.constant 0 : i32
      %dma_start3A_744 = tpu.memref_slice %arg5[%shift_right_arithmetic3A_732, %and3A_734, %dma_start3A_743] : memref<125000x8x64xf32, #tpu.memory_space<hbm>> -> memref<1x1x64xf32, #tpu.memory_space<hbm>>
      %dma_start3A_745 = tpu.memref_squeeze %dma_start3A_744 : memref<1x1x64xf32, #tpu.memory_space<hbm>> -> memref<1x64xf32, #tpu.memory_space<hbm>>
      %dma_start3A_746 = arith.constant 0 : i32
      %dma_start3A_747 = arith.constant 0 : i32
      %dma_start3A_748 = tpu.memref_slice %arg10[%add3A_738, %dma_start3A_746, %dma_start3A_747] : memref<256x1x64xf32, #tpu.memory_space<vmem>> -> memref<1x1x64xf32, #tpu.memory_space<vmem>>
      %dma_start3A_749 = tpu.memref_squeeze %dma_start3A_748 : memref<1x1x64xf32, #tpu.memory_space<vmem>> -> memref<1x64xf32, #tpu.memory_space<vmem>>
      %dma_start3A_750 = arith.constant 0 : i32
      %dma_start3A_751 = tpu.memref_slice %arg5[%shift_right_arithmetic3A_732, %and3A_734, %dma_start3A_750] : memref<125000x8x64xf32, #tpu.memory_space<hbm>> -> memref<1x1x64xf32, #tpu.memory_space<hbm>>
      %dma_start3A_752 = tpu.memref_squeeze %dma_start3A_751 : memref<1x1x64xf32, #tpu.memory_space<hbm>> -> memref<1x64xf32, #tpu.memory_space<hbm>>
      tpu.enqueue_dma source(%dma_start3A_752 : memref<1x64xf32, #tpu.memory_space<hbm>>) target(%dma_start3A_749 : memref<1x64xf32, #tpu.memory_space<vmem>>) target_semaphore(%arg12 : memref<!tpu.dma_semaphore, #tpu.memory_space<semaphore_mem>>)
      %slice3A_753 = vector.extract_strided_slice %get3A_31 {offsets = [15], sizes = [1], strides = [1]} : vector<16xi32> to vector<1xi32>
      %squeeze3A_754 = vector.extract %slice3A_753[0] : i32 from vector<1xi32>
      %slice3A_755 = vector.extract_strided_slice %get3A_37 {offsets = [15], sizes = [1], strides = [1]} : vector<16xi32> to vector<1xi32>
      %squeeze3A_756 = vector.extract %slice3A_755[0] : i32 from vector<1xi32>
      %shift_right_arithmetic3A_757 = arith.constant 3 : i32
      %shift_right_arithmetic3A_758 = arith.shrsi %squeeze3A_754, %shift_right_arithmetic3A_757 : i32
      %and3A_759 = arith.constant 7 : i32
      %and3A_760 = arith.andi %squeeze3A_754, %and3A_759 : i32
      %mul3A_761 = arith.constant 16 : i32
      %mul3A_762 = arith.muli %scan3A_26, %mul3A_761 : i32
      %add3A_763 = arith.constant 15 : i32
      %add3A_764 = arith.addi %mul3A_762, %add3A_763 : i32
      %dma_start3A_765 = arith.constant 0 : i32
      %dma_start3A_766 = arith.constant 0 : i32
      %dma_start3A_767 = tpu.memref_slice %arg9[%add3A_764, %dma_start3A_765, %dma_start3A_766] : memref<256x1x64xf32, #tpu.memory_space<vmem>> -> memref<1x1x64xf32, #tpu.memory_space<vmem>>
      %dma_start3A_768 = tpu.memref_squeeze %dma_start3A_767 : memref<1x1x64xf32, #tpu.memory_space<vmem>> -> memref<1x64xf32, #tpu.memory_space<vmem>>
      %dma_start3A_769 = arith.constant 0 : i32
      %dma_start3A_770 = tpu.memref_slice %arg4[%shift_right_arithmetic3A_758, %and3A_760, %dma_start3A_769] : memref<125000x8x64xf32, #tpu.memory_space<hbm>> -> memref<1x1x64xf32, #tpu.memory_space<hbm>>
      %dma_start3A_771 = tpu.memref_squeeze %dma_start3A_770 : memref<1x1x64xf32, #tpu.memory_space<hbm>> -> memref<1x64xf32, #tpu.memory_space<hbm>>
      %dma_start3A_772 = arith.constant 0 : i32
      %dma_start3A_773 = arith.constant 0 : i32
      %dma_start3A_774 = tpu.memref_slice %arg9[%add3A_764, %dma_start3A_772, %dma_start3A_773] : memref<256x1x64xf32, #tpu.memory_space<vmem>> -> memref<1x1x64xf32, #tpu.memory_space<vmem>>
      %dma_start3A_775 = tpu.memref_squeeze %dma_start3A_774 : memref<1x1x64xf32, #tpu.memory_space<vmem>> -> memref<1x64xf32, #tpu.memory_space<vmem>>
      %dma_start3A_776 = arith.constant 0 : i32
      %dma_start3A_777 = tpu.memref_slice %arg4[%shift_right_arithmetic3A_758, %and3A_760, %dma_start3A_776] : memref<125000x8x64xf32, #tpu.memory_space<hbm>> -> memref<1x1x64xf32, #tpu.memory_space<hbm>>
      %dma_start3A_778 = tpu.memref_squeeze %dma_start3A_777 : memref<1x1x64xf32, #tpu.memory_space<hbm>> -> memref<1x64xf32, #tpu.memory_space<hbm>>
      tpu.enqueue_dma source(%dma_start3A_778 : memref<1x64xf32, #tpu.memory_space<hbm>>) target(%dma_start3A_775 : memref<1x64xf32, #tpu.memory_space<vmem>>) target_semaphore(%arg12 : memref<!tpu.dma_semaphore, #tpu.memory_space<semaphore_mem>>)
      %shift_right_arithmetic3A_779 = arith.constant 3 : i32
      %shift_right_arithmetic3A_780 = arith.shrsi %squeeze3A_756, %shift_right_arithmetic3A_779 : i32
      %and3A_781 = arith.constant 7 : i32
      %and3A_782 = arith.andi %squeeze3A_756, %and3A_781 : i32
      %mul3A_783 = arith.constant 16 : i32
      %mul3A_784 = arith.muli %scan3A_26, %mul3A_783 : i32
      %add3A_785 = arith.constant 15 : i32
      %add3A_786 = arith.addi %mul3A_784, %add3A_785 : i32
      %dma_start3A_787 = arith.constant 0 : i32
      %dma_start3A_788 = arith.constant 0 : i32
      %dma_start3A_789 = tpu.memref_slice %arg10[%add3A_786, %dma_start3A_787, %dma_start3A_788] : memref<256x1x64xf32, #tpu.memory_space<vmem>> -> memref<1x1x64xf32, #tpu.memory_space<vmem>>
      %dma_start3A_790 = tpu.memref_squeeze %dma_start3A_789 : memref<1x1x64xf32, #tpu.memory_space<vmem>> -> memref<1x64xf32, #tpu.memory_space<vmem>>
      %dma_start3A_791 = arith.constant 0 : i32
      %dma_start3A_792 = tpu.memref_slice %arg5[%shift_right_arithmetic3A_780, %and3A_782, %dma_start3A_791] : memref<125000x8x64xf32, #tpu.memory_space<hbm>> -> memref<1x1x64xf32, #tpu.memory_space<hbm>>
      %dma_start3A_793 = tpu.memref_squeeze %dma_start3A_792 : memref<1x1x64xf32, #tpu.memory_space<hbm>> -> memref<1x64xf32, #tpu.memory_space<hbm>>
      %dma_start3A_794 = arith.constant 0 : i32
      %dma_start3A_795 = arith.constant 0 : i32
      %dma_start3A_796 = tpu.memref_slice %arg10[%add3A_786, %dma_start3A_794, %dma_start3A_795] : memref<256x1x64xf32, #tpu.memory_space<vmem>> -> memref<1x1x64xf32, #tpu.memory_space<vmem>>
      %dma_start3A_797 = tpu.memref_squeeze %dma_start3A_796 : memref<1x1x64xf32, #tpu.memory_space<vmem>> -> memref<1x64xf32, #tpu.memory_space<vmem>>
      %dma_start3A_798 = arith.constant 0 : i32
      %dma_start3A_799 = tpu.memref_slice %arg5[%shift_right_arithmetic3A_780, %and3A_782, %dma_start3A_798] : memref<125000x8x64xf32, #tpu.memory_space<hbm>> -> memref<1x1x64xf32, #tpu.memory_space<hbm>>
      %dma_start3A_800 = tpu.memref_squeeze %dma_start3A_799 : memref<1x1x64xf32, #tpu.memory_space<hbm>> -> memref<1x64xf32, #tpu.memory_space<hbm>>
      tpu.enqueue_dma source(%dma_start3A_800 : memref<1x64xf32, #tpu.memory_space<hbm>>) target(%dma_start3A_797 : memref<1x64xf32, #tpu.memory_space<vmem>>) target_semaphore(%arg12 : memref<!tpu.dma_semaphore, #tpu.memory_space<semaphore_mem>>)
    }
    %scan3A_19 = arith.constant 16 : i32
    %scan3A_20 = arith.constant 0 : i32
    %scan3A_21 = arith.constant 0 : i32
    %scan3A_22 = arith.constant 16 : i32
    %scan3A_23 = arith.addi %scan3A_21, %scan3A_22 : i32
    %scan3A_24 = arith.constant 1 : i32
    scf.for %scan3A_26 = %scan3A_21 to %scan3A_23 step %scan3A_24  : i32 {
      %dma_wait3A = arith.constant 0 : i32
      %dma_wait3A_27 = arith.constant 0 : i32
      %dma_wait3A_28 = arith.constant 0 : i32
      %dma_wait3A_29 = arith.constant 0 : i32
      %dma_wait3A_30 = tpu.memref_slice %arg9[%dma_wait3A_27, %dma_wait3A_28, %dma_wait3A_29] : memref<256x1x64xf32, #tpu.memory_space<vmem>> -> memref<1x1x64xf32, #tpu.memory_space<vmem>>
      %dma_wait3A_31 = tpu.memref_squeeze %dma_wait3A_30 : memref<1x1x64xf32, #tpu.memory_space<vmem>> -> memref<1x64xf32, #tpu.memory_space<vmem>>
      %dma_wait3A_32 = arith.constant 0 : i32
      %dma_wait3A_33 = arith.constant 0 : i32
      %dma_wait3A_34 = tpu.memref_slice %arg4[%dma_wait3A, %dma_wait3A_32, %dma_wait3A_33] : memref<125000x8x64xf32, #tpu.memory_space<hbm>> -> memref<1x1x64xf32, #tpu.memory_space<hbm>>
      %dma_wait3A_35 = tpu.memref_squeeze %dma_wait3A_34 : memref<1x1x64xf32, #tpu.memory_space<hbm>> -> memref<1x64xf32, #tpu.memory_space<hbm>>
      %dma_wait3A_36 = arith.constant 0 : i32
      %dma_wait3A_37 = arith.constant 0 : i32
      %dma_wait3A_38 = tpu.memref_slice %arg9[%dma_wait3A_27, %dma_wait3A_36, %dma_wait3A_37] : memref<256x1x64xf32, #tpu.memory_space<vmem>> -> memref<1x1x64xf32, #tpu.memory_space<vmem>>
      %dma_wait3A_39 = tpu.memref_squeeze %dma_wait3A_38 : memref<1x1x64xf32, #tpu.memory_space<vmem>> -> memref<1x64xf32, #tpu.memory_space<vmem>>
      %dma_wait3A_40 = arith.constant 0 : i32
      %dma_wait3A_41 = arith.constant 0 : i32
      %dma_wait3A_42 = tpu.memref_slice %arg4[%dma_wait3A, %dma_wait3A_40, %dma_wait3A_41] : memref<125000x8x64xf32, #tpu.memory_space<hbm>> -> memref<1x1x64xf32, #tpu.memory_space<hbm>>
      %dma_wait3A_43 = tpu.memref_squeeze %dma_wait3A_42 : memref<1x1x64xf32, #tpu.memory_space<hbm>> -> memref<1x64xf32, #tpu.memory_space<hbm>>
      tpu.wait_dma2 semaphore(%arg12 : memref<!tpu.dma_semaphore, #tpu.memory_space<semaphore_mem>>) src(%dma_wait3A_43 : memref<1x64xf32, #tpu.memory_space<hbm>>) dst(%dma_wait3A_39 : memref<1x64xf32, #tpu.memory_space<vmem>>)
      %dma_wait3A_44 = arith.constant 0 : i32
      %dma_wait3A_45 = arith.constant 0 : i32
      %dma_wait3A_46 = arith.constant 0 : i32
      %dma_wait3A_47 = arith.constant 0 : i32
      %dma_wait3A_48 = tpu.memref_slice %arg9[%dma_wait3A_45, %dma_wait3A_46, %dma_wait3A_47] : memref<256x1x64xf32, #tpu.memory_space<vmem>> -> memref<1x1x64xf32, #tpu.memory_space<vmem>>
      %dma_wait3A_49 = tpu.memref_squeeze %dma_wait3A_48 : memref<1x1x64xf32, #tpu.memory_space<vmem>> -> memref<1x64xf32, #tpu.memory_space<vmem>>
      %dma_wait3A_50 = arith.constant 0 : i32
      %dma_wait3A_51 = arith.constant 0 : i32
      %dma_wait3A_52 = tpu.memref_slice %arg4[%dma_wait3A_44, %dma_wait3A_50, %dma_wait3A_51] : memref<125000x8x64xf32, #tpu.memory_space<hbm>> -> memref<1x1x64xf32, #tpu.memory_space<hbm>>
      %dma_wait3A_53 = tpu.memref_squeeze %dma_wait3A_52 : memref<1x1x64xf32, #tpu.memory_space<hbm>> -> memref<1x64xf32, #tpu.memory_space<hbm>>
      %dma_wait3A_54 = arith.constant 0 : i32
      %dma_wait3A_55 = arith.constant 0 : i32
      %dma_wait3A_56 = tpu.memref_slice %arg9[%dma_wait3A_45, %dma_wait3A_54, %dma_wait3A_55] : memref<256x1x64xf32, #tpu.memory_space<vmem>> -> memref<1x1x64xf32, #tpu.memory_space<vmem>>
      %dma_wait3A_57 = tpu.memref_squeeze %dma_wait3A_56 : memref<1x1x64xf32, #tpu.memory_space<vmem>> -> memref<1x64xf32, #tpu.memory_space<vmem>>
      %dma_wait3A_58 = arith.constant 0 : i32
      %dma_wait3A_59 = arith.constant 0 : i32
      %dma_wait3A_60 = tpu.memref_slice %arg4[%dma_wait3A_44, %dma_wait3A_58, %dma_wait3A_59] : memref<125000x8x64xf32, #tpu.memory_space<hbm>> -> memref<1x1x64xf32, #tpu.memory_space<hbm>>
      %dma_wait3A_61 = tpu.memref_squeeze %dma_wait3A_60 : memref<1x1x64xf32, #tpu.memory_space<hbm>> -> memref<1x64xf32, #tpu.memory_space<hbm>>
      tpu.wait_dma2 semaphore(%arg12 : memref<!tpu.dma_semaphore, #tpu.memory_space<semaphore_mem>>) src(%dma_wait3A_61 : memref<1x64xf32, #tpu.memory_space<hbm>>) dst(%dma_wait3A_57 : memref<1x64xf32, #tpu.memory_space<vmem>>)
      %dma_wait3A_62 = arith.constant 0 : i32
      %dma_wait3A_63 = arith.constant 0 : i32
      %dma_wait3A_64 = arith.constant 0 : i32
      %dma_wait3A_65 = arith.constant 0 : i32
      %dma_wait3A_66 = tpu.memref_slice %arg9[%dma_wait3A_63, %dma_wait3A_64, %dma_wait3A_65] : memref<256x1x64xf32, #tpu.memory_space<vmem>> -> memref<1x1x64xf32, #tpu.memory_space<vmem>>
      %dma_wait3A_67 = tpu.memref_squeeze %dma_wait3A_66 : memref<1x1x64xf32, #tpu.memory_space<vmem>> -> memref<1x64xf32, #tpu.memory_space<vmem>>
      %dma_wait3A_68 = arith.constant 0 : i32
      %dma_wait3A_69 = arith.constant 0 : i32
      %dma_wait3A_70 = tpu.memref_slice %arg4[%dma_wait3A_62, %dma_wait3A_68, %dma_wait3A_69] : memref<125000x8x64xf32, #tpu.memory_space<hbm>> -> memref<1x1x64xf32, #tpu.memory_space<hbm>>
      %dma_wait3A_71 = tpu.memref_squeeze %dma_wait3A_70 : memref<1x1x64xf32, #tpu.memory_space<hbm>> -> memref<1x64xf32, #tpu.memory_space<hbm>>
      %dma_wait3A_72 = arith.constant 0 : i32
      %dma_wait3A_73 = arith.constant 0 : i32
      %dma_wait3A_74 = tpu.memref_slice %arg9[%dma_wait3A_63, %dma_wait3A_72, %dma_wait3A_73] : memref<256x1x64xf32, #tpu.memory_space<vmem>> -> memref<1x1x64xf32, #tpu.memory_space<vmem>>
      %dma_wait3A_75 = tpu.memref_squeeze %dma_wait3A_74 : memref<1x1x64xf32, #tpu.memory_space<vmem>> -> memref<1x64xf32, #tpu.memory_space<vmem>>
      %dma_wait3A_76 = arith.constant 0 : i32
      %dma_wait3A_77 = arith.constant 0 : i32
      %dma_wait3A_78 = tpu.memref_slice %arg4[%dma_wait3A_62, %dma_wait3A_76, %dma_wait3A_77] : memref<125000x8x64xf32, #tpu.memory_space<hbm>> -> memref<1x1x64xf32, #tpu.memory_space<hbm>>
      %dma_wait3A_79 = tpu.memref_squeeze %dma_wait3A_78 : memref<1x1x64xf32, #tpu.memory_space<hbm>> -> memref<1x64xf32, #tpu.memory_space<hbm>>
      tpu.wait_dma2 semaphore(%arg12 : memref<!tpu.dma_semaphore, #tpu.memory_space<semaphore_mem>>) src(%dma_wait3A_79 : memref<1x64xf32, #tpu.memory_space<hbm>>) dst(%dma_wait3A_75 : memref<1x64xf32, #tpu.memory_space<vmem>>)
      %dma_wait3A_80 = arith.constant 0 : i32
      %dma_wait3A_81 = arith.constant 0 : i32
      %dma_wait3A_82 = arith.constant 0 : i32
      %dma_wait3A_83 = arith.constant 0 : i32
      %dma_wait3A_84 = tpu.memref_slice %arg9[%dma_wait3A_81, %dma_wait3A_82, %dma_wait3A_83] : memref<256x1x64xf32, #tpu.memory_space<vmem>> -> memref<1x1x64xf32, #tpu.memory_space<vmem>>
      %dma_wait3A_85 = tpu.memref_squeeze %dma_wait3A_84 : memref<1x1x64xf32, #tpu.memory_space<vmem>> -> memref<1x64xf32, #tpu.memory_space<vmem>>
      %dma_wait3A_86 = arith.constant 0 : i32
      %dma_wait3A_87 = arith.constant 0 : i32
      %dma_wait3A_88 = tpu.memref_slice %arg4[%dma_wait3A_80, %dma_wait3A_86, %dma_wait3A_87] : memref<125000x8x64xf32, #tpu.memory_space<hbm>> -> memref<1x1x64xf32, #tpu.memory_space<hbm>>
      %dma_wait3A_89 = tpu.memref_squeeze %dma_wait3A_88 : memref<1x1x64xf32, #tpu.memory_space<hbm>> -> memref<1x64xf32, #tpu.memory_space<hbm>>
      %dma_wait3A_90 = arith.constant 0 : i32
      %dma_wait3A_91 = arith.constant 0 : i32
      %dma_wait3A_92 = tpu.memref_slice %arg9[%dma_wait3A_81, %dma_wait3A_90, %dma_wait3A_91] : memref<256x1x64xf32, #tpu.memory_space<vmem>> -> memref<1x1x64xf32, #tpu.memory_space<vmem>>
      %dma_wait3A_93 = tpu.memref_squeeze %dma_wait3A_92 : memref<1x1x64xf32, #tpu.memory_space<vmem>> -> memref<1x64xf32, #tpu.memory_space<vmem>>
      %dma_wait3A_94 = arith.constant 0 : i32
      %dma_wait3A_95 = arith.constant 0 : i32
      %dma_wait3A_96 = tpu.memref_slice %arg4[%dma_wait3A_80, %dma_wait3A_94, %dma_wait3A_95] : memref<125000x8x64xf32, #tpu.memory_space<hbm>> -> memref<1x1x64xf32, #tpu.memory_space<hbm>>
      %dma_wait3A_97 = tpu.memref_squeeze %dma_wait3A_96 : memref<1x1x64xf32, #tpu.memory_space<hbm>> -> memref<1x64xf32, #tpu.memory_space<hbm>>
      tpu.wait_dma2 semaphore(%arg12 : memref<!tpu.dma_semaphore, #tpu.memory_space<semaphore_mem>>) src(%dma_wait3A_97 : memref<1x64xf32, #tpu.memory_space<hbm>>) dst(%dma_wait3A_93 : memref<1x64xf32, #tpu.memory_space<vmem>>)
      %dma_wait3A_98 = arith.constant 0 : i32
      %dma_wait3A_99 = arith.constant 0 : i32
      %dma_wait3A_100 = arith.constant 0 : i32
      %dma_wait3A_101 = arith.constant 0 : i32
      %dma_wait3A_102 = tpu.memref_slice %arg9[%dma_wait3A_99, %dma_wait3A_100, %dma_wait3A_101] : memref<256x1x64xf32, #tpu.memory_space<vmem>> -> memref<1x1x64xf32, #tpu.memory_space<vmem>>
      %dma_wait3A_103 = tpu.memref_squeeze %dma_wait3A_102 : memref<1x1x64xf32, #tpu.memory_space<vmem>> -> memref<1x64xf32, #tpu.memory_space<vmem>>
      %dma_wait3A_104 = arith.constant 0 : i32
      %dma_wait3A_105 = arith.constant 0 : i32
      %dma_wait3A_106 = tpu.memref_slice %arg4[%dma_wait3A_98, %dma_wait3A_104, %dma_wait3A_105] : memref<125000x8x64xf32, #tpu.memory_space<hbm>> -> memref<1x1x64xf32, #tpu.memory_space<hbm>>
      %dma_wait3A_107 = tpu.memref_squeeze %dma_wait3A_106 : memref<1x1x64xf32, #tpu.memory_space<hbm>> -> memref<1x64xf32, #tpu.memory_space<hbm>>
      %dma_wait3A_108 = arith.constant 0 : i32
      %dma_wait3A_109 = arith.constant 0 : i32
      %dma_wait3A_110 = tpu.memref_slice %arg9[%dma_wait3A_99, %dma_wait3A_108, %dma_wait3A_109] : memref<256x1x64xf32, #tpu.memory_space<vmem>> -> memref<1x1x64xf32, #tpu.memory_space<vmem>>
      %dma_wait3A_111 = tpu.memref_squeeze %dma_wait3A_110 : memref<1x1x64xf32, #tpu.memory_space<vmem>> -> memref<1x64xf32, #tpu.memory_space<vmem>>
      %dma_wait3A_112 = arith.constant 0 : i32
      %dma_wait3A_113 = arith.constant 0 : i32
      %dma_wait3A_114 = tpu.memref_slice %arg4[%dma_wait3A_98, %dma_wait3A_112, %dma_wait3A_113] : memref<125000x8x64xf32, #tpu.memory_space<hbm>> -> memref<1x1x64xf32, #tpu.memory_space<hbm>>
      %dma_wait3A_115 = tpu.memref_squeeze %dma_wait3A_114 : memref<1x1x64xf32, #tpu.memory_space<hbm>> -> memref<1x64xf32, #tpu.memory_space<hbm>>
      tpu.wait_dma2 semaphore(%arg12 : memref<!tpu.dma_semaphore, #tpu.memory_space<semaphore_mem>>) src(%dma_wait3A_115 : memref<1x64xf32, #tpu.memory_space<hbm>>) dst(%dma_wait3A_111 : memref<1x64xf32, #tpu.memory_space<vmem>>)
      %dma_wait3A_116 = arith.constant 0 : i32
      %dma_wait3A_117 = arith.constant 0 : i32
      %dma_wait3A_118 = arith.constant 0 : i32
      %dma_wait3A_119 = arith.constant 0 : i32
      %dma_wait3A_120 = tpu.memref_slice %arg9[%dma_wait3A_117, %dma_wait3A_118, %dma_wait3A_119] : memref<256x1x64xf32, #tpu.memory_space<vmem>> -> memref<1x1x64xf32, #tpu.memory_space<vmem>>
      %dma_wait3A_121 = tpu.memref_squeeze %dma_wait3A_120 : memref<1x1x64xf32, #tpu.memory_space<vmem>> -> memref<1x64xf32, #tpu.memory_space<vmem>>
      %dma_wait3A_122 = arith.constant 0 : i32
      %dma_wait3A_123 = arith.constant 0 : i32
      %dma_wait3A_124 = tpu.memref_slice %arg4[%dma_wait3A_116, %dma_wait3A_122, %dma_wait3A_123] : memref<125000x8x64xf32, #tpu.memory_space<hbm>> -> memref<1x1x64xf32, #tpu.memory_space<hbm>>
      %dma_wait3A_125 = tpu.memref_squeeze %dma_wait3A_124 : memref<1x1x64xf32, #tpu.memory_space<hbm>> -> memref<1x64xf32, #tpu.memory_space<hbm>>
      %dma_wait3A_126 = arith.constant 0 : i32
      %dma_wait3A_127 = arith.constant 0 : i32
      %dma_wait3A_128 = tpu.memref_slice %arg9[%dma_wait3A_117, %dma_wait3A_126, %dma_wait3A_127] : memref<256x1x64xf32, #tpu.memory_space<vmem>> -> memref<1x1x64xf32, #tpu.memory_space<vmem>>
      %dma_wait3A_129 = tpu.memref_squeeze %dma_wait3A_128 : memref<1x1x64xf32, #tpu.memory_space<vmem>> -> memref<1x64xf32, #tpu.memory_space<vmem>>
      %dma_wait3A_130 = arith.constant 0 : i32
      %dma_wait3A_131 = arith.constant 0 : i32
      %dma_wait3A_132 = tpu.memref_slice %arg4[%dma_wait3A_116, %dma_wait3A_130, %dma_wait3A_131] : memref<125000x8x64xf32, #tpu.memory_space<hbm>> -> memref<1x1x64xf32, #tpu.memory_space<hbm>>
      %dma_wait3A_133 = tpu.memref_squeeze %dma_wait3A_132 : memref<1x1x64xf32, #tpu.memory_space<hbm>> -> memref<1x64xf32, #tpu.memory_space<hbm>>
      tpu.wait_dma2 semaphore(%arg12 : memref<!tpu.dma_semaphore, #tpu.memory_space<semaphore_mem>>) src(%dma_wait3A_133 : memref<1x64xf32, #tpu.memory_space<hbm>>) dst(%dma_wait3A_129 : memref<1x64xf32, #tpu.memory_space<vmem>>)
      %dma_wait3A_134 = arith.constant 0 : i32
      %dma_wait3A_135 = arith.constant 0 : i32
      %dma_wait3A_136 = arith.constant 0 : i32
      %dma_wait3A_137 = arith.constant 0 : i32
      %dma_wait3A_138 = tpu.memref_slice %arg9[%dma_wait3A_135, %dma_wait3A_136, %dma_wait3A_137] : memref<256x1x64xf32, #tpu.memory_space<vmem>> -> memref<1x1x64xf32, #tpu.memory_space<vmem>>
      %dma_wait3A_139 = tpu.memref_squeeze %dma_wait3A_138 : memref<1x1x64xf32, #tpu.memory_space<vmem>> -> memref<1x64xf32, #tpu.memory_space<vmem>>
      %dma_wait3A_140 = arith.constant 0 : i32
      %dma_wait3A_141 = arith.constant 0 : i32
      %dma_wait3A_142 = tpu.memref_slice %arg4[%dma_wait3A_134, %dma_wait3A_140, %dma_wait3A_141] : memref<125000x8x64xf32, #tpu.memory_space<hbm>> -> memref<1x1x64xf32, #tpu.memory_space<hbm>>
      %dma_wait3A_143 = tpu.memref_squeeze %dma_wait3A_142 : memref<1x1x64xf32, #tpu.memory_space<hbm>> -> memref<1x64xf32, #tpu.memory_space<hbm>>
      %dma_wait3A_144 = arith.constant 0 : i32
      %dma_wait3A_145 = arith.constant 0 : i32
      %dma_wait3A_146 = tpu.memref_slice %arg9[%dma_wait3A_135, %dma_wait3A_144, %dma_wait3A_145] : memref<256x1x64xf32, #tpu.memory_space<vmem>> -> memref<1x1x64xf32, #tpu.memory_space<vmem>>
      %dma_wait3A_147 = tpu.memref_squeeze %dma_wait3A_146 : memref<1x1x64xf32, #tpu.memory_space<vmem>> -> memref<1x64xf32, #tpu.memory_space<vmem>>
      %dma_wait3A_148 = arith.constant 0 : i32
      %dma_wait3A_149 = arith.constant 0 : i32
      %dma_wait3A_150 = tpu.memref_slice %arg4[%dma_wait3A_134, %dma_wait3A_148, %dma_wait3A_149] : memref<125000x8x64xf32, #tpu.memory_space<hbm>> -> memref<1x1x64xf32, #tpu.memory_space<hbm>>
      %dma_wait3A_151 = tpu.memref_squeeze %dma_wait3A_150 : memref<1x1x64xf32, #tpu.memory_space<hbm>> -> memref<1x64xf32, #tpu.memory_space<hbm>>
      tpu.wait_dma2 semaphore(%arg12 : memref<!tpu.dma_semaphore, #tpu.memory_space<semaphore_mem>>) src(%dma_wait3A_151 : memref<1x64xf32, #tpu.memory_space<hbm>>) dst(%dma_wait3A_147 : memref<1x64xf32, #tpu.memory_space<vmem>>)
      %dma_wait3A_152 = arith.constant 0 : i32
      %dma_wait3A_153 = arith.constant 0 : i32
      %dma_wait3A_154 = arith.constant 0 : i32
      %dma_wait3A_155 = arith.constant 0 : i32
      %dma_wait3A_156 = tpu.memref_slice %arg9[%dma_wait3A_153, %dma_wait3A_154, %dma_wait3A_155] : memref<256x1x64xf32, #tpu.memory_space<vmem>> -> memref<1x1x64xf32, #tpu.memory_space<vmem>>
      %dma_wait3A_157 = tpu.memref_squeeze %dma_wait3A_156 : memref<1x1x64xf32, #tpu.memory_space<vmem>> -> memref<1x64xf32, #tpu.memory_space<vmem>>
      %dma_wait3A_158 = arith.constant 0 : i32
      %dma_wait3A_159 = arith.constant 0 : i32
      %dma_wait3A_160 = tpu.memref_slice %arg4[%dma_wait3A_152, %dma_wait3A_158, %dma_wait3A_159] : memref<125000x8x64xf32, #tpu.memory_space<hbm>> -> memref<1x1x64xf32, #tpu.memory_space<hbm>>
      %dma_wait3A_161 = tpu.memref_squeeze %dma_wait3A_160 : memref<1x1x64xf32, #tpu.memory_space<hbm>> -> memref<1x64xf32, #tpu.memory_space<hbm>>
      %dma_wait3A_162 = arith.constant 0 : i32
      %dma_wait3A_163 = arith.constant 0 : i32
      %dma_wait3A_164 = tpu.memref_slice %arg9[%dma_wait3A_153, %dma_wait3A_162, %dma_wait3A_163] : memref<256x1x64xf32, #tpu.memory_space<vmem>> -> memref<1x1x64xf32, #tpu.memory_space<vmem>>
      %dma_wait3A_165 = tpu.memref_squeeze %dma_wait3A_164 : memref<1x1x64xf32, #tpu.memory_space<vmem>> -> memref<1x64xf32, #tpu.memory_space<vmem>>
      %dma_wait3A_166 = arith.constant 0 : i32
      %dma_wait3A_167 = arith.constant 0 : i32
      %dma_wait3A_168 = tpu.memref_slice %arg4[%dma_wait3A_152, %dma_wait3A_166, %dma_wait3A_167] : memref<125000x8x64xf32, #tpu.memory_space<hbm>> -> memref<1x1x64xf32, #tpu.memory_space<hbm>>
      %dma_wait3A_169 = tpu.memref_squeeze %dma_wait3A_168 : memref<1x1x64xf32, #tpu.memory_space<hbm>> -> memref<1x64xf32, #tpu.memory_space<hbm>>
      tpu.wait_dma2 semaphore(%arg12 : memref<!tpu.dma_semaphore, #tpu.memory_space<semaphore_mem>>) src(%dma_wait3A_169 : memref<1x64xf32, #tpu.memory_space<hbm>>) dst(%dma_wait3A_165 : memref<1x64xf32, #tpu.memory_space<vmem>>)
      %dma_wait3A_170 = arith.constant 0 : i32
      %dma_wait3A_171 = arith.constant 0 : i32
      %dma_wait3A_172 = arith.constant 0 : i32
      %dma_wait3A_173 = arith.constant 0 : i32
      %dma_wait3A_174 = tpu.memref_slice %arg9[%dma_wait3A_171, %dma_wait3A_172, %dma_wait3A_173] : memref<256x1x64xf32, #tpu.memory_space<vmem>> -> memref<1x1x64xf32, #tpu.memory_space<vmem>>
      %dma_wait3A_175 = tpu.memref_squeeze %dma_wait3A_174 : memref<1x1x64xf32, #tpu.memory_space<vmem>> -> memref<1x64xf32, #tpu.memory_space<vmem>>
      %dma_wait3A_176 = arith.constant 0 : i32
      %dma_wait3A_177 = arith.constant 0 : i32
      %dma_wait3A_178 = tpu.memref_slice %arg4[%dma_wait3A_170, %dma_wait3A_176, %dma_wait3A_177] : memref<125000x8x64xf32, #tpu.memory_space<hbm>> -> memref<1x1x64xf32, #tpu.memory_space<hbm>>
      %dma_wait3A_179 = tpu.memref_squeeze %dma_wait3A_178 : memref<1x1x64xf32, #tpu.memory_space<hbm>> -> memref<1x64xf32, #tpu.memory_space<hbm>>
      %dma_wait3A_180 = arith.constant 0 : i32
      %dma_wait3A_181 = arith.constant 0 : i32
      %dma_wait3A_182 = tpu.memref_slice %arg9[%dma_wait3A_171, %dma_wait3A_180, %dma_wait3A_181] : memref<256x1x64xf32, #tpu.memory_space<vmem>> -> memref<1x1x64xf32, #tpu.memory_space<vmem>>
      %dma_wait3A_183 = tpu.memref_squeeze %dma_wait3A_182 : memref<1x1x64xf32, #tpu.memory_space<vmem>> -> memref<1x64xf32, #tpu.memory_space<vmem>>
      %dma_wait3A_184 = arith.constant 0 : i32
      %dma_wait3A_185 = arith.constant 0 : i32
      %dma_wait3A_186 = tpu.memref_slice %arg4[%dma_wait3A_170, %dma_wait3A_184, %dma_wait3A_185] : memref<125000x8x64xf32, #tpu.memory_space<hbm>> -> memref<1x1x64xf32, #tpu.memory_space<hbm>>
      %dma_wait3A_187 = tpu.memref_squeeze %dma_wait3A_186 : memref<1x1x64xf32, #tpu.memory_space<hbm>> -> memref<1x64xf32, #tpu.memory_space<hbm>>
      tpu.wait_dma2 semaphore(%arg12 : memref<!tpu.dma_semaphore, #tpu.memory_space<semaphore_mem>>) src(%dma_wait3A_187 : memref<1x64xf32, #tpu.memory_space<hbm>>) dst(%dma_wait3A_183 : memref<1x64xf32, #tpu.memory_space<vmem>>)
      %dma_wait3A_188 = arith.constant 0 : i32
      %dma_wait3A_189 = arith.constant 0 : i32
      %dma_wait3A_190 = arith.constant 0 : i32
      %dma_wait3A_191 = arith.constant 0 : i32
      %dma_wait3A_192 = tpu.memref_slice %arg9[%dma_wait3A_189, %dma_wait3A_190, %dma_wait3A_191] : memref<256x1x64xf32, #tpu.memory_space<vmem>> -> memref<1x1x64xf32, #tpu.memory_space<vmem>>
      %dma_wait3A_193 = tpu.memref_squeeze %dma_wait3A_192 : memref<1x1x64xf32, #tpu.memory_space<vmem>> -> memref<1x64xf32, #tpu.memory_space<vmem>>
      %dma_wait3A_194 = arith.constant 0 : i32
      %dma_wait3A_195 = arith.constant 0 : i32
      %dma_wait3A_196 = tpu.memref_slice %arg4[%dma_wait3A_188, %dma_wait3A_194, %dma_wait3A_195] : memref<125000x8x64xf32, #tpu.memory_space<hbm>> -> memref<1x1x64xf32, #tpu.memory_space<hbm>>
      %dma_wait3A_197 = tpu.memref_squeeze %dma_wait3A_196 : memref<1x1x64xf32, #tpu.memory_space<hbm>> -> memref<1x64xf32, #tpu.memory_space<hbm>>
      %dma_wait3A_198 = arith.constant 0 : i32
      %dma_wait3A_199 = arith.constant 0 : i32
      %dma_wait3A_200 = tpu.memref_slice %arg9[%dma_wait3A_189, %dma_wait3A_198, %dma_wait3A_199] : memref<256x1x64xf32, #tpu.memory_space<vmem>> -> memref<1x1x64xf32, #tpu.memory_space<vmem>>
      %dma_wait3A_201 = tpu.memref_squeeze %dma_wait3A_200 : memref<1x1x64xf32, #tpu.memory_space<vmem>> -> memref<1x64xf32, #tpu.memory_space<vmem>>
      %dma_wait3A_202 = arith.constant 0 : i32
      %dma_wait3A_203 = arith.constant 0 : i32
      %dma_wait3A_204 = tpu.memref_slice %arg4[%dma_wait3A_188, %dma_wait3A_202, %dma_wait3A_203] : memref<125000x8x64xf32, #tpu.memory_space<hbm>> -> memref<1x1x64xf32, #tpu.memory_space<hbm>>
      %dma_wait3A_205 = tpu.memref_squeeze %dma_wait3A_204 : memref<1x1x64xf32, #tpu.memory_space<hbm>> -> memref<1x64xf32, #tpu.memory_space<hbm>>
      tpu.wait_dma2 semaphore(%arg12 : memref<!tpu.dma_semaphore, #tpu.memory_space<semaphore_mem>>) src(%dma_wait3A_205 : memref<1x64xf32, #tpu.memory_space<hbm>>) dst(%dma_wait3A_201 : memref<1x64xf32, #tpu.memory_space<vmem>>)
      %dma_wait3A_206 = arith.constant 0 : i32
      %dma_wait3A_207 = arith.constant 0 : i32
      %dma_wait3A_208 = arith.constant 0 : i32
      %dma_wait3A_209 = arith.constant 0 : i32
      %dma_wait3A_210 = tpu.memref_slice %arg9[%dma_wait3A_207, %dma_wait3A_208, %dma_wait3A_209] : memref<256x1x64xf32, #tpu.memory_space<vmem>> -> memref<1x1x64xf32, #tpu.memory_space<vmem>>
      %dma_wait3A_211 = tpu.memref_squeeze %dma_wait3A_210 : memref<1x1x64xf32, #tpu.memory_space<vmem>> -> memref<1x64xf32, #tpu.memory_space<vmem>>
      %dma_wait3A_212 = arith.constant 0 : i32
      %dma_wait3A_213 = arith.constant 0 : i32
      %dma_wait3A_214 = tpu.memref_slice %arg4[%dma_wait3A_206, %dma_wait3A_212, %dma_wait3A_213] : memref<125000x8x64xf32, #tpu.memory_space<hbm>> -> memref<1x1x64xf32, #tpu.memory_space<hbm>>
      %dma_wait3A_215 = tpu.memref_squeeze %dma_wait3A_214 : memref<1x1x64xf32, #tpu.memory_space<hbm>> -> memref<1x64xf32, #tpu.memory_space<hbm>>
      %dma_wait3A_216 = arith.constant 0 : i32
      %dma_wait3A_217 = arith.constant 0 : i32
      %dma_wait3A_218 = tpu.memref_slice %arg9[%dma_wait3A_207, %dma_wait3A_216, %dma_wait3A_217] : memref<256x1x64xf32, #tpu.memory_space<vmem>> -> memref<1x1x64xf32, #tpu.memory_space<vmem>>
      %dma_wait3A_219 = tpu.memref_squeeze %dma_wait3A_218 : memref<1x1x64xf32, #tpu.memory_space<vmem>> -> memref<1x64xf32, #tpu.memory_space<vmem>>
      %dma_wait3A_220 = arith.constant 0 : i32
      %dma_wait3A_221 = arith.constant 0 : i32
      %dma_wait3A_222 = tpu.memref_slice %arg4[%dma_wait3A_206, %dma_wait3A_220, %dma_wait3A_221] : memref<125000x8x64xf32, #tpu.memory_space<hbm>> -> memref<1x1x64xf32, #tpu.memory_space<hbm>>
      %dma_wait3A_223 = tpu.memref_squeeze %dma_wait3A_222 : memref<1x1x64xf32, #tpu.memory_space<hbm>> -> memref<1x64xf32, #tpu.memory_space<hbm>>
      tpu.wait_dma2 semaphore(%arg12 : memref<!tpu.dma_semaphore, #tpu.memory_space<semaphore_mem>>) src(%dma_wait3A_223 : memref<1x64xf32, #tpu.memory_space<hbm>>) dst(%dma_wait3A_219 : memref<1x64xf32, #tpu.memory_space<vmem>>)
      %dma_wait3A_224 = arith.constant 0 : i32
      %dma_wait3A_225 = arith.constant 0 : i32
      %dma_wait3A_226 = arith.constant 0 : i32
      %dma_wait3A_227 = arith.constant 0 : i32
      %dma_wait3A_228 = tpu.memref_slice %arg9[%dma_wait3A_225, %dma_wait3A_226, %dma_wait3A_227] : memref<256x1x64xf32, #tpu.memory_space<vmem>> -> memref<1x1x64xf32, #tpu.memory_space<vmem>>
      %dma_wait3A_229 = tpu.memref_squeeze %dma_wait3A_228 : memref<1x1x64xf32, #tpu.memory_space<vmem>> -> memref<1x64xf32, #tpu.memory_space<vmem>>
      %dma_wait3A_230 = arith.constant 0 : i32
      %dma_wait3A_231 = arith.constant 0 : i32
      %dma_wait3A_232 = tpu.memref_slice %arg4[%dma_wait3A_224, %dma_wait3A_230, %dma_wait3A_231] : memref<125000x8x64xf32, #tpu.memory_space<hbm>> -> memref<1x1x64xf32, #tpu.memory_space<hbm>>
      %dma_wait3A_233 = tpu.memref_squeeze %dma_wait3A_232 : memref<1x1x64xf32, #tpu.memory_space<hbm>> -> memref<1x64xf32, #tpu.memory_space<hbm>>
      %dma_wait3A_234 = arith.constant 0 : i32
      %dma_wait3A_235 = arith.constant 0 : i32
      %dma_wait3A_236 = tpu.memref_slice %arg9[%dma_wait3A_225, %dma_wait3A_234, %dma_wait3A_235] : memref<256x1x64xf32, #tpu.memory_space<vmem>> -> memref<1x1x64xf32, #tpu.memory_space<vmem>>
      %dma_wait3A_237 = tpu.memref_squeeze %dma_wait3A_236 : memref<1x1x64xf32, #tpu.memory_space<vmem>> -> memref<1x64xf32, #tpu.memory_space<vmem>>
      %dma_wait3A_238 = arith.constant 0 : i32
      %dma_wait3A_239 = arith.constant 0 : i32
      %dma_wait3A_240 = tpu.memref_slice %arg4[%dma_wait3A_224, %dma_wait3A_238, %dma_wait3A_239] : memref<125000x8x64xf32, #tpu.memory_space<hbm>> -> memref<1x1x64xf32, #tpu.memory_space<hbm>>
      %dma_wait3A_241 = tpu.memref_squeeze %dma_wait3A_240 : memref<1x1x64xf32, #tpu.memory_space<hbm>> -> memref<1x64xf32, #tpu.memory_space<hbm>>
      tpu.wait_dma2 semaphore(%arg12 : memref<!tpu.dma_semaphore, #tpu.memory_space<semaphore_mem>>) src(%dma_wait3A_241 : memref<1x64xf32, #tpu.memory_space<hbm>>) dst(%dma_wait3A_237 : memref<1x64xf32, #tpu.memory_space<vmem>>)
      %dma_wait3A_242 = arith.constant 0 : i32
      %dma_wait3A_243 = arith.constant 0 : i32
      %dma_wait3A_244 = arith.constant 0 : i32
      %dma_wait3A_245 = arith.constant 0 : i32
      %dma_wait3A_246 = tpu.memref_slice %arg9[%dma_wait3A_243, %dma_wait3A_244, %dma_wait3A_245] : memref<256x1x64xf32, #tpu.memory_space<vmem>> -> memref<1x1x64xf32, #tpu.memory_space<vmem>>
      %dma_wait3A_247 = tpu.memref_squeeze %dma_wait3A_246 : memref<1x1x64xf32, #tpu.memory_space<vmem>> -> memref<1x64xf32, #tpu.memory_space<vmem>>
      %dma_wait3A_248 = arith.constant 0 : i32
      %dma_wait3A_249 = arith.constant 0 : i32
      %dma_wait3A_250 = tpu.memref_slice %arg4[%dma_wait3A_242, %dma_wait3A_248, %dma_wait3A_249] : memref<125000x8x64xf32, #tpu.memory_space<hbm>> -> memref<1x1x64xf32, #tpu.memory_space<hbm>>
      %dma_wait3A_251 = tpu.memref_squeeze %dma_wait3A_250 : memref<1x1x64xf32, #tpu.memory_space<hbm>> -> memref<1x64xf32, #tpu.memory_space<hbm>>
      %dma_wait3A_252 = arith.constant 0 : i32
      %dma_wait3A_253 = arith.constant 0 : i32
      %dma_wait3A_254 = tpu.memref_slice %arg9[%dma_wait3A_243, %dma_wait3A_252, %dma_wait3A_253] : memref<256x1x64xf32, #tpu.memory_space<vmem>> -> memref<1x1x64xf32, #tpu.memory_space<vmem>>
      %dma_wait3A_255 = tpu.memref_squeeze %dma_wait3A_254 : memref<1x1x64xf32, #tpu.memory_space<vmem>> -> memref<1x64xf32, #tpu.memory_space<vmem>>
      %dma_wait3A_256 = arith.constant 0 : i32
      %dma_wait3A_257 = arith.constant 0 : i32
      %dma_wait3A_258 = tpu.memref_slice %arg4[%dma_wait3A_242, %dma_wait3A_256, %dma_wait3A_257] : memref<125000x8x64xf32, #tpu.memory_space<hbm>> -> memref<1x1x64xf32, #tpu.memory_space<hbm>>
      %dma_wait3A_259 = tpu.memref_squeeze %dma_wait3A_258 : memref<1x1x64xf32, #tpu.memory_space<hbm>> -> memref<1x64xf32, #tpu.memory_space<hbm>>
      tpu.wait_dma2 semaphore(%arg12 : memref<!tpu.dma_semaphore, #tpu.memory_space<semaphore_mem>>) src(%dma_wait3A_259 : memref<1x64xf32, #tpu.memory_space<hbm>>) dst(%dma_wait3A_255 : memref<1x64xf32, #tpu.memory_space<vmem>>)
      %dma_wait3A_260 = arith.constant 0 : i32
      %dma_wait3A_261 = arith.constant 0 : i32
      %dma_wait3A_262 = arith.constant 0 : i32
      %dma_wait3A_263 = arith.constant 0 : i32
      %dma_wait3A_264 = tpu.memref_slice %arg9[%dma_wait3A_261, %dma_wait3A_262, %dma_wait3A_263] : memref<256x1x64xf32, #tpu.memory_space<vmem>> -> memref<1x1x64xf32, #tpu.memory_space<vmem>>
      %dma_wait3A_265 = tpu.memref_squeeze %dma_wait3A_264 : memref<1x1x64xf32, #tpu.memory_space<vmem>> -> memref<1x64xf32, #tpu.memory_space<vmem>>
      %dma_wait3A_266 = arith.constant 0 : i32
      %dma_wait3A_267 = arith.constant 0 : i32
      %dma_wait3A_268 = tpu.memref_slice %arg4[%dma_wait3A_260, %dma_wait3A_266, %dma_wait3A_267] : memref<125000x8x64xf32, #tpu.memory_space<hbm>> -> memref<1x1x64xf32, #tpu.memory_space<hbm>>
      %dma_wait3A_269 = tpu.memref_squeeze %dma_wait3A_268 : memref<1x1x64xf32, #tpu.memory_space<hbm>> -> memref<1x64xf32, #tpu.memory_space<hbm>>
      %dma_wait3A_270 = arith.constant 0 : i32
      %dma_wait3A_271 = arith.constant 0 : i32
      %dma_wait3A_272 = tpu.memref_slice %arg9[%dma_wait3A_261, %dma_wait3A_270, %dma_wait3A_271] : memref<256x1x64xf32, #tpu.memory_space<vmem>> -> memref<1x1x64xf32, #tpu.memory_space<vmem>>
      %dma_wait3A_273 = tpu.memref_squeeze %dma_wait3A_272 : memref<1x1x64xf32, #tpu.memory_space<vmem>> -> memref<1x64xf32, #tpu.memory_space<vmem>>
      %dma_wait3A_274 = arith.constant 0 : i32
      %dma_wait3A_275 = arith.constant 0 : i32
      %dma_wait3A_276 = tpu.memref_slice %arg4[%dma_wait3A_260, %dma_wait3A_274, %dma_wait3A_275] : memref<125000x8x64xf32, #tpu.memory_space<hbm>> -> memref<1x1x64xf32, #tpu.memory_space<hbm>>
      %dma_wait3A_277 = tpu.memref_squeeze %dma_wait3A_276 : memref<1x1x64xf32, #tpu.memory_space<hbm>> -> memref<1x64xf32, #tpu.memory_space<hbm>>
      tpu.wait_dma2 semaphore(%arg12 : memref<!tpu.dma_semaphore, #tpu.memory_space<semaphore_mem>>) src(%dma_wait3A_277 : memref<1x64xf32, #tpu.memory_space<hbm>>) dst(%dma_wait3A_273 : memref<1x64xf32, #tpu.memory_space<vmem>>)
      %dma_wait3A_278 = arith.constant 0 : i32
      %dma_wait3A_279 = arith.constant 0 : i32
      %dma_wait3A_280 = arith.constant 0 : i32
      %dma_wait3A_281 = arith.constant 0 : i32
      %dma_wait3A_282 = tpu.memref_slice %arg9[%dma_wait3A_279, %dma_wait3A_280, %dma_wait3A_281] : memref<256x1x64xf32, #tpu.memory_space<vmem>> -> memref<1x1x64xf32, #tpu.memory_space<vmem>>
      %dma_wait3A_283 = tpu.memref_squeeze %dma_wait3A_282 : memref<1x1x64xf32, #tpu.memory_space<vmem>> -> memref<1x64xf32, #tpu.memory_space<vmem>>
      %dma_wait3A_284 = arith.constant 0 : i32
      %dma_wait3A_285 = arith.constant 0 : i32
      %dma_wait3A_286 = tpu.memref_slice %arg4[%dma_wait3A_278, %dma_wait3A_284, %dma_wait3A_285] : memref<125000x8x64xf32, #tpu.memory_space<hbm>> -> memref<1x1x64xf32, #tpu.memory_space<hbm>>
      %dma_wait3A_287 = tpu.memref_squeeze %dma_wait3A_286 : memref<1x1x64xf32, #tpu.memory_space<hbm>> -> memref<1x64xf32, #tpu.memory_space<hbm>>
      %dma_wait3A_288 = arith.constant 0 : i32
      %dma_wait3A_289 = arith.constant 0 : i32
      %dma_wait3A_290 = tpu.memref_slice %arg9[%dma_wait3A_279, %dma_wait3A_288, %dma_wait3A_289] : memref<256x1x64xf32, #tpu.memory_space<vmem>> -> memref<1x1x64xf32, #tpu.memory_space<vmem>>
      %dma_wait3A_291 = tpu.memref_squeeze %dma_wait3A_290 : memref<1x1x64xf32, #tpu.memory_space<vmem>> -> memref<1x64xf32, #tpu.memory_space<vmem>>
      %dma_wait3A_292 = arith.constant 0 : i32
      %dma_wait3A_293 = arith.constant 0 : i32
      %dma_wait3A_294 = tpu.memref_slice %arg4[%dma_wait3A_278, %dma_wait3A_292, %dma_wait3A_293] : memref<125000x8x64xf32, #tpu.memory_space<hbm>> -> memref<1x1x64xf32, #tpu.memory_space<hbm>>
      %dma_wait3A_295 = tpu.memref_squeeze %dma_wait3A_294 : memref<1x1x64xf32, #tpu.memory_space<hbm>> -> memref<1x64xf32, #tpu.memory_space<hbm>>
      tpu.wait_dma2 semaphore(%arg12 : memref<!tpu.dma_semaphore, #tpu.memory_space<semaphore_mem>>) src(%dma_wait3A_295 : memref<1x64xf32, #tpu.memory_space<hbm>>) dst(%dma_wait3A_291 : memref<1x64xf32, #tpu.memory_space<vmem>>)
      %dma_wait3A_296 = arith.constant 0 : i32
      %dma_wait3A_297 = arith.constant 0 : i32
      %dma_wait3A_298 = arith.constant 0 : i32
      %dma_wait3A_299 = arith.constant 0 : i32
      %dma_wait3A_300 = tpu.memref_slice %arg9[%dma_wait3A_297, %dma_wait3A_298, %dma_wait3A_299] : memref<256x1x64xf32, #tpu.memory_space<vmem>> -> memref<1x1x64xf32, #tpu.memory_space<vmem>>
      %dma_wait3A_301 = tpu.memref_squeeze %dma_wait3A_300 : memref<1x1x64xf32, #tpu.memory_space<vmem>> -> memref<1x64xf32, #tpu.memory_space<vmem>>
      %dma_wait3A_302 = arith.constant 0 : i32
      %dma_wait3A_303 = arith.constant 0 : i32
      %dma_wait3A_304 = tpu.memref_slice %arg4[%dma_wait3A_296, %dma_wait3A_302, %dma_wait3A_303] : memref<125000x8x64xf32, #tpu.memory_space<hbm>> -> memref<1x1x64xf32, #tpu.memory_space<hbm>>
      %dma_wait3A_305 = tpu.memref_squeeze %dma_wait3A_304 : memref<1x1x64xf32, #tpu.memory_space<hbm>> -> memref<1x64xf32, #tpu.memory_space<hbm>>
      %dma_wait3A_306 = arith.constant 0 : i32
      %dma_wait3A_307 = arith.constant 0 : i32
      %dma_wait3A_308 = tpu.memref_slice %arg9[%dma_wait3A_297, %dma_wait3A_306, %dma_wait3A_307] : memref<256x1x64xf32, #tpu.memory_space<vmem>> -> memref<1x1x64xf32, #tpu.memory_space<vmem>>
      %dma_wait3A_309 = tpu.memref_squeeze %dma_wait3A_308 : memref<1x1x64xf32, #tpu.memory_space<vmem>> -> memref<1x64xf32, #tpu.memory_space<vmem>>
      %dma_wait3A_310 = arith.constant 0 : i32
      %dma_wait3A_311 = arith.constant 0 : i32
      %dma_wait3A_312 = tpu.memref_slice %arg4[%dma_wait3A_296, %dma_wait3A_310, %dma_wait3A_311] : memref<125000x8x64xf32, #tpu.memory_space<hbm>> -> memref<1x1x64xf32, #tpu.memory_space<hbm>>
      %dma_wait3A_313 = tpu.memref_squeeze %dma_wait3A_312 : memref<1x1x64xf32, #tpu.memory_space<hbm>> -> memref<1x64xf32, #tpu.memory_space<hbm>>
      tpu.wait_dma2 semaphore(%arg12 : memref<!tpu.dma_semaphore, #tpu.memory_space<semaphore_mem>>) src(%dma_wait3A_313 : memref<1x64xf32, #tpu.memory_space<hbm>>) dst(%dma_wait3A_309 : memref<1x64xf32, #tpu.memory_space<vmem>>)
      %dma_wait3A_314 = arith.constant 0 : i32
      %dma_wait3A_315 = arith.constant 0 : i32
      %dma_wait3A_316 = arith.constant 0 : i32
      %dma_wait3A_317 = arith.constant 0 : i32
      %dma_wait3A_318 = tpu.memref_slice %arg9[%dma_wait3A_315, %dma_wait3A_316, %dma_wait3A_317] : memref<256x1x64xf32, #tpu.memory_space<vmem>> -> memref<1x1x64xf32, #tpu.memory_space<vmem>>
      %dma_wait3A_319 = tpu.memref_squeeze %dma_wait3A_318 : memref<1x1x64xf32, #tpu.memory_space<vmem>> -> memref<1x64xf32, #tpu.memory_space<vmem>>
      %dma_wait3A_320 = arith.constant 0 : i32
      %dma_wait3A_321 = arith.constant 0 : i32
      %dma_wait3A_322 = tpu.memref_slice %arg4[%dma_wait3A_314, %dma_wait3A_320, %dma_wait3A_321] : memref<125000x8x64xf32, #tpu.memory_space<hbm>> -> memref<1x1x64xf32, #tpu.memory_space<hbm>>
      %dma_wait3A_323 = tpu.memref_squeeze %dma_wait3A_322 : memref<1x1x64xf32, #tpu.memory_space<hbm>> -> memref<1x64xf32, #tpu.memory_space<hbm>>
      %dma_wait3A_324 = arith.constant 0 : i32
      %dma_wait3A_325 = arith.constant 0 : i32
      %dma_wait3A_326 = tpu.memref_slice %arg9[%dma_wait3A_315, %dma_wait3A_324, %dma_wait3A_325] : memref<256x1x64xf32, #tpu.memory_space<vmem>> -> memref<1x1x64xf32, #tpu.memory_space<vmem>>
      %dma_wait3A_327 = tpu.memref_squeeze %dma_wait3A_326 : memref<1x1x64xf32, #tpu.memory_space<vmem>> -> memref<1x64xf32, #tpu.memory_space<vmem>>
      %dma_wait3A_328 = arith.constant 0 : i32
      %dma_wait3A_329 = arith.constant 0 : i32
      %dma_wait3A_330 = tpu.memref_slice %arg4[%dma_wait3A_314, %dma_wait3A_328, %dma_wait3A_329] : memref<125000x8x64xf32, #tpu.memory_space<hbm>> -> memref<1x1x64xf32, #tpu.memory_space<hbm>>
      %dma_wait3A_331 = tpu.memref_squeeze %dma_wait3A_330 : memref<1x1x64xf32, #tpu.memory_space<hbm>> -> memref<1x64xf32, #tpu.memory_space<hbm>>
      tpu.wait_dma2 semaphore(%arg12 : memref<!tpu.dma_semaphore, #tpu.memory_space<semaphore_mem>>) src(%dma_wait3A_331 : memref<1x64xf32, #tpu.memory_space<hbm>>) dst(%dma_wait3A_327 : memref<1x64xf32, #tpu.memory_space<vmem>>)
      %dma_wait3A_332 = arith.constant 0 : i32
      %dma_wait3A_333 = arith.constant 0 : i32
      %dma_wait3A_334 = arith.constant 0 : i32
      %dma_wait3A_335 = arith.constant 0 : i32
      %dma_wait3A_336 = tpu.memref_slice %arg9[%dma_wait3A_333, %dma_wait3A_334, %dma_wait3A_335] : memref<256x1x64xf32, #tpu.memory_space<vmem>> -> memref<1x1x64xf32, #tpu.memory_space<vmem>>
      %dma_wait3A_337 = tpu.memref_squeeze %dma_wait3A_336 : memref<1x1x64xf32, #tpu.memory_space<vmem>> -> memref<1x64xf32, #tpu.memory_space<vmem>>
      %dma_wait3A_338 = arith.constant 0 : i32
      %dma_wait3A_339 = arith.constant 0 : i32
      %dma_wait3A_340 = tpu.memref_slice %arg4[%dma_wait3A_332, %dma_wait3A_338, %dma_wait3A_339] : memref<125000x8x64xf32, #tpu.memory_space<hbm>> -> memref<1x1x64xf32, #tpu.memory_space<hbm>>
      %dma_wait3A_341 = tpu.memref_squeeze %dma_wait3A_340 : memref<1x1x64xf32, #tpu.memory_space<hbm>> -> memref<1x64xf32, #tpu.memory_space<hbm>>
      %dma_wait3A_342 = arith.constant 0 : i32
      %dma_wait3A_343 = arith.constant 0 : i32
      %dma_wait3A_344 = tpu.memref_slice %arg9[%dma_wait3A_333, %dma_wait3A_342, %dma_wait3A_343] : memref<256x1x64xf32, #tpu.memory_space<vmem>> -> memref<1x1x64xf32, #tpu.memory_space<vmem>>
      %dma_wait3A_345 = tpu.memref_squeeze %dma_wait3A_344 : memref<1x1x64xf32, #tpu.memory_space<vmem>> -> memref<1x64xf32, #tpu.memory_space<vmem>>
      %dma_wait3A_346 = arith.constant 0 : i32
      %dma_wait3A_347 = arith.constant 0 : i32
      %dma_wait3A_348 = tpu.memref_slice %arg4[%dma_wait3A_332, %dma_wait3A_346, %dma_wait3A_347] : memref<125000x8x64xf32, #tpu.memory_space<hbm>> -> memref<1x1x64xf32, #tpu.memory_space<hbm>>
      %dma_wait3A_349 = tpu.memref_squeeze %dma_wait3A_348 : memref<1x1x64xf32, #tpu.memory_space<hbm>> -> memref<1x64xf32, #tpu.memory_space<hbm>>
      tpu.wait_dma2 semaphore(%arg12 : memref<!tpu.dma_semaphore, #tpu.memory_space<semaphore_mem>>) src(%dma_wait3A_349 : memref<1x64xf32, #tpu.memory_space<hbm>>) dst(%dma_wait3A_345 : memref<1x64xf32, #tpu.memory_space<vmem>>)
      %dma_wait3A_350 = arith.constant 0 : i32
      %dma_wait3A_351 = arith.constant 0 : i32
      %dma_wait3A_352 = arith.constant 0 : i32
      %dma_wait3A_353 = arith.constant 0 : i32
      %dma_wait3A_354 = tpu.memref_slice %arg9[%dma_wait3A_351, %dma_wait3A_352, %dma_wait3A_353] : memref<256x1x64xf32, #tpu.memory_space<vmem>> -> memref<1x1x64xf32, #tpu.memory_space<vmem>>
      %dma_wait3A_355 = tpu.memref_squeeze %dma_wait3A_354 : memref<1x1x64xf32, #tpu.memory_space<vmem>> -> memref<1x64xf32, #tpu.memory_space<vmem>>
      %dma_wait3A_356 = arith.constant 0 : i32
      %dma_wait3A_357 = arith.constant 0 : i32
      %dma_wait3A_358 = tpu.memref_slice %arg4[%dma_wait3A_350, %dma_wait3A_356, %dma_wait3A_357] : memref<125000x8x64xf32, #tpu.memory_space<hbm>> -> memref<1x1x64xf32, #tpu.memory_space<hbm>>
      %dma_wait3A_359 = tpu.memref_squeeze %dma_wait3A_358 : memref<1x1x64xf32, #tpu.memory_space<hbm>> -> memref<1x64xf32, #tpu.memory_space<hbm>>
      %dma_wait3A_360 = arith.constant 0 : i32
      %dma_wait3A_361 = arith.constant 0 : i32
      %dma_wait3A_362 = tpu.memref_slice %arg9[%dma_wait3A_351, %dma_wait3A_360, %dma_wait3A_361] : memref<256x1x64xf32, #tpu.memory_space<vmem>> -> memref<1x1x64xf32, #tpu.memory_space<vmem>>
      %dma_wait3A_363 = tpu.memref_squeeze %dma_wait3A_362 : memref<1x1x64xf32, #tpu.memory_space<vmem>> -> memref<1x64xf32, #tpu.memory_space<vmem>>
      %dma_wait3A_364 = arith.constant 0 : i32
      %dma_wait3A_365 = arith.constant 0 : i32
      %dma_wait3A_366 = tpu.memref_slice %arg4[%dma_wait3A_350, %dma_wait3A_364, %dma_wait3A_365] : memref<125000x8x64xf32, #tpu.memory_space<hbm>> -> memref<1x1x64xf32, #tpu.memory_space<hbm>>
      %dma_wait3A_367 = tpu.memref_squeeze %dma_wait3A_366 : memref<1x1x64xf32, #tpu.memory_space<hbm>> -> memref<1x64xf32, #tpu.memory_space<hbm>>
      tpu.wait_dma2 semaphore(%arg12 : memref<!tpu.dma_semaphore, #tpu.memory_space<semaphore_mem>>) src(%dma_wait3A_367 : memref<1x64xf32, #tpu.memory_space<hbm>>) dst(%dma_wait3A_363 : memref<1x64xf32, #tpu.memory_space<vmem>>)
      %dma_wait3A_368 = arith.constant 0 : i32
      %dma_wait3A_369 = arith.constant 0 : i32
      %dma_wait3A_370 = arith.constant 0 : i32
      %dma_wait3A_371 = arith.constant 0 : i32
      %dma_wait3A_372 = tpu.memref_slice %arg9[%dma_wait3A_369, %dma_wait3A_370, %dma_wait3A_371] : memref<256x1x64xf32, #tpu.memory_space<vmem>> -> memref<1x1x64xf32, #tpu.memory_space<vmem>>
      %dma_wait3A_373 = tpu.memref_squeeze %dma_wait3A_372 : memref<1x1x64xf32, #tpu.memory_space<vmem>> -> memref<1x64xf32, #tpu.memory_space<vmem>>
      %dma_wait3A_374 = arith.constant 0 : i32
      %dma_wait3A_375 = arith.constant 0 : i32
      %dma_wait3A_376 = tpu.memref_slice %arg4[%dma_wait3A_368, %dma_wait3A_374, %dma_wait3A_375] : memref<125000x8x64xf32, #tpu.memory_space<hbm>> -> memref<1x1x64xf32, #tpu.memory_space<hbm>>
      %dma_wait3A_377 = tpu.memref_squeeze %dma_wait3A_376 : memref<1x1x64xf32, #tpu.memory_space<hbm>> -> memref<1x64xf32, #tpu.memory_space<hbm>>
      %dma_wait3A_378 = arith.constant 0 : i32
      %dma_wait3A_379 = arith.constant 0 : i32
      %dma_wait3A_380 = tpu.memref_slice %arg9[%dma_wait3A_369, %dma_wait3A_378, %dma_wait3A_379] : memref<256x1x64xf32, #tpu.memory_space<vmem>> -> memref<1x1x64xf32, #tpu.memory_space<vmem>>
      %dma_wait3A_381 = tpu.memref_squeeze %dma_wait3A_380 : memref<1x1x64xf32, #tpu.memory_space<vmem>> -> memref<1x64xf32, #tpu.memory_space<vmem>>
      %dma_wait3A_382 = arith.constant 0 : i32
      %dma_wait3A_383 = arith.constant 0 : i32
      %dma_wait3A_384 = tpu.memref_slice %arg4[%dma_wait3A_368, %dma_wait3A_382, %dma_wait3A_383] : memref<125000x8x64xf32, #tpu.memory_space<hbm>> -> memref<1x1x64xf32, #tpu.memory_space<hbm>>
      %dma_wait3A_385 = tpu.memref_squeeze %dma_wait3A_384 : memref<1x1x64xf32, #tpu.memory_space<hbm>> -> memref<1x64xf32, #tpu.memory_space<hbm>>
      tpu.wait_dma2 semaphore(%arg12 : memref<!tpu.dma_semaphore, #tpu.memory_space<semaphore_mem>>) src(%dma_wait3A_385 : memref<1x64xf32, #tpu.memory_space<hbm>>) dst(%dma_wait3A_381 : memref<1x64xf32, #tpu.memory_space<vmem>>)
      %dma_wait3A_386 = arith.constant 0 : i32
      %dma_wait3A_387 = arith.constant 0 : i32
      %dma_wait3A_388 = arith.constant 0 : i32
      %dma_wait3A_389 = arith.constant 0 : i32
      %dma_wait3A_390 = tpu.memref_slice %arg9[%dma_wait3A_387, %dma_wait3A_388, %dma_wait3A_389] : memref<256x1x64xf32, #tpu.memory_space<vmem>> -> memref<1x1x64xf32, #tpu.memory_space<vmem>>
      %dma_wait3A_391 = tpu.memref_squeeze %dma_wait3A_390 : memref<1x1x64xf32, #tpu.memory_space<vmem>> -> memref<1x64xf32, #tpu.memory_space<vmem>>
      %dma_wait3A_392 = arith.constant 0 : i32
      %dma_wait3A_393 = arith.constant 0 : i32
      %dma_wait3A_394 = tpu.memref_slice %arg4[%dma_wait3A_386, %dma_wait3A_392, %dma_wait3A_393] : memref<125000x8x64xf32, #tpu.memory_space<hbm>> -> memref<1x1x64xf32, #tpu.memory_space<hbm>>
      %dma_wait3A_395 = tpu.memref_squeeze %dma_wait3A_394 : memref<1x1x64xf32, #tpu.memory_space<hbm>> -> memref<1x64xf32, #tpu.memory_space<hbm>>
      %dma_wait3A_396 = arith.constant 0 : i32
      %dma_wait3A_397 = arith.constant 0 : i32
      %dma_wait3A_398 = tpu.memref_slice %arg9[%dma_wait3A_387, %dma_wait3A_396, %dma_wait3A_397] : memref<256x1x64xf32, #tpu.memory_space<vmem>> -> memref<1x1x64xf32, #tpu.memory_space<vmem>>
      %dma_wait3A_399 = tpu.memref_squeeze %dma_wait3A_398 : memref<1x1x64xf32, #tpu.memory_space<vmem>> -> memref<1x64xf32, #tpu.memory_space<vmem>>
      %dma_wait3A_400 = arith.constant 0 : i32
      %dma_wait3A_401 = arith.constant 0 : i32
      %dma_wait3A_402 = tpu.memref_slice %arg4[%dma_wait3A_386, %dma_wait3A_400, %dma_wait3A_401] : memref<125000x8x64xf32, #tpu.memory_space<hbm>> -> memref<1x1x64xf32, #tpu.memory_space<hbm>>
      %dma_wait3A_403 = tpu.memref_squeeze %dma_wait3A_402 : memref<1x1x64xf32, #tpu.memory_space<hbm>> -> memref<1x64xf32, #tpu.memory_space<hbm>>
      tpu.wait_dma2 semaphore(%arg12 : memref<!tpu.dma_semaphore, #tpu.memory_space<semaphore_mem>>) src(%dma_wait3A_403 : memref<1x64xf32, #tpu.memory_space<hbm>>) dst(%dma_wait3A_399 : memref<1x64xf32, #tpu.memory_space<vmem>>)
      %dma_wait3A_404 = arith.constant 0 : i32
      %dma_wait3A_405 = arith.constant 0 : i32
      %dma_wait3A_406 = arith.constant 0 : i32
      %dma_wait3A_407 = arith.constant 0 : i32
      %dma_wait3A_408 = tpu.memref_slice %arg9[%dma_wait3A_405, %dma_wait3A_406, %dma_wait3A_407] : memref<256x1x64xf32, #tpu.memory_space<vmem>> -> memref<1x1x64xf32, #tpu.memory_space<vmem>>
      %dma_wait3A_409 = tpu.memref_squeeze %dma_wait3A_408 : memref<1x1x64xf32, #tpu.memory_space<vmem>> -> memref<1x64xf32, #tpu.memory_space<vmem>>
      %dma_wait3A_410 = arith.constant 0 : i32
      %dma_wait3A_411 = arith.constant 0 : i32
      %dma_wait3A_412 = tpu.memref_slice %arg4[%dma_wait3A_404, %dma_wait3A_410, %dma_wait3A_411] : memref<125000x8x64xf32, #tpu.memory_space<hbm>> -> memref<1x1x64xf32, #tpu.memory_space<hbm>>
      %dma_wait3A_413 = tpu.memref_squeeze %dma_wait3A_412 : memref<1x1x64xf32, #tpu.memory_space<hbm>> -> memref<1x64xf32, #tpu.memory_space<hbm>>
      %dma_wait3A_414 = arith.constant 0 : i32
      %dma_wait3A_415 = arith.constant 0 : i32
      %dma_wait3A_416 = tpu.memref_slice %arg9[%dma_wait3A_405, %dma_wait3A_414, %dma_wait3A_415] : memref<256x1x64xf32, #tpu.memory_space<vmem>> -> memref<1x1x64xf32, #tpu.memory_space<vmem>>
      %dma_wait3A_417 = tpu.memref_squeeze %dma_wait3A_416 : memref<1x1x64xf32, #tpu.memory_space<vmem>> -> memref<1x64xf32, #tpu.memory_space<vmem>>
      %dma_wait3A_418 = arith.constant 0 : i32
      %dma_wait3A_419 = arith.constant 0 : i32
      %dma_wait3A_420 = tpu.memref_slice %arg4[%dma_wait3A_404, %dma_wait3A_418, %dma_wait3A_419] : memref<125000x8x64xf32, #tpu.memory_space<hbm>> -> memref<1x1x64xf32, #tpu.memory_space<hbm>>
      %dma_wait3A_421 = tpu.memref_squeeze %dma_wait3A_420 : memref<1x1x64xf32, #tpu.memory_space<hbm>> -> memref<1x64xf32, #tpu.memory_space<hbm>>
      tpu.wait_dma2 semaphore(%arg12 : memref<!tpu.dma_semaphore, #tpu.memory_space<semaphore_mem>>) src(%dma_wait3A_421 : memref<1x64xf32, #tpu.memory_space<hbm>>) dst(%dma_wait3A_417 : memref<1x64xf32, #tpu.memory_space<vmem>>)
      %dma_wait3A_422 = arith.constant 0 : i32
      %dma_wait3A_423 = arith.constant 0 : i32
      %dma_wait3A_424 = arith.constant 0 : i32
      %dma_wait3A_425 = arith.constant 0 : i32
      %dma_wait3A_426 = tpu.memref_slice %arg9[%dma_wait3A_423, %dma_wait3A_424, %dma_wait3A_425] : memref<256x1x64xf32, #tpu.memory_space<vmem>> -> memref<1x1x64xf32, #tpu.memory_space<vmem>>
      %dma_wait3A_427 = tpu.memref_squeeze %dma_wait3A_426 : memref<1x1x64xf32, #tpu.memory_space<vmem>> -> memref<1x64xf32, #tpu.memory_space<vmem>>
      %dma_wait3A_428 = arith.constant 0 : i32
      %dma_wait3A_429 = arith.constant 0 : i32
      %dma_wait3A_430 = tpu.memref_slice %arg4[%dma_wait3A_422, %dma_wait3A_428, %dma_wait3A_429] : memref<125000x8x64xf32, #tpu.memory_space<hbm>> -> memref<1x1x64xf32, #tpu.memory_space<hbm>>
      %dma_wait3A_431 = tpu.memref_squeeze %dma_wait3A_430 : memref<1x1x64xf32, #tpu.memory_space<hbm>> -> memref<1x64xf32, #tpu.memory_space<hbm>>
      %dma_wait3A_432 = arith.constant 0 : i32
      %dma_wait3A_433 = arith.constant 0 : i32
      %dma_wait3A_434 = tpu.memref_slice %arg9[%dma_wait3A_423, %dma_wait3A_432, %dma_wait3A_433] : memref<256x1x64xf32, #tpu.memory_space<vmem>> -> memref<1x1x64xf32, #tpu.memory_space<vmem>>
      %dma_wait3A_435 = tpu.memref_squeeze %dma_wait3A_434 : memref<1x1x64xf32, #tpu.memory_space<vmem>> -> memref<1x64xf32, #tpu.memory_space<vmem>>
      %dma_wait3A_436 = arith.constant 0 : i32
      %dma_wait3A_437 = arith.constant 0 : i32
      %dma_wait3A_438 = tpu.memref_slice %arg4[%dma_wait3A_422, %dma_wait3A_436, %dma_wait3A_437] : memref<125000x8x64xf32, #tpu.memory_space<hbm>> -> memref<1x1x64xf32, #tpu.memory_space<hbm>>
      %dma_wait3A_439 = tpu.memref_squeeze %dma_wait3A_438 : memref<1x1x64xf32, #tpu.memory_space<hbm>> -> memref<1x64xf32, #tpu.memory_space<hbm>>
      tpu.wait_dma2 semaphore(%arg12 : memref<!tpu.dma_semaphore, #tpu.memory_space<semaphore_mem>>) src(%dma_wait3A_439 : memref<1x64xf32, #tpu.memory_space<hbm>>) dst(%dma_wait3A_435 : memref<1x64xf32, #tpu.memory_space<vmem>>)
      %dma_wait3A_440 = arith.constant 0 : i32
      %dma_wait3A_441 = arith.constant 0 : i32
      %dma_wait3A_442 = arith.constant 0 : i32
      %dma_wait3A_443 = arith.constant 0 : i32
      %dma_wait3A_444 = tpu.memref_slice %arg9[%dma_wait3A_441, %dma_wait3A_442, %dma_wait3A_443] : memref<256x1x64xf32, #tpu.memory_space<vmem>> -> memref<1x1x64xf32, #tpu.memory_space<vmem>>
      %dma_wait3A_445 = tpu.memref_squeeze %dma_wait3A_444 : memref<1x1x64xf32, #tpu.memory_space<vmem>> -> memref<1x64xf32, #tpu.memory_space<vmem>>
      %dma_wait3A_446 = arith.constant 0 : i32
      %dma_wait3A_447 = arith.constant 0 : i32
      %dma_wait3A_448 = tpu.memref_slice %arg4[%dma_wait3A_440, %dma_wait3A_446, %dma_wait3A_447] : memref<125000x8x64xf32, #tpu.memory_space<hbm>> -> memref<1x1x64xf32, #tpu.memory_space<hbm>>
      %dma_wait3A_449 = tpu.memref_squeeze %dma_wait3A_448 : memref<1x1x64xf32, #tpu.memory_space<hbm>> -> memref<1x64xf32, #tpu.memory_space<hbm>>
      %dma_wait3A_450 = arith.constant 0 : i32
      %dma_wait3A_451 = arith.constant 0 : i32
      %dma_wait3A_452 = tpu.memref_slice %arg9[%dma_wait3A_441, %dma_wait3A_450, %dma_wait3A_451] : memref<256x1x64xf32, #tpu.memory_space<vmem>> -> memref<1x1x64xf32, #tpu.memory_space<vmem>>
      %dma_wait3A_453 = tpu.memref_squeeze %dma_wait3A_452 : memref<1x1x64xf32, #tpu.memory_space<vmem>> -> memref<1x64xf32, #tpu.memory_space<vmem>>
      %dma_wait3A_454 = arith.constant 0 : i32
      %dma_wait3A_455 = arith.constant 0 : i32
      %dma_wait3A_456 = tpu.memref_slice %arg4[%dma_wait3A_440, %dma_wait3A_454, %dma_wait3A_455] : memref<125000x8x64xf32, #tpu.memory_space<hbm>> -> memref<1x1x64xf32, #tpu.memory_space<hbm>>
      %dma_wait3A_457 = tpu.memref_squeeze %dma_wait3A_456 : memref<1x1x64xf32, #tpu.memory_space<hbm>> -> memref<1x64xf32, #tpu.memory_space<hbm>>
      tpu.wait_dma2 semaphore(%arg12 : memref<!tpu.dma_semaphore, #tpu.memory_space<semaphore_mem>>) src(%dma_wait3A_457 : memref<1x64xf32, #tpu.memory_space<hbm>>) dst(%dma_wait3A_453 : memref<1x64xf32, #tpu.memory_space<vmem>>)
      %dma_wait3A_458 = arith.constant 0 : i32
      %dma_wait3A_459 = arith.constant 0 : i32
      %dma_wait3A_460 = arith.constant 0 : i32
      %dma_wait3A_461 = arith.constant 0 : i32
      %dma_wait3A_462 = tpu.memref_slice %arg9[%dma_wait3A_459, %dma_wait3A_460, %dma_wait3A_461] : memref<256x1x64xf32, #tpu.memory_space<vmem>> -> memref<1x1x64xf32, #tpu.memory_space<vmem>>
      %dma_wait3A_463 = tpu.memref_squeeze %dma_wait3A_462 : memref<1x1x64xf32, #tpu.memory_space<vmem>> -> memref<1x64xf32, #tpu.memory_space<vmem>>
      %dma_wait3A_464 = arith.constant 0 : i32
      %dma_wait3A_465 = arith.constant 0 : i32
      %dma_wait3A_466 = tpu.memref_slice %arg4[%dma_wait3A_458, %dma_wait3A_464, %dma_wait3A_465] : memref<125000x8x64xf32, #tpu.memory_space<hbm>> -> memref<1x1x64xf32, #tpu.memory_space<hbm>>
      %dma_wait3A_467 = tpu.memref_squeeze %dma_wait3A_466 : memref<1x1x64xf32, #tpu.memory_space<hbm>> -> memref<1x64xf32, #tpu.memory_space<hbm>>
      %dma_wait3A_468 = arith.constant 0 : i32
      %dma_wait3A_469 = arith.constant 0 : i32
      %dma_wait3A_470 = tpu.memref_slice %arg9[%dma_wait3A_459, %dma_wait3A_468, %dma_wait3A_469] : memref<256x1x64xf32, #tpu.memory_space<vmem>> -> memref<1x1x64xf32, #tpu.memory_space<vmem>>
      %dma_wait3A_471 = tpu.memref_squeeze %dma_wait3A_470 : memref<1x1x64xf32, #tpu.memory_space<vmem>> -> memref<1x64xf32, #tpu.memory_space<vmem>>
      %dma_wait3A_472 = arith.constant 0 : i32
      %dma_wait3A_473 = arith.constant 0 : i32
      %dma_wait3A_474 = tpu.memref_slice %arg4[%dma_wait3A_458, %dma_wait3A_472, %dma_wait3A_473] : memref<125000x8x64xf32, #tpu.memory_space<hbm>> -> memref<1x1x64xf32, #tpu.memory_space<hbm>>
      %dma_wait3A_475 = tpu.memref_squeeze %dma_wait3A_474 : memref<1x1x64xf32, #tpu.memory_space<hbm>> -> memref<1x64xf32, #tpu.memory_space<hbm>>
      tpu.wait_dma2 semaphore(%arg12 : memref<!tpu.dma_semaphore, #tpu.memory_space<semaphore_mem>>) src(%dma_wait3A_475 : memref<1x64xf32, #tpu.memory_space<hbm>>) dst(%dma_wait3A_471 : memref<1x64xf32, #tpu.memory_space<vmem>>)
      %dma_wait3A_476 = arith.constant 0 : i32
      %dma_wait3A_477 = arith.constant 0 : i32
      %dma_wait3A_478 = arith.constant 0 : i32
      %dma_wait3A_479 = arith.constant 0 : i32
      %dma_wait3A_480 = tpu.memref_slice %arg9[%dma_wait3A_477, %dma_wait3A_478, %dma_wait3A_479] : memref<256x1x64xf32, #tpu.memory_space<vmem>> -> memref<1x1x64xf32, #tpu.memory_space<vmem>>
      %dma_wait3A_481 = tpu.memref_squeeze %dma_wait3A_480 : memref<1x1x64xf32, #tpu.memory_space<vmem>> -> memref<1x64xf32, #tpu.memory_space<vmem>>
      %dma_wait3A_482 = arith.constant 0 : i32
      %dma_wait3A_483 = arith.constant 0 : i32
      %dma_wait3A_484 = tpu.memref_slice %arg4[%dma_wait3A_476, %dma_wait3A_482, %dma_wait3A_483] : memref<125000x8x64xf32, #tpu.memory_space<hbm>> -> memref<1x1x64xf32, #tpu.memory_space<hbm>>
      %dma_wait3A_485 = tpu.memref_squeeze %dma_wait3A_484 : memref<1x1x64xf32, #tpu.memory_space<hbm>> -> memref<1x64xf32, #tpu.memory_space<hbm>>
      %dma_wait3A_486 = arith.constant 0 : i32
      %dma_wait3A_487 = arith.constant 0 : i32
      %dma_wait3A_488 = tpu.memref_slice %arg9[%dma_wait3A_477, %dma_wait3A_486, %dma_wait3A_487] : memref<256x1x64xf32, #tpu.memory_space<vmem>> -> memref<1x1x64xf32, #tpu.memory_space<vmem>>
      %dma_wait3A_489 = tpu.memref_squeeze %dma_wait3A_488 : memref<1x1x64xf32, #tpu.memory_space<vmem>> -> memref<1x64xf32, #tpu.memory_space<vmem>>
      %dma_wait3A_490 = arith.constant 0 : i32
      %dma_wait3A_491 = arith.constant 0 : i32
      %dma_wait3A_492 = tpu.memref_slice %arg4[%dma_wait3A_476, %dma_wait3A_490, %dma_wait3A_491] : memref<125000x8x64xf32, #tpu.memory_space<hbm>> -> memref<1x1x64xf32, #tpu.memory_space<hbm>>
      %dma_wait3A_493 = tpu.memref_squeeze %dma_wait3A_492 : memref<1x1x64xf32, #tpu.memory_space<hbm>> -> memref<1x64xf32, #tpu.memory_space<hbm>>
      tpu.wait_dma2 semaphore(%arg12 : memref<!tpu.dma_semaphore, #tpu.memory_space<semaphore_mem>>) src(%dma_wait3A_493 : memref<1x64xf32, #tpu.memory_space<hbm>>) dst(%dma_wait3A_489 : memref<1x64xf32, #tpu.memory_space<vmem>>)
      %dma_wait3A_494 = arith.constant 0 : i32
      %dma_wait3A_495 = arith.constant 0 : i32
      %dma_wait3A_496 = arith.constant 0 : i32
      %dma_wait3A_497 = arith.constant 0 : i32
      %dma_wait3A_498 = tpu.memref_slice %arg9[%dma_wait3A_495, %dma_wait3A_496, %dma_wait3A_497] : memref<256x1x64xf32, #tpu.memory_space<vmem>> -> memref<1x1x64xf32, #tpu.memory_space<vmem>>
      %dma_wait3A_499 = tpu.memref_squeeze %dma_wait3A_498 : memref<1x1x64xf32, #tpu.memory_space<vmem>> -> memref<1x64xf32, #tpu.memory_space<vmem>>
      %dma_wait3A_500 = arith.constant 0 : i32
      %dma_wait3A_501 = arith.constant 0 : i32
      %dma_wait3A_502 = tpu.memref_slice %arg4[%dma_wait3A_494, %dma_wait3A_500, %dma_wait3A_501] : memref<125000x8x64xf32, #tpu.memory_space<hbm>> -> memref<1x1x64xf32, #tpu.memory_space<hbm>>
      %dma_wait3A_503 = tpu.memref_squeeze %dma_wait3A_502 : memref<1x1x64xf32, #tpu.memory_space<hbm>> -> memref<1x64xf32, #tpu.memory_space<hbm>>
      %dma_wait3A_504 = arith.constant 0 : i32
      %dma_wait3A_505 = arith.constant 0 : i32
      %dma_wait3A_506 = tpu.memref_slice %arg9[%dma_wait3A_495, %dma_wait3A_504, %dma_wait3A_505] : memref<256x1x64xf32, #tpu.memory_space<vmem>> -> memref<1x1x64xf32, #tpu.memory_space<vmem>>
      %dma_wait3A_507 = tpu.memref_squeeze %dma_wait3A_506 : memref<1x1x64xf32, #tpu.memory_space<vmem>> -> memref<1x64xf32, #tpu.memory_space<vmem>>
      %dma_wait3A_508 = arith.constant 0 : i32
      %dma_wait3A_509 = arith.constant 0 : i32
      %dma_wait3A_510 = tpu.memref_slice %arg4[%dma_wait3A_494, %dma_wait3A_508, %dma_wait3A_509] : memref<125000x8x64xf32, #tpu.memory_space<hbm>> -> memref<1x1x64xf32, #tpu.memory_space<hbm>>
      %dma_wait3A_511 = tpu.memref_squeeze %dma_wait3A_510 : memref<1x1x64xf32, #tpu.memory_space<hbm>> -> memref<1x64xf32, #tpu.memory_space<hbm>>
      tpu.wait_dma2 semaphore(%arg12 : memref<!tpu.dma_semaphore, #tpu.memory_space<semaphore_mem>>) src(%dma_wait3A_511 : memref<1x64xf32, #tpu.memory_space<hbm>>) dst(%dma_wait3A_507 : memref<1x64xf32, #tpu.memory_space<vmem>>)
      %dma_wait3A_512 = arith.constant 0 : i32
      %dma_wait3A_513 = arith.constant 0 : i32
      %dma_wait3A_514 = arith.constant 0 : i32
      %dma_wait3A_515 = arith.constant 0 : i32
      %dma_wait3A_516 = tpu.memref_slice %arg9[%dma_wait3A_513, %dma_wait3A_514, %dma_wait3A_515] : memref<256x1x64xf32, #tpu.memory_space<vmem>> -> memref<1x1x64xf32, #tpu.memory_space<vmem>>
      %dma_wait3A_517 = tpu.memref_squeeze %dma_wait3A_516 : memref<1x1x64xf32, #tpu.memory_space<vmem>> -> memref<1x64xf32, #tpu.memory_space<vmem>>
      %dma_wait3A_518 = arith.constant 0 : i32
      %dma_wait3A_519 = arith.constant 0 : i32
      %dma_wait3A_520 = tpu.memref_slice %arg4[%dma_wait3A_512, %dma_wait3A_518, %dma_wait3A_519] : memref<125000x8x64xf32, #tpu.memory_space<hbm>> -> memref<1x1x64xf32, #tpu.memory_space<hbm>>
      %dma_wait3A_521 = tpu.memref_squeeze %dma_wait3A_520 : memref<1x1x64xf32, #tpu.memory_space<hbm>> -> memref<1x64xf32, #tpu.memory_space<hbm>>
      %dma_wait3A_522 = arith.constant 0 : i32
      %dma_wait3A_523 = arith.constant 0 : i32
      %dma_wait3A_524 = tpu.memref_slice %arg9[%dma_wait3A_513, %dma_wait3A_522, %dma_wait3A_523] : memref<256x1x64xf32, #tpu.memory_space<vmem>> -> memref<1x1x64xf32, #tpu.memory_space<vmem>>
      %dma_wait3A_525 = tpu.memref_squeeze %dma_wait3A_524 : memref<1x1x64xf32, #tpu.memory_space<vmem>> -> memref<1x64xf32, #tpu.memory_space<vmem>>
      %dma_wait3A_526 = arith.constant 0 : i32
      %dma_wait3A_527 = arith.constant 0 : i32
      %dma_wait3A_528 = tpu.memref_slice %arg4[%dma_wait3A_512, %dma_wait3A_526, %dma_wait3A_527] : memref<125000x8x64xf32, #tpu.memory_space<hbm>> -> memref<1x1x64xf32, #tpu.memory_space<hbm>>
      %dma_wait3A_529 = tpu.memref_squeeze %dma_wait3A_528 : memref<1x1x64xf32, #tpu.memory_space<hbm>> -> memref<1x64xf32, #tpu.memory_space<hbm>>
      tpu.wait_dma2 semaphore(%arg12 : memref<!tpu.dma_semaphore, #tpu.memory_space<semaphore_mem>>) src(%dma_wait3A_529 : memref<1x64xf32, #tpu.memory_space<hbm>>) dst(%dma_wait3A_525 : memref<1x64xf32, #tpu.memory_space<vmem>>)
      %dma_wait3A_530 = arith.constant 0 : i32
      %dma_wait3A_531 = arith.constant 0 : i32
      %dma_wait3A_532 = arith.constant 0 : i32
      %dma_wait3A_533 = arith.constant 0 : i32
      %dma_wait3A_534 = tpu.memref_slice %arg9[%dma_wait3A_531, %dma_wait3A_532, %dma_wait3A_533] : memref<256x1x64xf32, #tpu.memory_space<vmem>> -> memref<1x1x64xf32, #tpu.memory_space<vmem>>
      %dma_wait3A_535 = tpu.memref_squeeze %dma_wait3A_534 : memref<1x1x64xf32, #tpu.memory_space<vmem>> -> memref<1x64xf32, #tpu.memory_space<vmem>>
      %dma_wait3A_536 = arith.constant 0 : i32
      %dma_wait3A_537 = arith.constant 0 : i32
      %dma_wait3A_538 = tpu.memref_slice %arg4[%dma_wait3A_530, %dma_wait3A_536, %dma_wait3A_537] : memref<125000x8x64xf32, #tpu.memory_space<hbm>> -> memref<1x1x64xf32, #tpu.memory_space<hbm>>
      %dma_wait3A_539 = tpu.memref_squeeze %dma_wait3A_538 : memref<1x1x64xf32, #tpu.memory_space<hbm>> -> memref<1x64xf32, #tpu.memory_space<hbm>>
      %dma_wait3A_540 = arith.constant 0 : i32
      %dma_wait3A_541 = arith.constant 0 : i32
      %dma_wait3A_542 = tpu.memref_slice %arg9[%dma_wait3A_531, %dma_wait3A_540, %dma_wait3A_541] : memref<256x1x64xf32, #tpu.memory_space<vmem>> -> memref<1x1x64xf32, #tpu.memory_space<vmem>>
      %dma_wait3A_543 = tpu.memref_squeeze %dma_wait3A_542 : memref<1x1x64xf32, #tpu.memory_space<vmem>> -> memref<1x64xf32, #tpu.memory_space<vmem>>
      %dma_wait3A_544 = arith.constant 0 : i32
      %dma_wait3A_545 = arith.constant 0 : i32
      %dma_wait3A_546 = tpu.memref_slice %arg4[%dma_wait3A_530, %dma_wait3A_544, %dma_wait3A_545] : memref<125000x8x64xf32, #tpu.memory_space<hbm>> -> memref<1x1x64xf32, #tpu.memory_space<hbm>>
      %dma_wait3A_547 = tpu.memref_squeeze %dma_wait3A_546 : memref<1x1x64xf32, #tpu.memory_space<hbm>> -> memref<1x64xf32, #tpu.memory_space<hbm>>
      tpu.wait_dma2 semaphore(%arg12 : memref<!tpu.dma_semaphore, #tpu.memory_space<semaphore_mem>>) src(%dma_wait3A_547 : memref<1x64xf32, #tpu.memory_space<hbm>>) dst(%dma_wait3A_543 : memref<1x64xf32, #tpu.memory_space<vmem>>)
      %dma_wait3A_548 = arith.constant 0 : i32
      %dma_wait3A_549 = arith.constant 0 : i32
      %dma_wait3A_550 = arith.constant 0 : i32
      %dma_wait3A_551 = arith.constant 0 : i32
      %dma_wait3A_552 = tpu.memref_slice %arg9[%dma_wait3A_549, %dma_wait3A_550, %dma_wait3A_551] : memref<256x1x64xf32, #tpu.memory_space<vmem>> -> memref<1x1x64xf32, #tpu.memory_space<vmem>>
      %dma_wait3A_553 = tpu.memref_squeeze %dma_wait3A_552 : memref<1x1x64xf32, #tpu.memory_space<vmem>> -> memref<1x64xf32, #tpu.memory_space<vmem>>
      %dma_wait3A_554 = arith.constant 0 : i32
      %dma_wait3A_555 = arith.constant 0 : i32
      %dma_wait3A_556 = tpu.memref_slice %arg4[%dma_wait3A_548, %dma_wait3A_554, %dma_wait3A_555] : memref<125000x8x64xf32, #tpu.memory_space<hbm>> -> memref<1x1x64xf32, #tpu.memory_space<hbm>>
      %dma_wait3A_557 = tpu.memref_squeeze %dma_wait3A_556 : memref<1x1x64xf32, #tpu.memory_space<hbm>> -> memref<1x64xf32, #tpu.memory_space<hbm>>
      %dma_wait3A_558 = arith.constant 0 : i32
      %dma_wait3A_559 = arith.constant 0 : i32
      %dma_wait3A_560 = tpu.memref_slice %arg9[%dma_wait3A_549, %dma_wait3A_558, %dma_wait3A_559] : memref<256x1x64xf32, #tpu.memory_space<vmem>> -> memref<1x1x64xf32, #tpu.memory_space<vmem>>
      %dma_wait3A_561 = tpu.memref_squeeze %dma_wait3A_560 : memref<1x1x64xf32, #tpu.memory_space<vmem>> -> memref<1x64xf32, #tpu.memory_space<vmem>>
      %dma_wait3A_562 = arith.constant 0 : i32
      %dma_wait3A_563 = arith.constant 0 : i32
      %dma_wait3A_564 = tpu.memref_slice %arg4[%dma_wait3A_548, %dma_wait3A_562, %dma_wait3A_563] : memref<125000x8x64xf32, #tpu.memory_space<hbm>> -> memref<1x1x64xf32, #tpu.memory_space<hbm>>
      %dma_wait3A_565 = tpu.memref_squeeze %dma_wait3A_564 : memref<1x1x64xf32, #tpu.memory_space<hbm>> -> memref<1x64xf32, #tpu.memory_space<hbm>>
      tpu.wait_dma2 semaphore(%arg12 : memref<!tpu.dma_semaphore, #tpu.memory_space<semaphore_mem>>) src(%dma_wait3A_565 : memref<1x64xf32, #tpu.memory_space<hbm>>) dst(%dma_wait3A_561 : memref<1x64xf32, #tpu.memory_space<vmem>>)
      %dma_wait3A_566 = arith.constant 0 : i32
      %dma_wait3A_567 = arith.constant 0 : i32
      %dma_wait3A_568 = arith.constant 0 : i32
      %dma_wait3A_569 = arith.constant 0 : i32
      %dma_wait3A_570 = tpu.memref_slice %arg9[%dma_wait3A_567, %dma_wait3A_568, %dma_wait3A_569] : memref<256x1x64xf32, #tpu.memory_space<vmem>> -> memref<1x1x64xf32, #tpu.memory_space<vmem>>
      %dma_wait3A_571 = tpu.memref_squeeze %dma_wait3A_570 : memref<1x1x64xf32, #tpu.memory_space<vmem>> -> memref<1x64xf32, #tpu.memory_space<vmem>>
      %dma_wait3A_572 = arith.constant 0 : i32
      %dma_wait3A_573 = arith.constant 0 : i32
      %dma_wait3A_574 = tpu.memref_slice %arg4[%dma_wait3A_566, %dma_wait3A_572, %dma_wait3A_573] : memref<125000x8x64xf32, #tpu.memory_space<hbm>> -> memref<1x1x64xf32, #tpu.memory_space<hbm>>
      %dma_wait3A_575 = tpu.memref_squeeze %dma_wait3A_574 : memref<1x1x64xf32, #tpu.memory_space<hbm>> -> memref<1x64xf32, #tpu.memory_space<hbm>>
      %dma_wait3A_576 = arith.constant 0 : i32
      %dma_wait3A_577 = arith.constant 0 : i32
      %dma_wait3A_578 = tpu.memref_slice %arg9[%dma_wait3A_567, %dma_wait3A_576, %dma_wait3A_577] : memref<256x1x64xf32, #tpu.memory_space<vmem>> -> memref<1x1x64xf32, #tpu.memory_space<vmem>>
      %dma_wait3A_579 = tpu.memref_squeeze %dma_wait3A_578 : memref<1x1x64xf32, #tpu.memory_space<vmem>> -> memref<1x64xf32, #tpu.memory_space<vmem>>
      %dma_wait3A_580 = arith.constant 0 : i32
      %dma_wait3A_581 = arith.constant 0 : i32
      %dma_wait3A_582 = tpu.memref_slice %arg4[%dma_wait3A_566, %dma_wait3A_580, %dma_wait3A_581] : memref<125000x8x64xf32, #tpu.memory_space<hbm>> -> memref<1x1x64xf32, #tpu.memory_space<hbm>>
      %dma_wait3A_583 = tpu.memref_squeeze %dma_wait3A_582 : memref<1x1x64xf32, #tpu.memory_space<hbm>> -> memref<1x64xf32, #tpu.memory_space<hbm>>
      tpu.wait_dma2 semaphore(%arg12 : memref<!tpu.dma_semaphore, #tpu.memory_space<semaphore_mem>>) src(%dma_wait3A_583 : memref<1x64xf32, #tpu.memory_space<hbm>>) dst(%dma_wait3A_579 : memref<1x64xf32, #tpu.memory_space<vmem>>)
      %dma_wait3A_584 = arith.constant 0 : i32
      %dma_wait3A_585 = arith.constant 0 : i32
      %dma_wait3A_586 = arith.constant 0 : i32
      %dma_wait3A_587 = arith.constant 0 : i32
      %dma_wait3A_588 = tpu.memref_slice %arg9[%dma_wait3A_585, %dma_wait3A_586, %dma_wait3A_587] : memref<256x1x64xf32, #tpu.memory_space<vmem>> -> memref<1x1x64xf32, #tpu.memory_space<vmem>>
      %dma_wait3A_589 = tpu.memref_squeeze %dma_wait3A_588 : memref<1x1x64xf32, #tpu.memory_space<vmem>> -> memref<1x64xf32, #tpu.memory_space<vmem>>
      %dma_wait3A_590 = arith.constant 0 : i32
      %dma_wait3A_591 = arith.constant 0 : i32
      %dma_wait3A_592 = tpu.memref_slice %arg4[%dma_wait3A_584, %dma_wait3A_590, %dma_wait3A_591] : memref<125000x8x64xf32, #tpu.memory_space<hbm>> -> memref<1x1x64xf32, #tpu.memory_space<hbm>>
      %dma_wait3A_593 = tpu.memref_squeeze %dma_wait3A_592 : memref<1x1x64xf32, #tpu.memory_space<hbm>> -> memref<1x64xf32, #tpu.memory_space<hbm>>
      %dma_wait3A_594 = arith.constant 0 : i32
      %dma_wait3A_595 = arith.constant 0 : i32
      %dma_wait3A_596 = tpu.memref_slice %arg9[%dma_wait3A_585, %dma_wait3A_594, %dma_wait3A_595] : memref<256x1x64xf32, #tpu.memory_space<vmem>> -> memref<1x1x64xf32, #tpu.memory_space<vmem>>
      %dma_wait3A_597 = tpu.memref_squeeze %dma_wait3A_596 : memref<1x1x64xf32, #tpu.memory_space<vmem>> -> memref<1x64xf32, #tpu.memory_space<vmem>>
      %dma_wait3A_598 = arith.constant 0 : i32
      %dma_wait3A_599 = arith.constant 0 : i32
      %dma_wait3A_600 = tpu.memref_slice %arg4[%dma_wait3A_584, %dma_wait3A_598, %dma_wait3A_599] : memref<125000x8x64xf32, #tpu.memory_space<hbm>> -> memref<1x1x64xf32, #tpu.memory_space<hbm>>
      %dma_wait3A_601 = tpu.memref_squeeze %dma_wait3A_600 : memref<1x1x64xf32, #tpu.memory_space<hbm>> -> memref<1x64xf32, #tpu.memory_space<hbm>>
      tpu.wait_dma2 semaphore(%arg12 : memref<!tpu.dma_semaphore, #tpu.memory_space<semaphore_mem>>) src(%dma_wait3A_601 : memref<1x64xf32, #tpu.memory_space<hbm>>) dst(%dma_wait3A_597 : memref<1x64xf32, #tpu.memory_space<vmem>>)
      %mul3A_602 = arith.constant 16 : i32
      %mul3A_603 = arith.muli %scan3A_26, %mul3A_602 : i32
      %add3A_604 = vector.broadcast %mul3A_603 : i32 to vector<16xi32>
      %add3A_605 = arith.addi %add3A_604, %iota3A : vector<16xi32>
      %broadcast_in_dim3A = arith.constant 0 : i32
      %broadcast_in_dim3A_606 = vector.broadcast %broadcast_in_dim3A : i32 to vector<16xi32>
      %broadcast_in_dim3A_607 = arith.constant 0.000000e+00 : f32
      %broadcast_in_dim3A_608 = vector.broadcast %broadcast_in_dim3A_607 : f32 to vector<16xf32>
      %scan3A_609 = arith.constant 0 : i32
      %scan3A_610 = arith.constant 64 : i32
      %scan3A_611 = arith.addi %scan3A_609, %scan3A_610 : i32
      %scan3A_612 = arith.constant 1 : i32
      %scan3A_613 = scf.for %scan3A_620 = %scan3A_609 to %scan3A_611 step %scan3A_612 iter_args(%scan3A_621 = %broadcast_in_dim3A_608) -> (vector<16xf32>)  : i32 {
        %add3A_622 = vector.broadcast %scan3A_620 : i32 to vector<16xi32>
        %add3A_623 = arith.addi %iota3A, %add3A_622 : vector<16xi32>
        %and3A = arith.constant 63 : i32
        %and3A_624 = vector.broadcast %and3A : i32 to vector<16xi32>
        %and3A_625 = arith.andi %add3A_623, %and3A_624 : vector<16xi32>
        %gather3A = tpu.vector_load_idx %arg9[%add3A_605, %broadcast_in_dim3A_606, %and3A_625] : memref<256x1x64xf32, #tpu.memory_space<vmem>>[vector<16xi32>, vector<16xi32>, vector<16xi32>], vector<16xf32>,
        %gather3A_626 = tpu.vector_load_idx %arg10[%add3A_605, %broadcast_in_dim3A_606, %and3A_625] : memref<256x1x64xf32, #tpu.memory_space<vmem>>[vector<16xi32>, vector<16xi32>, vector<16xi32>], vector<16xf32>,
        %mul3A_627 = arith.mulf %gather3A, %gather3A_626 : vector<16xf32>
        %add3A_628 = arith.addf %scan3A_621, %mul3A_627 : vector<16xf32>
        scf.yield %add3A_628 : vector<16xf32>
      }
      %scan3A_614 = arith.constant 64 : i32
      %mul3A_615 = arith.constant 16 : i32
      %mul3A_616 = arith.muli %scan3A_26, %mul3A_615 : i32
      %add3A_617 = arith.constant 256 : i32
      %add3A_618 = arith.addi %add3A_617, %mul3A_616 : i32
      %swap3A = arith.index_cast %add3A_618 : i32 to index
      %swap3A_619 = tpu.vector_load %arg11[%swap3A] {strides = array<i32>} : memref<512xf32, #tpu.memory_space<vmem>>, vector<16xf32>,
      tpu.vector_store %arg11[%swap3A], %scan3A_613 {strides = array<i32>} : memref<512xf32, #tpu.memory_space<vmem>>, vector<16xf32>,
    }
    %scan3A_25 = arith.constant 16 : i32
    "tpu.region"() ({
      %run_scoped3A = tpu.sem_alloc : memref<!tpu.dma_semaphore, #tpu.memory_space<semaphore_mem>>
      %dma_start3A = tpu.memref_slice %arg6[%mul3A_2] : memref<16384xf32, #tpu.memory_space<hbm>> -> memref<512xf32, #tpu.memory_space<hbm>>
      %dma_start3A_26 = tpu.memref_slice %arg6[%mul3A_2] : memref<16384xf32, #tpu.memory_space<hbm>> -> memref<512xf32, #tpu.memory_space<hbm>>
      tpu.enqueue_dma source(%arg11 : memref<512xf32, #tpu.memory_space<vmem>>) target(%dma_start3A_26 : memref<512xf32, #tpu.memory_space<hbm>>) target_semaphore(%run_scoped3A : memref<!tpu.dma_semaphore, #tpu.memory_space<semaphore_mem>>)
      %dma_wait3A = tpu.memref_slice %arg6[%mul3A_2] : memref<16384xf32, #tpu.memory_space<hbm>> -> memref<512xf32, #tpu.memory_space<hbm>>
      %dma_wait3A_27 = tpu.memref_slice %arg6[%mul3A_2] : memref<16384xf32, #tpu.memory_space<hbm>> -> memref<512xf32, #tpu.memory_space<hbm>>
      tpu.wait_dma2 semaphore(%run_scoped3A : memref<!tpu.dma_semaphore, #tpu.memory_space<semaphore_mem>>) src(%arg11 : memref<512xf32, #tpu.memory_space<vmem>>) dst(%dma_wait3A_27 : memref<512xf32, #tpu.memory_space<hbm>>)
      tpu.yield
    }) : () -> ()
    return
  }
}

</mosaic_0001>

<sc_bundles>
// kernel: kernel.3.cloned.1.call-start
scs
__scs_entry_jumppad:
0x0: {  	(pc) =	sbr.rel $0x88, $3  }
0x1: {  	(tag) =	ssettag $0x0;
	lr =	simm.s32 $0x1  }
0x2: {  	[smem:$0x3F9D] =	sst lr;
	_ =	strace $0xD0000000  }
0x3: {  	_ = 	snop  }
0x4: {  	_ = 	snop  }
0x5: {  	_ = 	snop  }
0x6: {  	_ = 	snop  }
0x7: {  	_ = 	snop  }
__scs_overlays_trampoline_lowered:
0x8: {  	[smem:$0x3FAC] =	sst s0  }
0x9: {  	[smem:$0x3FAD] =	sst s1  }
0xa: {  	[smem:$0x3FAE] =	sst s2  }
0xb: {  	[smem:$0x3FAF] =	sst s3  }
0xc: {  	[smem:$0x3FB0] =	sst s4  }
0xd: {  	[smem:$0x3FB1] =	sst s5  }
0xe: {  	[smem:$0x3FB2] =	sst s6  }
0xf: {  	[smem:$0x3FB3] =	sst s7  }
0x10: {  	[smem:$0x3FB4] =	sst s8  }
0x11: {  	[smem:$0x3FB5] =	sst s9;
	s0 =	simm.s32 @!p0 $0x0  }
0x12: {  	s1 =	sld [smem:$0x3F9B];
	s0 =	simm.s32 @p0 $0x1  }
0x13: {  	[smem:$0x3FB6] =	sst s0;
	s0 =	simm.s32 @!p1 $0x0  }
0x14: {  	s2 =	sld [smem:$0x3F9A];
	s0 =	simm.s32 @p1 $0x1  }
0x15: {  	[smem:$0x3FB7] =	sst s0;
	s0 =	simm.s32 @!p2 $0x0  }
0x16: {  	s3 =	sld [smem:$0x3FDB];
	s0 =	simm.s32 @p2 $0x1  }
0x17: {  	s4 =	simm.s32 $0x1BF5;
	[smem:$0x3FB9] =	sst s0  }
0x18: {  	s0 =	sld [smem:$0x3F9C];
	_ =	swait.ge [sflag:s4], $0x0  }
0x19: {  	s7 =	sld [smem:$0x3F9D]  }
0x1a: {  	s8 =	sadd.s32 $0xFFFFE003, lr  }
0x1b: {  	s9 =	sadd.s32 $0xFFFFFEF7, lr;
	s5 =	simm.s32 $0xFFFFFFFF;
	p2 =	slt.u32 s8, $0xFFFFF086  }
0x1c: {  	p1 =	slt.u32 s9, $0xF7A;
	s5 =	simm.s32 @!p2 $0x0  }
0x1d: {  	s5 =	simm.s32 @p1 $0x1;
	p0 =	seq.s32 s7, s2  }
0x1e: {  	s7 =	smul.u32 @!p0 $0xF7A, s2;
	p2 =	seq.s32 @!p0 s5, $0x0  }
0x1f: {  	s9 =	smul.u32 $0xF7A, s1;
	s8 =	simm.s32 @!p0 $0x1BF5;
	p2 =	por !p2, p0  }
0x20: {  	[sflag:s8] =	ssyncset.s32 @!p0 $0xFFFFF086;
	s6 =	sadd.s32 @!p0 s3, s7;
	s7 =	simm.s32 @!p0 $0x108  }
0x21: {  	s3 =	sadd.s32 s3, s9;
	s6 =	sadd.s32 @!p0 $0x88, s6;
	s7 =	simm.s32 @p2 $0x1082  }
0x22: {  	[simem:s7], [sflag:s8] =	dma.local @!p0 [hbm:s6], $0xF7A  }
0x23: {  	s9 =	sor.u32 $0xD0000000, s2;
	s6 =	simm.s32 $0x108;
	_ =	swait.ge @!p0 [sflag:s8], $0x0  }
0x24: {  	s3 =	sadd.s32 $0x88, s3;
	s6 =	simm.s32 @!p1 $0x1082;
	[sflag:s4] =	ssyncset.s32 $0xFFFFF086  }
0x25: {  	[simem:s6], [sflag:s4] =	dma.local [hbm:s3], $0xF7A  }
0x26: {  	[smem:$0x3F9D] =	sst s1;
	(tag) =	ssettag s2;
	_ =	strace s9  }
0x27: {  	s1 =	sld [smem:$0x3FAD]  }
0x28: {  	s2 =	sld [smem:$0x3FAE]  }
0x29: {  	s4 =	sld [smem:$0x3FB0]  }
0x2a: {  	p0 =	seq.s32 s5, $0x0;
	s5 =	sld [smem:$0x3FB1]  }
0x2b: {  	s6 =	sld [smem:$0x3FB2]  }
0x2c: {  	s7 =	sld [smem:$0x3FB3]  }
0x2d: {  	s3 =	simm.s32 $0x108;
	s8 =	sld [smem:$0x3FB4]  }
0x2e: {  	s3 =	simm.s32 @!p0 $0x1082;
	s9 =	sld [smem:$0x3FB5]  }
0x2f: {  	lr =	sadd.s32 s0, s3;
	s0 =	sld [smem:$0x3FAC]  }
0x30: {  	s3 =	sld [smem:$0x3FAF]  }
0x31: {  	[smem:$0x3FB8] =	sst s10  }
0x32: {  	s10 =	sld [smem:$0x3FB6];
	_ =	sdelay $0x3  }
0x33: {  	p0 =	seq.s32 s10, $0x1;
	s10 =	sld [smem:$0x3FB8];
	_ =	sdelay $0x3  }
0x34: {  	[smem:$0x3FB8] =	sst s10  }
0x35: {  	s10 =	sld [smem:$0x3FB7];
	_ =	sdelay $0x3  }
0x36: {  	p1 =	seq.s32 s10, $0x1;
	s10 =	sld [smem:$0x3FB8];
	_ =	sdelay $0x3  }
0x37: {  	[smem:$0x3FB8] =	sst s10  }
0x38: {  	s10 =	sld [smem:$0x3FB9]  }
0x39: {  	_ = 	snop;
	(pc) =	sbr.ind lr, $3  }
0x3a: {  	_ = 	snop  }
0x3b: {  	_ = 	snop  }
0x3c: {  	p2 =	seq.s32 s10, $0x1;
	s10 =	sld [smem:$0x3FB8]  }
0x3d: {  	_ =	shalt  }
0x3e: {  	_ =	shalt  }
0x3f: {  	_ =	shalt  }
0x40: {  	_ =	shalt  }
0x41: {  	_ =	shalt  }
0x42: {  	_ =	shalt  }
0x43: {  	_ =	shalt  }
0x44: {  	_ =	shalt  }
0x45: {  	_ =	shalt  }
0x46: {  	_ =	shalt  }
0x47: {  	_ =	shalt  }
0x48: {  	_ =	shalt  }
0x49: {  	_ =	shalt  }
0x4a: {  	_ =	shalt  }
0x4b: {  	_ =	shalt  }
0x4c: {  	_ =	shalt  }
0x4d: {  	_ =	shalt  }
0x4e: {  	_ =	shalt  }
0x4f: {  	_ =	shalt  }
0x50: {  	_ =	shalt  }
0x51: {  	_ =	shalt  }
0x52: {  	_ =	shalt  }
0x53: {  	_ =	shalt  }
0x54: {  	_ =	shalt  }
0x55: {  	_ =	shalt  }
0x56: {  	_ =	shalt  }
0x57: {  	_ =	shalt  }
0x58: {  	_ =	shalt  }
0x59: {  	_ =	shalt  }
0x5a: {  	_ =	shalt  }
0x5b: {  	_ =	shalt  }
0x5c: {  	_ =	shalt  }
0x5d: {  	_ =	shalt  }
0x5e: {  	_ =	shalt  }
0x5f: {  	_ =	shalt  }
0x60: {  	_ =	shalt  }
0x61: {  	_ =	shalt  }
0x62: {  	_ =	shalt  }
0x63: {  	_ =	shalt  }
0x64: {  	_ =	shalt  }
0x65: {  	_ =	shalt  }
0x66: {  	_ =	shalt  }
0x67: {  	_ =	shalt  }
0x68: {  	_ =	shalt  }
0x69: {  	_ =	shalt  }
0x6a: {  	_ =	shalt  }
0x6b: {  	_ =	shalt  }
0x6c: {  	_ =	shalt  }
0x6d: {  	_ =	shalt  }
0x6e: {  	_ =	shalt  }
0x6f: {  	_ =	shalt  }
0x70: {  	_ =	shalt  }
0x71: {  	_ =	shalt  }
0x72: {  	_ =	shalt  }
0x73: {  	_ =	shalt  }
0x74: {  	_ =	shalt  }
0x75: {  	_ =	shalt  }
0x76: {  	_ =	shalt  }
0x77: {  	_ =	shalt  }
0x78: {  	_ =	shalt  }
0x79: {  	_ =	shalt  }
0x7a: {  	_ =	shalt  }
0x7b: {  	_ =	shalt  }
0x7c: {  	_ =	shalt  }
0x7d: {  	_ =	shalt  }
0x7e: {  	_ =	shalt  }
0x7f: {  	_ =	shalt  }
0x80: {  	_ =	shalt  }
0x81: {  	_ =	shalt  }
0x82: {  	_ =	shalt  }
0x83: {  	_ =	shalt  }
0x84: {  	_ =	shalt  }
0x85: {  	_ =	shalt  }
0x86: {  	_ =	shalt  }
0x87: {  	_ =	shalt  }
.Lfunc_end0:
.L_simem_size_0:
called_computation_lowered:
.L_overlay_start_0:
0x88: {  	s2 =	sld [smem:$0x3FD9]  }
0x89: {  	s3 =	sld [smem:$0x3FFE];
	_ =	sdelay $0x1  }
0x8a: {  	s1 =	srdreg.scid  }
0x8b: {  	s0 =	sand.u32 $0x1, s1  }
0x8c: {  	s17 =	sshll.u32 s0, $0xA;
	s2 =	sadd.s32 s3, s2  }
0x8d: {  	s2 =	sadd.s32 s2, s17  }
0x8e: {  	[smem:$0x3FC4] =	sst s2  }
0x8f: {  	_ = 	snop  }
0x90: {  	s2 =	sld [smem:$0x3FC9]  }
0x91: {  	s18 =	sld [smem:$0x3FC8]  }
0x92: {  	s4 =	sld [smem:$0x3FD0];
	(tm) =	ssettm $0x1  }
0x93: {  	s5 =	sld [smem:$0x3FFB];
	_ =	sdelay $0x3  }
0x94: {  	_ =	strace s5  }
0x95: {  	s5 =	sld [smem:$0x3FFC];
	_ =	sdelay $0x3  }
0x96: {  	_ =	strace s5  }
0x97: {  	s5 =	sld [smem:$0x3FFD];
	_ =	sdelay $0x3  }
0x98: {  	_ =	strace s5  }
0x99: {  	_ =	strace $0x8FFFFFFF  }
0x9a: {  	s19 =	sld [smem:$0x3FDB];
	_ =	sdelay $0x1  }
0x9b: {  	s6 =	simm.s32 $_scs_section_size  }
0x9c: {  	s7 =	simm.s32 $_size__tile_overlayer_lowered;
	s8 =	simm.s32 $_tile_overlayer_lowered  }
0x9d: {  	s22 =	simm.s32 $0x1BFF;
	s21 =	sshll.u32 s8, $0x1;
	s5 =	sadd.s32 s6, s19  }
0x9e: {  	s9 =	simm.s32 $0x0;
	s20 =	sshll.u32 s7, $0x1;
	s7 =	sadd.s32 s21, s5  }
0x9f: {  	[timem:s9], [sflag:s22] =	dma.local [hbm:s7], s20  }
0xa0: {  	_ =	swait.ge [sflag:s22], s20  }
0xa1: {  	s6 =	ssub.s32 $0x0, s20;
	[sflag:s22] =	ssyncset.done $0x0  }
0xa2: {  	[sflag:s22] =	ssyncadd.s32 s6;
	_ =	sdelay $0x1  }
0xa3: {  	s23 =	simm.s32 $0x1B8B  }
0xa4: {  	_ =	swait.ge [sflag:s23], $0x1  }
0xa5: {  	[sflag:s23] =	ssyncset.done $0x0  }
0xa6: {  	s25 =	simm.s32 $0x1B8E;
	s24 =	sld [smem:$0x3FFE];
	[sflag:s23] =	ssyncadd.s32 $0xFFFFFFFF  }
0xa7: {  	s26 =	simm.s32 $execute0_lowered;
	[smem:$0x3FD2] =	sst s25  }
0xa8: {  	s7 =	sshll.u32 s26, $0x1;
	_ =	strace $0x80000046;
	[dreg:$0x1] =	wrdreg $0xFFFFFFFF  }
0xa9: {  	s28 =	simm.s32 $_size_execute0_lowered;
	s5 =	sadd.s32 s5, s7;
	[dreg:$0x0] =	wrdreg $0x0  }
0xaa: {  	s7 =	sshll.u32 s28, $0x1;
	[dreg:$0x2] =	wrdreg s5  }
0xab: {  	[dreg:$0x3] =	wrdreg s7  }
0xac: {  	[dreg:$0x4] =	wrdreg $0xC0  }
0xad: {  	_ =	task [dreg:s9], $0x5FFFF  }
0xae: {  	[dreg:$0x1] =	wrdreg $0xFFFFFFFF  }
0xaf: {  	[dreg:$0x0] =	wrdreg $0x60  }
0xb0: {  	[dreg:$0x2] =	wrdreg s2  }
0xb1: {  	[dreg:$0x3] =	wrdreg s18  }
0xb2: {  	[dreg:$0x4] =	wrdreg s24  }
0xb3: {  	[dreg:$0x5] =	wrdreg s4  }
0xb4: {  	[dreg:$0x6] =	wrdreg $0x9  }
0xb5: {  	_ =	task.clear_ibuf [dreg:s9], $0x7FFFF;
	_ =	strace $0x90000046  }
0xb6: {  	s29 =	simm.s32 $0x9;
	_ =	strace $0x80000048  }
0xb7: {  	_ =	swait.ge [sflag:s29], $0x1  }
0xb8: {  	[sflag:s29] =	ssyncadd.s32 $0xFFFFFFFF  }
0xb9: {  	_ =	strace $0x90000048  }
0xba: {  	_ =	sfence  }
0xbb: {  	s30 =	sld [smem:$0x0];
	_ =	sdelay $0x2  }
0xbc: {  	s31 =	sshll.u32 s1, $0xD;
	s1 =	sshrl.u32 s1, $0x2  }
0xbd: {  	s3 =	sand.u32 $0x4000, s31;
	s1 =	sadd.s32 s1, s30  }
0xbe: {  	s0 =	sor.u32 s3, s0;
	s1 =	sshll.u32 s1, $0x11  }
0xbf: {  	s0 =	sor.u32 s1, s0  }
0xc0: {  	s0 =	sadd.s32 $0x8F2B, s0  }
0xc1: {  	[sflag:s0] =	ssyncadd.remote.s32 $0x1  }
0xc2: {  	_ =	sfence.sel $0xFFFF  }
0xc3: {  	[dreg:$0x0] =	wrdreg $0xFFFFFFFF;
	(pc) =	sbr.abs _section_cstart, $3  }
0xc4: {  	[dreg:$0x1] =	wrdreg $0xFFFFFFFF  }
0xc5: {  	_ =	task.clear_ibuf [dreg:s9], $0x2FFFF;
	_ =	strace $0x9FFFFFFF  }
0xc6: {  	(tm) =	ssettm $0x7FFFFFFF  }
0xc7: {  	_ =	shalt  }
tec
execute0_lowered:
.L_overlay_start_1:
0x0: {  	(tag) =	ssettag $0x1  }
0x1: {  	s0 =	rddreg [dreg:$0x0]  }
0x2: {  	s1 =	rddreg [dreg:$0x1]  }
0x3: {  	s2 =	rddreg [dreg:$0x2]  }
0x4: {  	s5 =	rddreg [dreg:$0x3];
	s14 =	simm.s32 $0x0;
	s3 =	srdreg.scid  }
0x5: {  	s4 =	stileid.u32;
	s11 =	simm.s32 $0x400;
	s3 =	sand.u32 $0x1, s3  }
0x6: {  	[smem:$0x7FF] =	sst s14;
	s4 =	sshll.u32 s4, $0x7;
	s7 =	sshll.u32 s3, $0x6  }
0x7: {  	s12 =	simm.s32 $0x8400;
	_ =	strace $0x80000047;
	s7 =	sor.u32 s7, s4  }
0x8: {  	s6 =	ssub.s32 $0x2, s3;
	s3 =	sadd.s32 $0x400, s2;
	s0 =	sadd.s32 s0, s7  }
0x9: {  	s8 =	sshrl.u32 s6, $0x1;
	s29 =	sadd.s32 s1, s7;
	[dreg:$0x1b] =	wrdreg s0  }
0xa: {  	s28 =	ssub.s32 s6, s8;
	s30 =	sadd.s32 s5, s7;
	[dreg:$0x1c] =	wrdreg s29  }
0xb: {  	v0 =	vlaneseq.u32;
	s4 =	sadd.s32 $0xF42800, s2;
	[dreg:$0x1d] =	wrdreg s30;
	s31 =	smax.u32 s28, $0x1  }
0xc: {  	v1 =	vmul.u32 $0x80, v0;
	s2 =	simm.s32 $0x2;
	s1 =	simm.s32 $0x0;
	[dreg:$0x1e] =	wrdreg s31  }
.LBB2_1:
0xd: {  	[dreg:$0x1f] =	wrdreg s1  }
0xe: {  	s0 =	rddreg [dreg:$0x1b]  }
0xf: {  	[tilespmem:s14], [sflag:$0x2] =	stream.linear.gather [hbm4b:s0+s14], $0x200, $0x38;
	[tilespmem:$0x10600] =	vst v63  }
0x10: {  	_ =	swait.ge [sflag:s2], $0x200  }
0x11: {  	[sflag:s2] =	ssyncset.done $0x0  }
0x12: {  	s25 =	simm.s32 $0x200;
	s26 =	rddreg [dreg:$0x1c];
	[sflag:s2] =	ssyncadd.s32 $0xFFFFFE00  }
0x13: {  	[tilespmem:s25], [sflag:$0x2] =	stream.linear.gather [hbm4b:s26+s14], $0x200, $0x38;
	[tilespmem:$0x10600] =	vst v63  }
0x14: {  	_ =	swait.ge [sflag:s2], $0x200  }
0x15: {  	[sflag:s2] =	ssyncset.done $0x0  }
0x16: {  	[sflag:s2] =	ssyncadd.s32 $0xFFFFFE00  }
0x17: {  	v2 =	vld [tilespmem:s14+$0x0];
	_ =	sdelay $0x1  }
0x18: {  	v3 =	vld [tilespmem:s25+$0x0];
	_ =	sdelay $0x2  }
0x19: {  	v2 =	vshll.u32 v2, $0x4  }
0x1a: {  	(v2sf) =	vpush v2, $0x0  }
0x1b: {  	v3 =	vshll.u32 v3, $0x4  }
0x1c: {  	(v2sf) =	vpush v3, $0x0  }
0x1d: {  	(v2sf) =	vpush v2, $0x1;
	_ =	sdelay $0x1  }
0x1e: {  	(v2sf) =	vpush v3, $0x1;
	_ =	sdelay $0x1  }
0x1f: {  	(v2sf) =	vpush v2, $0x2;
	_ =	sdelay $0x1  }
0x20: {  	(v2sf) =	vpush v3, $0x2;
	_ =	sdelay $0x1  }
0x21: {  	s16 =	simm.s32 $0x2000;
	s15 =	simm.s32 $0x0;
	(v2sf) =	vpush v2, $0x3  }
0x22: {  	s28 =	simm.s32 $0x8400;
	s5 =	simm.s32 $0x680;
	s1 =	simm.s32 $0x880  }
0x23: {  	s6 =	simm.s32 $0x400;
	s7 =	simm.s32 $0x600;
	s9 =	simm.s32 $0x580  }
0x24: {  	s10 =	simm.s32 $0x8580;
	s18 =	simm.s32 $0x8A00;
	s17 =	simm.s32 $0x480  }
0x25: {  	s21 =	simm.s32 $0x8480;
	s23 =	simm.s32 $0x500;
	s8 =	spop (v2sf);
	(v2sf) =	vpush v3, $0x3  }
0x26: {  	s0 =	simm.s32 $0x8900;
	s26 =	simm.s32 $0x8500;
	s8 =	sand.u32 $0x1FFFFFF0, s8  }
0x27: {  	s2 =	simm.s32 $0x8980;
	s13 =	spop (v2sf);
	(v2sf) =	vpush v2, $0x4;
	s8 =	sadd.s32 s3, s8  }
0x28: {  	(v2sf) =	vpush v3, $0x4;
	s29 =	sand.u32 $0x1FFFFFF0, s13;
	s30 =	spop (v2sf);
	s13 =	simm.s32 $0xA80  }
0x29: {  	[tilespmem:s6], [sflag:$0x1] =	stream.linear.gather [hbm4b:s8+s14], $0x80, $0x38;
	[tilespmem:$0x10600] =	vst v63  }
0x2a: {  	s6 =	sadd.s32 s4, s29;
	s8 =	sand.u32 $0x1FFFFFF0, s30;
	s31 =	spop (v2sf)  }
0x2b: {  	(v2sf) =	vpush v2, $0x5;
	[tilespmem:s28], [sflag:$0x1] =	stream.linear.gather [hbm4b:s6+s14], $0x80, $0x38;
	[tilespmem:$0x10600] =	vst v63  }
0x2c: {  	s19 =	sadd.s32 s3, s8;
	s20 =	sand.u32 $0x1FFFFFF0, s31;
	s22 =	spop (v2sf)  }
0x2d: {  	(v2sf) =	vpush v3, $0x5;
	[tilespmem:s17], [sflag:$0x1] =	stream.linear.gather [hbm4b:s19+s14], $0x80, $0x38;
	[tilespmem:$0x10600] =	vst v63  }
0x2e: {  	s8 =	sadd.s32 s4, s20;
	(v2sf) =	vpush v2, $0x6;
	s6 =	sand.u32 $0x1FFFFFF0, s22;
	s24 =	spop (v2sf)  }
0x2f: {  	[tilespmem:s21], [sflag:$0x1] =	stream.linear.gather [hbm4b:s8+s14], $0x80, $0x38;
	[tilespmem:$0x10600] =	vst v63  }
0x30: {  	s6 =	sadd.s32 s3, s6;
	s25 =	spop (v2sf);
	(v2sf) =	vpush v3, $0x6;
	s8 =	sand.u32 $0x1FFFFFF0, s24  }
0x31: {  	[tilespmem:s23], [sflag:$0x1] =	stream.linear.gather [hbm4b:s6+s14], $0x80, $0x38;
	[tilespmem:$0x10600] =	vst v63  }
0x32: {  	s30 =	simm.s32 $0x8600;
	s29 =	sand.u32 $0x1FFFFFF0, s25;
	s28 =	sadd.s32 s4, s8  }
0x33: {  	[tilespmem:s26], [sflag:$0x1] =	stream.linear.gather [hbm4b:s28+s14], $0x80, $0x38;
	[tilespmem:$0x10600] =	vst v63  }
0x34: {  	s20 =	simm.s32 $0x8680;
	s8 =	sadd.s32 s3, s29;
	s31 =	spop (v2sf)  }
0x35: {  	[tilespmem:s9], [sflag:$0x1] =	stream.linear.gather [hbm4b:s8+s14], $0x80, $0x38;
	[tilespmem:$0x10600] =	vst v63  }
0x36: {  	s21 =	simm.s32 $0x700;
	(v2sf) =	vpush v2, $0x7;
	s6 =	sand.u32 $0x1FFFFFF0, s31;
	s17 =	spop (v2sf)  }
0x37: {  	s6 =	sadd.s32 s4, s6;
	s8 =	sand.u32 $0x1FFFFFF0, s17;
	s19 =	spop (v2sf)  }
0x38: {  	(v2sf) =	vpush v3, $0x7;
	[tilespmem:s10], [sflag:$0x1] =	stream.linear.gather [hbm4b:s6+s14], $0x80, $0x38;
	[tilespmem:$0x10600] =	vst v63  }
0x39: {  	s28 =	simm.s32 $0x8700;
	(v2sf) =	vpush v2, $0x8;
	s8 =	sadd.s32 s3, s8;
	s9 =	sand.u32 $0x1FFFFFF0, s19  }
0x3a: {  	s22 =	spop (v2sf);
	s19 =	simm.s32 $0x8A80;
	s10 =	simm.s32 $0x780  }
0x3b: {  	(v2sf) =	vpush v3, $0x8;
	[tilespmem:s7], [sflag:$0x1] =	stream.linear.gather [hbm4b:s8+s14], $0x80, $0x38;
	[tilespmem:$0x10600] =	vst v63  }
0x3c: {  	s9 =	sadd.s32 s4, s9;
	s23 =	spop (v2sf);
	s8 =	sand.u32 $0x1FFFFFF0, s22  }
0x3d: {  	(v2sf) =	vpush v2, $0x9;
	s24 =	spop (v2sf);
	s7 =	simm.s32 $0x8880;
	s8 =	sadd.s32 s3, s8  }
0x3e: {  	[tilespmem:s30], [sflag:$0x1] =	stream.linear.gather [hbm4b:s9+s14], $0x80, $0x38;
	[tilespmem:$0x10600] =	vst v63  }
0x3f: {  	(v2sf) =	vpush v3, $0x9;
	s26 =	sand.u32 $0x1FFFFFF0, s24;
	s29 =	spop (v2sf);
	s9 =	sand.u32 $0x1FFFFFF0, s23  }
0x40: {  	[tilespmem:s5], [sflag:$0x1] =	stream.linear.gather [hbm4b:s8+s14], $0x80, $0x38;
	[tilespmem:$0x10600] =	vst v63  }
0x41: {  	(v2sf) =	vpush v2, $0xA;
	s6 =	sand.u32 $0x1FFFFFF0, s29;
	s23 =	simm.s32 $0x800;
	s25 =	sadd.s32 s4, s9  }
0x42: {  	[tilespmem:s20], [sflag:$0x1] =	stream.linear.gather [hbm4b:s25+s14], $0x80, $0x38;
	[tilespmem:$0x10600] =	vst v63  }
0x43: {  	(v2sf) =	vpush v3, $0xA;
	s6 =	sadd.s32 s4, s6;
	s8 =	sadd.s32 s3, s26;
	s26 =	simm.s32 $0x8800  }
0x44: {  	[tilespmem:s21], [sflag:$0x1] =	stream.linear.gather [hbm4b:s8+s14], $0x80, $0x38;
	[tilespmem:$0x10600] =	vst v63  }
0x45: {  	s5 =	simm.s32 $0x8B00;
	s21 =	simm.s32 $0x8780;
	s30 =	spop (v2sf)  }
0x46: {  	(v2sf) =	vpush v2, $0xB;
	[tilespmem:s28], [sflag:$0x1] =	stream.linear.gather [hbm4b:s6+s14], $0x80, $0x38;
	[tilespmem:$0x10600] =	vst v63  }
0x47: {  	s8 =	sand.u32 $0x1FFFFFF0, s30;
	s31 =	spop (v2sf);
	s30 =	simm.s32 $0x900  }
0x48: {  	(v2sf) =	vpush v3, $0xB;
	s17 =	sadd.s32 s3, s8;
	s20 =	sand.u32 $0x1FFFFFF0, s31;
	s22 =	spop (v2sf)  }
0x49: {  	[tilespmem:s10], [sflag:$0x1] =	stream.linear.gather [hbm4b:s17+s14], $0x80, $0x38;
	[tilespmem:$0x10600] =	vst v63  }
0x4a: {  	s8 =	sadd.s32 s4, s20;
	s6 =	sand.u32 $0x1FFFFFF0, s22;
	s24 =	spop (v2sf)  }
0x4b: {  	(v2sf) =	vpush v2, $0xC;
	[tilespmem:s21], [sflag:$0x1] =	stream.linear.gather [hbm4b:s8+s14], $0x80, $0x38;
	[tilespmem:$0x10600] =	vst v63  }
0x4c: {  	s6 =	sadd.s32 s3, s6;
	s25 =	spop (v2sf);
	s8 =	sand.u32 $0x1FFFFFF0, s24  }
0x4d: {  	(v2sf) =	vpush v3, $0xC;
	[tilespmem:s23], [sflag:$0x1] =	stream.linear.gather [hbm4b:s6+s14], $0x80, $0x38;
	[tilespmem:$0x10600] =	vst v63  }
0x4e: {  	s29 =	sand.u32 $0x1FFFFFF0, s25;
	s31 =	spop (v2sf);
	s28 =	sadd.s32 s4, s8  }
0x4f: {  	[tilespmem:s26], [sflag:$0x1] =	stream.linear.gather [hbm4b:s28+s14], $0x80, $0x38;
	[tilespmem:$0x10600] =	vst v63  }
0x50: {  	s24 =	simm.s32 $0xA00;
	s8 =	sadd.s32 s3, s29;
	s9 =	spop (v2sf)  }
0x51: {  	[tilespmem:s1], [sflag:$0x1] =	stream.linear.gather [hbm4b:s8+s14], $0x80, $0x38;
	[tilespmem:$0x10600] =	vst v63  }
0x52: {  	s6 =	sand.u32 $0x1FFFFFF0, s9;
	s10 =	spop (v2sf);
	s8 =	sand.u32 $0x1FFFFFF0, s31  }
0x53: {  	s17 =	sadd.s32 s3, s6;
	s20 =	sand.u32 $0x1FFFFFF0, s10;
	s1 =	sadd.s32 s4, s8  }
0x54: {  	[tilespmem:s7], [sflag:$0x1] =	stream.linear.gather [hbm4b:s1+s14], $0x80, $0x38;
	[tilespmem:$0x10600] =	vst v63  }
0x55: {  	s22 =	sadd.s32 s4, s20;
	s26 =	simm.s32 $0x980;
	s21 =	spop (v2sf)  }
0x56: {  	[tilespmem:s30], [sflag:$0x1] =	stream.linear.gather [hbm4b:s17+s14], $0x80, $0x38;
	[tilespmem:$0x10600] =	vst v63  }
0x57: {  	s17 =	simm.s32 $0x0;
	s23 =	sand.u32 $0x1FFFFFF0, s21;
	s25 =	spop (v2sf)  }
0x58: {  	(v2sf) =	vpush v2, $0xD;
	[tilespmem:s0], [sflag:$0x1] =	stream.linear.gather [hbm4b:s22+s14], $0x80, $0x38;
	[tilespmem:$0x10600] =	vst v63  }
0x59: {  	(v2sf) =	vpush v3, $0xD;
	s21 =	simm.s32 $0x10;
	s28 =	sadd.s32 s3, s23;
	s29 =	sand.u32 $0x1FFFFFF0, s25  }
0x5a: {  	s22 =	simm.s32 $0x210;
	(v2sf) =	vpush v2, $0xE;
	s25 =	simm.s32 $0xB00;
	s31 =	spop (v2sf)  }
0x5b: {  	(v2sf) =	vpush v3, $0xE;
	[tilespmem:s26], [sflag:$0x1] =	stream.linear.gather [hbm4b:s28+s14], $0x80, $0x38;
	[tilespmem:$0x10600] =	vst v63  }
0x5c: {  	s30 =	sadd.s32 s4, s29;
	(v2sf) =	vpush v2, $0xF;
	s0 =	sand.u32 $0x1FFFFFF0, s31;
	s1 =	spop (v2sf)  }
0x5d: {  	(v2sf) =	vpush v3, $0xF;
	[tilespmem:s2], [sflag:$0x1] =	stream.linear.gather [hbm4b:s30+s14], $0x80, $0x38;
	[tilespmem:$0x10600] =	vst v63  }
.LBB2_2:
0x5e: {  	_ =	sdelay $0x4  }
0x5f: {  	s0 =	sadd.s32 s3, s0;
	s1 =	sand.u32 $0x1FFFFFF0, s1  }
0x60: {  	[tilespmem:s24], [sflag:$0x1] =	stream.linear.gather [hbm4b:s0+s17], $0x80, $0x38;
	[tilespmem:$0x10600] =	vst v63  }
0x61: {  	s9 =	sadd.s32 s4, s1  }
0x62: {  	[tilespmem:s18], [sflag:$0x1] =	stream.linear.gather [hbm4b:s9+s17], $0x80, $0x38;
	[tilespmem:$0x10600] =	vst v63  }
0x63: {  	s2 =	spop (v2sf)  }
0x64: {  	s10 =	sand.u32 $0x1FFFFFF0, s2;
	s14 =	spop (v2sf)  }
0x65: {  	s18 =	sadd.s32 s3, s10;
	s20 =	sand.u32 $0x1FFFFFF0, s14;
	s23 =	spop (v2sf)  }
0x66: {  	[tilespmem:s13], [sflag:$0x1] =	stream.linear.gather [hbm4b:s18+s17], $0x80, $0x38;
	[tilespmem:$0x10600] =	vst v63  }
0x67: {  	s24 =	sadd.s32 s4, s20;
	s26 =	sand.u32 $0x1FFFFFF0, s23;
	s28 =	spop (v2sf)  }
0x68: {  	[tilespmem:s19], [sflag:$0x1] =	stream.linear.gather [hbm4b:s24+s17], $0x80, $0x38;
	[tilespmem:$0x10600] =	vst v63  }
0x69: {  	s29 =	sadd.s32 s3, s26;
	s30 =	sand.u32 $0x1FFFFFF0, s28;
	s31 =	spop (v2sf)  }
0x6a: {  	[tilespmem:s25], [sflag:$0x1] =	stream.linear.gather [hbm4b:s29+s17], $0x80, $0x38;
	[tilespmem:$0x10600] =	vst v63  }
0x6b: {  	s1 =	sadd.s32 s4, s30;
	s6 =	sand.u32 $0x1FFFFFF0, s31;
	s7 =	spop (v2sf)  }
0x6c: {  	[tilespmem:s5], [sflag:$0x1] =	stream.linear.gather [hbm4b:s1+s17], $0x80, $0x38;
	[tilespmem:$0x10600] =	vst v63  }
0x6d: {  	s8 =	sadd.s32 $0xB80, s15;
	s2 =	sand.u32 $0x1FFFFFF0, s7;
	s1 =	sadd.s32 s3, s6  }
0x6e: {  	[tilespmem:s8], [sflag:$0x1] =	stream.linear.gather [hbm4b:s1+s17], $0x80, $0x38;
	[tilespmem:$0x10600] =	vst v63  }
0x6f: {  	s9 =	sadd.s32 $0x8B80, s15;
	s10 =	sadd.s32 s4, s2  }
0x70: {  	[tilespmem:s9], [sflag:$0x1] =	stream.linear.gather [hbm4b:s10+s17], $0x80, $0x38;
	[tilespmem:$0x10600] =	vst v63  }
0x71: {  	v2 =	vld [tilespmem:s21+$0x0]  }
0x72: {  	v4 =	vld [tilespmem:s22+$0x0];
	_ =	sdelay $0x3  }
0x73: {  	s13 =	smov.u32 s16;
	v3 =	vshll.u32 v2, $0x4  }
0x74: {  	p0 =	sne.s32 s16, $0x1E000;
	s15 =	sshra.s32 s13, $0x2;
	v2 =	vshll.u32 v4, $0x4;
	(v2sf) =	vpush v3, $0x0  }
0x75: {  	s16 =	sadd.s32 $0x2000, s16;
	s0 =	sadd.s32 $0x8400, s15;
	s14 =	sadd.s32 $0x680, s15;
	(v2sf) =	vpush v2, $0x0  }
0x76: {  	s18 =	sadd.s32 $0x880, s15;
	s31 =	sadd.s32 $0x400, s15;
	[dreg:$0x15] =	wrdreg s14;
	(v2sf) =	vpush v3, $0x1  }
0x77: {  	s19 =	sadd.s32 $0x8900, s15;
	s26 =	sadd.s32 $0x580, s15;
	[dreg:$0x9] =	wrdreg s18  }
0x78: {  	s28 =	sadd.s32 $0x8500, s15;
	s20 =	sadd.s32 $0x8980, s15;
	[dreg:$0x5] =	wrdreg s19;
	(v2sf) =	vpush v2, $0x1  }
0x79: {  	s23 =	sadd.s32 $0x8880, s15;
	s24 =	sadd.s32 $0x900, s15;
	[dreg:$0x7] =	wrdreg s20  }
0x7a: {  	s30 =	sadd.s32 $0x8800, s15;
	s13 =	sadd.s32 $0x8780, s15;
	[dreg:$0xd] =	wrdreg s23;
	(v2sf) =	vpush v3, $0x2  }
0x7b: {  	s18 =	sadd.s32 $0x8580, s15;
	s7 =	sadd.s32 $0xA80, s15;
	[dreg:$0xb] =	wrdreg s24  }
0x7c: {  	s19 =	sadd.s32 $0x8480, s15;
	s14 =	sadd.s32 $0x8680, s15;
	[dreg:$0x11] =	wrdreg s30;
	(v2sf) =	vpush v2, $0x2  }
0x7d: {  	s24 =	sadd.s32 $0xA00, s15;
	[dreg:$0x17] =	wrdreg s13;
	s20 =	sadd.s32 $0x800, s15  }
0x7e: {  	s30 =	sadd.s32 $0x480, s15;
	s23 =	sadd.s32 $0x980, s15;
	[dreg:$0x13] =	wrdreg s20;
	(v2sf) =	vpush v3, $0x3  }
0x7f: {  	s2 =	sadd.s32 $0x600, s15;
	s25 =	sadd.s32 $0x780, s15;
	[dreg:$0xf] =	wrdreg s23  }
0x80: {  	s29 =	sadd.s32 $0x500, s15;
	[dreg:$0x19] =	wrdreg s25;
	s25 =	sadd.s32 $0xB00, s15;
	(v2sf) =	vpush v2, $0x3  }
0x81: {  	s6 =	sadd.s32 $0x8A00, s15;
	s5 =	sadd.s32 $0x8B00, s15;
	s1 =	sadd.s32 $0x8A80, s15;
	(v2sf) =	vpush v3, $0x4  }
0x82: {  	s8 =	sadd.s32 $0x8700, s15;
	s17 =	simm.s32 $0x0;
	s10 =	sadd.s32 $0x8600, s15  }
0x83: {  	s9 =	sadd.s32 $0x700, s15;
	s21 =	sadd.s32 $0x10, s21;
	s20 =	spop (v2sf)  }
0x84: {  	s22 =	sadd.s32 $0x10, s22;
	s20 =	sand.u32 $0x1FFFFFF0, s20;
	s23 =	spop (v2sf)  }
0x85: {  	(v2sf) =	vpush v2, $0x4;
	s20 =	sadd.s32 s3, s20;
	s23 =	sand.u32 $0x1FFFFFF0, s23;
	s13 =	spop (v2sf)  }
0x86: {  	[tilespmem:s31], [sflag:$0x1] =	stream.linear.gather [hbm4b:s20+s17], $0x80, $0x38;
	[tilespmem:$0x10600] =	vst v63  }
0x87: {  	(v2sf) =	vpush v3, $0x5;
	s23 =	sadd.s32 s4, s23;
	s13 =	sand.u32 $0x1FFFFFF0, s13;
	s31 =	spop (v2sf)  }
0x88: {  	(v2sf) =	vpush v2, $0x5;
	[tilespmem:s0], [sflag:$0x1] =	stream.linear.gather [hbm4b:s23+s17], $0x80, $0x38;
	[tilespmem:$0x10600] =	vst v63  }
0x89: {  	s20 =	sadd.s32 s3, s13;
	s23 =	sand.u32 $0x1FFFFFF0, s31;
	s31 =	spop (v2sf)  }
0x8a: {  	(v2sf) =	vpush v3, $0x6;
	[tilespmem:s30], [sflag:$0x1] =	stream.linear.gather [hbm4b:s20+s17], $0x80, $0x38;
	[tilespmem:$0x10600] =	vst v63  }
0x8b: {  	s23 =	sadd.s32 s4, s23;
	s30 =	sand.u32 $0x1FFFFFF0, s31;
	s31 =	spop (v2sf)  }
0x8c: {  	[tilespmem:s19], [sflag:$0x1] =	stream.linear.gather [hbm4b:s23+s17], $0x80, $0x38;
	[tilespmem:$0x10600] =	vst v63  }
0x8d: {  	s23 =	sadd.s32 s3, s30;
	s30 =	sand.u32 $0x1FFFFFF0, s31;
	s31 =	spop (v2sf)  }
0x8e: {  	(v2sf) =	vpush v2, $0x6;
	[tilespmem:s29], [sflag:$0x1] =	stream.linear.gather [hbm4b:s23+s17], $0x80, $0x38;
	[tilespmem:$0x10600] =	vst v63  }
0x8f: {  	s19 =	smov.u32 s1;
	s13 =	sadd.s32 s4, s30;
	s23 =	spop (v2sf)  }
0x90: {  	(v2sf) =	vpush v3, $0x7;
	s20 =	sand.u32 $0x1FFFFFF0, s31;
	s30 =	sand.u32 $0x1FFFFFF0, s23;
	s31 =	spop (v2sf)  }
0x91: {  	[tilespmem:s28], [sflag:$0x1] =	stream.linear.gather [hbm4b:s13+s17], $0x80, $0x38;
	[tilespmem:$0x10600] =	vst v63  }
0x92: {  	(v2sf) =	vpush v2, $0x7;
	s29 =	sadd.s32 s3, s20;
	s13 =	sadd.s32 s4, s30;
	s20 =	sand.u32 $0x1FFFFFF0, s31  }
0x93: {  	[tilespmem:s26], [sflag:$0x1] =	stream.linear.gather [hbm4b:s29+s17], $0x80, $0x38;
	[tilespmem:$0x10600] =	vst v63  }
0x94: {  	(v2sf) =	vpush v3, $0x8;
	s26 =	sadd.s32 s3, s20;
	s20 =	rddreg [dreg:$0x15];
	s23 =	spop (v2sf)  }
0x95: {  	[tilespmem:s18], [sflag:$0x1] =	stream.linear.gather [hbm4b:s13+s17], $0x80, $0x38;
	[tilespmem:$0x10600] =	vst v63  }
0x96: {  	(v2sf) =	vpush v2, $0x8;
	s28 =	sand.u32 $0x1FFFFFF0, s23;
	s29 =	spop (v2sf);
	s18 =	smov.u32 s6  }
0x97: {  	s13 =	smov.u32 s7;
	s30 =	sadd.s32 s4, s28;
	s1 =	spop (v2sf)  }
0x98: {  	[tilespmem:s2], [sflag:$0x1] =	stream.linear.gather [hbm4b:s26+s17], $0x80, $0x38;
	[tilespmem:$0x10600] =	vst v63  }
0x99: {  	(v2sf) =	vpush v3, $0x9;
	s31 =	sand.u32 $0x1FFFFFF0, s29;
	s6 =	sand.u32 $0x1FFFFFF0, s1;
	s7 =	spop (v2sf)  }
0x9a: {  	(v2sf) =	vpush v2, $0x9;
	[tilespmem:s10], [sflag:$0x1] =	stream.linear.gather [hbm4b:s30+s17], $0x80, $0x38;
	[tilespmem:$0x10600] =	vst v63  }
0x9b: {  	s2 =	sadd.s32 s3, s31;
	s23 =	sadd.s32 s4, s6;
	s26 =	sand.u32 $0x1FFFFFF0, s7  }
0x9c: {  	[tilespmem:s20], [sflag:$0x1] =	stream.linear.gather [hbm4b:s2+s17], $0x80, $0x38;
	[tilespmem:$0x10600] =	vst v63  }
0x9d: {  	s10 =	rddreg [dreg:$0x19];
	s28 =	spop (v2sf);
	s29 =	sadd.s32 s3, s26  }
0x9e: {  	(v2sf) =	vpush v3, $0xA;
	[tilespmem:s14], [sflag:$0x1] =	stream.linear.gather [hbm4b:s23+s17], $0x80, $0x38;
	[tilespmem:$0x10600] =	vst v63  }
0x9f: {  	s26 =	rddreg [dreg:$0x17];
	s30 =	sand.u32 $0x1FFFFFF0, s28;
	s31 =	spop (v2sf)  }
0xa0: {  	(v2sf) =	vpush v2, $0xA;
	[tilespmem:s9], [sflag:$0x1] =	stream.linear.gather [hbm4b:s29+s17], $0x80, $0x38;
	[tilespmem:$0x10600] =	vst v63  }
0xa1: {  	s1 =	sadd.s32 s4, s30;
	s2 =	sand.u32 $0x1FFFFFF0, s31;
	s6 =	spop (v2sf)  }
0xa2: {  	(v2sf) =	vpush v3, $0xB;
	[tilespmem:s8], [sflag:$0x1] =	stream.linear.gather [hbm4b:s1+s17], $0x80, $0x38;
	[tilespmem:$0x10600] =	vst v63  }
0xa3: {  	s31 =	rddreg [dreg:$0x13];
	s7 =	sadd.s32 s3, s2;
	s9 =	spop (v2sf)  }
0xa4: {  	[tilespmem:s10], [sflag:$0x1] =	stream.linear.gather [hbm4b:s7+s17], $0x80, $0x38;
	[tilespmem:$0x10600] =	vst v63  }
0xa5: {  	s20 =	sand.u32 $0x1FFFFFF0, s9;
	s8 =	sand.u32 $0x1FFFFFF0, s6;
	s23 =	spop (v2sf)  }
0xa6: {  	(v2sf) =	vpush v2, $0xB;
	s28 =	sadd.s32 s3, s20;
	s14 =	sadd.s32 s4, s8;
	s29 =	sand.u32 $0x1FFFFFF0, s23  }
0xa7: {  	(v2sf) =	vpush v3, $0xC;
	[tilespmem:s26], [sflag:$0x1] =	stream.linear.gather [hbm4b:s14+s17], $0x80, $0x38;
	[tilespmem:$0x10600] =	vst v63  }
0xa8: {  	s10 =	rddreg [dreg:$0x11];
	s30 =	spop (v2sf);
	s7 =	sadd.s32 s4, s29  }
0xa9: {  	(v2sf) =	vpush v2, $0xC;
	s8 =	sand.u32 $0x1FFFFFF0, s30;
	s9 =	spop (v2sf);
	s26 =	rddreg [dreg:$0x9]  }
0xaa: {  	[tilespmem:s31], [sflag:$0x1] =	stream.linear.gather [hbm4b:s28+s17], $0x80, $0x38;
	[tilespmem:$0x10600] =	vst v63  }
0xab: {  	s14 =	sadd.s32 s3, s8;
	s20 =	sand.u32 $0x1FFFFFF0, s9;
	s8 =	rddreg [dreg:$0xb]  }
0xac: {  	[tilespmem:s10], [sflag:$0x1] =	stream.linear.gather [hbm4b:s7+s17], $0x80, $0x38;
	[tilespmem:$0x10600] =	vst v63  }
0xad: {  	s23 =	spop (v2sf);
	s28 =	sadd.s32 s4, s20;
	s31 =	rddreg [dreg:$0xd]  }
0xae: {  	[tilespmem:s26], [sflag:$0x1] =	stream.linear.gather [hbm4b:s14+s17], $0x80, $0x38;
	[tilespmem:$0x10600] =	vst v63  }
0xaf: {  	s20 =	rddreg [dreg:$0x5];
	s29 =	sand.u32 $0x1FFFFFF0, s23;
	s30 =	spop (v2sf)  }
0xb0: {  	[tilespmem:s31], [sflag:$0x1] =	stream.linear.gather [hbm4b:s28+s17], $0x80, $0x38;
	[tilespmem:$0x10600] =	vst v63  }
0xb1: {  	s1 =	sadd.s32 s3, s29;
	s2 =	sand.u32 $0x1FFFFFF0, s30;
	s7 =	spop (v2sf)  }
0xb2: {  	[tilespmem:s8], [sflag:$0x1] =	stream.linear.gather [hbm4b:s1+s17], $0x80, $0x38;
	[tilespmem:$0x10600] =	vst v63  }
0xb3: {  	s29 =	rddreg [dreg:$0xf];
	s9 =	sadd.s32 s4, s2;
	s10 =	sand.u32 $0x1FFFFFF0, s7  }
0xb4: {  	(v2sf) =	vpush v3, $0xD;
	[tilespmem:s20], [sflag:$0x1] =	stream.linear.gather [hbm4b:s9+s17], $0x80, $0x38;
	[tilespmem:$0x10600] =	vst v63  }
.Ltmp0:
0xb5: {  	(v2sf) =	vpush v2, $0xD;
	s14 =	spop (v2sf);
	s23 =	sadd.s32 s3, s10;
	(pc) =	sbr.rel @p0 .LBB2_2-.Ltmp0, $4  }
0xb6: {  	(v2sf) =	vpush v3, $0xE;
	s31 =	rddreg [dreg:$0x7];
	s26 =	sand.u32 $0x1FFFFFF0, s14;
	s28 =	spop (v2sf)  }
0xb7: {  	(v2sf) =	vpush v2, $0xE;
	[tilespmem:s29], [sflag:$0x1] =	stream.linear.gather [hbm4b:s23+s17], $0x80, $0x38;
	[tilespmem:$0x10600] =	vst v63  }
0xb8: {  	(v2sf) =	vpush v3, $0xF;
	s30 =	sadd.s32 s4, s26;
	s0 =	sand.u32 $0x1FFFFFF0, s28;
	s1 =	spop (v2sf)  }
0xb9: {  	(v2sf) =	vpush v2, $0xF;
	[tilespmem:s31], [sflag:$0x1] =	stream.linear.gather [hbm4b:s30+s17], $0x80, $0x38;
	[tilespmem:$0x10600] =	vst v63  }
0xba: {  	_ =	sdelay $0x4  }
0xbb: {  	s0 =	sadd.s32 s3, s0;
	s1 =	sand.u32 $0x1FFFFFF0, s1  }
0xbc: {  	[tilespmem:s24], [sflag:$0x1] =	stream.linear.gather [hbm4b:s0+s17], $0x80, $0x38;
	[tilespmem:$0x10600] =	vst v63  }
0xbd: {  	s7 =	sadd.s32 s4, s1  }
0xbe: {  	[tilespmem:s18], [sflag:$0x1] =	stream.linear.gather [hbm4b:s7+s17], $0x80, $0x38;
	[tilespmem:$0x10600] =	vst v63  }
0xbf: {  	s2 =	spop (v2sf)  }
0xc0: {  	s29 =	sadd.s32 $0xB80, s15;
	s8 =	sand.u32 $0x1FFFFFF0, s2;
	s9 =	spop (v2sf)  }
0xc1: {  	s10 =	sadd.s32 s3, s8;
	s14 =	sand.u32 $0x1FFFFFF0, s9;
	s16 =	spop (v2sf)  }
0xc2: {  	[tilespmem:s13], [sflag:$0x1] =	stream.linear.gather [hbm4b:s10+s17], $0x80, $0x38;
	[tilespmem:$0x10600] =	vst v63  }
0xc3: {  	s18 =	sadd.s32 s4, s14;
	s20 =	sand.u32 $0x1FFFFFF0, s16;
	s21 =	spop (v2sf)  }
0xc4: {  	[tilespmem:s19], [sflag:$0x1] =	stream.linear.gather [hbm4b:s18+s17], $0x80, $0x38;
	[tilespmem:$0x10600] =	vst v63  }
0xc5: {  	s22 =	sadd.s32 s3, s20;
	s23 =	sand.u32 $0x1FFFFFF0, s21;
	s24 =	spop (v2sf)  }
0xc6: {  	[tilespmem:s25], [sflag:$0x1] =	stream.linear.gather [hbm4b:s22+s17], $0x80, $0x38;
	[tilespmem:$0x10600] =	vst v63  }
0xc7: {  	s26 =	sand.u32 $0x1FFFFFF0, s24;
	s28 =	spop (v2sf);
	s25 =	sadd.s32 s4, s23  }
0xc8: {  	[tilespmem:s5], [sflag:$0x1] =	stream.linear.gather [hbm4b:s25+s17], $0x80, $0x38;
	[tilespmem:$0x10600] =	vst v63  }
0xc9: {  	s30 =	sadd.s32 $0x8B80, s15;
	s1 =	sadd.s32 s3, s26;
	s2 =	sand.u32 $0x1FFFFFF0, s28  }
0xca: {  	[tilespmem:s29], [sflag:$0x1] =	stream.linear.gather [hbm4b:s1+s17], $0x80, $0x38;
	[tilespmem:$0x10600] =	vst v63  }
0xcb: {  	s0 =	simm.s32 $0x0;
	s31 =	sadd.s32 s4, s2;
	s5 =	simm.s32 $0x1  }
0xcc: {  	[tilespmem:s30], [sflag:$0x1] =	stream.linear.gather [hbm4b:s31+s17], $0x80, $0x38;
	[tilespmem:$0x10600] =	vst v63  }
.LBB2_4:
0xcd: {  	_ =	swait.ge [sflag:s5], $0x80  }
0xce: {  	[sflag:s5] =	ssyncset.done $0x0  }
0xcf: {  	[sflag:s5] =	ssyncadd.s32 $0xFFFFFF80  }
0xd0: {  	_ =	swait.ge [sflag:s5], $0x80  }
0xd1: {  	[sflag:s5] =	ssyncset.done $0x0  }
0xd2: {  	[sflag:s5] =	ssyncadd.s32 $0xFFFFFF80  }
0xd3: {  	_ =	swait.ge [sflag:s5], $0x80  }
0xd4: {  	[sflag:s5] =	ssyncset.done $0x0  }
0xd5: {  	[sflag:s5] =	ssyncadd.s32 $0xFFFFFF80  }
0xd6: {  	_ =	swait.ge [sflag:s5], $0x80  }
0xd7: {  	[sflag:s5] =	ssyncset.done $0x0  }
0xd8: {  	[sflag:s5] =	ssyncadd.s32 $0xFFFFFF80  }
0xd9: {  	_ =	swait.ge [sflag:s5], $0x80  }
0xda: {  	[sflag:s5] =	ssyncset.done $0x0  }
0xdb: {  	[sflag:s5] =	ssyncadd.s32 $0xFFFFFF80  }
0xdc: {  	_ =	swait.ge [sflag:s5], $0x80  }
0xdd: {  	[sflag:s5] =	ssyncset.done $0x0  }
0xde: {  	[sflag:s5] =	ssyncadd.s32 $0xFFFFFF80  }
0xdf: {  	_ =	swait.ge [sflag:s5], $0x80  }
0xe0: {  	[sflag:s5] =	ssyncset.done $0x0  }
0xe1: {  	[sflag:s5] =	ssyncadd.s32 $0xFFFFFF80  }
0xe2: {  	_ =	swait.ge [sflag:s5], $0x80  }
0xe3: {  	[sflag:s5] =	ssyncset.done $0x0  }
0xe4: {  	[sflag:s5] =	ssyncadd.s32 $0xFFFFFF80  }
0xe5: {  	_ =	swait.ge [sflag:s5], $0x80  }
0xe6: {  	[sflag:s5] =	ssyncset.done $0x0  }
0xe7: {  	[sflag:s5] =	ssyncadd.s32 $0xFFFFFF80  }
0xe8: {  	_ =	swait.ge [sflag:s5], $0x80  }
0xe9: {  	[sflag:s5] =	ssyncset.done $0x0  }
0xea: {  	[sflag:s5] =	ssyncadd.s32 $0xFFFFFF80  }
0xeb: {  	_ =	swait.ge [sflag:s5], $0x80  }
0xec: {  	[sflag:s5] =	ssyncset.done $0x0  }
0xed: {  	[sflag:s5] =	ssyncadd.s32 $0xFFFFFF80  }
0xee: {  	_ =	swait.ge [sflag:s5], $0x80  }
0xef: {  	[sflag:s5] =	ssyncset.done $0x0  }
0xf0: {  	[sflag:s5] =	ssyncadd.s32 $0xFFFFFF80  }
0xf1: {  	_ =	swait.ge [sflag:s5], $0x80  }
0xf2: {  	[sflag:s5] =	ssyncset.done $0x0  }
0xf3: {  	[sflag:s5] =	ssyncadd.s32 $0xFFFFFF80  }
0xf4: {  	_ =	swait.ge [sflag:s5], $0x80  }
0xf5: {  	[sflag:s5] =	ssyncset.done $0x0  }
0xf6: {  	[sflag:s5] =	ssyncadd.s32 $0xFFFFFF80  }
0xf7: {  	_ =	swait.ge [sflag:s5], $0x80  }
0xf8: {  	[sflag:s5] =	ssyncset.done $0x0  }
0xf9: {  	[sflag:s5] =	ssyncadd.s32 $0xFFFFFF80  }
0xfa: {  	_ =	swait.ge [sflag:s5], $0x80  }
0xfb: {  	[sflag:s5] =	ssyncset.done $0x0  }
0xfc: {  	[sflag:s5] =	ssyncadd.s32 $0xFFFFFF80  }
0xfd: {  	_ =	swait.ge [sflag:s5], $0x80  }
0xfe: {  	[sflag:s5] =	ssyncset.done $0x0  }
0xff: {  	[sflag:s5] =	ssyncadd.s32 $0xFFFFFF80  }
0x100: {  	_ =	swait.ge [sflag:s5], $0x80  }
0x101: {  	[sflag:s5] =	ssyncset.done $0x0  }
0x102: {  	[sflag:s5] =	ssyncadd.s32 $0xFFFFFF80  }
0x103: {  	_ =	swait.ge [sflag:s5], $0x80  }
0x104: {  	[sflag:s5] =	ssyncset.done $0x0  }
0x105: {  	[sflag:s5] =	ssyncadd.s32 $0xFFFFFF80  }
0x106: {  	_ =	swait.ge [sflag:s5], $0x80  }
0x107: {  	[sflag:s5] =	ssyncset.done $0x0  }
0x108: {  	[sflag:s5] =	ssyncadd.s32 $0xFFFFFF80  }
0x109: {  	_ =	swait.ge [sflag:s5], $0x80  }
0x10a: {  	[sflag:s5] =	ssyncset.done $0x0  }
0x10b: {  	[sflag:s5] =	ssyncadd.s32 $0xFFFFFF80  }
0x10c: {  	_ =	swait.ge [sflag:s5], $0x80  }
0x10d: {  	[sflag:s5] =	ssyncset.done $0x0  }
0x10e: {  	[sflag:s5] =	ssyncadd.s32 $0xFFFFFF80  }
0x10f: {  	_ =	swait.ge [sflag:s5], $0x80  }
0x110: {  	[sflag:s5] =	ssyncset.done $0x0  }
0x111: {  	[sflag:s5] =	ssyncadd.s32 $0xFFFFFF80  }
0x112: {  	_ =	swait.ge [sflag:s5], $0x80  }
0x113: {  	[sflag:s5] =	ssyncset.done $0x0  }
0x114: {  	[sflag:s5] =	ssyncadd.s32 $0xFFFFFF80  }
0x115: {  	_ =	swait.ge [sflag:s5], $0x80  }
0x116: {  	[sflag:s5] =	ssyncset.done $0x0  }
0x117: {  	[sflag:s5] =	ssyncadd.s32 $0xFFFFFF80  }
0x118: {  	_ =	swait.ge [sflag:s5], $0x80  }
0x119: {  	[sflag:s5] =	ssyncset.done $0x0  }
0x11a: {  	[sflag:s5] =	ssyncadd.s32 $0xFFFFFF80  }
0x11b: {  	_ =	swait.ge [sflag:s5], $0x80  }
0x11c: {  	[sflag:s5] =	ssyncset.done $0x0  }
0x11d: {  	[sflag:s5] =	ssyncadd.s32 $0xFFFFFF80  }
0x11e: {  	_ =	swait.ge [sflag:s5], $0x80  }
0x11f: {  	[sflag:s5] =	ssyncset.done $0x0  }
0x120: {  	[sflag:s5] =	ssyncadd.s32 $0xFFFFFF80  }
0x121: {  	_ =	swait.ge [sflag:s5], $0x80  }
0x122: {  	[sflag:s5] =	ssyncset.done $0x0  }
0x123: {  	[sflag:s5] =	ssyncadd.s32 $0xFFFFFF80  }
0x124: {  	s1 =	sshll.u32 s0, $0x4;
	_ =	swait.ge [sflag:s5], $0x80  }
0x125: {  	v2 =	vmov s1;
	[sflag:s5] =	ssyncset.done $0x0  }
0x126: {  	v3 =	vadd.s32 s17, v0;
	v2 =	vshll.u32 v2, $0x7;
	[sflag:s5] =	ssyncadd.s32 $0xFFFFFF80  }
0x127: {  	v3 =	vand.u32 $0x3F, v3;
	v2 =	vor.u32 v1, v2;
	_ =	swait.ge [sflag:s5], $0x80  }
0x128: {  	v6 =	vor.u32 v2, v3;
	[sflag:s5] =	ssyncset.done $0x0  }
0x129: {  	[sflag:s5] =	ssyncadd.s32 $0xFFFFFF80  }
0x12a: {  	s2 =	simm.s32 $0x1;
	_ =	swait.ge [sflag:s5], $0x80  }
0x12b: {  	v3 =	vadd.s32 s2, v0;
	[sflag:s5] =	ssyncset.done $0x0  }
0x12c: {  	v5 =	vand.u32 $0x3F, v3;
	[sflag:s5] =	ssyncadd.s32 $0xFFFFFF80  }
0x12d: {  	v5 =	vor.u32 v2, v5;
	v4 =	vld.idx.msk [tilespmem:v6+s11+$0x0], $0xffff  }
0x12e: {  	v6 =	vld.idx.msk [tilespmem:v6+s12+$0x0], $0xffff  }
0x12f: {  	s2 =	simm.s32 $0x2;
	v3 =	vimm.f32 $0.0e+00  }
.LBB2_5:
0x130: {  	p0 =	sne.s32 s2, $0x3F  }
.Ltmp1:
0x131: {  	v7 =	vadd.s32 s2, v0;
	(pc) =	sbr.rel @p0 .LBB2_5-.Ltmp1, $3  }
0x132: {  	s2 =	sadd.s32 $0x1, s2;
	v7 =	vand.u32 $0x3F, v7;
	v8 =	vmov v4;
	v4 =	vld.idx.msk [tilespmem:v5+s11+$0x0], $0xffff  }
0x133: {  	v8 =	vmul.f32 v6, v8;
	v6 =	vld.idx.msk [tilespmem:v5+s12+$0x0], $0xffff;
	v5 =	vor.u32 v2, v7;
	_ =	sdelay $0x1  }
0x134: {  	v3 =	vadd.f32 v8, v3  }
0x135: {  	_ =	sdelay $0x3  }
0x136: {  	v2 =	vld.idx.msk [tilespmem:v5+s11+$0x0], $0xffff  }
0x137: {  	v63 =	vld.idx.msk [tilespmem:v5+s12+$0x0], $0xffff;
	_ =	sdelay $0x2  }
0x138: {  	s0 =	sadd.s32 $0x1, s0;
	v4 =	vmul.f32 v6, v4  }
0x139: {  	p0 =	sne.s32 s0, $0x10  }
.Ltmp2:
0x13a: {  	v3 =	vadd.f32 v4, v3;
	v2 =	vmul.f32 v63, v2;
	(pc) =	sbr.rel @p0 .LBB2_4-.Ltmp2, $3  }
0x13b: {  	_ = 	snop  }
0x13c: {  	v2 =	vadd.f32 v2, v3;
	_ =	sdelay $0x1  }
0x13d: {  	[tilespmem:s1+$0x10400] =	vst v2  }
0x13e: {  	s0 =	simm.s32 $0x100  }
0x13f: {  	v2 =	vld [tilespmem:s0+$0x0]  }
0x140: {  	s9 =	simm.s32 $0x300  }
0x141: {  	v4 =	vld [tilespmem:s9+$0x0];
	_ =	sdelay $0x2  }
0x142: {  	v3 =	vshll.u32 v2, $0x4  }
0x143: {  	(v2sf) =	vpush v3, $0x0  }
0x144: {  	v2 =	vshll.u32 v4, $0x4  }
0x145: {  	(v2sf) =	vpush v2, $0x0  }
0x146: {  	(v2sf) =	vpush v3, $0x1;
	_ =	sdelay $0x1  }
0x147: {  	(v2sf) =	vpush v2, $0x1;
	_ =	sdelay $0x1  }
0x148: {  	(v2sf) =	vpush v3, $0x2;
	_ =	sdelay $0x1  }
0x149: {  	(v2sf) =	vpush v2, $0x2;
	_ =	sdelay $0x1  }
0x14a: {  	(v2sf) =	vpush v3, $0x3  }
0x14b: {  	s15 =	simm.s32 $0x0;
	s17 =	simm.s32 $0x2000  }
0x14c: {  	s16 =	simm.s32 $0x0;
	s5 =	simm.s32 $0x8400;
	s2 =	simm.s32 $0x680  }
0x14d: {  	s1 =	simm.s32 $0x880;
	s6 =	simm.s32 $0x400;
	s8 =	simm.s32 $0x600  }
0x14e: {  	s14 =	simm.s32 $0x480;
	s20 =	simm.s32 $0x8480;
	s7 =	spop (v2sf);
	(v2sf) =	vpush v2, $0x3  }
0x14f: {  	s22 =	simm.s32 $0x500;
	s25 =	simm.s32 $0x8500;
	s31 =	simm.s32 $0x8600  }
0x150: {  	s0 =	simm.s32 $0x8900;
	s7 =	sand.u32 $0x1FFFFFF0, s7;
	s10 =	spop (v2sf)  }
0x151: {  	(v2sf) =	vpush v3, $0x4;
	s7 =	sadd.s32 s3, s7;
	s10 =	sand.u32 $0x1FFFFFF0, s10;
	s13 =	spop (v2sf)  }
0x152: {  	(v2sf) =	vpush v2, $0x4;
	[tilespmem:s6], [sflag:$0x1] =	stream.linear.gather [hbm4b:s7+s15], $0x80, $0x38;
	[tilespmem:$0x10600] =	vst v63  }
0x153: {  	s7 =	sadd.s32 s4, s10;
	s10 =	sand.u32 $0x1FFFFFF0, s13;
	s13 =	spop (v2sf)  }
0x154: {  	(v2sf) =	vpush v3, $0x5;
	[tilespmem:s5], [sflag:$0x1] =	stream.linear.gather [hbm4b:s7+s15], $0x80, $0x38;
	[tilespmem:$0x10600] =	vst v63  }
0x155: {  	s18 =	sadd.s32 s3, s10;
	s19 =	sand.u32 $0x1FFFFFF0, s13;
	s21 =	spop (v2sf)  }
0x156: {  	[tilespmem:s14], [sflag:$0x1] =	stream.linear.gather [hbm4b:s18+s15], $0x80, $0x38;
	[tilespmem:$0x10600] =	vst v63  }
0x157: {  	(v2sf) =	vpush v2, $0x5;
	s10 =	sadd.s32 s4, s19;
	s7 =	sand.u32 $0x1FFFFFF0, s21;
	s23 =	spop (v2sf)  }
0x158: {  	(v2sf) =	vpush v3, $0x6;
	[tilespmem:s20], [sflag:$0x1] =	stream.linear.gather [hbm4b:s10+s15], $0x80, $0x38;
	[tilespmem:$0x10600] =	vst v63  }
0x159: {  	s7 =	sadd.s32 s3, s7;
	s24 =	spop (v2sf);
	s10 =	sand.u32 $0x1FFFFFF0, s23  }
0x15a: {  	(v2sf) =	vpush v2, $0x6;
	[tilespmem:s22], [sflag:$0x1] =	stream.linear.gather [hbm4b:s7+s15], $0x80, $0x38;
	[tilespmem:$0x10600] =	vst v63  }
0x15b: {  	s9 =	simm.s32 $0x580;
	s28 =	sand.u32 $0x1FFFFFF0, s24;
	s26 =	sadd.s32 s4, s10  }
0x15c: {  	[tilespmem:s25], [sflag:$0x1] =	stream.linear.gather [hbm4b:s26+s15], $0x80, $0x38;
	[tilespmem:$0x10600] =	vst v63  }
0x15d: {  	s6 =	simm.s32 $0x8580;
	s30 =	sadd.s32 s3, s28;
	s29 =	spop (v2sf)  }
0x15e: {  	[tilespmem:s9], [sflag:$0x1] =	stream.linear.gather [hbm4b:s30+s15], $0x80, $0x38;
	[tilespmem:$0x10600] =	vst v63  }
0x15f: {  	s13 =	simm.s32 $0x8A00;
	s21 =	simm.s32 $0x8680;
	s5 =	sand.u32 $0x1FFFFFF0, s29  }
0x160: {  	s23 =	simm.s32 $0x700;
	(v2sf) =	vpush v3, $0x7;
	s14 =	spop (v2sf);
	s5 =	sadd.s32 s4, s5  }
0x161: {  	s9 =	sand.u32 $0x1FFFFFF0, s14;
	s18 =	spop (v2sf);
	s14 =	simm.s32 $0xA80  }
0x162: {  	(v2sf) =	vpush v2, $0x7;
	[tilespmem:s6], [sflag:$0x1] =	stream.linear.gather [hbm4b:s5+s15], $0x80, $0x38;
	[tilespmem:$0x10600] =	vst v63  }
0x163: {  	(v2sf) =	vpush v3, $0x8;
	s19 =	sadd.s32 s3, s9;
	s20 =	sand.u32 $0x1FFFFFF0, s18;
	s22 =	spop (v2sf)  }
0x164: {  	s9 =	simm.s32 $0x8A80;
	s6 =	sadd.s32 s4, s20;
	s24 =	sand.u32 $0x1FFFFFF0, s22  }
0x165: {  	(v2sf) =	vpush v2, $0x8;
	[tilespmem:s8], [sflag:$0x1] =	stream.linear.gather [hbm4b:s19+s15], $0x80, $0x38;
	[tilespmem:$0x10600] =	vst v63  }
0x166: {  	(v2sf) =	vpush v3, $0x9;
	s25 =	spop (v2sf);
	s22 =	simm.s32 $0x8780;
	s7 =	sadd.s32 s3, s24  }
0x167: {  	s8 =	sand.u32 $0x1FFFFFF0, s25;
	s26 =	spop (v2sf);
	s19 =	simm.s32 $0x780  }
0x168: {  	(v2sf) =	vpush v2, $0x9;
	[tilespmem:s31], [sflag:$0x1] =	stream.linear.gather [hbm4b:s6+s15], $0x80, $0x38;
	[tilespmem:$0x10600] =	vst v63  }
0x169: {  	s24 =	simm.s32 $0x800;
	s28 =	sadd.s32 s4, s8;
	s30 =	spop (v2sf)  }
0x16a: {  	(v2sf) =	vpush v3, $0xA;
	[tilespmem:s2], [sflag:$0x1] =	stream.linear.gather [hbm4b:s7+s15], $0x80, $0x38;
	[tilespmem:$0x10600] =	vst v63  }
0x16b: {  	s29 =	sand.u32 $0x1FFFFFF0, s26;
	s8 =	simm.s32 $0x8700;
	s5 =	sand.u32 $0x1FFFFFF0, s30  }
0x16c: {  	(v2sf) =	vpush v2, $0xA;
	[tilespmem:s21], [sflag:$0x1] =	stream.linear.gather [hbm4b:s28+s15], $0x80, $0x38;
	[tilespmem:$0x10600] =	vst v63  }
0x16d: {  	s31 =	sadd.s32 s3, s29;
	s5 =	sadd.s32 s4, s5;
	s2 =	simm.s32 $0x8980  }
0x16e: {  	[tilespmem:s23], [sflag:$0x1] =	stream.linear.gather [hbm4b:s31+s15], $0x80, $0x38;
	[tilespmem:$0x10600] =	vst v63  }
0x16f: {  	s28 =	simm.s32 $0x8800;
	s31 =	simm.s32 $0x8880;
	s10 =	spop (v2sf)  }
0x170: {  	(v2sf) =	vpush v3, $0xB;
	[tilespmem:s8], [sflag:$0x1] =	stream.linear.gather [hbm4b:s5+s15], $0x80, $0x38;
	[tilespmem:$0x10600] =	vst v63  }
0x171: {  	s5 =	simm.s32 $0x8B00;
	s7 =	sand.u32 $0x1FFFFFF0, s10;
	s18 =	spop (v2sf)  }
0x172: {  	(v2sf) =	vpush v2, $0xB;
	s10 =	simm.s32 $0x900;
	s20 =	sadd.s32 s3, s7;
	s23 =	spop (v2sf)  }
0x173: {  	[tilespmem:s19], [sflag:$0x1] =	stream.linear.gather [hbm4b:s20+s15], $0x80, $0x38;
	[tilespmem:$0x10600] =	vst v63  }
0x174: {  	s21 =	sand.u32 $0x1FFFFFF0, s18;
	s6 =	sand.u32 $0x1FFFFFF0, s23;
	s25 =	spop (v2sf)  }
0x175: {  	s7 =	sadd.s32 s4, s21;
	(v2sf) =	vpush v3, $0xC;
	s6 =	sadd.s32 s3, s6;
	s26 =	spop (v2sf)  }
0x176: {  	[tilespmem:s22], [sflag:$0x1] =	stream.linear.gather [hbm4b:s7+s15], $0x80, $0x38;
	[tilespmem:$0x10600] =	vst v63  }
0x177: {  	(v2sf) =	vpush v2, $0xC;
	s7 =	sand.u32 $0x1FFFFFF0, s25;
	s30 =	sand.u32 $0x1FFFFFF0, s26;
	s8 =	spop (v2sf)  }
0x178: {  	[tilespmem:s24], [sflag:$0x1] =	stream.linear.gather [hbm4b:s6+s15], $0x80, $0x38;
	[tilespmem:$0x10600] =	vst v63  }
0x179: {  	s26 =	simm.s32 $0x980;
	s29 =	sadd.s32 s4, s7;
	s18 =	spop (v2sf)  }
0x17a: {  	[tilespmem:s28], [sflag:$0x1] =	stream.linear.gather [hbm4b:s29+s15], $0x80, $0x38;
	[tilespmem:$0x10600] =	vst v63  }
0x17b: {  	s7 =	sadd.s32 s3, s30;
	s6 =	sand.u32 $0x1FFFFFF0, s8;
	s19 =	spop (v2sf)  }
0x17c: {  	[tilespmem:s1], [sflag:$0x1] =	stream.linear.gather [hbm4b:s7+s15], $0x80, $0x38;
	[tilespmem:$0x10600] =	vst v63  }
0x17d: {  	s6 =	sadd.s32 s4, s6;
	s21 =	sand.u32 $0x1FFFFFF0, s19;
	s7 =	sand.u32 $0x1FFFFFF0, s18  }
0x17e: {  	[tilespmem:s31], [sflag:$0x1] =	stream.linear.gather [hbm4b:s6+s15], $0x80, $0x38;
	[tilespmem:$0x10600] =	vst v63  }
0x17f: {  	s23 =	sadd.s32 s4, s21;
	s20 =	sadd.s32 s3, s7;
	s22 =	spop (v2sf)  }
0x180: {  	[tilespmem:s10], [sflag:$0x1] =	stream.linear.gather [hbm4b:s20+s15], $0x80, $0x38;
	[tilespmem:$0x10600] =	vst v63  }
0x181: {  	s21 =	simm.s32 $0x110;
	s24 =	sand.u32 $0x1FFFFFF0, s22;
	s25 =	spop (v2sf)  }
0x182: {  	(v2sf) =	vpush v3, $0xD;
	[tilespmem:s0], [sflag:$0x1] =	stream.linear.gather [hbm4b:s23+s15], $0x80, $0x38;
	[tilespmem:$0x10600] =	vst v63  }
0x183: {  	(v2sf) =	vpush v2, $0xD;
	s22 =	simm.s32 $0x310;
	s28 =	sadd.s32 s3, s24;
	s29 =	sand.u32 $0x1FFFFFF0, s25  }
0x184: {  	s25 =	simm.s32 $0xA00;
	(v2sf) =	vpush v3, $0xE;
	s24 =	simm.s32 $0xB00;
	s31 =	spop (v2sf)  }
0x185: {  	(v2sf) =	vpush v2, $0xE;
	[tilespmem:s26], [sflag:$0x1] =	stream.linear.gather [hbm4b:s28+s15], $0x80, $0x38;
	[tilespmem:$0x10600] =	vst v63  }
0x186: {  	s30 =	sadd.s32 s4, s29;
	(v2sf) =	vpush v3, $0xF;
	s0 =	sand.u32 $0x1FFFFFF0, s31;
	s1 =	spop (v2sf)  }
0x187: {  	(v2sf) =	vpush v2, $0xF;
	[tilespmem:s2], [sflag:$0x1] =	stream.linear.gather [hbm4b:s30+s15], $0x80, $0x38;
	[tilespmem:$0x10600] =	vst v63  }
.LBB2_8:
0x188: {  	_ =	sdelay $0x4  }
0x189: {  	s0 =	sadd.s32 s3, s0;
	s1 =	sand.u32 $0x1FFFFFF0, s1  }
0x18a: {  	[tilespmem:s25], [sflag:$0x1] =	stream.linear.gather [hbm4b:s0+s15], $0x80, $0x38;
	[tilespmem:$0x10600] =	vst v63  }
0x18b: {  	s8 =	sadd.s32 s4, s1  }
0x18c: {  	[tilespmem:s13], [sflag:$0x1] =	stream.linear.gather [hbm4b:s8+s15], $0x80, $0x38;
	[tilespmem:$0x10600] =	vst v63  }
0x18d: {  	s2 =	spop (v2sf)  }
0x18e: {  	s10 =	sand.u32 $0x1FFFFFF0, s2;
	s18 =	spop (v2sf)  }
0x18f: {  	s19 =	sadd.s32 s3, s10;
	s20 =	sand.u32 $0x1FFFFFF0, s18;
	s23 =	spop (v2sf)  }
0x190: {  	[tilespmem:s14], [sflag:$0x1] =	stream.linear.gather [hbm4b:s19+s15], $0x80, $0x38;
	[tilespmem:$0x10600] =	vst v63  }
0x191: {  	s25 =	sadd.s32 s4, s20;
	s26 =	sand.u32 $0x1FFFFFF0, s23;
	s28 =	spop (v2sf)  }
0x192: {  	[tilespmem:s9], [sflag:$0x1] =	stream.linear.gather [hbm4b:s25+s15], $0x80, $0x38;
	[tilespmem:$0x10600] =	vst v63  }
0x193: {  	s29 =	sadd.s32 s3, s26;
	s30 =	sand.u32 $0x1FFFFFF0, s28;
	s31 =	spop (v2sf)  }
0x194: {  	[tilespmem:s24], [sflag:$0x1] =	stream.linear.gather [hbm4b:s29+s15], $0x80, $0x38;
	[tilespmem:$0x10600] =	vst v63  }
0x195: {  	s1 =	sadd.s32 s4, s30;
	s6 =	sand.u32 $0x1FFFFFF0, s31;
	s7 =	spop (v2sf)  }
0x196: {  	[tilespmem:s5], [sflag:$0x1] =	stream.linear.gather [hbm4b:s1+s15], $0x80, $0x38;
	[tilespmem:$0x10600] =	vst v63  }
0x197: {  	s8 =	sadd.s32 $0xB80, s16;
	s2 =	sand.u32 $0x1FFFFFF0, s7;
	s1 =	sadd.s32 s3, s6  }
0x198: {  	[tilespmem:s8], [sflag:$0x1] =	stream.linear.gather [hbm4b:s1+s15], $0x80, $0x38;
	[tilespmem:$0x10600] =	vst v63  }
0x199: {  	s9 =	sadd.s32 $0x8B80, s16;
	s10 =	sadd.s32 s4, s2  }
0x19a: {  	[tilespmem:s9], [sflag:$0x1] =	stream.linear.gather [hbm4b:s10+s15], $0x80, $0x38;
	[tilespmem:$0x10600] =	vst v63  }
0x19b: {  	v2 =	vld [tilespmem:s21+$0x0]  }
0x19c: {  	v4 =	vld [tilespmem:s22+$0x0];
	_ =	sdelay $0x3  }
0x19d: {  	v3 =	vshll.u32 v2, $0x4  }
0x19e: {  	s13 =	smov.u32 s17;
	v2 =	vshll.u32 v4, $0x4;
	(v2sf) =	vpush v3, $0x0  }
0x19f: {  	p0 =	sne.s32 s17, $0x1E000;
	s17 =	sadd.s32 $0x2000, s17;
	s16 =	sshra.s32 s13, $0x2;
	(v2sf) =	vpush v2, $0x0  }
0x1a0: {  	s30 =	sadd.s32 $0x8400, s16;
	s0 =	sadd.s32 $0x680, s16;
	s14 =	sadd.s32 $0x880, s16;
	(v2sf) =	vpush v3, $0x1  }
0x1a1: {  	s26 =	sadd.s32 $0x400, s16;
	s18 =	sadd.s32 $0x8900, s16;
	[dreg:$0x16] =	wrdreg s0  }
0x1a2: {  	s31 =	sadd.s32 $0x8480, s16;
	s28 =	sadd.s32 $0x8500, s16;
	[dreg:$0xa] =	wrdreg s14;
	(v2sf) =	vpush v2, $0x1  }
0x1a3: {  	s7 =	sadd.s32 $0x700, s16;
	s19 =	sadd.s32 $0x8980, s16;
	[dreg:$0x6] =	wrdreg s18  }
0x1a4: {  	s20 =	sadd.s32 $0x8880, s16;
	s23 =	sadd.s32 $0x900, s16;
	[dreg:$0x8] =	wrdreg s19;
	(v2sf) =	vpush v3, $0x2  }
0x1a5: {  	s25 =	sadd.s32 $0x8800, s16;
	s13 =	sadd.s32 $0x8780, s16;
	[dreg:$0xe] =	wrdreg s20  }
0x1a6: {  	s2 =	sadd.s32 $0x600, s16;
	s18 =	sadd.s32 $0x580, s16;
	[dreg:$0xc] =	wrdreg s23;
	(v2sf) =	vpush v2, $0x2  }
0x1a7: {  	s0 =	sadd.s32 $0x8580, s16;
	s29 =	sadd.s32 $0x500, s16;
	[dreg:$0x12] =	wrdreg s25  }
0x1a8: {  	s14 =	sadd.s32 $0x8680, s16;
	s24 =	sadd.s32 $0x780, s16;
	[dreg:$0x18] =	wrdreg s13;
	(v2sf) =	vpush v3, $0x3  }
0x1a9: {  	s25 =	sadd.s32 $0xA00, s16;
	s20 =	sadd.s32 $0x800, s16;
	[dreg:$0x1a] =	wrdreg s24  }
0x1aa: {  	s19 =	sadd.s32 $0x480, s16;
	s23 =	sadd.s32 $0x980, s16;
	[dreg:$0x14] =	wrdreg s20;
	(v2sf) =	vpush v2, $0x3  }
0x1ab: {  	s24 =	sadd.s32 $0xB00, s16;
	[dreg:$0x10] =	wrdreg s23;
	s6 =	sadd.s32 $0xA80, s16  }
0x1ac: {  	s5 =	sadd.s32 $0x8B00, s16;
	s1 =	sadd.s32 $0x8A00, s16;
	s8 =	sadd.s32 $0x8700, s16;
	(v2sf) =	vpush v3, $0x4  }
0x1ad: {  	s10 =	sadd.s32 $0x8600, s16;
	s9 =	sadd.s32 $0x8A80, s16;
	s20 =	spop (v2sf)  }
0x1ae: {  	s21 =	sadd.s32 $0x10, s21;
	s20 =	sand.u32 $0x1FFFFFF0, s20;
	s23 =	spop (v2sf);
	(v2sf) =	vpush v2, $0x4  }
0x1af: {  	s20 =	sadd.s32 s3, s20;
	s23 =	sand.u32 $0x1FFFFFF0, s23;
	s13 =	spop (v2sf)  }
0x1b0: {  	(v2sf) =	vpush v3, $0x5;
	[tilespmem:s26], [sflag:$0x1] =	stream.linear.gather [hbm4b:s20+s15], $0x80, $0x38;
	[tilespmem:$0x10600] =	vst v63  }
0x1b1: {  	s23 =	sadd.s32 s4, s23;
	s13 =	sand.u32 $0x1FFFFFF0, s13;
	s26 =	spop (v2sf);
	(v2sf) =	vpush v2, $0x5  }
0x1b2: {  	[tilespmem:s30], [sflag:$0x1] =	stream.linear.gather [hbm4b:s23+s15], $0x80, $0x38;
	[tilespmem:$0x10600] =	vst v63  }
0x1b3: {  	s13 =	sadd.s32 s3, s13;
	s26 =	sand.u32 $0x1FFFFFF0, s26;
	s30 =	spop (v2sf)  }
0x1b4: {  	(v2sf) =	vpush v3, $0x6;
	[tilespmem:s19], [sflag:$0x1] =	stream.linear.gather [hbm4b:s13+s15], $0x80, $0x38;
	[tilespmem:$0x10600] =	vst v63  }
0x1b5: {  	s20 =	sand.u32 $0x1FFFFFF0, s30;
	s23 =	spop (v2sf);
	s19 =	sadd.s32 s4, s26  }
0x1b6: {  	(v2sf) =	vpush v2, $0x6;
	[tilespmem:s31], [sflag:$0x1] =	stream.linear.gather [hbm4b:s19+s15], $0x80, $0x38;
	[tilespmem:$0x10600] =	vst v63  }
0x1b7: {  	s26 =	sadd.s32 s3, s20;
	s30 =	sand.u32 $0x1FFFFFF0, s23;
	s31 =	spop (v2sf)  }
0x1b8: {  	[tilespmem:s29], [sflag:$0x1] =	stream.linear.gather [hbm4b:s26+s15], $0x80, $0x38;
	[tilespmem:$0x10600] =	vst v63  }
0x1b9: {  	s19 =	sadd.s32 s4, s30;
	s23 =	sand.u32 $0x1FFFFFF0, s31;
	s26 =	spop (v2sf)  }
0x1ba: {  	(v2sf) =	vpush v3, $0x7;
	[tilespmem:s28], [sflag:$0x1] =	stream.linear.gather [hbm4b:s19+s15], $0x80, $0x38;
	[tilespmem:$0x10600] =	vst v63  }
0x1bb: {  	s29 =	sadd.s32 s3, s23;
	s30 =	sand.u32 $0x1FFFFFF0, s26;
	s31 =	spop (v2sf)  }
0x1bc: {  	(v2sf) =	vpush v2, $0x7;
	[tilespmem:s18], [sflag:$0x1] =	stream.linear.gather [hbm4b:s29+s15], $0x80, $0x38;
	[tilespmem:$0x10600] =	vst v63  }
0x1bd: {  	s22 =	sadd.s32 $0x10, s22;
	s18 =	sadd.s32 s4, s30;
	s20 =	spop (v2sf)  }
0x1be: {  	(v2sf) =	vpush v3, $0x8;
	[tilespmem:s0], [sflag:$0x1] =	stream.linear.gather [hbm4b:s18+s15], $0x80, $0x38;
	[tilespmem:$0x10600] =	vst v63  }
0x1bf: {  	s13 =	smov.u32 s1;
	s19 =	sand.u32 $0x1FFFFFF0, s31;
	s28 =	spop (v2sf)  }
0x1c0: {  	s23 =	sadd.s32 s3, s19;
	(v2sf) =	vpush v2, $0x8;
	s26 =	sand.u32 $0x1FFFFFF0, s20;
	s31 =	spop (v2sf)  }
0x1c1: {  	[tilespmem:s2], [sflag:$0x1] =	stream.linear.gather [hbm4b:s23+s15], $0x80, $0x38;
	[tilespmem:$0x10600] =	vst v63  }
0x1c2: {  	s20 =	rddreg [dreg:$0x16];
	s29 =	sadd.s32 s4, s26;
	s18 =	sand.u32 $0x1FFFFFF0, s31  }
0x1c3: {  	(v2sf) =	vpush v3, $0x9;
	s30 =	sand.u32 $0x1FFFFFF0, s28;
	s19 =	spop (v2sf);
	s23 =	sadd.s32 s4, s18  }
0x1c4: {  	(v2sf) =	vpush v2, $0x9;
	[tilespmem:s10], [sflag:$0x1] =	stream.linear.gather [hbm4b:s29+s15], $0x80, $0x38;
	[tilespmem:$0x10600] =	vst v63  }
0x1c5: {  	s10 =	sadd.s32 s3, s30;
	s26 =	sand.u32 $0x1FFFFFF0, s19;
	s28 =	spop (v2sf)  }
0x1c6: {  	[tilespmem:s20], [sflag:$0x1] =	stream.linear.gather [hbm4b:s10+s15], $0x80, $0x38;
	[tilespmem:$0x10600] =	vst v63  }
0x1c7: {  	s18 =	rddreg [dreg:$0x1a];
	s29 =	sadd.s32 s3, s26;
	s30 =	sand.u32 $0x1FFFFFF0, s28  }
0x1c8: {  	(v2sf) =	vpush v3, $0xA;
	[tilespmem:s14], [sflag:$0x1] =	stream.linear.gather [hbm4b:s23+s15], $0x80, $0x38;
	[tilespmem:$0x10600] =	vst v63  }
0x1c9: {  	s26 =	rddreg [dreg:$0x18];
	s1 =	sadd.s32 s4, s30;
	s31 =	spop (v2sf)  }
0x1ca: {  	(v2sf) =	vpush v2, $0xA;
	[tilespmem:s7], [sflag:$0x1] =	stream.linear.gather [hbm4b:s29+s15], $0x80, $0x38;
	[tilespmem:$0x10600] =	vst v63  }
0x1cb: {  	s14 =	smov.u32 s6;
	s2 =	sand.u32 $0x1FFFFFF0, s31;
	s6 =	spop (v2sf)  }
0x1cc: {  	(v2sf) =	vpush v3, $0xB;
	[tilespmem:s8], [sflag:$0x1] =	stream.linear.gather [hbm4b:s1+s15], $0x80, $0x38;
	[tilespmem:$0x10600] =	vst v63  }
0x1cd: {  	s31 =	rddreg [dreg:$0x14];
	s7 =	sadd.s32 s3, s2;
	s10 =	spop (v2sf)  }
0x1ce: {  	[tilespmem:s18], [sflag:$0x1] =	stream.linear.gather [hbm4b:s7+s15], $0x80, $0x38;
	[tilespmem:$0x10600] =	vst v63  }
0x1cf: {  	s20 =	sand.u32 $0x1FFFFFF0, s10;
	s8 =	sand.u32 $0x1FFFFFF0, s6;
	s23 =	spop (v2sf)  }
0x1d0: {  	(v2sf) =	vpush v2, $0xB;
	s28 =	sadd.s32 s3, s20;
	s19 =	sadd.s32 s4, s8;
	s29 =	sand.u32 $0x1FFFFFF0, s23  }
0x1d1: {  	(v2sf) =	vpush v3, $0xC;
	[tilespmem:s26], [sflag:$0x1] =	stream.linear.gather [hbm4b:s19+s15], $0x80, $0x38;
	[tilespmem:$0x10600] =	vst v63  }
0x1d2: {  	s18 =	rddreg [dreg:$0x12];
	s30 =	spop (v2sf);
	s7 =	sadd.s32 s4, s29  }
0x1d3: {  	(v2sf) =	vpush v2, $0xC;
	s8 =	sand.u32 $0x1FFFFFF0, s30;
	s10 =	spop (v2sf);
	s26 =	rddreg [dreg:$0xa]  }
0x1d4: {  	[tilespmem:s31], [sflag:$0x1] =	stream.linear.gather [hbm4b:s28+s15], $0x80, $0x38;
	[tilespmem:$0x10600] =	vst v63  }
0x1d5: {  	s19 =	sadd.s32 s3, s8;
	s20 =	sand.u32 $0x1FFFFFF0, s10;
	s8 =	rddreg [dreg:$0xc]  }
0x1d6: {  	[tilespmem:s18], [sflag:$0x1] =	stream.linear.gather [hbm4b:s7+s15], $0x80, $0x38;
	[tilespmem:$0x10600] =	vst v63  }
0x1d7: {  	s23 =	spop (v2sf);
	s28 =	sadd.s32 s4, s20;
	s31 =	rddreg [dreg:$0xe]  }
0x1d8: {  	[tilespmem:s26], [sflag:$0x1] =	stream.linear.gather [hbm4b:s19+s15], $0x80, $0x38;
	[tilespmem:$0x10600] =	vst v63  }
0x1d9: {  	s20 =	rddreg [dreg:$0x6];
	s29 =	sand.u32 $0x1FFFFFF0, s23;
	s30 =	spop (v2sf)  }
0x1da: {  	[tilespmem:s31], [sflag:$0x1] =	stream.linear.gather [hbm4b:s28+s15], $0x80, $0x38;
	[tilespmem:$0x10600] =	vst v63  }
0x1db: {  	s1 =	sadd.s32 s3, s29;
	s2 =	sand.u32 $0x1FFFFFF0, s30;
	s7 =	spop (v2sf)  }
0x1dc: {  	[tilespmem:s8], [sflag:$0x1] =	stream.linear.gather [hbm4b:s1+s15], $0x80, $0x38;
	[tilespmem:$0x10600] =	vst v63  }
0x1dd: {  	s29 =	rddreg [dreg:$0x10];
	s10 =	sadd.s32 s4, s2;
	s18 =	sand.u32 $0x1FFFFFF0, s7  }
0x1de: {  	(v2sf) =	vpush v3, $0xD;
	[tilespmem:s20], [sflag:$0x1] =	stream.linear.gather [hbm4b:s10+s15], $0x80, $0x38;
	[tilespmem:$0x10600] =	vst v63  }
.Ltmp3:
0x1df: {  	(v2sf) =	vpush v2, $0xD;
	s19 =	spop (v2sf);
	s23 =	sadd.s32 s3, s18;
	(pc) =	sbr.rel @p0 .LBB2_8-.Ltmp3, $4  }
0x1e0: {  	(v2sf) =	vpush v3, $0xE;
	s31 =	rddreg [dreg:$0x8];
	s26 =	sand.u32 $0x1FFFFFF0, s19;
	s28 =	spop (v2sf)  }
0x1e1: {  	(v2sf) =	vpush v2, $0xE;
	[tilespmem:s29], [sflag:$0x1] =	stream.linear.gather [hbm4b:s23+s15], $0x80, $0x38;
	[tilespmem:$0x10600] =	vst v63  }
0x1e2: {  	(v2sf) =	vpush v3, $0xF;
	s30 =	sadd.s32 s4, s26;
	s0 =	sand.u32 $0x1FFFFFF0, s28;
	s1 =	spop (v2sf)  }
0x1e3: {  	(v2sf) =	vpush v2, $0xF;
	[tilespmem:s31], [sflag:$0x1] =	stream.linear.gather [hbm4b:s30+s15], $0x80, $0x38;
	[tilespmem:$0x10600] =	vst v63  }
0x1e4: {  	_ =	sdelay $0x4  }
0x1e5: {  	s0 =	sadd.s32 s3, s0;
	s1 =	sand.u32 $0x1FFFFFF0, s1  }
0x1e6: {  	[tilespmem:s25], [sflag:$0x1] =	stream.linear.gather [hbm4b:s0+s15], $0x80, $0x38;
	[tilespmem:$0x10600] =	vst v63  }
0x1e7: {  	s6 =	sadd.s32 s4, s1  }
0x1e8: {  	[tilespmem:s13], [sflag:$0x1] =	stream.linear.gather [hbm4b:s6+s15], $0x80, $0x38;
	[tilespmem:$0x10600] =	vst v63  }
0x1e9: {  	s29 =	sadd.s32 $0xB80, s16;
	s2 =	spop (v2sf)  }
0x1ea: {  	s30 =	sadd.s32 $0x8B80, s16;
	s7 =	sand.u32 $0x1FFFFFF0, s2;
	s8 =	spop (v2sf)  }
0x1eb: {  	s10 =	sadd.s32 s3, s7;
	s13 =	sand.u32 $0x1FFFFFF0, s8;
	s17 =	spop (v2sf)  }
0x1ec: {  	[tilespmem:s14], [sflag:$0x1] =	stream.linear.gather [hbm4b:s10+s15], $0x80, $0x38;
	[tilespmem:$0x10600] =	vst v63  }
0x1ed: {  	s18 =	sadd.s32 s4, s13;
	s19 =	sand.u32 $0x1FFFFFF0, s17;
	s20 =	spop (v2sf)  }
0x1ee: {  	[tilespmem:s9], [sflag:$0x1] =	stream.linear.gather [hbm4b:s18+s15], $0x80, $0x38;
	[tilespmem:$0x10600] =	vst v63  }
0x1ef: {  	s21 =	sadd.s32 s3, s19;
	s22 =	sand.u32 $0x1FFFFFF0, s20;
	s23 =	spop (v2sf)  }
0x1f0: {  	[tilespmem:s24], [sflag:$0x1] =	stream.linear.gather [hbm4b:s21+s15], $0x80, $0x38;
	[tilespmem:$0x10600] =	vst v63  }
0x1f1: {  	s25 =	sadd.s32 s4, s22;
	s26 =	sand.u32 $0x1FFFFFF0, s23;
	s28 =	spop (v2sf)  }
0x1f2: {  	[tilespmem:s5], [sflag:$0x1] =	stream.linear.gather [hbm4b:s25+s15], $0x80, $0x38;
	[tilespmem:$0x10600] =	vst v63  }
0x1f3: {  	s14 =	simm.s32 $0x0;
	s1 =	sadd.s32 s3, s26;
	s2 =	sand.u32 $0x1FFFFFF0, s28  }
0x1f4: {  	[tilespmem:s29], [sflag:$0x1] =	stream.linear.gather [hbm4b:s1+s15], $0x80, $0x38;
	[tilespmem:$0x10600] =	vst v63  }
0x1f5: {  	s31 =	sadd.s32 s4, s2;
	s2 =	simm.s32 $0x2;
	s5 =	simm.s32 $0x1  }
0x1f6: {  	[tilespmem:s30], [sflag:$0x1] =	stream.linear.gather [hbm4b:s31+s15], $0x80, $0x38;
	[tilespmem:$0x10600] =	vst v63  }
.LBB2_10:
0x1f7: {  	_ =	swait.ge [sflag:s5], $0x80  }
0x1f8: {  	[sflag:s5] =	ssyncset.done $0x0  }
0x1f9: {  	[sflag:s5] =	ssyncadd.s32 $0xFFFFFF80  }
0x1fa: {  	_ =	swait.ge [sflag:s5], $0x80  }
0x1fb: {  	[sflag:s5] =	ssyncset.done $0x0  }
0x1fc: {  	[sflag:s5] =	ssyncadd.s32 $0xFFFFFF80  }
0x1fd: {  	_ =	swait.ge [sflag:s5], $0x80  }
0x1fe: {  	[sflag:s5] =	ssyncset.done $0x0  }
0x1ff: {  	[sflag:s5] =	ssyncadd.s32 $0xFFFFFF80  }
0x200: {  	_ =	swait.ge [sflag:s5], $0x80  }
0x201: {  	[sflag:s5] =	ssyncset.done $0x0  }
0x202: {  	[sflag:s5] =	ssyncadd.s32 $0xFFFFFF80  }
0x203: {  	_ =	swait.ge [sflag:s5], $0x80  }
0x204: {  	[sflag:s5] =	ssyncset.done $0x0  }
0x205: {  	[sflag:s5] =	ssyncadd.s32 $0xFFFFFF80  }
0x206: {  	_ =	swait.ge [sflag:s5], $0x80  }
0x207: {  	[sflag:s5] =	ssyncset.done $0x0  }
0x208: {  	[sflag:s5] =	ssyncadd.s32 $0xFFFFFF80  }
0x209: {  	_ =	swait.ge [sflag:s5], $0x80  }
0x20a: {  	[sflag:s5] =	ssyncset.done $0x0  }
0x20b: {  	[sflag:s5] =	ssyncadd.s32 $0xFFFFFF80  }
0x20c: {  	_ =	swait.ge [sflag:s5], $0x80  }
0x20d: {  	[sflag:s5] =	ssyncset.done $0x0  }
0x20e: {  	[sflag:s5] =	ssyncadd.s32 $0xFFFFFF80  }
0x20f: {  	_ =	swait.ge [sflag:s5], $0x80  }
0x210: {  	[sflag:s5] =	ssyncset.done $0x0  }
0x211: {  	[sflag:s5] =	ssyncadd.s32 $0xFFFFFF80  }
0x212: {  	_ =	swait.ge [sflag:s5], $0x80  }
0x213: {  	[sflag:s5] =	ssyncset.done $0x0  }
0x214: {  	[sflag:s5] =	ssyncadd.s32 $0xFFFFFF80  }
0x215: {  	_ =	swait.ge [sflag:s5], $0x80  }
0x216: {  	[sflag:s5] =	ssyncset.done $0x0  }
0x217: {  	[sflag:s5] =	ssyncadd.s32 $0xFFFFFF80  }
0x218: {  	_ =	swait.ge [sflag:s5], $0x80  }
0x219: {  	[sflag:s5] =	ssyncset.done $0x0  }
0x21a: {  	[sflag:s5] =	ssyncadd.s32 $0xFFFFFF80  }
0x21b: {  	_ =	swait.ge [sflag:s5], $0x80  }
0x21c: {  	[sflag:s5] =	ssyncset.done $0x0  }
0x21d: {  	[sflag:s5] =	ssyncadd.s32 $0xFFFFFF80  }
0x21e: {  	_ =	swait.ge [sflag:s5], $0x80  }
0x21f: {  	[sflag:s5] =	ssyncset.done $0x0  }
0x220: {  	[sflag:s5] =	ssyncadd.s32 $0xFFFFFF80  }
0x221: {  	_ =	swait.ge [sflag:s5], $0x80  }
0x222: {  	[sflag:s5] =	ssyncset.done $0x0  }
0x223: {  	[sflag:s5] =	ssyncadd.s32 $0xFFFFFF80  }
0x224: {  	_ =	swait.ge [sflag:s5], $0x80  }
0x225: {  	[sflag:s5] =	ssyncset.done $0x0  }
0x226: {  	[sflag:s5] =	ssyncadd.s32 $0xFFFFFF80  }
0x227: {  	_ =	swait.ge [sflag:s5], $0x80  }
0x228: {  	[sflag:s5] =	ssyncset.done $0x0  }
0x229: {  	[sflag:s5] =	ssyncadd.s32 $0xFFFFFF80  }
0x22a: {  	_ =	swait.ge [sflag:s5], $0x80  }
0x22b: {  	[sflag:s5] =	ssyncset.done $0x0  }
0x22c: {  	[sflag:s5] =	ssyncadd.s32 $0xFFFFFF80  }
0x22d: {  	_ =	swait.ge [sflag:s5], $0x80  }
0x22e: {  	[sflag:s5] =	ssyncset.done $0x0  }
0x22f: {  	[sflag:s5] =	ssyncadd.s32 $0xFFFFFF80  }
0x230: {  	_ =	swait.ge [sflag:s5], $0x80  }
0x231: {  	[sflag:s5] =	ssyncset.done $0x0  }
0x232: {  	[sflag:s5] =	ssyncadd.s32 $0xFFFFFF80  }
0x233: {  	_ =	swait.ge [sflag:s5], $0x80  }
0x234: {  	[sflag:s5] =	ssyncset.done $0x0  }
0x235: {  	[sflag:s5] =	ssyncadd.s32 $0xFFFFFF80  }
0x236: {  	_ =	swait.ge [sflag:s5], $0x80  }
0x237: {  	[sflag:s5] =	ssyncset.done $0x0  }
0x238: {  	[sflag:s5] =	ssyncadd.s32 $0xFFFFFF80  }
0x239: {  	_ =	swait.ge [sflag:s5], $0x80  }
0x23a: {  	[sflag:s5] =	ssyncset.done $0x0  }
0x23b: {  	[sflag:s5] =	ssyncadd.s32 $0xFFFFFF80  }
0x23c: {  	_ =	swait.ge [sflag:s5], $0x80  }
0x23d: {  	[sflag:s5] =	ssyncset.done $0x0  }
0x23e: {  	[sflag:s5] =	ssyncadd.s32 $0xFFFFFF80  }
0x23f: {  	_ =	swait.ge [sflag:s5], $0x80  }
0x240: {  	[sflag:s5] =	ssyncset.done $0x0  }
0x241: {  	[sflag:s5] =	ssyncadd.s32 $0xFFFFFF80  }
0x242: {  	_ =	swait.ge [sflag:s5], $0x80  }
0x243: {  	[sflag:s5] =	ssyncset.done $0x0  }
0x244: {  	[sflag:s5] =	ssyncadd.s32 $0xFFFFFF80  }
0x245: {  	_ =	swait.ge [sflag:s5], $0x80  }
0x246: {  	[sflag:s5] =	ssyncset.done $0x0  }
0x247: {  	[sflag:s5] =	ssyncadd.s32 $0xFFFFFF80  }
0x248: {  	_ =	swait.ge [sflag:s5], $0x80  }
0x249: {  	[sflag:s5] =	ssyncset.done $0x0  }
0x24a: {  	[sflag:s5] =	ssyncadd.s32 $0xFFFFFF80  }
0x24b: {  	_ =	swait.ge [sflag:s5], $0x80  }
0x24c: {  	[sflag:s5] =	ssyncset.done $0x0  }
0x24d: {  	[sflag:s5] =	ssyncadd.s32 $0xFFFFFF80  }
0x24e: {  	s0 =	sshll.u32 s15, $0x4;
	_ =	swait.ge [sflag:s5], $0x80  }
0x24f: {  	s1 =	simm.s32 $0x0;
	v2 =	vmov s0;
	[sflag:s5] =	ssyncset.done $0x0  }
0x250: {  	v3 =	vadd.s32 s1, v0;
	v2 =	vshll.u32 v2, $0x7;
	[sflag:s5] =	ssyncadd.s32 $0xFFFFFF80  }
0x251: {  	v3 =	vand.u32 $0x3F, v3;
	v2 =	vor.u32 v1, v2;
	_ =	swait.ge [sflag:s5], $0x80  }
0x252: {  	v6 =	vor.u32 v2, v3;
	[sflag:s5] =	ssyncset.done $0x0  }
0x253: {  	[sflag:s5] =	ssyncadd.s32 $0xFFFFFF80  }
0x254: {  	s31 =	simm.s32 $0x1;
	_ =	swait.ge [sflag:s5], $0x80  }
0x255: {  	v3 =	vadd.s32 s31, v0;
	[sflag:s5] =	ssyncset.done $0x0  }
0x256: {  	v5 =	vand.u32 $0x3F, v3;
	[sflag:s5] =	ssyncadd.s32 $0xFFFFFF80  }
0x257: {  	v5 =	vor.u32 v2, v5;
	v4 =	vld.idx.msk [tilespmem:v6+s11+$0x0], $0xffff  }
0x258: {  	v6 =	vld.idx.msk [tilespmem:v6+s12+$0x0], $0xffff  }
0x259: {  	s1 =	simm.s32 $0x2;
	v3 =	vimm.f32 $0.0e+00  }
.LBB2_11:
0x25a: {  	p0 =	sne.s32 s1, $0x3F  }
.Ltmp4:
0x25b: {  	v7 =	vadd.s32 s1, v0;
	(pc) =	sbr.rel @p0 .LBB2_11-.Ltmp4, $3  }
0x25c: {  	s1 =	sadd.s32 $0x1, s1;
	v7 =	vand.u32 $0x3F, v7;
	v8 =	vmov v4;
	v4 =	vld.idx.msk [tilespmem:v5+s11+$0x0], $0xffff  }
0x25d: {  	v8 =	vmul.f32 v6, v8;
	v6 =	vld.idx.msk [tilespmem:v5+s12+$0x0], $0xffff;
	v5 =	vor.u32 v2, v7;
	_ =	sdelay $0x1  }
0x25e: {  	v3 =	vadd.f32 v8, v3  }
0x25f: {  	_ =	sdelay $0x3  }
0x260: {  	v2 =	vld.idx.msk [tilespmem:v5+s11+$0x0], $0xffff  }
0x261: {  	v63 =	vld.idx.msk [tilespmem:v5+s12+$0x0], $0xffff;
	_ =	sdelay $0x2  }
0x262: {  	s15 =	sadd.s32 $0x1, s15;
	v4 =	vmul.f32 v6, v4  }
0x263: {  	p0 =	sne.s32 s15, $0x10  }
.Ltmp5:
0x264: {  	v3 =	vadd.f32 v4, v3;
	v2 =	vmul.f32 v63, v2;
	(pc) =	sbr.rel @p0 .LBB2_10-.Ltmp5, $4  }
0x265: {  	_ = 	snop  }
0x266: {  	v2 =	vadd.f32 v2, v3  }
0x267: {  	s0 =	sand.u32 $0xF0, s0  }
0x268: {  	[tilespmem:s0+$0x10500] =	vst v2  }
0x269: {  	s0 =	rddreg [dreg:$0x1d];
	s1 =	simm.s32 $0x10400  }
0x26a: {  	[hbm4b:s0+s14] =	stream.linear.scatter [tilespmem:s1], [sflag:$0x2], $0x200, $0x38;
	[tilespmem:$0x10600] =	vst v63  }
0x26b: {  	_ =	swait.ge [sflag:s2], $0x200  }
0x26c: {  	s30 =	rddreg [dreg:$0x1f]  }
0x26d: {  	s31 =	rddreg [dreg:$0x1e];
	s1 =	sadd.s32 $0x1, s30  }
0x26e: {  	p0 =	sne.s32 s1, s31  }
.Ltmp6:
0x26f: {  	_ = 	snop;
	(pc) =	sbr.rel @p0 .LBB2_1-.Ltmp6, $3  }
0x270: {  	_ =	sdelay $0x1  }
0x271: {  	[sflag:s2] =	ssyncset.done $0x0  }
0x272: {  	[sflag:s2] =	ssyncadd.s32 $0xFFFFFE00  }
0x273: {  	_ =	sfence.sel $0x180000  }
0x274: {  	[bflag:$0x0] =	sbarrier.arrive $0xFFFF  }
0x275: {  	_ =	strace $0x90000047  }
0x276: {  	s0 =	stileid.u32;
	[bflag:$0x2] =	sbarrier.arrive $0xFFFF  }
0x277: {  	p0 =	sne.s32 s0, $0x0;
	s0 =	rddreg [dreg:$0x4]  }
0x278: {  	s0 =	sadd.s32 @!p0 $0x100000, s0  }
0x279: {  	[sflag:s0] =	ssyncadd.tile.s32 @!p0 $0x1;
	_ =	shalt  }
.Lfunc_end2:
_tile_overlayer_lowered:
.L_overlay_start_2:
0x27a: {  	(tag) =	ssettag $0x2  }
0x27b: {  	s0 =	rddreg [dreg:$0x0];
	s2 =	stileid.u32  }
0x27c: {  	s1 =	rddreg [dreg:$0x1];
	p0 =	sne.s32 s2, $0x0  }
0x27d: {  	s3 =	rddreg [dreg:$0x2];
	[bflag:$0x3] =	sbarrier.arrive $0xFFFF;
	s2 =	simm.s32 @!p0 $0x1C02  }
0x27e: {  	[timem:s3], [sflag:s2] =	dma.local @!p0 [hbm:s0], s1  }
0x27f: {  	s0 =	simm.s32 @!p0 $0x2  }
0x280: {  	_ =	swait.ge @!p0 [sflag:s0], s1  }
0x281: {  	s1 =	ssub.s32 @!p0 $0x0, s1;
	[sflag:s0] =	ssyncset.done @!p0 $0x0  }
0x282: {  	[sflag:s0] =	ssyncadd.s32 @!p0 s1  }
0x283: {  	[bflag:$0x3] =	sbarrier.arrive $0xFFFF  }
0x284: {  	_ =	shalt  }

</sc_bundles>
